<compile_context>
chip_gen: v7x
topology: tpu7x:2x2x1
jax: 0.10.2.dev20260603
libtpu: 0.0.44.dev20260713+nightly
codegen_flags: <defaults>
</compile_context>

<pallas_src>
import jax
import jax.numpy as jnp
from jax import lax
from jax.experimental import pallas as pl
from jax.experimental.pallas import tpu as pltpu
from jax.experimental.pallas import tpu_sc as plsc

B = 1024
D = 128
O = 128
G = 100
K = 4
EPS = 1e-06
LN_EPS = 1e-05

NW = 32
TPW = B // NW
HALF = D // 2


def _prep_body(x_ref, w_ref, b_ref, idx_ref, bb_ref):
    x = x_ref[...]
    mean = jnp.mean(x, axis=-1, keepdims=True)
    var = jnp.mean((x - mean) ** 2, axis=-1, keepdims=True)
    xn = (x - mean) * lax.rsqrt(var + LN_EPS) * w_ref[...] + b_ref[...]
    xc = jnp.clip(xn, -1.0 + EPS, 1.0 - EPS)
    scaled = ((xc + 1.0) / 2.0) * 100.0
    idxf = jnp.floor(scaled)
    t = scaled - idxf
    d_iota = lax.broadcasted_iota(jnp.int32, x.shape, 1)
    idx_ref[...] = d_iota * G + idxf.astype(jnp.int32)
    p1 = t.astype(jnp.bfloat16).astype(jnp.float32)
    p2 = (t * t).astype(jnp.bfloat16).astype(jnp.float32)
    p3 = (t * t * t).astype(jnp.bfloat16).astype(jnp.float32)
    bb_ref[0] = ((1.0 - 3.0 * p1) + 3.0 * p2) - p3
    bb_ref[1] = (3.0 * p1 - 6.0 * p2) + 3.0 * p3
    bb_ref[2] = 3.0 * p2 - 3.0 * p3
    bb_ref[3] = p3


def _prep(x, ln_w, ln_b):
    BT = 256
    return pl.pallas_call(
        _prep_body,
        grid=(B // BT,),
        in_specs=[
            pl.BlockSpec((BT, D), lambda i: (i, 0)),
            pl.BlockSpec((1, D), lambda i: (0, 0)),
            pl.BlockSpec((1, D), lambda i: (0, 0)),
        ],
        out_specs=[
            pl.BlockSpec((BT, D), lambda i: (i, 0)),
            pl.BlockSpec((K, BT, D), lambda i: (0, i, 0)),
        ],
        out_shape=[
            jax.ShapeDtypeStruct((B, D), jnp.int32),
            jax.ShapeDtypeStruct((K, B, D), jnp.float32),
        ],
    )(x, ln_w, ln_b)


def _full16(v):
    return jnp.full((16,), v, jnp.int32)


def _sc_body(pm_hbm, idx_hbm, bb_hbm, out_hbm,
             idxv, bbv, idxs0, idxs1, buf0, buf1, outv, sem0, sem1):
    c = lax.axis_index("c")
    s = lax.axis_index("s")
    wid = s * 2 + c
    base = wid * TPW

    pltpu.sync_copy(idx_hbm.at[pl.ds(base, TPW)], idxv)
    for k in range(K):
        pltpu.sync_copy(bb_hbm.at[pl.ds(k * B * D + base * D, TPW * D)],
                        bbv.at[pl.ds(k * TPW * D, TPW * D)])

    def stage(idxs, i, h):
        for j in range(HALF // 16):
            idxs[pl.ds(j * 16, 16)] = idxv[i, pl.ds(h * HALF + j * 16, 16)]

    def start(idxs, buf, sem):
        pltpu.make_async_copy(pm_hbm.at[idxs], buf, sem).start()

    def wait(idxs, buf, sem):
        pltpu.make_async_copy(pm_hbm.at[idxs], buf, sem).wait()

    def compute(buf, i, h, accs):
        def dbody(jj, accs):
            j0 = jj * 4
            new = list(accs)
            for m in range(4):
                dglob = h * HALF + j0 + m
                bks = [bbv[pl.ds(k * (TPW * D) + i * D + dglob, 16)][0]
                       for k in range(K)]
                for ci in range(O // 16):
                    a = new[ci]
                    for k in range(K):
                        r = buf[j0 + m, pl.ds(k * O + ci * 16, 16)]
                        a = a + bks[k] * r
                    new[ci] = a
            return tuple(new)
        return lax.fori_loop(0, HALF // 4, dbody, accs)

    zeros = tuple(jnp.zeros((16,), jnp.float32) for _ in range(O // 16))

    stage(idxs0, 0, 0)
    start(idxs0, buf0, sem0)

    def tbody(i, carry):
        stage(idxs1, i, 1)
        start(idxs1, buf1, sem1)
        wait(idxs0, buf0, sem0)
        accs = compute(buf0, i, 0, zeros)

        @pl.when(i + 1 < TPW)
        def _():
            stage(idxs0, i + 1, 0)
            start(idxs0, buf0, sem0)

        wait(idxs1, buf1, sem1)
        accs = compute(buf1, i, 1, accs)
        for ci in range(O // 16):
            outv[i, pl.ds(ci * 16, 16)] = accs[ci]
        return carry

    lax.fori_loop(0, TPW, tbody, 0)
    pltpu.sync_copy(outv, out_hbm.at[pl.ds(base, TPW)])


def _sc_call(pmT, flatidx, bb):
    mesh = plsc.VectorSubcoreMesh(core_axis_name="c", subcore_axis_name="s",
                                  num_cores=2, num_subcores=16)
    return pl.kernel(
        _sc_body,
        out_type=jax.ShapeDtypeStruct((B, O), jnp.float32),
        mesh=mesh,
        scratch_types=[
            pltpu.VMEM((TPW, D), jnp.int32),
            pltpu.VMEM((TPW * D * K + 16,), jnp.float32),
            pltpu.VMEM((HALF,), jnp.int32),
            pltpu.VMEM((HALF,), jnp.int32),
            pltpu.VMEM((HALF, K * O), jnp.float32),
            pltpu.VMEM((HALF, K * O), jnp.float32),
            pltpu.VMEM((TPW, O), jnp.float32),
            pltpu.SemaphoreType.DMA,
            pltpu.SemaphoreType.DMA,
        ],
    )(pmT, flatidx, bb)


def kernel(x, ln_weight, ln_bias, poly_matrix):
    flatidx, bb = _prep(x, ln_weight.reshape(1, D), ln_bias.reshape(1, D))
    pmT = jnp.transpose(poly_matrix, (0, 2, 3, 1)).reshape(D * G, K * O)
    return _sc_call(pmT, flatidx, bb.reshape(-1))

# --- scband reference (transcript-rebuilt; emitter-appended) ---
"""Pipeline reference for scband-kanlayer-8504035246521 (READ-ONLY COPY).

The authoritative reference and input builder live on the scoring server;
editing this copy changes nothing except your own understanding.
"""

import jax, jax.numpy as jnp
import numpy as np
from math import comb

B = 1024
D = 128
O = 128
G = 100
DEG = 3
EPS = 1e-06
LN_EPS = 1e-05


def _basis_matrix():
    # Bernstein power->basis conversion matrix for degree DEG.
    # basis_values[..., i] = sum_k power_bases[..., k] * M[k, i]
    n = DEG
    M = np.zeros((n + 1, n + 1), dtype=np.float32)
    for i in range(n + 1):
        for k in range(i, n + 1):
            M[k, i] = comb(n, i) * comb(n - i, k - i) * ((-1.0) ** (k - i))
    return jnp.asarray(M)


def setup_inputs(seed: int = 0) -> dict:
    key = jax.random.key(seed)
    k1, k2 = jax.random.split(key)
    x = jax.random.normal(k1, (B, D), dtype=jnp.float32)
    # kaiming-uniform-ish init for poly_matrix [D, O, G, DEG+1]
    fan_in = O * G * (DEG + 1)
    bound = float(np.sqrt(6.0 / fan_in))
    poly_matrix = jax.random.uniform(k2, (D, O, G, DEG + 1), dtype=jnp.float32, minval=-bound, maxval=bound)
    ln_weight = jnp.ones((D,), dtype=jnp.float32)
    ln_bias = jnp.zeros((D,), dtype=jnp.float32)
    return {"x": x, "ln_weight": ln_weight, "ln_bias": ln_bias, "poly_matrix": poly_matrix}


def reference(x, ln_weight, ln_bias, poly_matrix):
    basis_matrix = _basis_matrix()
    # LayerNorm over last dim
    mean = jnp.mean(x, axis=-1, keepdims=True)
    var = jnp.mean((x - mean) ** 2, axis=-1, keepdims=True)
    xn = (x - mean) / jnp.sqrt(var + LN_EPS) * ln_weight + ln_bias
    # clamp to (-1, 1) and map to [0, 1)
    xc = jnp.clip(xn, -1.0 + EPS, 1.0 - EPS)
    xu = (xc + 1.0) / 2.0
    scaled = xu * G
    indices = jnp.floor(scaled).astype(jnp.int32)  # [B, D] in [0, G-1]
    t = scaled - indices.astype(jnp.float32)       # [B, D]
    power_bases = jnp.stack([t ** i for i in range(DEG + 1)], axis=-1)  # [B, D, DEG+1]
    basis_values = jnp.matmul(power_bases, basis_matrix)                 # [B, D, DEG+1]
    # gather coeffs: coeffs[b, d, o, k] = poly_matrix[d, o, indices[b, d], k]
    pm = jnp.transpose(poly_matrix, (0, 2, 1, 3))  # [D, G, O, DEG+1]
    gathered = pm[jnp.arange(D)[None, :], indices]  # [B, D, O, DEG+1]
    weighted = (basis_values[:, :, None, :] * gathered).sum(axis=-1)  # [B, D, O]
    out = weighted.sum(axis=1)  # [B, O]
    return out

if __name__ == "__main__":
    import jax
    _d = setup_inputs()
    print(jax.jit(kernel)(*tuple(_d.values())))

</pallas_src>

<mosaic_0001>
#map = affine_map<(d0, d1) -> (0, 0)>
#map1 = affine_map<(d0, d1) -> (0)>
module attributes {stable_mosaic.version = 14 : i64} {
  func.func @_sc_body(%arg0: i32, %arg1: i32, %arg2: memref<12800x512xf32, #tpu.memory_space<hbm>>, %arg3: memref<1024x128xi32, #tpu.memory_space<hbm>>, %arg4: memref<524288xf32, #tpu.memory_space<hbm>>, %arg5: memref<1024x128xf32, #tpu.memory_space<hbm>>, %arg6: memref<32x128xi32, #tpu.memory_space<vmem>>, %arg7: memref<16400xf32, #tpu.memory_space<vmem>>, %arg8: memref<64xi32, #tpu.memory_space<vmem>>, %arg9: memref<64xi32, #tpu.memory_space<vmem>>, %arg10: memref<64x512xf32, #tpu.memory_space<vmem>>, %arg11: memref<64x512xf32, #tpu.memory_space<vmem>>, %arg12: memref<32x128xf32, #tpu.memory_space<vmem>>, %arg13: memref<!tpu.dma_semaphore, #tpu.memory_space<semaphore_mem>>, %arg14: memref<!tpu.dma_semaphore, #tpu.memory_space<semaphore_mem>>) attributes {dimension_semantics = [#tpu.dimension_semantics<core_parallel>, #tpu.dimension_semantics<subcore_parallel>], iteration_bounds = array<i64: 2, 16>, scalar_prefetch = 0 : i64, scratch_operands = 9 : i64, tpu.core_type = #tpu.core_type<sc_vector_subcore>, window_params = [{transform_indices = #map}, {transform_indices = #map}, {transform_indices = #map1}, {transform_indices = #map}]} {
    %mul3A = arith.constant 2 : i32
    %mul3A_0 = arith.muli %arg1, %mul3A : i32
    %add3A = arith.addi %mul3A_0, %arg0 : i32
    %mul3A_1 = arith.constant 32 : i32
    %mul3A_2 = arith.muli %add3A, %mul3A_1 : i32
    "tpu.region"() ({
      %run_scoped3A = tpu.sem_alloc : memref<!tpu.dma_semaphore, #tpu.memory_space<semaphore_mem>>
      %dma_start3A_75 = arith.constant 0 : i32
      %dma_start3A_76 = tpu.memref_slice %arg3[%mul3A_2, %dma_start3A_75] : memref<1024x128xi32, #tpu.memory_space<hbm>> -> memref<32x128xi32, #tpu.memory_space<hbm>>
      %dma_start3A_77 = arith.constant 0 : i32
      %dma_start3A_78 = tpu.memref_slice %arg3[%mul3A_2, %dma_start3A_77] : memref<1024x128xi32, #tpu.memory_space<hbm>> -> memref<32x128xi32, #tpu.memory_space<hbm>>
      tpu.enqueue_dma source(%dma_start3A_78 : memref<32x128xi32, #tpu.memory_space<hbm>>) target(%arg6 : memref<32x128xi32, #tpu.memory_space<vmem>>) target_semaphore(%run_scoped3A : memref<!tpu.dma_semaphore, #tpu.memory_space<semaphore_mem>>)
      %dma_wait3A = arith.constant 0 : i32
      %dma_wait3A_79 = tpu.memref_slice %arg3[%mul3A_2, %dma_wait3A] : memref<1024x128xi32, #tpu.memory_space<hbm>> -> memref<32x128xi32, #tpu.memory_space<hbm>>
      %dma_wait3A_80 = arith.constant 0 : i32
      %dma_wait3A_81 = tpu.memref_slice %arg3[%mul3A_2, %dma_wait3A_80] : memref<1024x128xi32, #tpu.memory_space<hbm>> -> memref<32x128xi32, #tpu.memory_space<hbm>>
      tpu.wait_dma2 semaphore(%run_scoped3A : memref<!tpu.dma_semaphore, #tpu.memory_space<semaphore_mem>>) src(%dma_wait3A_81 : memref<32x128xi32, #tpu.memory_space<hbm>>) dst(%arg6 : memref<32x128xi32, #tpu.memory_space<vmem>>)
      tpu.yield
    }) : () -> ()
    %mul3A_3 = arith.constant 128 : i32
    %mul3A_4 = arith.muli %mul3A_2, %mul3A_3 : i32
    %add3A_5 = arith.constant 0 : i32
    %add3A_6 = arith.addi %add3A_5, %mul3A_4 : i32
    "tpu.region"() ({
      %run_scoped3A = tpu.sem_alloc : memref<!tpu.dma_semaphore, #tpu.memory_space<semaphore_mem>>
      %dma_start3A_75 = arith.constant 0 : i32
      %dma_start3A_76 = tpu.memref_slice %arg7[%dma_start3A_75] : memref<16400xf32, #tpu.memory_space<vmem>> -> memref<4096xf32, #tpu.memory_space<vmem>>
      %dma_start3A_77 = tpu.memref_slice %arg4[%add3A_6] : memref<524288xf32, #tpu.memory_space<hbm>> -> memref<4096xf32, #tpu.memory_space<hbm>>
      %dma_start3A_78 = arith.constant 0 : i32
      %dma_start3A_79 = tpu.memref_slice %arg7[%dma_start3A_78] : memref<16400xf32, #tpu.memory_space<vmem>> -> memref<4096xf32, #tpu.memory_space<vmem>>
      %dma_start3A_80 = tpu.memref_slice %arg4[%add3A_6] : memref<524288xf32, #tpu.memory_space<hbm>> -> memref<4096xf32, #tpu.memory_space<hbm>>
      tpu.enqueue_dma source(%dma_start3A_80 : memref<4096xf32, #tpu.memory_space<hbm>>) target(%dma_start3A_79 : memref<4096xf32, #tpu.memory_space<vmem>>) target_semaphore(%run_scoped3A : memref<!tpu.dma_semaphore, #tpu.memory_space<semaphore_mem>>)
      %dma_wait3A = arith.constant 0 : i32
      %dma_wait3A_81 = tpu.memref_slice %arg7[%dma_wait3A] : memref<16400xf32, #tpu.memory_space<vmem>> -> memref<4096xf32, #tpu.memory_space<vmem>>
      %dma_wait3A_82 = tpu.memref_slice %arg4[%add3A_6] : memref<524288xf32, #tpu.memory_space<hbm>> -> memref<4096xf32, #tpu.memory_space<hbm>>
      %dma_wait3A_83 = arith.constant 0 : i32
      %dma_wait3A_84 = tpu.memref_slice %arg7[%dma_wait3A_83] : memref<16400xf32, #tpu.memory_space<vmem>> -> memref<4096xf32, #tpu.memory_space<vmem>>
      %dma_wait3A_85 = tpu.memref_slice %arg4[%add3A_6] : memref<524288xf32, #tpu.memory_space<hbm>> -> memref<4096xf32, #tpu.memory_space<hbm>>
      tpu.wait_dma2 semaphore(%run_scoped3A : memref<!tpu.dma_semaphore, #tpu.memory_space<semaphore_mem>>) src(%dma_wait3A_85 : memref<4096xf32, #tpu.memory_space<hbm>>) dst(%dma_wait3A_84 : memref<4096xf32, #tpu.memory_space<vmem>>)
      tpu.yield
    }) : () -> ()
    %mul3A_7 = arith.constant 128 : i32
    %mul3A_8 = arith.muli %mul3A_2, %mul3A_7 : i32
    %add3A_9 = arith.constant 131072 : i32
    %add3A_10 = arith.addi %add3A_9, %mul3A_8 : i32
    "tpu.region"() ({
      %run_scoped3A = tpu.sem_alloc : memref<!tpu.dma_semaphore, #tpu.memory_space<semaphore_mem>>
      %dma_start3A_75 = arith.constant 4096 : i32
      %dma_start3A_76 = tpu.memref_slice %arg7[%dma_start3A_75] : memref<16400xf32, #tpu.memory_space<vmem>> -> memref<4096xf32, #tpu.memory_space<vmem>>
      %dma_start3A_77 = tpu.memref_slice %arg4[%add3A_10] : memref<524288xf32, #tpu.memory_space<hbm>> -> memref<4096xf32, #tpu.memory_space<hbm>>
      %dma_start3A_78 = arith.constant 4096 : i32
      %dma_start3A_79 = tpu.memref_slice %arg7[%dma_start3A_78] : memref<16400xf32, #tpu.memory_space<vmem>> -> memref<4096xf32, #tpu.memory_space<vmem>>
      %dma_start3A_80 = tpu.memref_slice %arg4[%add3A_10] : memref<524288xf32, #tpu.memory_space<hbm>> -> memref<4096xf32, #tpu.memory_space<hbm>>
      tpu.enqueue_dma source(%dma_start3A_80 : memref<4096xf32, #tpu.memory_space<hbm>>) target(%dma_start3A_79 : memref<4096xf32, #tpu.memory_space<vmem>>) target_semaphore(%run_scoped3A : memref<!tpu.dma_semaphore, #tpu.memory_space<semaphore_mem>>)
      %dma_wait3A = arith.constant 4096 : i32
      %dma_wait3A_81 = tpu.memref_slice %arg7[%dma_wait3A] : memref<16400xf32, #tpu.memory_space<vmem>> -> memref<4096xf32, #tpu.memory_space<vmem>>
      %dma_wait3A_82 = tpu.memref_slice %arg4[%add3A_10] : memref<524288xf32, #tpu.memory_space<hbm>> -> memref<4096xf32, #tpu.memory_space<hbm>>
      %dma_wait3A_83 = arith.constant 4096 : i32
      %dma_wait3A_84 = tpu.memref_slice %arg7[%dma_wait3A_83] : memref<16400xf32, #tpu.memory_space<vmem>> -> memref<4096xf32, #tpu.memory_space<vmem>>
      %dma_wait3A_85 = tpu.memref_slice %arg4[%add3A_10] : memref<524288xf32, #tpu.memory_space<hbm>> -> memref<4096xf32, #tpu.memory_space<hbm>>
      tpu.wait_dma2 semaphore(%run_scoped3A : memref<!tpu.dma_semaphore, #tpu.memory_space<semaphore_mem>>) src(%dma_wait3A_85 : memref<4096xf32, #tpu.memory_space<hbm>>) dst(%dma_wait3A_84 : memref<4096xf32, #tpu.memory_space<vmem>>)
      tpu.yield
    }) : () -> ()
    %mul3A_11 = arith.constant 128 : i32
    %mul3A_12 = arith.muli %mul3A_2, %mul3A_11 : i32
    %add3A_13 = arith.constant 262144 : i32
    %add3A_14 = arith.addi %add3A_13, %mul3A_12 : i32
    "tpu.region"() ({
      %run_scoped3A = tpu.sem_alloc : memref<!tpu.dma_semaphore, #tpu.memory_space<semaphore_mem>>
      %dma_start3A_75 = arith.constant 8192 : i32
      %dma_start3A_76 = tpu.memref_slice %arg7[%dma_start3A_75] : memref<16400xf32, #tpu.memory_space<vmem>> -> memref<4096xf32, #tpu.memory_space<vmem>>
      %dma_start3A_77 = tpu.memref_slice %arg4[%add3A_14] : memref<524288xf32, #tpu.memory_space<hbm>> -> memref<4096xf32, #tpu.memory_space<hbm>>
      %dma_start3A_78 = arith.constant 8192 : i32
      %dma_start3A_79 = tpu.memref_slice %arg7[%dma_start3A_78] : memref<16400xf32, #tpu.memory_space<vmem>> -> memref<4096xf32, #tpu.memory_space<vmem>>
      %dma_start3A_80 = tpu.memref_slice %arg4[%add3A_14] : memref<524288xf32, #tpu.memory_space<hbm>> -> memref<4096xf32, #tpu.memory_space<hbm>>
      tpu.enqueue_dma source(%dma_start3A_80 : memref<4096xf32, #tpu.memory_space<hbm>>) target(%dma_start3A_79 : memref<4096xf32, #tpu.memory_space<vmem>>) target_semaphore(%run_scoped3A : memref<!tpu.dma_semaphore, #tpu.memory_space<semaphore_mem>>)
      %dma_wait3A = arith.constant 8192 : i32
      %dma_wait3A_81 = tpu.memref_slice %arg7[%dma_wait3A] : memref<16400xf32, #tpu.memory_space<vmem>> -> memref<4096xf32, #tpu.memory_space<vmem>>
      %dma_wait3A_82 = tpu.memref_slice %arg4[%add3A_14] : memref<524288xf32, #tpu.memory_space<hbm>> -> memref<4096xf32, #tpu.memory_space<hbm>>
      %dma_wait3A_83 = arith.constant 8192 : i32
      %dma_wait3A_84 = tpu.memref_slice %arg7[%dma_wait3A_83] : memref<16400xf32, #tpu.memory_space<vmem>> -> memref<4096xf32, #tpu.memory_space<vmem>>
      %dma_wait3A_85 = tpu.memref_slice %arg4[%add3A_14] : memref<524288xf32, #tpu.memory_space<hbm>> -> memref<4096xf32, #tpu.memory_space<hbm>>
      tpu.wait_dma2 semaphore(%run_scoped3A : memref<!tpu.dma_semaphore, #tpu.memory_space<semaphore_mem>>) src(%dma_wait3A_85 : memref<4096xf32, #tpu.memory_space<hbm>>) dst(%dma_wait3A_84 : memref<4096xf32, #tpu.memory_space<vmem>>)
      tpu.yield
    }) : () -> ()
    %mul3A_15 = arith.constant 128 : i32
    %mul3A_16 = arith.muli %mul3A_2, %mul3A_15 : i32
    %add3A_17 = arith.constant 393216 : i32
    %add3A_18 = arith.addi %add3A_17, %mul3A_16 : i32
    "tpu.region"() ({
      %run_scoped3A = tpu.sem_alloc : memref<!tpu.dma_semaphore, #tpu.memory_space<semaphore_mem>>
      %dma_start3A_75 = arith.constant 12288 : i32
      %dma_start3A_76 = tpu.memref_slice %arg7[%dma_start3A_75] : memref<16400xf32, #tpu.memory_space<vmem>> -> memref<4096xf32, #tpu.memory_space<vmem>>
      %dma_start3A_77 = tpu.memref_slice %arg4[%add3A_18] : memref<524288xf32, #tpu.memory_space<hbm>> -> memref<4096xf32, #tpu.memory_space<hbm>>
      %dma_start3A_78 = arith.constant 12288 : i32
      %dma_start3A_79 = tpu.memref_slice %arg7[%dma_start3A_78] : memref<16400xf32, #tpu.memory_space<vmem>> -> memref<4096xf32, #tpu.memory_space<vmem>>
      %dma_start3A_80 = tpu.memref_slice %arg4[%add3A_18] : memref<524288xf32, #tpu.memory_space<hbm>> -> memref<4096xf32, #tpu.memory_space<hbm>>
      tpu.enqueue_dma source(%dma_start3A_80 : memref<4096xf32, #tpu.memory_space<hbm>>) target(%dma_start3A_79 : memref<4096xf32, #tpu.memory_space<vmem>>) target_semaphore(%run_scoped3A : memref<!tpu.dma_semaphore, #tpu.memory_space<semaphore_mem>>)
      %dma_wait3A = arith.constant 12288 : i32
      %dma_wait3A_81 = tpu.memref_slice %arg7[%dma_wait3A] : memref<16400xf32, #tpu.memory_space<vmem>> -> memref<4096xf32, #tpu.memory_space<vmem>>
      %dma_wait3A_82 = tpu.memref_slice %arg4[%add3A_18] : memref<524288xf32, #tpu.memory_space<hbm>> -> memref<4096xf32, #tpu.memory_space<hbm>>
      %dma_wait3A_83 = arith.constant 12288 : i32
      %dma_wait3A_84 = tpu.memref_slice %arg7[%dma_wait3A_83] : memref<16400xf32, #tpu.memory_space<vmem>> -> memref<4096xf32, #tpu.memory_space<vmem>>
      %dma_wait3A_85 = tpu.memref_slice %arg4[%add3A_18] : memref<524288xf32, #tpu.memory_space<hbm>> -> memref<4096xf32, #tpu.memory_space<hbm>>
      tpu.wait_dma2 semaphore(%run_scoped3A : memref<!tpu.dma_semaphore, #tpu.memory_space<semaphore_mem>>) src(%dma_wait3A_85 : memref<4096xf32, #tpu.memory_space<hbm>>) dst(%dma_wait3A_84 : memref<4096xf32, #tpu.memory_space<vmem>>)
      tpu.yield
    }) : () -> ()
    %broadcast_in_dim3A = arith.constant 0.000000e+00 : f32
    %broadcast_in_dim3A_19 = vector.broadcast %broadcast_in_dim3A : f32 to vector<16xf32>
    %broadcast_in_dim3A_20 = arith.constant 0.000000e+00 : f32
    %broadcast_in_dim3A_21 = vector.broadcast %broadcast_in_dim3A_20 : f32 to vector<16xf32>
    %broadcast_in_dim3A_22 = arith.constant 0.000000e+00 : f32
    %broadcast_in_dim3A_23 = vector.broadcast %broadcast_in_dim3A_22 : f32 to vector<16xf32>
    %broadcast_in_dim3A_24 = arith.constant 0.000000e+00 : f32
    %broadcast_in_dim3A_25 = vector.broadcast %broadcast_in_dim3A_24 : f32 to vector<16xf32>
    %broadcast_in_dim3A_26 = arith.constant 0.000000e+00 : f32
    %broadcast_in_dim3A_27 = vector.broadcast %broadcast_in_dim3A_26 : f32 to vector<16xf32>
    %broadcast_in_dim3A_28 = arith.constant 0.000000e+00 : f32
    %broadcast_in_dim3A_29 = vector.broadcast %broadcast_in_dim3A_28 : f32 to vector<16xf32>
    %broadcast_in_dim3A_30 = arith.constant 0.000000e+00 : f32
    %broadcast_in_dim3A_31 = vector.broadcast %broadcast_in_dim3A_30 : f32 to vector<16xf32>
    %broadcast_in_dim3A_32 = arith.constant 0.000000e+00 : f32
    %broadcast_in_dim3A_33 = vector.broadcast %broadcast_in_dim3A_32 : f32 to vector<16xf32>
    %get3A = arith.constant 0 : i32
    %get3A_34 = arith.index_cast %get3A : i32 to index
    %get3A_35 = arith.constant 0 : index
    %get3A_36 = tpu.vector_load %arg6[%get3A_34, %get3A_35] {strides = array<i32>} : memref<32x128xi32, #tpu.memory_space<vmem>>, vector<1x16xi32>,
    %get3A_37 = vector.shape_cast %get3A_36 : vector<1x16xi32> to vector<16xi32>
    %swap3A = arith.constant 0 : index
    %swap3A_38 = tpu.vector_load %arg8[%swap3A] {strides = array<i32>} : memref<64xi32, #tpu.memory_space<vmem>>, vector<16xi32>,
    %swap3A_39 = vector.shape_cast %swap3A_38 : vector<16xi32> to vector<16xi32>
    %swap3A_40 = vector.shape_cast %get3A_37 : vector<16xi32> to vector<16xi32>
    tpu.vector_store %arg8[%swap3A], %swap3A_40 {strides = array<i32>} : memref<64xi32, #tpu.memory_space<vmem>>, vector<16xi32>,
    %get3A_41 = arith.constant 0 : i32
    %get3A_42 = arith.index_cast %get3A_41 : i32 to index
    %get3A_43 = arith.constant 16 : index
    %get3A_44 = tpu.vector_load %arg6[%get3A_42, %get3A_43] {strides = array<i32>} : memref<32x128xi32, #tpu.memory_space<vmem>>, vector<1x16xi32>,
    %get3A_45 = vector.shape_cast %get3A_44 : vector<1x16xi32> to vector<16xi32>
    %swap3A_46 = arith.constant 16 : index
    %swap3A_47 = tpu.vector_load %arg8[%swap3A_46] {strides = array<i32>} : memref<64xi32, #tpu.memory_space<vmem>>, vector<16xi32>,
    %swap3A_48 = vector.shape_cast %swap3A_47 : vector<16xi32> to vector<16xi32>
    %swap3A_49 = vector.shape_cast %get3A_45 : vector<16xi32> to vector<16xi32>
    tpu.vector_store %arg8[%swap3A_46], %swap3A_49 {strides = array<i32>} : memref<64xi32, #tpu.memory_space<vmem>>, vector<16xi32>,
    %get3A_50 = arith.constant 0 : i32
    %get3A_51 = arith.index_cast %get3A_50 : i32 to index
    %get3A_52 = arith.constant 32 : index
    %get3A_53 = tpu.vector_load %arg6[%get3A_51, %get3A_52] {strides = array<i32>} : memref<32x128xi32, #tpu.memory_space<vmem>>, vector<1x16xi32>,
    %get3A_54 = vector.shape_cast %get3A_53 : vector<1x16xi32> to vector<16xi32>
    %swap3A_55 = arith.constant 32 : index
    %swap3A_56 = tpu.vector_load %arg8[%swap3A_55] {strides = array<i32>} : memref<64xi32, #tpu.memory_space<vmem>>, vector<16xi32>,
    %swap3A_57 = vector.shape_cast %swap3A_56 : vector<16xi32> to vector<16xi32>
    %swap3A_58 = vector.shape_cast %get3A_54 : vector<16xi32> to vector<16xi32>
    tpu.vector_store %arg8[%swap3A_55], %swap3A_58 {strides = array<i32>} : memref<64xi32, #tpu.memory_space<vmem>>, vector<16xi32>,
    %get3A_59 = arith.constant 0 : i32
    %get3A_60 = arith.index_cast %get3A_59 : i32 to index
    %get3A_61 = arith.constant 48 : index
    %get3A_62 = tpu.vector_load %arg6[%get3A_60, %get3A_61] {strides = array<i32>} : memref<32x128xi32, #tpu.memory_space<vmem>>, vector<1x16xi32>,
    %get3A_63 = vector.shape_cast %get3A_62 : vector<1x16xi32> to vector<16xi32>
    %swap3A_64 = arith.constant 48 : index
    %swap3A_65 = tpu.vector_load %arg8[%swap3A_64] {strides = array<i32>} : memref<64xi32, #tpu.memory_space<vmem>>, vector<16xi32>,
    %swap3A_66 = vector.shape_cast %swap3A_65 : vector<16xi32> to vector<16xi32>
    %swap3A_67 = vector.shape_cast %get3A_63 : vector<16xi32> to vector<16xi32>
    tpu.vector_store %arg8[%swap3A_64], %swap3A_67 {strides = array<i32>} : memref<64xi32, #tpu.memory_space<vmem>>, vector<16xi32>,
    %dma_start3A = arith.constant 0 : i32
    %dma_start3A_68 = arith.constant 0 : i32
    %dma_start3A_69 = tpu.memref_slice %arg2[%dma_start3A, %dma_start3A_68] : memref<12800x512xf32, #tpu.memory_space<hbm>> -> memref<12800x512xf32, #tpu.memory_space<hbm>>
    tpu.enqueue_indirect_dma source(%dma_start3A_69 : memref<12800x512xf32, #tpu.memory_space<hbm>>) target(%arg10 : memref<64x512xf32, #tpu.memory_space<vmem>>) offsets(%arg8 : memref<64xi32, #tpu.memory_space<vmem>>) semaphore(%arg13 : memref<!tpu.dma_semaphore, #tpu.memory_space<semaphore_mem>>)
    %scan3A = arith.constant 0 : i32
    %scan3A_70 = arith.constant 0 : i32
    %scan3A_71 = arith.constant 32 : i32
    %scan3A_72 = arith.addi %scan3A_70, %scan3A_71 : i32
    %scan3A_73 = arith.constant 1 : i32
    scf.for %scan3A_75 = %scan3A_70 to %scan3A_72 step %scan3A_73  : i32 {
      %get3A_76 = arith.index_cast %scan3A_75 : i32 to index
      %get3A_77 = arith.constant 64 : index
      %get3A_78 = tpu.vector_load %arg6[%get3A_76, %get3A_77] {strides = array<i32>} : memref<32x128xi32, #tpu.memory_space<vmem>>, vector<1x16xi32>,
      %get3A_79 = vector.shape_cast %get3A_78 : vector<1x16xi32> to vector<16xi32>
      %swap3A_80 = arith.constant 0 : index
      %swap3A_81 = tpu.vector_load %arg9[%swap3A_80] {strides = array<i32>} : memref<64xi32, #tpu.memory_space<vmem>>, vector<16xi32>,
      %swap3A_82 = vector.shape_cast %swap3A_81 : vector<16xi32> to vector<16xi32>
      %swap3A_83 = vector.shape_cast %get3A_79 : vector<16xi32> to vector<16xi32>
      tpu.vector_store %arg9[%swap3A_80], %swap3A_83 {strides = array<i32>} : memref<64xi32, #tpu.memory_space<vmem>>, vector<16xi32>,
      %get3A_84 = arith.index_cast %scan3A_75 : i32 to index
      %get3A_85 = arith.constant 80 : index
      %get3A_86 = tpu.vector_load %arg6[%get3A_84, %get3A_85] {strides = array<i32>} : memref<32x128xi32, #tpu.memory_space<vmem>>, vector<1x16xi32>,
      %get3A_87 = vector.shape_cast %get3A_86 : vector<1x16xi32> to vector<16xi32>
      %swap3A_88 = arith.constant 16 : index
      %swap3A_89 = tpu.vector_load %arg9[%swap3A_88] {strides = array<i32>} : memref<64xi32, #tpu.memory_space<vmem>>, vector<16xi32>,
      %swap3A_90 = vector.shape_cast %swap3A_89 : vector<16xi32> to vector<16xi32>
      %swap3A_91 = vector.shape_cast %get3A_87 : vector<16xi32> to vector<16xi32>
      tpu.vector_store %arg9[%swap3A_88], %swap3A_91 {strides = array<i32>} : memref<64xi32, #tpu.memory_space<vmem>>, vector<16xi32>,
      %get3A_92 = arith.index_cast %scan3A_75 : i32 to index
      %get3A_93 = arith.constant 96 : index
      %get3A_94 = tpu.vector_load %arg6[%get3A_92, %get3A_93] {strides = array<i32>} : memref<32x128xi32, #tpu.memory_space<vmem>>, vector<1x16xi32>,
      %get3A_95 = vector.shape_cast %get3A_94 : vector<1x16xi32> to vector<16xi32>
      %swap3A_96 = arith.constant 32 : index
      %swap3A_97 = tpu.vector_load %arg9[%swap3A_96] {strides = array<i32>} : memref<64xi32, #tpu.memory_space<vmem>>, vector<16xi32>,
      %swap3A_98 = vector.shape_cast %swap3A_97 : vector<16xi32> to vector<16xi32>
      %swap3A_99 = vector.shape_cast %get3A_95 : vector<16xi32> to vector<16xi32>
      tpu.vector_store %arg9[%swap3A_96], %swap3A_99 {strides = array<i32>} : memref<64xi32, #tpu.memory_space<vmem>>, vector<16xi32>,
      %get3A_100 = arith.index_cast %scan3A_75 : i32 to index
      %get3A_101 = arith.constant 112 : index
      %get3A_102 = tpu.vector_load %arg6[%get3A_100, %get3A_101] {strides = array<i32>} : memref<32x128xi32, #tpu.memory_space<vmem>>, vector<1x16xi32>,
      %get3A_103 = vector.shape_cast %get3A_102 : vector<1x16xi32> to vector<16xi32>
      %swap3A_104 = arith.constant 48 : index
      %swap3A_105 = tpu.vector_load %arg9[%swap3A_104] {strides = array<i32>} : memref<64xi32, #tpu.memory_space<vmem>>, vector<16xi32>,
      %swap3A_106 = vector.shape_cast %swap3A_105 : vector<16xi32> to vector<16xi32>
      %swap3A_107 = vector.shape_cast %get3A_103 : vector<16xi32> to vector<16xi32>
      tpu.vector_store %arg9[%swap3A_104], %swap3A_107 {strides = array<i32>} : memref<64xi32, #tpu.memory_space<vmem>>, vector<16xi32>,
      %dma_start3A_108 = arith.constant 0 : i32
      %dma_start3A_109 = arith.constant 0 : i32
      %dma_start3A_110 = tpu.memref_slice %arg2[%dma_start3A_108, %dma_start3A_109] : memref<12800x512xf32, #tpu.memory_space<hbm>> -> memref<12800x512xf32, #tpu.memory_space<hbm>>
      tpu.enqueue_indirect_dma source(%dma_start3A_110 : memref<12800x512xf32, #tpu.memory_space<hbm>>) target(%arg11 : memref<64x512xf32, #tpu.memory_space<vmem>>) offsets(%arg9 : memref<64xi32, #tpu.memory_space<vmem>>) semaphore(%arg14 : memref<!tpu.dma_semaphore, #tpu.memory_space<semaphore_mem>>)
      %dma_wait3A = arith.constant 0 : i32
      %dma_wait3A_111 = arith.constant 0 : i32
      %dma_wait3A_112 = tpu.memref_slice %arg2[%dma_wait3A, %dma_wait3A_111] : memref<12800x512xf32, #tpu.memory_space<hbm>> -> memref<12800x512xf32, #tpu.memory_space<hbm>>
      tpu.wait_indirect_dma semaphore(%arg13 : memref<!tpu.dma_semaphore, #tpu.memory_space<semaphore_mem>>) src(%dma_wait3A_112 : memref<12800x512xf32, #tpu.memory_space<hbm>>) dst(%arg10 : memref<64x512xf32, #tpu.memory_space<vmem>>)
      %scan3A_113 = arith.constant 0 : i32
      %scan3A_114 = arith.constant 16 : i32
      %scan3A_115 = arith.addi %scan3A_113, %scan3A_114 : i32
      %scan3A_116 = arith.constant 1 : i32
      %scan3A_117:8 = scf.for %scan3A_172 = %scan3A_113 to %scan3A_115 step %scan3A_116 iter_args(%scan3A_173 = %broadcast_in_dim3A_19, %scan3A_174 = %broadcast_in_dim3A_21, %scan3A_175 = %broadcast_in_dim3A_23, %scan3A_176 = %broadcast_in_dim3A_25, %scan3A_177 = %broadcast_in_dim3A_27, %scan3A_178 = %broadcast_in_dim3A_29, %scan3A_179 = %broadcast_in_dim3A_31, %scan3A_180 = %broadcast_in_dim3A_33) -> (vector<16xf32>, vector<16xf32>, vector<16xf32>, vector<16xf32>, vector<16xf32>, vector<16xf32>, vector<16xf32>, vector<16xf32>)  : i32 {
        %mul3A_181 = arith.constant 4 : i32
        %mul3A_182 = arith.muli %scan3A_172, %mul3A_181 : i32
        %add3A_183 = arith.constant 0 : i32
        %add3A_184 = arith.addi %add3A_183, %mul3A_182 : i32
        %add3A_185 = arith.constant 0 : i32
        %add3A_186 = arith.addi %add3A_184, %add3A_185 : i32
        %mul3A_187 = arith.constant 128 : i32
        %mul3A_188 = arith.muli %scan3A_75, %mul3A_187 : i32
        %add3A_189 = arith.constant 0 : i32
        %add3A_190 = arith.addi %add3A_189, %mul3A_188 : i32
        %add3A_191 = arith.addi %add3A_190, %add3A_186 : i32
        %get3A_192 = arith.index_cast %add3A_191 : i32 to index
        %get3A_193 = tpu.vector_load %arg7[%get3A_192] {strides = array<i32>} : memref<16400xf32, #tpu.memory_space<vmem>>, vector<16xf32>,
        %get3A_194 = vector.shape_cast %get3A_193 : vector<16xf32> to vector<16xf32>
        %slice3A = vector.extract_strided_slice %get3A_194 {offsets = [0], sizes = [1], strides = [1]} : vector<16xf32> to vector<1xf32>
        %squeeze3A = vector.extract %slice3A[0] : f32 from vector<1xf32>
        %mul3A_195 = arith.constant 128 : i32
        %mul3A_196 = arith.muli %scan3A_75, %mul3A_195 : i32
        %add3A_197 = arith.constant 4096 : i32
        %add3A_198 = arith.addi %add3A_197, %mul3A_196 : i32
        %add3A_199 = arith.addi %add3A_198, %add3A_186 : i32
        %get3A_200 = arith.index_cast %add3A_199 : i32 to index
        %get3A_201 = tpu.vector_load %arg7[%get3A_200] {strides = array<i32>} : memref<16400xf32, #tpu.memory_space<vmem>>, vector<16xf32>,
        %get3A_202 = vector.shape_cast %get3A_201 : vector<16xf32> to vector<16xf32>
        %slice3A_203 = vector.extract_strided_slice %get3A_202 {offsets = [0], sizes = [1], strides = [1]} : vector<16xf32> to vector<1xf32>
        %squeeze3A_204 = vector.extract %slice3A_203[0] : f32 from vector<1xf32>
        %mul3A_205 = arith.constant 128 : i32
        %mul3A_206 = arith.muli %scan3A_75, %mul3A_205 : i32
        %add3A_207 = arith.constant 8192 : i32
        %add3A_208 = arith.addi %add3A_207, %mul3A_206 : i32
        %add3A_209 = arith.addi %add3A_208, %add3A_186 : i32
        %get3A_210 = arith.index_cast %add3A_209 : i32 to index
        %get3A_211 = tpu.vector_load %arg7[%get3A_210] {strides = array<i32>} : memref<16400xf32, #tpu.memory_space<vmem>>, vector<16xf32>,
        %get3A_212 = vector.shape_cast %get3A_211 : vector<16xf32> to vector<16xf32>
        %slice3A_213 = vector.extract_strided_slice %get3A_212 {offsets = [0], sizes = [1], strides = [1]} : vector<16xf32> to vector<1xf32>
        %squeeze3A_214 = vector.extract %slice3A_213[0] : f32 from vector<1xf32>
        %mul3A_215 = arith.constant 128 : i32
        %mul3A_216 = arith.muli %scan3A_75, %mul3A_215 : i32
        %add3A_217 = arith.constant 12288 : i32
        %add3A_218 = arith.addi %add3A_217, %mul3A_216 : i32
        %add3A_219 = arith.addi %add3A_218, %add3A_186 : i32
        %get3A_220 = arith.index_cast %add3A_219 : i32 to index
        %get3A_221 = tpu.vector_load %arg7[%get3A_220] {strides = array<i32>} : memref<16400xf32, #tpu.memory_space<vmem>>, vector<16xf32>,
        %get3A_222 = vector.shape_cast %get3A_221 : vector<16xf32> to vector<16xf32>
        %slice3A_223 = vector.extract_strided_slice %get3A_222 {offsets = [0], sizes = [1], strides = [1]} : vector<16xf32> to vector<1xf32>
        %squeeze3A_224 = vector.extract %slice3A_223[0] : f32 from vector<1xf32>
        %add3A_225 = arith.constant 0 : i32
        %add3A_226 = arith.addi %mul3A_182, %add3A_225 : i32
        %get3A_227 = arith.index_cast %add3A_226 : i32 to index
        %get3A_228 = arith.constant 0 : index
        %get3A_229 = tpu.vector_load %arg10[%get3A_227, %get3A_228] {strides = array<i32>} : memref<64x512xf32, #tpu.memory_space<vmem>>, vector<1x16xf32>,
        %get3A_230 = vector.shape_cast %get3A_229 : vector<1x16xf32> to vector<16xf32>
        %mul3A_231 = vector.broadcast %squeeze3A : f32 to vector<16xf32>
        %mul3A_232 = arith.mulf %mul3A_231, %get3A_230 : vector<16xf32>
        %add3A_233 = arith.addf %scan3A_173, %mul3A_232 : vector<16xf32>
        %add3A_234 = arith.constant 0 : i32
        %add3A_235 = arith.addi %mul3A_182, %add3A_234 : i32
        %get3A_236 = arith.index_cast %add3A_235 : i32 to index
        %get3A_237 = arith.constant 128 : index
        %get3A_238 = tpu.vector_load %arg10[%get3A_236, %get3A_237] {strides = array<i32>} : memref<64x512xf32, #tpu.memory_space<vmem>>, vector<1x16xf32>,
        %get3A_239 = vector.shape_cast %get3A_238 : vector<1x16xf32> to vector<16xf32>
        %mul3A_240 = vector.broadcast %squeeze3A_204 : f32 to vector<16xf32>
        %mul3A_241 = arith.mulf %mul3A_240, %get3A_239 : vector<16xf32>
        %add3A_242 = arith.addf %add3A_233, %mul3A_241 : vector<16xf32>
        %add3A_243 = arith.constant 0 : i32
        %add3A_244 = arith.addi %mul3A_182, %add3A_243 : i32
        %get3A_245 = arith.index_cast %add3A_244 : i32 to index
        %get3A_246 = arith.constant 256 : index
        %get3A_247 = tpu.vector_load %arg10[%get3A_245, %get3A_246] {strides = array<i32>} : memref<64x512xf32, #tpu.memory_space<vmem>>, vector<1x16xf32>,
        %get3A_248 = vector.shape_cast %get3A_247 : vector<1x16xf32> to vector<16xf32>
        %mul3A_249 = vector.broadcast %squeeze3A_214 : f32 to vector<16xf32>
        %mul3A_250 = arith.mulf %mul3A_249, %get3A_248 : vector<16xf32>
        %add3A_251 = arith.addf %add3A_242, %mul3A_250 : vector<16xf32>
        %add3A_252 = arith.constant 0 : i32
        %add3A_253 = arith.addi %mul3A_182, %add3A_252 : i32
        %get3A_254 = arith.index_cast %add3A_253 : i32 to index
        %get3A_255 = arith.constant 384 : index
        %get3A_256 = tpu.vector_load %arg10[%get3A_254, %get3A_255] {strides = array<i32>} : memref<64x512xf32, #tpu.memory_space<vmem>>, vector<1x16xf32>,
        %get3A_257 = vector.shape_cast %get3A_256 : vector<1x16xf32> to vector<16xf32>
        %mul3A_258 = vector.broadcast %squeeze3A_224 : f32 to vector<16xf32>
        %mul3A_259 = arith.mulf %mul3A_258, %get3A_257 : vector<16xf32>
        %add3A_260 = arith.addf %add3A_251, %mul3A_259 : vector<16xf32>
        %add3A_261 = arith.constant 0 : i32
        %add3A_262 = arith.addi %mul3A_182, %add3A_261 : i32
        %get3A_263 = arith.index_cast %add3A_262 : i32 to index
        %get3A_264 = arith.constant 16 : index
        %get3A_265 = tpu.vector_load %arg10[%get3A_263, %get3A_264] {strides = array<i32>} : memref<64x512xf32, #tpu.memory_space<vmem>>, vector<1x16xf32>,
        %get3A_266 = vector.shape_cast %get3A_265 : vector<1x16xf32> to vector<16xf32>
        %mul3A_267 = vector.broadcast %squeeze3A : f32 to vector<16xf32>
        %mul3A_268 = arith.mulf %mul3A_267, %get3A_266 : vector<16xf32>
        %add3A_269 = arith.addf %scan3A_174, %mul3A_268 : vector<16xf32>
        %add3A_270 = arith.constant 0 : i32
        %add3A_271 = arith.addi %mul3A_182, %add3A_270 : i32
        %get3A_272 = arith.index_cast %add3A_271 : i32 to index
        %get3A_273 = arith.constant 144 : index
        %get3A_274 = tpu.vector_load %arg10[%get3A_272, %get3A_273] {strides = array<i32>} : memref<64x512xf32, #tpu.memory_space<vmem>>, vector<1x16xf32>,
        %get3A_275 = vector.shape_cast %get3A_274 : vector<1x16xf32> to vector<16xf32>
        %mul3A_276 = vector.broadcast %squeeze3A_204 : f32 to vector<16xf32>
        %mul3A_277 = arith.mulf %mul3A_276, %get3A_275 : vector<16xf32>
        %add3A_278 = arith.addf %add3A_269, %mul3A_277 : vector<16xf32>
        %add3A_279 = arith.constant 0 : i32
        %add3A_280 = arith.addi %mul3A_182, %add3A_279 : i32
        %get3A_281 = arith.index_cast %add3A_280 : i32 to index
        %get3A_282 = arith.constant 272 : index
        %get3A_283 = tpu.vector_load %arg10[%get3A_281, %get3A_282] {strides = array<i32>} : memref<64x512xf32, #tpu.memory_space<vmem>>, vector<1x16xf32>,
        %get3A_284 = vector.shape_cast %get3A_283 : vector<1x16xf32> to vector<16xf32>
        %mul3A_285 = vector.broadcast %squeeze3A_214 : f32 to vector<16xf32>
        %mul3A_286 = arith.mulf %mul3A_285, %get3A_284 : vector<16xf32>
        %add3A_287 = arith.addf %add3A_278, %mul3A_286 : vector<16xf32>
        %add3A_288 = arith.constant 0 : i32
        %add3A_289 = arith.addi %mul3A_182, %add3A_288 : i32
        %get3A_290 = arith.index_cast %add3A_289 : i32 to index
        %get3A_291 = arith.constant 400 : index
        %get3A_292 = tpu.vector_load %arg10[%get3A_290, %get3A_291] {strides = array<i32>} : memref<64x512xf32, #tpu.memory_space<vmem>>, vector<1x16xf32>,
        %get3A_293 = vector.shape_cast %get3A_292 : vector<1x16xf32> to vector<16xf32>
        %mul3A_294 = vector.broadcast %squeeze3A_224 : f32 to vector<16xf32>
        %mul3A_295 = arith.mulf %mul3A_294, %get3A_293 : vector<16xf32>
        %add3A_296 = arith.addf %add3A_287, %mul3A_295 : vector<16xf32>
        %add3A_297 = arith.constant 0 : i32
        %add3A_298 = arith.addi %mul3A_182, %add3A_297 : i32
        %get3A_299 = arith.index_cast %add3A_298 : i32 to index
        %get3A_300 = arith.constant 32 : index
        %get3A_301 = tpu.vector_load %arg10[%get3A_299, %get3A_300] {strides = array<i32>} : memref<64x512xf32, #tpu.memory_space<vmem>>, vector<1x16xf32>,
        %get3A_302 = vector.shape_cast %get3A_301 : vector<1x16xf32> to vector<16xf32>
        %mul3A_303 = vector.broadcast %squeeze3A : f32 to vector<16xf32>
        %mul3A_304 = arith.mulf %mul3A_303, %get3A_302 : vector<16xf32>
        %add3A_305 = arith.addf %scan3A_175, %mul3A_304 : vector<16xf32>
        %add3A_306 = arith.constant 0 : i32
        %add3A_307 = arith.addi %mul3A_182, %add3A_306 : i32
        %get3A_308 = arith.index_cast %add3A_307 : i32 to index
        %get3A_309 = arith.constant 160 : index
        %get3A_310 = tpu.vector_load %arg10[%get3A_308, %get3A_309] {strides = array<i32>} : memref<64x512xf32, #tpu.memory_space<vmem>>, vector<1x16xf32>,
        %get3A_311 = vector.shape_cast %get3A_310 : vector<1x16xf32> to vector<16xf32>
        %mul3A_312 = vector.broadcast %squeeze3A_204 : f32 to vector<16xf32>
        %mul3A_313 = arith.mulf %mul3A_312, %get3A_311 : vector<16xf32>
        %add3A_314 = arith.addf %add3A_305, %mul3A_313 : vector<16xf32>
        %add3A_315 = arith.constant 0 : i32
        %add3A_316 = arith.addi %mul3A_182, %add3A_315 : i32
        %get3A_317 = arith.index_cast %add3A_316 : i32 to index
        %get3A_318 = arith.constant 288 : index
        %get3A_319 = tpu.vector_load %arg10[%get3A_317, %get3A_318] {strides = array<i32>} : memref<64x512xf32, #tpu.memory_space<vmem>>, vector<1x16xf32>,
        %get3A_320 = vector.shape_cast %get3A_319 : vector<1x16xf32> to vector<16xf32>
        %mul3A_321 = vector.broadcast %squeeze3A_214 : f32 to vector<16xf32>
        %mul3A_322 = arith.mulf %mul3A_321, %get3A_320 : vector<16xf32>
        %add3A_323 = arith.addf %add3A_314, %mul3A_322 : vector<16xf32>
        %add3A_324 = arith.constant 0 : i32
        %add3A_325 = arith.addi %mul3A_182, %add3A_324 : i32
        %get3A_326 = arith.index_cast %add3A_325 : i32 to index
        %get3A_327 = arith.constant 416 : index
        %get3A_328 = tpu.vector_load %arg10[%get3A_326, %get3A_327] {strides = array<i32>} : memref<64x512xf32, #tpu.memory_space<vmem>>, vector<1x16xf32>,
        %get3A_329 = vector.shape_cast %get3A_328 : vector<1x16xf32> to vector<16xf32>
        %mul3A_330 = vector.broadcast %squeeze3A_224 : f32 to vector<16xf32>
        %mul3A_331 = arith.mulf %mul3A_330, %get3A_329 : vector<16xf32>
        %add3A_332 = arith.addf %add3A_323, %mul3A_331 : vector<16xf32>
        %add3A_333 = arith.constant 0 : i32
        %add3A_334 = arith.addi %mul3A_182, %add3A_333 : i32
        %get3A_335 = arith.index_cast %add3A_334 : i32 to index
        %get3A_336 = arith.constant 48 : index
        %get3A_337 = tpu.vector_load %arg10[%get3A_335, %get3A_336] {strides = array<i32>} : memref<64x512xf32, #tpu.memory_space<vmem>>, vector<1x16xf32>,
        %get3A_338 = vector.shape_cast %get3A_337 : vector<1x16xf32> to vector<16xf32>
        %mul3A_339 = vector.broadcast %squeeze3A : f32 to vector<16xf32>
        %mul3A_340 = arith.mulf %mul3A_339, %get3A_338 : vector<16xf32>
        %add3A_341 = arith.addf %scan3A_176, %mul3A_340 : vector<16xf32>
        %add3A_342 = arith.constant 0 : i32
        %add3A_343 = arith.addi %mul3A_182, %add3A_342 : i32
        %get3A_344 = arith.index_cast %add3A_343 : i32 to index
        %get3A_345 = arith.constant 176 : index
        %get3A_346 = tpu.vector_load %arg10[%get3A_344, %get3A_345] {strides = array<i32>} : memref<64x512xf32, #tpu.memory_space<vmem>>, vector<1x16xf32>,
        %get3A_347 = vector.shape_cast %get3A_346 : vector<1x16xf32> to vector<16xf32>
        %mul3A_348 = vector.broadcast %squeeze3A_204 : f32 to vector<16xf32>
        %mul3A_349 = arith.mulf %mul3A_348, %get3A_347 : vector<16xf32>
        %add3A_350 = arith.addf %add3A_341, %mul3A_349 : vector<16xf32>
        %add3A_351 = arith.constant 0 : i32
        %add3A_352 = arith.addi %mul3A_182, %add3A_351 : i32
        %get3A_353 = arith.index_cast %add3A_352 : i32 to index
        %get3A_354 = arith.constant 304 : index
        %get3A_355 = tpu.vector_load %arg10[%get3A_353, %get3A_354] {strides = array<i32>} : memref<64x512xf32, #tpu.memory_space<vmem>>, vector<1x16xf32>,
        %get3A_356 = vector.shape_cast %get3A_355 : vector<1x16xf32> to vector<16xf32>
        %mul3A_357 = vector.broadcast %squeeze3A_214 : f32 to vector<16xf32>
        %mul3A_358 = arith.mulf %mul3A_357, %get3A_356 : vector<16xf32>
        %add3A_359 = arith.addf %add3A_350, %mul3A_358 : vector<16xf32>
        %add3A_360 = arith.constant 0 : i32
        %add3A_361 = arith.addi %mul3A_182, %add3A_360 : i32
        %get3A_362 = arith.index_cast %add3A_361 : i32 to index
        %get3A_363 = arith.constant 432 : index
        %get3A_364 = tpu.vector_load %arg10[%get3A_362, %get3A_363] {strides = array<i32>} : memref<64x512xf32, #tpu.memory_space<vmem>>, vector<1x16xf32>,
        %get3A_365 = vector.shape_cast %get3A_364 : vector<1x16xf32> to vector<16xf32>
        %mul3A_366 = vector.broadcast %squeeze3A_224 : f32 to vector<16xf32>
        %mul3A_367 = arith.mulf %mul3A_366, %get3A_365 : vector<16xf32>
        %add3A_368 = arith.addf %add3A_359, %mul3A_367 : vector<16xf32>
        %add3A_369 = arith.constant 0 : i32
        %add3A_370 = arith.addi %mul3A_182, %add3A_369 : i32
        %get3A_371 = arith.index_cast %add3A_370 : i32 to index
        %get3A_372 = arith.constant 64 : index
        %get3A_373 = tpu.vector_load %arg10[%get3A_371, %get3A_372] {strides = array<i32>} : memref<64x512xf32, #tpu.memory_space<vmem>>, vector<1x16xf32>,
        %get3A_374 = vector.shape_cast %get3A_373 : vector<1x16xf32> to vector<16xf32>
        %mul3A_375 = vector.broadcast %squeeze3A : f32 to vector<16xf32>
        %mul3A_376 = arith.mulf %mul3A_375, %get3A_374 : vector<16xf32>
        %add3A_377 = arith.addf %scan3A_177, %mul3A_376 : vector<16xf32>
        %add3A_378 = arith.constant 0 : i32
        %add3A_379 = arith.addi %mul3A_182, %add3A_378 : i32
        %get3A_380 = arith.index_cast %add3A_379 : i32 to index
        %get3A_381 = arith.constant 192 : index
        %get3A_382 = tpu.vector_load %arg10[%get3A_380, %get3A_381] {strides = array<i32>} : memref<64x512xf32, #tpu.memory_space<vmem>>, vector<1x16xf32>,
        %get3A_383 = vector.shape_cast %get3A_382 : vector<1x16xf32> to vector<16xf32>
        %mul3A_384 = vector.broadcast %squeeze3A_204 : f32 to vector<16xf32>
        %mul3A_385 = arith.mulf %mul3A_384, %get3A_383 : vector<16xf32>
        %add3A_386 = arith.addf %add3A_377, %mul3A_385 : vector<16xf32>
        %add3A_387 = arith.constant 0 : i32
        %add3A_388 = arith.addi %mul3A_182, %add3A_387 : i32
        %get3A_389 = arith.index_cast %add3A_388 : i32 to index
        %get3A_390 = arith.constant 320 : index
        %get3A_391 = tpu.vector_load %arg10[%get3A_389, %get3A_390] {strides = array<i32>} : memref<64x512xf32, #tpu.memory_space<vmem>>, vector<1x16xf32>,
        %get3A_392 = vector.shape_cast %get3A_391 : vector<1x16xf32> to vector<16xf32>
        %mul3A_393 = vector.broadcast %squeeze3A_214 : f32 to vector<16xf32>
        %mul3A_394 = arith.mulf %mul3A_393, %get3A_392 : vector<16xf32>
        %add3A_395 = arith.addf %add3A_386, %mul3A_394 : vector<16xf32>
        %add3A_396 = arith.constant 0 : i32
        %add3A_397 = arith.addi %mul3A_182, %add3A_396 : i32
        %get3A_398 = arith.index_cast %add3A_397 : i32 to index
        %get3A_399 = arith.constant 448 : index
        %get3A_400 = tpu.vector_load %arg10[%get3A_398, %get3A_399] {strides = array<i32>} : memref<64x512xf32, #tpu.memory_space<vmem>>, vector<1x16xf32>,
        %get3A_401 = vector.shape_cast %get3A_400 : vector<1x16xf32> to vector<16xf32>
        %mul3A_402 = vector.broadcast %squeeze3A_224 : f32 to vector<16xf32>
        %mul3A_403 = arith.mulf %mul3A_402, %get3A_401 : vector<16xf32>
        %add3A_404 = arith.addf %add3A_395, %mul3A_403 : vector<16xf32>
        %add3A_405 = arith.constant 0 : i32
        %add3A_406 = arith.addi %mul3A_182, %add3A_405 : i32
        %get3A_407 = arith.index_cast %add3A_406 : i32 to index
        %get3A_408 = arith.constant 80 : index
        %get3A_409 = tpu.vector_load %arg10[%get3A_407, %get3A_408] {strides = array<i32>} : memref<64x512xf32, #tpu.memory_space<vmem>>, vector<1x16xf32>,
        %get3A_410 = vector.shape_cast %get3A_409 : vector<1x16xf32> to vector<16xf32>
        %mul3A_411 = vector.broadcast %squeeze3A : f32 to vector<16xf32>
        %mul3A_412 = arith.mulf %mul3A_411, %get3A_410 : vector<16xf32>
        %add3A_413 = arith.addf %scan3A_178, %mul3A_412 : vector<16xf32>
        %add3A_414 = arith.constant 0 : i32
        %add3A_415 = arith.addi %mul3A_182, %add3A_414 : i32
        %get3A_416 = arith.index_cast %add3A_415 : i32 to index
        %get3A_417 = arith.constant 208 : index
        %get3A_418 = tpu.vector_load %arg10[%get3A_416, %get3A_417] {strides = array<i32>} : memref<64x512xf32, #tpu.memory_space<vmem>>, vector<1x16xf32>,
        %get3A_419 = vector.shape_cast %get3A_418 : vector<1x16xf32> to vector<16xf32>
        %mul3A_420 = vector.broadcast %squeeze3A_204 : f32 to vector<16xf32>
        %mul3A_421 = arith.mulf %mul3A_420, %get3A_419 : vector<16xf32>
        %add3A_422 = arith.addf %add3A_413, %mul3A_421 : vector<16xf32>
        %add3A_423 = arith.constant 0 : i32
        %add3A_424 = arith.addi %mul3A_182, %add3A_423 : i32
        %get3A_425 = arith.index_cast %add3A_424 : i32 to index
        %get3A_426 = arith.constant 336 : index
        %get3A_427 = tpu.vector_load %arg10[%get3A_425, %get3A_426] {strides = array<i32>} : memref<64x512xf32, #tpu.memory_space<vmem>>, vector<1x16xf32>,
        %get3A_428 = vector.shape_cast %get3A_427 : vector<1x16xf32> to vector<16xf32>
        %mul3A_429 = vector.broadcast %squeeze3A_214 : f32 to vector<16xf32>
        %mul3A_430 = arith.mulf %mul3A_429, %get3A_428 : vector<16xf32>
        %add3A_431 = arith.addf %add3A_422, %mul3A_430 : vector<16xf32>
        %add3A_432 = arith.constant 0 : i32
        %add3A_433 = arith.addi %mul3A_182, %add3A_432 : i32
        %get3A_434 = arith.index_cast %add3A_433 : i32 to index
        %get3A_435 = arith.constant 464 : index
        %get3A_436 = tpu.vector_load %arg10[%get3A_434, %get3A_435] {strides = array<i32>} : memref<64x512xf32, #tpu.memory_space<vmem>>, vector<1x16xf32>,
        %get3A_437 = vector.shape_cast %get3A_436 : vector<1x16xf32> to vector<16xf32>
        %mul3A_438 = vector.broadcast %squeeze3A_224 : f32 to vector<16xf32>
        %mul3A_439 = arith.mulf %mul3A_438, %get3A_437 : vector<16xf32>
        %add3A_440 = arith.addf %add3A_431, %mul3A_439 : vector<16xf32>
        %add3A_441 = arith.constant 0 : i32
        %add3A_442 = arith.addi %mul3A_182, %add3A_441 : i32
        %get3A_443 = arith.index_cast %add3A_442 : i32 to index
        %get3A_444 = arith.constant 96 : index
        %get3A_445 = tpu.vector_load %arg10[%get3A_443, %get3A_444] {strides = array<i32>} : memref<64x512xf32, #tpu.memory_space<vmem>>, vector<1x16xf32>,
        %get3A_446 = vector.shape_cast %get3A_445 : vector<1x16xf32> to vector<16xf32>
        %mul3A_447 = vector.broadcast %squeeze3A : f32 to vector<16xf32>
        %mul3A_448 = arith.mulf %mul3A_447, %get3A_446 : vector<16xf32>
        %add3A_449 = arith.addf %scan3A_179, %mul3A_448 : vector<16xf32>
        %add3A_450 = arith.constant 0 : i32
        %add3A_451 = arith.addi %mul3A_182, %add3A_450 : i32
        %get3A_452 = arith.index_cast %add3A_451 : i32 to index
        %get3A_453 = arith.constant 224 : index
        %get3A_454 = tpu.vector_load %arg10[%get3A_452, %get3A_453] {strides = array<i32>} : memref<64x512xf32, #tpu.memory_space<vmem>>, vector<1x16xf32>,
        %get3A_455 = vector.shape_cast %get3A_454 : vector<1x16xf32> to vector<16xf32>
        %mul3A_456 = vector.broadcast %squeeze3A_204 : f32 to vector<16xf32>
        %mul3A_457 = arith.mulf %mul3A_456, %get3A_455 : vector<16xf32>
        %add3A_458 = arith.addf %add3A_449, %mul3A_457 : vector<16xf32>
        %add3A_459 = arith.constant 0 : i32
        %add3A_460 = arith.addi %mul3A_182, %add3A_459 : i32
        %get3A_461 = arith.index_cast %add3A_460 : i32 to index
        %get3A_462 = arith.constant 352 : index
        %get3A_463 = tpu.vector_load %arg10[%get3A_461, %get3A_462] {strides = array<i32>} : memref<64x512xf32, #tpu.memory_space<vmem>>, vector<1x16xf32>,
        %get3A_464 = vector.shape_cast %get3A_463 : vector<1x16xf32> to vector<16xf32>
        %mul3A_465 = vector.broadcast %squeeze3A_214 : f32 to vector<16xf32>
        %mul3A_466 = arith.mulf %mul3A_465, %get3A_464 : vector<16xf32>
        %add3A_467 = arith.addf %add3A_458, %mul3A_466 : vector<16xf32>
        %add3A_468 = arith.constant 0 : i32
        %add3A_469 = arith.addi %mul3A_182, %add3A_468 : i32
        %get3A_470 = arith.index_cast %add3A_469 : i32 to index
        %get3A_471 = arith.constant 480 : index
        %get3A_472 = tpu.vector_load %arg10[%get3A_470, %get3A_471] {strides = array<i32>} : memref<64x512xf32, #tpu.memory_space<vmem>>, vector<1x16xf32>,
        %get3A_473 = vector.shape_cast %get3A_472 : vector<1x16xf32> to vector<16xf32>
        %mul3A_474 = vector.broadcast %squeeze3A_224 : f32 to vector<16xf32>
        %mul3A_475 = arith.mulf %mul3A_474, %get3A_473 : vector<16xf32>
        %add3A_476 = arith.addf %add3A_467, %mul3A_475 : vector<16xf32>
        %add3A_477 = arith.constant 0 : i32
        %add3A_478 = arith.addi %mul3A_182, %add3A_477 : i32
        %get3A_479 = arith.index_cast %add3A_478 : i32 to index
        %get3A_480 = arith.constant 112 : index
        %get3A_481 = tpu.vector_load %arg10[%get3A_479, %get3A_480] {strides = array<i32>} : memref<64x512xf32, #tpu.memory_space<vmem>>, vector<1x16xf32>,
        %get3A_482 = vector.shape_cast %get3A_481 : vector<1x16xf32> to vector<16xf32>
        %mul3A_483 = vector.broadcast %squeeze3A : f32 to vector<16xf32>
        %mul3A_484 = arith.mulf %mul3A_483, %get3A_482 : vector<16xf32>
        %add3A_485 = arith.addf %scan3A_180, %mul3A_484 : vector<16xf32>
        %add3A_486 = arith.constant 0 : i32
        %add3A_487 = arith.addi %mul3A_182, %add3A_486 : i32
        %get3A_488 = arith.index_cast %add3A_487 : i32 to index
        %get3A_489 = arith.constant 240 : index
        %get3A_490 = tpu.vector_load %arg10[%get3A_488, %get3A_489] {strides = array<i32>} : memref<64x512xf32, #tpu.memory_space<vmem>>, vector<1x16xf32>,
        %get3A_491 = vector.shape_cast %get3A_490 : vector<1x16xf32> to vector<16xf32>
        %mul3A_492 = vector.broadcast %squeeze3A_204 : f32 to vector<16xf32>
        %mul3A_493 = arith.mulf %mul3A_492, %get3A_491 : vector<16xf32>
        %add3A_494 = arith.addf %add3A_485, %mul3A_493 : vector<16xf32>
        %add3A_495 = arith.constant 0 : i32
        %add3A_496 = arith.addi %mul3A_182, %add3A_495 : i32
        %get3A_497 = arith.index_cast %add3A_496 : i32 to index
        %get3A_498 = arith.constant 368 : index
        %get3A_499 = tpu.vector_load %arg10[%get3A_497, %get3A_498] {strides = array<i32>} : memref<64x512xf32, #tpu.memory_space<vmem>>, vector<1x16xf32>,
        %get3A_500 = vector.shape_cast %get3A_499 : vector<1x16xf32> to vector<16xf32>
        %mul3A_501 = vector.broadcast %squeeze3A_214 : f32 to vector<16xf32>
        %mul3A_502 = arith.mulf %mul3A_501, %get3A_500 : vector<16xf32>
        %add3A_503 = arith.addf %add3A_494, %mul3A_502 : vector<16xf32>
        %add3A_504 = arith.constant 0 : i32
        %add3A_505 = arith.addi %mul3A_182, %add3A_504 : i32
        %get3A_506 = arith.index_cast %add3A_505 : i32 to index
        %get3A_507 = arith.constant 496 : index
        %get3A_508 = tpu.vector_load %arg10[%get3A_506, %get3A_507] {strides = array<i32>} : memref<64x512xf32, #tpu.memory_space<vmem>>, vector<1x16xf32>,
        %get3A_509 = vector.shape_cast %get3A_508 : vector<1x16xf32> to vector<16xf32>
        %mul3A_510 = vector.broadcast %squeeze3A_224 : f32 to vector<16xf32>
        %mul3A_511 = arith.mulf %mul3A_510, %get3A_509 : vector<16xf32>
        %add3A_512 = arith.addf %add3A_503, %mul3A_511 : vector<16xf32>
        %add3A_513 = arith.constant 0 : i32
        %add3A_514 = arith.addi %add3A_513, %mul3A_182 : i32
        %add3A_515 = arith.constant 1 : i32
        %add3A_516 = arith.addi %add3A_514, %add3A_515 : i32
        %mul3A_517 = arith.constant 128 : i32
        %mul3A_518 = arith.muli %scan3A_75, %mul3A_517 : i32
        %add3A_519 = arith.constant 0 : i32
        %add3A_520 = arith.addi %add3A_519, %mul3A_518 : i32
        %add3A_521 = arith.addi %add3A_520, %add3A_516 : i32
        %get3A_522 = arith.index_cast %add3A_521 : i32 to index
        %get3A_523 = tpu.vector_load %arg7[%get3A_522] {strides = array<i32>} : memref<16400xf32, #tpu.memory_space<vmem>>, vector<16xf32>,
        %get3A_524 = vector.shape_cast %get3A_523 : vector<16xf32> to vector<16xf32>
        %slice3A_525 = vector.extract_strided_slice %get3A_524 {offsets = [0], sizes = [1], strides = [1]} : vector<16xf32> to vector<1xf32>
        %squeeze3A_526 = vector.extract %slice3A_525[0] : f32 from vector<1xf32>
        %mul3A_527 = arith.constant 128 : i32
        %mul3A_528 = arith.muli %scan3A_75, %mul3A_527 : i32
        %add3A_529 = arith.constant 4096 : i32
        %add3A_530 = arith.addi %add3A_529, %mul3A_528 : i32
        %add3A_531 = arith.addi %add3A_530, %add3A_516 : i32
        %get3A_532 = arith.index_cast %add3A_531 : i32 to index
        %get3A_533 = tpu.vector_load %arg7[%get3A_532] {strides = array<i32>} : memref<16400xf32, #tpu.memory_space<vmem>>, vector<16xf32>,
        %get3A_534 = vector.shape_cast %get3A_533 : vector<16xf32> to vector<16xf32>
        %slice3A_535 = vector.extract_strided_slice %get3A_534 {offsets = [0], sizes = [1], strides = [1]} : vector<16xf32> to vector<1xf32>
        %squeeze3A_536 = vector.extract %slice3A_535[0] : f32 from vector<1xf32>
        %mul3A_537 = arith.constant 128 : i32
        %mul3A_538 = arith.muli %scan3A_75, %mul3A_537 : i32
        %add3A_539 = arith.constant 8192 : i32
        %add3A_540 = arith.addi %add3A_539, %mul3A_538 : i32
        %add3A_541 = arith.addi %add3A_540, %add3A_516 : i32
        %get3A_542 = arith.index_cast %add3A_541 : i32 to index
        %get3A_543 = tpu.vector_load %arg7[%get3A_542] {strides = array<i32>} : memref<16400xf32, #tpu.memory_space<vmem>>, vector<16xf32>,
        %get3A_544 = vector.shape_cast %get3A_543 : vector<16xf32> to vector<16xf32>
        %slice3A_545 = vector.extract_strided_slice %get3A_544 {offsets = [0], sizes = [1], strides = [1]} : vector<16xf32> to vector<1xf32>
        %squeeze3A_546 = vector.extract %slice3A_545[0] : f32 from vector<1xf32>
        %mul3A_547 = arith.constant 128 : i32
        %mul3A_548 = arith.muli %scan3A_75, %mul3A_547 : i32
        %add3A_549 = arith.constant 12288 : i32
        %add3A_550 = arith.addi %add3A_549, %mul3A_548 : i32
        %add3A_551 = arith.addi %add3A_550, %add3A_516 : i32
        %get3A_552 = arith.index_cast %add3A_551 : i32 to index
        %get3A_553 = tpu.vector_load %arg7[%get3A_552] {strides = array<i32>} : memref<16400xf32, #tpu.memory_space<vmem>>, vector<16xf32>,
        %get3A_554 = vector.shape_cast %get3A_553 : vector<16xf32> to vector<16xf32>
        %slice3A_555 = vector.extract_strided_slice %get3A_554 {offsets = [0], sizes = [1], strides = [1]} : vector<16xf32> to vector<1xf32>
        %squeeze3A_556 = vector.extract %slice3A_555[0] : f32 from vector<1xf32>
        %add3A_557 = arith.constant 1 : i32
        %add3A_558 = arith.addi %mul3A_182, %add3A_557 : i32
        %get3A_559 = arith.index_cast %add3A_558 : i32 to index
        %get3A_560 = arith.constant 0 : index
        %get3A_561 = tpu.vector_load %arg10[%get3A_559, %get3A_560] {strides = array<i32>} : memref<64x512xf32, #tpu.memory_space<vmem>>, vector<1x16xf32>,
        %get3A_562 = vector.shape_cast %get3A_561 : vector<1x16xf32> to vector<16xf32>
        %mul3A_563 = vector.broadcast %squeeze3A_526 : f32 to vector<16xf32>
        %mul3A_564 = arith.mulf %mul3A_563, %get3A_562 : vector<16xf32>
        %add3A_565 = arith.addf %add3A_260, %mul3A_564 : vector<16xf32>
        %add3A_566 = arith.constant 1 : i32
        %add3A_567 = arith.addi %mul3A_182, %add3A_566 : i32
        %get3A_568 = arith.index_cast %add3A_567 : i32 to index
        %get3A_569 = arith.constant 128 : index
        %get3A_570 = tpu.vector_load %arg10[%get3A_568, %get3A_569] {strides = array<i32>} : memref<64x512xf32, #tpu.memory_space<vmem>>, vector<1x16xf32>,
        %get3A_571 = vector.shape_cast %get3A_570 : vector<1x16xf32> to vector<16xf32>
        %mul3A_572 = vector.broadcast %squeeze3A_536 : f32 to vector<16xf32>
        %mul3A_573 = arith.mulf %mul3A_572, %get3A_571 : vector<16xf32>
        %add3A_574 = arith.addf %add3A_565, %mul3A_573 : vector<16xf32>
        %add3A_575 = arith.constant 1 : i32
        %add3A_576 = arith.addi %mul3A_182, %add3A_575 : i32
        %get3A_577 = arith.index_cast %add3A_576 : i32 to index
        %get3A_578 = arith.constant 256 : index
        %get3A_579 = tpu.vector_load %arg10[%get3A_577, %get3A_578] {strides = array<i32>} : memref<64x512xf32, #tpu.memory_space<vmem>>, vector<1x16xf32>,
        %get3A_580 = vector.shape_cast %get3A_579 : vector<1x16xf32> to vector<16xf32>
        %mul3A_581 = vector.broadcast %squeeze3A_546 : f32 to vector<16xf32>
        %mul3A_582 = arith.mulf %mul3A_581, %get3A_580 : vector<16xf32>
        %add3A_583 = arith.addf %add3A_574, %mul3A_582 : vector<16xf32>
        %add3A_584 = arith.constant 1 : i32
        %add3A_585 = arith.addi %mul3A_182, %add3A_584 : i32
        %get3A_586 = arith.index_cast %add3A_585 : i32 to index
        %get3A_587 = arith.constant 384 : index
        %get3A_588 = tpu.vector_load %arg10[%get3A_586, %get3A_587] {strides = array<i32>} : memref<64x512xf32, #tpu.memory_space<vmem>>, vector<1x16xf32>,
        %get3A_589 = vector.shape_cast %get3A_588 : vector<1x16xf32> to vector<16xf32>
        %mul3A_590 = vector.broadcast %squeeze3A_556 : f32 to vector<16xf32>
        %mul3A_591 = arith.mulf %mul3A_590, %get3A_589 : vector<16xf32>
        %add3A_592 = arith.addf %add3A_583, %mul3A_591 : vector<16xf32>
        %add3A_593 = arith.constant 1 : i32
        %add3A_594 = arith.addi %mul3A_182, %add3A_593 : i32
        %get3A_595 = arith.index_cast %add3A_594 : i32 to index
        %get3A_596 = arith.constant 16 : index
        %get3A_597 = tpu.vector_load %arg10[%get3A_595, %get3A_596] {strides = array<i32>} : memref<64x512xf32, #tpu.memory_space<vmem>>, vector<1x16xf32>,
        %get3A_598 = vector.shape_cast %get3A_597 : vector<1x16xf32> to vector<16xf32>
        %mul3A_599 = vector.broadcast %squeeze3A_526 : f32 to vector<16xf32>
        %mul3A_600 = arith.mulf %mul3A_599, %get3A_598 : vector<16xf32>
        %add3A_601 = arith.addf %add3A_296, %mul3A_600 : vector<16xf32>
        %add3A_602 = arith.constant 1 : i32
        %add3A_603 = arith.addi %mul3A_182, %add3A_602 : i32
        %get3A_604 = arith.index_cast %add3A_603 : i32 to index
        %get3A_605 = arith.constant 144 : index
        %get3A_606 = tpu.vector_load %arg10[%get3A_604, %get3A_605] {strides = array<i32>} : memref<64x512xf32, #tpu.memory_space<vmem>>, vector<1x16xf32>,
        %get3A_607 = vector.shape_cast %get3A_606 : vector<1x16xf32> to vector<16xf32>
        %mul3A_608 = vector.broadcast %squeeze3A_536 : f32 to vector<16xf32>
        %mul3A_609 = arith.mulf %mul3A_608, %get3A_607 : vector<16xf32>
        %add3A_610 = arith.addf %add3A_601, %mul3A_609 : vector<16xf32>
        %add3A_611 = arith.constant 1 : i32
        %add3A_612 = arith.addi %mul3A_182, %add3A_611 : i32
        %get3A_613 = arith.index_cast %add3A_612 : i32 to index
        %get3A_614 = arith.constant 272 : index
        %get3A_615 = tpu.vector_load %arg10[%get3A_613, %get3A_614] {strides = array<i32>} : memref<64x512xf32, #tpu.memory_space<vmem>>, vector<1x16xf32>,
        %get3A_616 = vector.shape_cast %get3A_615 : vector<1x16xf32> to vector<16xf32>
        %mul3A_617 = vector.broadcast %squeeze3A_546 : f32 to vector<16xf32>
        %mul3A_618 = arith.mulf %mul3A_617, %get3A_616 : vector<16xf32>
        %add3A_619 = arith.addf %add3A_610, %mul3A_618 : vector<16xf32>
        %add3A_620 = arith.constant 1 : i32
        %add3A_621 = arith.addi %mul3A_182, %add3A_620 : i32
        %get3A_622 = arith.index_cast %add3A_621 : i32 to index
        %get3A_623 = arith.constant 400 : index
        %get3A_624 = tpu.vector_load %arg10[%get3A_622, %get3A_623] {strides = array<i32>} : memref<64x512xf32, #tpu.memory_space<vmem>>, vector<1x16xf32>,
        %get3A_625 = vector.shape_cast %get3A_624 : vector<1x16xf32> to vector<16xf32>
        %mul3A_626 = vector.broadcast %squeeze3A_556 : f32 to vector<16xf32>
        %mul3A_627 = arith.mulf %mul3A_626, %get3A_625 : vector<16xf32>
        %add3A_628 = arith.addf %add3A_619, %mul3A_627 : vector<16xf32>
        %add3A_629 = arith.constant 1 : i32
        %add3A_630 = arith.addi %mul3A_182, %add3A_629 : i32
        %get3A_631 = arith.index_cast %add3A_630 : i32 to index
        %get3A_632 = arith.constant 32 : index
        %get3A_633 = tpu.vector_load %arg10[%get3A_631, %get3A_632] {strides = array<i32>} : memref<64x512xf32, #tpu.memory_space<vmem>>, vector<1x16xf32>,
        %get3A_634 = vector.shape_cast %get3A_633 : vector<1x16xf32> to vector<16xf32>
        %mul3A_635 = vector.broadcast %squeeze3A_526 : f32 to vector<16xf32>
        %mul3A_636 = arith.mulf %mul3A_635, %get3A_634 : vector<16xf32>
        %add3A_637 = arith.addf %add3A_332, %mul3A_636 : vector<16xf32>
        %add3A_638 = arith.constant 1 : i32
        %add3A_639 = arith.addi %mul3A_182, %add3A_638 : i32
        %get3A_640 = arith.index_cast %add3A_639 : i32 to index
        %get3A_641 = arith.constant 160 : index
        %get3A_642 = tpu.vector_load %arg10[%get3A_640, %get3A_641] {strides = array<i32>} : memref<64x512xf32, #tpu.memory_space<vmem>>, vector<1x16xf32>,
        %get3A_643 = vector.shape_cast %get3A_642 : vector<1x16xf32> to vector<16xf32>
        %mul3A_644 = vector.broadcast %squeeze3A_536 : f32 to vector<16xf32>
        %mul3A_645 = arith.mulf %mul3A_644, %get3A_643 : vector<16xf32>
        %add3A_646 = arith.addf %add3A_637, %mul3A_645 : vector<16xf32>
        %add3A_647 = arith.constant 1 : i32
        %add3A_648 = arith.addi %mul3A_182, %add3A_647 : i32
        %get3A_649 = arith.index_cast %add3A_648 : i32 to index
        %get3A_650 = arith.constant 288 : index
        %get3A_651 = tpu.vector_load %arg10[%get3A_649, %get3A_650] {strides = array<i32>} : memref<64x512xf32, #tpu.memory_space<vmem>>, vector<1x16xf32>,
        %get3A_652 = vector.shape_cast %get3A_651 : vector<1x16xf32> to vector<16xf32>
        %mul3A_653 = vector.broadcast %squeeze3A_546 : f32 to vector<16xf32>
        %mul3A_654 = arith.mulf %mul3A_653, %get3A_652 : vector<16xf32>
        %add3A_655 = arith.addf %add3A_646, %mul3A_654 : vector<16xf32>
        %add3A_656 = arith.constant 1 : i32
        %add3A_657 = arith.addi %mul3A_182, %add3A_656 : i32
        %get3A_658 = arith.index_cast %add3A_657 : i32 to index
        %get3A_659 = arith.constant 416 : index
        %get3A_660 = tpu.vector_load %arg10[%get3A_658, %get3A_659] {strides = array<i32>} : memref<64x512xf32, #tpu.memory_space<vmem>>, vector<1x16xf32>,
        %get3A_661 = vector.shape_cast %get3A_660 : vector<1x16xf32> to vector<16xf32>
        %mul3A_662 = vector.broadcast %squeeze3A_556 : f32 to vector<16xf32>
        %mul3A_663 = arith.mulf %mul3A_662, %get3A_661 : vector<16xf32>
        %add3A_664 = arith.addf %add3A_655, %mul3A_663 : vector<16xf32>
        %add3A_665 = arith.constant 1 : i32
        %add3A_666 = arith.addi %mul3A_182, %add3A_665 : i32
        %get3A_667 = arith.index_cast %add3A_666 : i32 to index
        %get3A_668 = arith.constant 48 : index
        %get3A_669 = tpu.vector_load %arg10[%get3A_667, %get3A_668] {strides = array<i32>} : memref<64x512xf32, #tpu.memory_space<vmem>>, vector<1x16xf32>,
        %get3A_670 = vector.shape_cast %get3A_669 : vector<1x16xf32> to vector<16xf32>
        %mul3A_671 = vector.broadcast %squeeze3A_526 : f32 to vector<16xf32>
        %mul3A_672 = arith.mulf %mul3A_671, %get3A_670 : vector<16xf32>
        %add3A_673 = arith.addf %add3A_368, %mul3A_672 : vector<16xf32>
        %add3A_674 = arith.constant 1 : i32
        %add3A_675 = arith.addi %mul3A_182, %add3A_674 : i32
        %get3A_676 = arith.index_cast %add3A_675 : i32 to index
        %get3A_677 = arith.constant 176 : index
        %get3A_678 = tpu.vector_load %arg10[%get3A_676, %get3A_677] {strides = array<i32>} : memref<64x512xf32, #tpu.memory_space<vmem>>, vector<1x16xf32>,
        %get3A_679 = vector.shape_cast %get3A_678 : vector<1x16xf32> to vector<16xf32>
        %mul3A_680 = vector.broadcast %squeeze3A_536 : f32 to vector<16xf32>
        %mul3A_681 = arith.mulf %mul3A_680, %get3A_679 : vector<16xf32>
        %add3A_682 = arith.addf %add3A_673, %mul3A_681 : vector<16xf32>
        %add3A_683 = arith.constant 1 : i32
        %add3A_684 = arith.addi %mul3A_182, %add3A_683 : i32
        %get3A_685 = arith.index_cast %add3A_684 : i32 to index
        %get3A_686 = arith.constant 304 : index
        %get3A_687 = tpu.vector_load %arg10[%get3A_685, %get3A_686] {strides = array<i32>} : memref<64x512xf32, #tpu.memory_space<vmem>>, vector<1x16xf32>,
        %get3A_688 = vector.shape_cast %get3A_687 : vector<1x16xf32> to vector<16xf32>
        %mul3A_689 = vector.broadcast %squeeze3A_546 : f32 to vector<16xf32>
        %mul3A_690 = arith.mulf %mul3A_689, %get3A_688 : vector<16xf32>
        %add3A_691 = arith.addf %add3A_682, %mul3A_690 : vector<16xf32>
        %add3A_692 = arith.constant 1 : i32
        %add3A_693 = arith.addi %mul3A_182, %add3A_692 : i32
        %get3A_694 = arith.index_cast %add3A_693 : i32 to index
        %get3A_695 = arith.constant 432 : index
        %get3A_696 = tpu.vector_load %arg10[%get3A_694, %get3A_695] {strides = array<i32>} : memref<64x512xf32, #tpu.memory_space<vmem>>, vector<1x16xf32>,
        %get3A_697 = vector.shape_cast %get3A_696 : vector<1x16xf32> to vector<16xf32>
        %mul3A_698 = vector.broadcast %squeeze3A_556 : f32 to vector<16xf32>
        %mul3A_699 = arith.mulf %mul3A_698, %get3A_697 : vector<16xf32>
        %add3A_700 = arith.addf %add3A_691, %mul3A_699 : vector<16xf32>
        %add3A_701 = arith.constant 1 : i32
        %add3A_702 = arith.addi %mul3A_182, %add3A_701 : i32
        %get3A_703 = arith.index_cast %add3A_702 : i32 to index
        %get3A_704 = arith.constant 64 : index
        %get3A_705 = tpu.vector_load %arg10[%get3A_703, %get3A_704] {strides = array<i32>} : memref<64x512xf32, #tpu.memory_space<vmem>>, vector<1x16xf32>,
        %get3A_706 = vector.shape_cast %get3A_705 : vector<1x16xf32> to vector<16xf32>
        %mul3A_707 = vector.broadcast %squeeze3A_526 : f32 to vector<16xf32>
        %mul3A_708 = arith.mulf %mul3A_707, %get3A_706 : vector<16xf32>
        %add3A_709 = arith.addf %add3A_404, %mul3A_708 : vector<16xf32>
        %add3A_710 = arith.constant 1 : i32
        %add3A_711 = arith.addi %mul3A_182, %add3A_710 : i32
        %get3A_712 = arith.index_cast %add3A_711 : i32 to index
        %get3A_713 = arith.constant 192 : index
        %get3A_714 = tpu.vector_load %arg10[%get3A_712, %get3A_713] {strides = array<i32>} : memref<64x512xf32, #tpu.memory_space<vmem>>, vector<1x16xf32>,
        %get3A_715 = vector.shape_cast %get3A_714 : vector<1x16xf32> to vector<16xf32>
        %mul3A_716 = vector.broadcast %squeeze3A_536 : f32 to vector<16xf32>
        %mul3A_717 = arith.mulf %mul3A_716, %get3A_715 : vector<16xf32>
        %add3A_718 = arith.addf %add3A_709, %mul3A_717 : vector<16xf32>
        %add3A_719 = arith.constant 1 : i32
        %add3A_720 = arith.addi %mul3A_182, %add3A_719 : i32
        %get3A_721 = arith.index_cast %add3A_720 : i32 to index
        %get3A_722 = arith.constant 320 : index
        %get3A_723 = tpu.vector_load %arg10[%get3A_721, %get3A_722] {strides = array<i32>} : memref<64x512xf32, #tpu.memory_space<vmem>>, vector<1x16xf32>,
        %get3A_724 = vector.shape_cast %get3A_723 : vector<1x16xf32> to vector<16xf32>
        %mul3A_725 = vector.broadcast %squeeze3A_546 : f32 to vector<16xf32>
        %mul3A_726 = arith.mulf %mul3A_725, %get3A_724 : vector<16xf32>
        %add3A_727 = arith.addf %add3A_718, %mul3A_726 : vector<16xf32>
        %add3A_728 = arith.constant 1 : i32
        %add3A_729 = arith.addi %mul3A_182, %add3A_728 : i32
        %get3A_730 = arith.index_cast %add3A_729 : i32 to index
        %get3A_731 = arith.constant 448 : index
        %get3A_732 = tpu.vector_load %arg10[%get3A_730, %get3A_731] {strides = array<i32>} : memref<64x512xf32, #tpu.memory_space<vmem>>, vector<1x16xf32>,
        %get3A_733 = vector.shape_cast %get3A_732 : vector<1x16xf32> to vector<16xf32>
        %mul3A_734 = vector.broadcast %squeeze3A_556 : f32 to vector<16xf32>
        %mul3A_735 = arith.mulf %mul3A_734, %get3A_733 : vector<16xf32>
        %add3A_736 = arith.addf %add3A_727, %mul3A_735 : vector<16xf32>
        %add3A_737 = arith.constant 1 : i32
        %add3A_738 = arith.addi %mul3A_182, %add3A_737 : i32
        %get3A_739 = arith.index_cast %add3A_738 : i32 to index
        %get3A_740 = arith.constant 80 : index
        %get3A_741 = tpu.vector_load %arg10[%get3A_739, %get3A_740] {strides = array<i32>} : memref<64x512xf32, #tpu.memory_space<vmem>>, vector<1x16xf32>,
        %get3A_742 = vector.shape_cast %get3A_741 : vector<1x16xf32> to vector<16xf32>
        %mul3A_743 = vector.broadcast %squeeze3A_526 : f32 to vector<16xf32>
        %mul3A_744 = arith.mulf %mul3A_743, %get3A_742 : vector<16xf32>
        %add3A_745 = arith.addf %add3A_440, %mul3A_744 : vector<16xf32>
        %add3A_746 = arith.constant 1 : i32
        %add3A_747 = arith.addi %mul3A_182, %add3A_746 : i32
        %get3A_748 = arith.index_cast %add3A_747 : i32 to index
        %get3A_749 = arith.constant 208 : index
        %get3A_750 = tpu.vector_load %arg10[%get3A_748, %get3A_749] {strides = array<i32>} : memref<64x512xf32, #tpu.memory_space<vmem>>, vector<1x16xf32>,
        %get3A_751 = vector.shape_cast %get3A_750 : vector<1x16xf32> to vector<16xf32>
        %mul3A_752 = vector.broadcast %squeeze3A_536 : f32 to vector<16xf32>
        %mul3A_753 = arith.mulf %mul3A_752, %get3A_751 : vector<16xf32>
        %add3A_754 = arith.addf %add3A_745, %mul3A_753 : vector<16xf32>
        %add3A_755 = arith.constant 1 : i32
        %add3A_756 = arith.addi %mul3A_182, %add3A_755 : i32
        %get3A_757 = arith.index_cast %add3A_756 : i32 to index
        %get3A_758 = arith.constant 336 : index
        %get3A_759 = tpu.vector_load %arg10[%get3A_757, %get3A_758] {strides = array<i32>} : memref<64x512xf32, #tpu.memory_space<vmem>>, vector<1x16xf32>,
        %get3A_760 = vector.shape_cast %get3A_759 : vector<1x16xf32> to vector<16xf32>
        %mul3A_761 = vector.broadcast %squeeze3A_546 : f32 to vector<16xf32>
        %mul3A_762 = arith.mulf %mul3A_761, %get3A_760 : vector<16xf32>
        %add3A_763 = arith.addf %add3A_754, %mul3A_762 : vector<16xf32>
        %add3A_764 = arith.constant 1 : i32
        %add3A_765 = arith.addi %mul3A_182, %add3A_764 : i32
        %get3A_766 = arith.index_cast %add3A_765 : i32 to index
        %get3A_767 = arith.constant 464 : index
        %get3A_768 = tpu.vector_load %arg10[%get3A_766, %get3A_767] {strides = array<i32>} : memref<64x512xf32, #tpu.memory_space<vmem>>, vector<1x16xf32>,
        %get3A_769 = vector.shape_cast %get3A_768 : vector<1x16xf32> to vector<16xf32>
        %mul3A_770 = vector.broadcast %squeeze3A_556 : f32 to vector<16xf32>
        %mul3A_771 = arith.mulf %mul3A_770, %get3A_769 : vector<16xf32>
        %add3A_772 = arith.addf %add3A_763, %mul3A_771 : vector<16xf32>
        %add3A_773 = arith.constant 1 : i32
        %add3A_774 = arith.addi %mul3A_182, %add3A_773 : i32
        %get3A_775 = arith.index_cast %add3A_774 : i32 to index
        %get3A_776 = arith.constant 96 : index
        %get3A_777 = tpu.vector_load %arg10[%get3A_775, %get3A_776] {strides = array<i32>} : memref<64x512xf32, #tpu.memory_space<vmem>>, vector<1x16xf32>,
        %get3A_778 = vector.shape_cast %get3A_777 : vector<1x16xf32> to vector<16xf32>
        %mul3A_779 = vector.broadcast %squeeze3A_526 : f32 to vector<16xf32>
        %mul3A_780 = arith.mulf %mul3A_779, %get3A_778 : vector<16xf32>
        %add3A_781 = arith.addf %add3A_476, %mul3A_780 : vector<16xf32>
        %add3A_782 = arith.constant 1 : i32
        %add3A_783 = arith.addi %mul3A_182, %add3A_782 : i32
        %get3A_784 = arith.index_cast %add3A_783 : i32 to index
        %get3A_785 = arith.constant 224 : index
        %get3A_786 = tpu.vector_load %arg10[%get3A_784, %get3A_785] {strides = array<i32>} : memref<64x512xf32, #tpu.memory_space<vmem>>, vector<1x16xf32>,
        %get3A_787 = vector.shape_cast %get3A_786 : vector<1x16xf32> to vector<16xf32>
        %mul3A_788 = vector.broadcast %squeeze3A_536 : f32 to vector<16xf32>
        %mul3A_789 = arith.mulf %mul3A_788, %get3A_787 : vector<16xf32>
        %add3A_790 = arith.addf %add3A_781, %mul3A_789 : vector<16xf32>
        %add3A_791 = arith.constant 1 : i32
        %add3A_792 = arith.addi %mul3A_182, %add3A_791 : i32
        %get3A_793 = arith.index_cast %add3A_792 : i32 to index
        %get3A_794 = arith.constant 352 : index
        %get3A_795 = tpu.vector_load %arg10[%get3A_793, %get3A_794] {strides = array<i32>} : memref<64x512xf32, #tpu.memory_space<vmem>>, vector<1x16xf32>,
        %get3A_796 = vector.shape_cast %get3A_795 : vector<1x16xf32> to vector<16xf32>
        %mul3A_797 = vector.broadcast %squeeze3A_546 : f32 to vector<16xf32>
        %mul3A_798 = arith.mulf %mul3A_797, %get3A_796 : vector<16xf32>
        %add3A_799 = arith.addf %add3A_790, %mul3A_798 : vector<16xf32>
        %add3A_800 = arith.constant 1 : i32
        %add3A_801 = arith.addi %mul3A_182, %add3A_800 : i32
        %get3A_802 = arith.index_cast %add3A_801 : i32 to index
        %get3A_803 = arith.constant 480 : index
        %get3A_804 = tpu.vector_load %arg10[%get3A_802, %get3A_803] {strides = array<i32>} : memref<64x512xf32, #tpu.memory_space<vmem>>, vector<1x16xf32>,
        %get3A_805 = vector.shape_cast %get3A_804 : vector<1x16xf32> to vector<16xf32>
        %mul3A_806 = vector.broadcast %squeeze3A_556 : f32 to vector<16xf32>
        %mul3A_807 = arith.mulf %mul3A_806, %get3A_805 : vector<16xf32>
        %add3A_808 = arith.addf %add3A_799, %mul3A_807 : vector<16xf32>
        %add3A_809 = arith.constant 1 : i32
        %add3A_810 = arith.addi %mul3A_182, %add3A_809 : i32
        %get3A_811 = arith.index_cast %add3A_810 : i32 to index
        %get3A_812 = arith.constant 112 : index
        %get3A_813 = tpu.vector_load %arg10[%get3A_811, %get3A_812] {strides = array<i32>} : memref<64x512xf32, #tpu.memory_space<vmem>>, vector<1x16xf32>,
        %get3A_814 = vector.shape_cast %get3A_813 : vector<1x16xf32> to vector<16xf32>
        %mul3A_815 = vector.broadcast %squeeze3A_526 : f32 to vector<16xf32>
        %mul3A_816 = arith.mulf %mul3A_815, %get3A_814 : vector<16xf32>
        %add3A_817 = arith.addf %add3A_512, %mul3A_816 : vector<16xf32>
        %add3A_818 = arith.constant 1 : i32
        %add3A_819 = arith.addi %mul3A_182, %add3A_818 : i32
        %get3A_820 = arith.index_cast %add3A_819 : i32 to index
        %get3A_821 = arith.constant 240 : index
        %get3A_822 = tpu.vector_load %arg10[%get3A_820, %get3A_821] {strides = array<i32>} : memref<64x512xf32, #tpu.memory_space<vmem>>, vector<1x16xf32>,
        %get3A_823 = vector.shape_cast %get3A_822 : vector<1x16xf32> to vector<16xf32>
        %mul3A_824 = vector.broadcast %squeeze3A_536 : f32 to vector<16xf32>
        %mul3A_825 = arith.mulf %mul3A_824, %get3A_823 : vector<16xf32>
        %add3A_826 = arith.addf %add3A_817, %mul3A_825 : vector<16xf32>
        %add3A_827 = arith.constant 1 : i32
        %add3A_828 = arith.addi %mul3A_182, %add3A_827 : i32
        %get3A_829 = arith.index_cast %add3A_828 : i32 to index
        %get3A_830 = arith.constant 368 : index
        %get3A_831 = tpu.vector_load %arg10[%get3A_829, %get3A_830] {strides = array<i32>} : memref<64x512xf32, #tpu.memory_space<vmem>>, vector<1x16xf32>,
        %get3A_832 = vector.shape_cast %get3A_831 : vector<1x16xf32> to vector<16xf32>
        %mul3A_833 = vector.broadcast %squeeze3A_546 : f32 to vector<16xf32>
        %mul3A_834 = arith.mulf %mul3A_833, %get3A_832 : vector<16xf32>
        %add3A_835 = arith.addf %add3A_826, %mul3A_834 : vector<16xf32>
        %add3A_836 = arith.constant 1 : i32
        %add3A_837 = arith.addi %mul3A_182, %add3A_836 : i32
        %get3A_838 = arith.index_cast %add3A_837 : i32 to index
        %get3A_839 = arith.constant 496 : index
        %get3A_840 = tpu.vector_load %arg10[%get3A_838, %get3A_839] {strides = array<i32>} : memref<64x512xf32, #tpu.memory_space<vmem>>, vector<1x16xf32>,
        %get3A_841 = vector.shape_cast %get3A_840 : vector<1x16xf32> to vector<16xf32>
        %mul3A_842 = vector.broadcast %squeeze3A_556 : f32 to vector<16xf32>
        %mul3A_843 = arith.mulf %mul3A_842, %get3A_841 : vector<16xf32>
        %add3A_844 = arith.addf %add3A_835, %mul3A_843 : vector<16xf32>
        %add3A_845 = arith.constant 0 : i32
        %add3A_846 = arith.addi %add3A_845, %mul3A_182 : i32
        %add3A_847 = arith.constant 2 : i32
        %add3A_848 = arith.addi %add3A_846, %add3A_847 : i32
        %mul3A_849 = arith.constant 128 : i32
        %mul3A_850 = arith.muli %scan3A_75, %mul3A_849 : i32
        %add3A_851 = arith.constant 0 : i32
        %add3A_852 = arith.addi %add3A_851, %mul3A_850 : i32
        %add3A_853 = arith.addi %add3A_852, %add3A_848 : i32
        %get3A_854 = arith.index_cast %add3A_853 : i32 to index
        %get3A_855 = tpu.vector_load %arg7[%get3A_854] {strides = array<i32>} : memref<16400xf32, #tpu.memory_space<vmem>>, vector<16xf32>,
        %get3A_856 = vector.shape_cast %get3A_855 : vector<16xf32> to vector<16xf32>
        %slice3A_857 = vector.extract_strided_slice %get3A_856 {offsets = [0], sizes = [1], strides = [1]} : vector<16xf32> to vector<1xf32>
        %squeeze3A_858 = vector.extract %slice3A_857[0] : f32 from vector<1xf32>
        %mul3A_859 = arith.constant 128 : i32
        %mul3A_860 = arith.muli %scan3A_75, %mul3A_859 : i32
        %add3A_861 = arith.constant 4096 : i32
        %add3A_862 = arith.addi %add3A_861, %mul3A_860 : i32
        %add3A_863 = arith.addi %add3A_862, %add3A_848 : i32
        %get3A_864 = arith.index_cast %add3A_863 : i32 to index
        %get3A_865 = tpu.vector_load %arg7[%get3A_864] {strides = array<i32>} : memref<16400xf32, #tpu.memory_space<vmem>>, vector<16xf32>,
        %get3A_866 = vector.shape_cast %get3A_865 : vector<16xf32> to vector<16xf32>
        %slice3A_867 = vector.extract_strided_slice %get3A_866 {offsets = [0], sizes = [1], strides = [1]} : vector<16xf32> to vector<1xf32>
        %squeeze3A_868 = vector.extract %slice3A_867[0] : f32 from vector<1xf32>
        %mul3A_869 = arith.constant 128 : i32
        %mul3A_870 = arith.muli %scan3A_75, %mul3A_869 : i32
        %add3A_871 = arith.constant 8192 : i32
        %add3A_872 = arith.addi %add3A_871, %mul3A_870 : i32
        %add3A_873 = arith.addi %add3A_872, %add3A_848 : i32
        %get3A_874 = arith.index_cast %add3A_873 : i32 to index
        %get3A_875 = tpu.vector_load %arg7[%get3A_874] {strides = array<i32>} : memref<16400xf32, #tpu.memory_space<vmem>>, vector<16xf32>,
        %get3A_876 = vector.shape_cast %get3A_875 : vector<16xf32> to vector<16xf32>
        %slice3A_877 = vector.extract_strided_slice %get3A_876 {offsets = [0], sizes = [1], strides = [1]} : vector<16xf32> to vector<1xf32>
        %squeeze3A_878 = vector.extract %slice3A_877[0] : f32 from vector<1xf32>
        %mul3A_879 = arith.constant 128 : i32
        %mul3A_880 = arith.muli %scan3A_75, %mul3A_879 : i32
        %add3A_881 = arith.constant 12288 : i32
        %add3A_882 = arith.addi %add3A_881, %mul3A_880 : i32
        %add3A_883 = arith.addi %add3A_882, %add3A_848 : i32
        %get3A_884 = arith.index_cast %add3A_883 : i32 to index
        %get3A_885 = tpu.vector_load %arg7[%get3A_884] {strides = array<i32>} : memref<16400xf32, #tpu.memory_space<vmem>>, vector<16xf32>,
        %get3A_886 = vector.shape_cast %get3A_885 : vector<16xf32> to vector<16xf32>
        %slice3A_887 = vector.extract_strided_slice %get3A_886 {offsets = [0], sizes = [1], strides = [1]} : vector<16xf32> to vector<1xf32>
        %squeeze3A_888 = vector.extract %slice3A_887[0] : f32 from vector<1xf32>
        %add3A_889 = arith.constant 2 : i32
        %add3A_890 = arith.addi %mul3A_182, %add3A_889 : i32
        %get3A_891 = arith.index_cast %add3A_890 : i32 to index
        %get3A_892 = arith.constant 0 : index
        %get3A_893 = tpu.vector_load %arg10[%get3A_891, %get3A_892] {strides = array<i32>} : memref<64x512xf32, #tpu.memory_space<vmem>>, vector<1x16xf32>,
        %get3A_894 = vector.shape_cast %get3A_893 : vector<1x16xf32> to vector<16xf32>
        %mul3A_895 = vector.broadcast %squeeze3A_858 : f32 to vector<16xf32>
        %mul3A_896 = arith.mulf %mul3A_895, %get3A_894 : vector<16xf32>
        %add3A_897 = arith.addf %add3A_592, %mul3A_896 : vector<16xf32>
        %add3A_898 = arith.constant 2 : i32
        %add3A_899 = arith.addi %mul3A_182, %add3A_898 : i32
        %get3A_900 = arith.index_cast %add3A_899 : i32 to index
        %get3A_901 = arith.constant 128 : index
        %get3A_902 = tpu.vector_load %arg10[%get3A_900, %get3A_901] {strides = array<i32>} : memref<64x512xf32, #tpu.memory_space<vmem>>, vector<1x16xf32>,
        %get3A_903 = vector.shape_cast %get3A_902 : vector<1x16xf32> to vector<16xf32>
        %mul3A_904 = vector.broadcast %squeeze3A_868 : f32 to vector<16xf32>
        %mul3A_905 = arith.mulf %mul3A_904, %get3A_903 : vector<16xf32>
        %add3A_906 = arith.addf %add3A_897, %mul3A_905 : vector<16xf32>
        %add3A_907 = arith.constant 2 : i32
        %add3A_908 = arith.addi %mul3A_182, %add3A_907 : i32
        %get3A_909 = arith.index_cast %add3A_908 : i32 to index
        %get3A_910 = arith.constant 256 : index
        %get3A_911 = tpu.vector_load %arg10[%get3A_909, %get3A_910] {strides = array<i32>} : memref<64x512xf32, #tpu.memory_space<vmem>>, vector<1x16xf32>,
        %get3A_912 = vector.shape_cast %get3A_911 : vector<1x16xf32> to vector<16xf32>
        %mul3A_913 = vector.broadcast %squeeze3A_878 : f32 to vector<16xf32>
        %mul3A_914 = arith.mulf %mul3A_913, %get3A_912 : vector<16xf32>
        %add3A_915 = arith.addf %add3A_906, %mul3A_914 : vector<16xf32>
        %add3A_916 = arith.constant 2 : i32
        %add3A_917 = arith.addi %mul3A_182, %add3A_916 : i32
        %get3A_918 = arith.index_cast %add3A_917 : i32 to index
        %get3A_919 = arith.constant 384 : index
        %get3A_920 = tpu.vector_load %arg10[%get3A_918, %get3A_919] {strides = array<i32>} : memref<64x512xf32, #tpu.memory_space<vmem>>, vector<1x16xf32>,
        %get3A_921 = vector.shape_cast %get3A_920 : vector<1x16xf32> to vector<16xf32>
        %mul3A_922 = vector.broadcast %squeeze3A_888 : f32 to vector<16xf32>
        %mul3A_923 = arith.mulf %mul3A_922, %get3A_921 : vector<16xf32>
        %add3A_924 = arith.addf %add3A_915, %mul3A_923 : vector<16xf32>
        %add3A_925 = arith.constant 2 : i32
        %add3A_926 = arith.addi %mul3A_182, %add3A_925 : i32
        %get3A_927 = arith.index_cast %add3A_926 : i32 to index
        %get3A_928 = arith.constant 16 : index
        %get3A_929 = tpu.vector_load %arg10[%get3A_927, %get3A_928] {strides = array<i32>} : memref<64x512xf32, #tpu.memory_space<vmem>>, vector<1x16xf32>,
        %get3A_930 = vector.shape_cast %get3A_929 : vector<1x16xf32> to vector<16xf32>
        %mul3A_931 = vector.broadcast %squeeze3A_858 : f32 to vector<16xf32>
        %mul3A_932 = arith.mulf %mul3A_931, %get3A_930 : vector<16xf32>
        %add3A_933 = arith.addf %add3A_628, %mul3A_932 : vector<16xf32>
        %add3A_934 = arith.constant 2 : i32
        %add3A_935 = arith.addi %mul3A_182, %add3A_934 : i32
        %get3A_936 = arith.index_cast %add3A_935 : i32 to index
        %get3A_937 = arith.constant 144 : index
        %get3A_938 = tpu.vector_load %arg10[%get3A_936, %get3A_937] {strides = array<i32>} : memref<64x512xf32, #tpu.memory_space<vmem>>, vector<1x16xf32>,
        %get3A_939 = vector.shape_cast %get3A_938 : vector<1x16xf32> to vector<16xf32>
        %mul3A_940 = vector.broadcast %squeeze3A_868 : f32 to vector<16xf32>
        %mul3A_941 = arith.mulf %mul3A_940, %get3A_939 : vector<16xf32>
        %add3A_942 = arith.addf %add3A_933, %mul3A_941 : vector<16xf32>
        %add3A_943 = arith.constant 2 : i32
        %add3A_944 = arith.addi %mul3A_182, %add3A_943 : i32
        %get3A_945 = arith.index_cast %add3A_944 : i32 to index
        %get3A_946 = arith.constant 272 : index
        %get3A_947 = tpu.vector_load %arg10[%get3A_945, %get3A_946] {strides = array<i32>} : memref<64x512xf32, #tpu.memory_space<vmem>>, vector<1x16xf32>,
        %get3A_948 = vector.shape_cast %get3A_947 : vector<1x16xf32> to vector<16xf32>
        %mul3A_949 = vector.broadcast %squeeze3A_878 : f32 to vector<16xf32>
        %mul3A_950 = arith.mulf %mul3A_949, %get3A_948 : vector<16xf32>
        %add3A_951 = arith.addf %add3A_942, %mul3A_950 : vector<16xf32>
        %add3A_952 = arith.constant 2 : i32
        %add3A_953 = arith.addi %mul3A_182, %add3A_952 : i32
        %get3A_954 = arith.index_cast %add3A_953 : i32 to index
        %get3A_955 = arith.constant 400 : index
        %get3A_956 = tpu.vector_load %arg10[%get3A_954, %get3A_955] {strides = array<i32>} : memref<64x512xf32, #tpu.memory_space<vmem>>, vector<1x16xf32>,
        %get3A_957 = vector.shape_cast %get3A_956 : vector<1x16xf32> to vector<16xf32>
        %mul3A_958 = vector.broadcast %squeeze3A_888 : f32 to vector<16xf32>
        %mul3A_959 = arith.mulf %mul3A_958, %get3A_957 : vector<16xf32>
        %add3A_960 = arith.addf %add3A_951, %mul3A_959 : vector<16xf32>
        %add3A_961 = arith.constant 2 : i32
        %add3A_962 = arith.addi %mul3A_182, %add3A_961 : i32
        %get3A_963 = arith.index_cast %add3A_962 : i32 to index
        %get3A_964 = arith.constant 32 : index
        %get3A_965 = tpu.vector_load %arg10[%get3A_963, %get3A_964] {strides = array<i32>} : memref<64x512xf32, #tpu.memory_space<vmem>>, vector<1x16xf32>,
        %get3A_966 = vector.shape_cast %get3A_965 : vector<1x16xf32> to vector<16xf32>
        %mul3A_967 = vector.broadcast %squeeze3A_858 : f32 to vector<16xf32>
        %mul3A_968 = arith.mulf %mul3A_967, %get3A_966 : vector<16xf32>
        %add3A_969 = arith.addf %add3A_664, %mul3A_968 : vector<16xf32>
        %add3A_970 = arith.constant 2 : i32
        %add3A_971 = arith.addi %mul3A_182, %add3A_970 : i32
        %get3A_972 = arith.index_cast %add3A_971 : i32 to index
        %get3A_973 = arith.constant 160 : index
        %get3A_974 = tpu.vector_load %arg10[%get3A_972, %get3A_973] {strides = array<i32>} : memref<64x512xf32, #tpu.memory_space<vmem>>, vector<1x16xf32>,
        %get3A_975 = vector.shape_cast %get3A_974 : vector<1x16xf32> to vector<16xf32>
        %mul3A_976 = vector.broadcast %squeeze3A_868 : f32 to vector<16xf32>
        %mul3A_977 = arith.mulf %mul3A_976, %get3A_975 : vector<16xf32>
        %add3A_978 = arith.addf %add3A_969, %mul3A_977 : vector<16xf32>
        %add3A_979 = arith.constant 2 : i32
        %add3A_980 = arith.addi %mul3A_182, %add3A_979 : i32
        %get3A_981 = arith.index_cast %add3A_980 : i32 to index
        %get3A_982 = arith.constant 288 : index
        %get3A_983 = tpu.vector_load %arg10[%get3A_981, %get3A_982] {strides = array<i32>} : memref<64x512xf32, #tpu.memory_space<vmem>>, vector<1x16xf32>,
        %get3A_984 = vector.shape_cast %get3A_983 : vector<1x16xf32> to vector<16xf32>
        %mul3A_985 = vector.broadcast %squeeze3A_878 : f32 to vector<16xf32>
        %mul3A_986 = arith.mulf %mul3A_985, %get3A_984 : vector<16xf32>
        %add3A_987 = arith.addf %add3A_978, %mul3A_986 : vector<16xf32>
        %add3A_988 = arith.constant 2 : i32
        %add3A_989 = arith.addi %mul3A_182, %add3A_988 : i32
        %get3A_990 = arith.index_cast %add3A_989 : i32 to index
        %get3A_991 = arith.constant 416 : index
        %get3A_992 = tpu.vector_load %arg10[%get3A_990, %get3A_991] {strides = array<i32>} : memref<64x512xf32, #tpu.memory_space<vmem>>, vector<1x16xf32>,
        %get3A_993 = vector.shape_cast %get3A_992 : vector<1x16xf32> to vector<16xf32>
        %mul3A_994 = vector.broadcast %squeeze3A_888 : f32 to vector<16xf32>
        %mul3A_995 = arith.mulf %mul3A_994, %get3A_993 : vector<16xf32>
        %add3A_996 = arith.addf %add3A_987, %mul3A_995 : vector<16xf32>
        %add3A_997 = arith.constant 2 : i32
        %add3A_998 = arith.addi %mul3A_182, %add3A_997 : i32
        %get3A_999 = arith.index_cast %add3A_998 : i32 to index
        %get3A_1000 = arith.constant 48 : index
        %get3A_1001 = tpu.vector_load %arg10[%get3A_999, %get3A_1000] {strides = array<i32>} : memref<64x512xf32, #tpu.memory_space<vmem>>, vector<1x16xf32>,
        %get3A_1002 = vector.shape_cast %get3A_1001 : vector<1x16xf32> to vector<16xf32>
        %mul3A_1003 = vector.broadcast %squeeze3A_858 : f32 to vector<16xf32>
        %mul3A_1004 = arith.mulf %mul3A_1003, %get3A_1002 : vector<16xf32>
        %add3A_1005 = arith.addf %add3A_700, %mul3A_1004 : vector<16xf32>
        %add3A_1006 = arith.constant 2 : i32
        %add3A_1007 = arith.addi %mul3A_182, %add3A_1006 : i32
        %get3A_1008 = arith.index_cast %add3A_1007 : i32 to index
        %get3A_1009 = arith.constant 176 : index
        %get3A_1010 = tpu.vector_load %arg10[%get3A_1008, %get3A_1009] {strides = array<i32>} : memref<64x512xf32, #tpu.memory_space<vmem>>, vector<1x16xf32>,
        %get3A_1011 = vector.shape_cast %get3A_1010 : vector<1x16xf32> to vector<16xf32>
        %mul3A_1012 = vector.broadcast %squeeze3A_868 : f32 to vector<16xf32>
        %mul3A_1013 = arith.mulf %mul3A_1012, %get3A_1011 : vector<16xf32>
        %add3A_1014 = arith.addf %add3A_1005, %mul3A_1013 : vector<16xf32>
        %add3A_1015 = arith.constant 2 : i32
        %add3A_1016 = arith.addi %mul3A_182, %add3A_1015 : i32
        %get3A_1017 = arith.index_cast %add3A_1016 : i32 to index
        %get3A_1018 = arith.constant 304 : index
        %get3A_1019 = tpu.vector_load %arg10[%get3A_1017, %get3A_1018] {strides = array<i32>} : memref<64x512xf32, #tpu.memory_space<vmem>>, vector<1x16xf32>,
        %get3A_1020 = vector.shape_cast %get3A_1019 : vector<1x16xf32> to vector<16xf32>
        %mul3A_1021 = vector.broadcast %squeeze3A_878 : f32 to vector<16xf32>
        %mul3A_1022 = arith.mulf %mul3A_1021, %get3A_1020 : vector<16xf32>
        %add3A_1023 = arith.addf %add3A_1014, %mul3A_1022 : vector<16xf32>
        %add3A_1024 = arith.constant 2 : i32
        %add3A_1025 = arith.addi %mul3A_182, %add3A_1024 : i32
        %get3A_1026 = arith.index_cast %add3A_1025 : i32 to index
        %get3A_1027 = arith.constant 432 : index
        %get3A_1028 = tpu.vector_load %arg10[%get3A_1026, %get3A_1027] {strides = array<i32>} : memref<64x512xf32, #tpu.memory_space<vmem>>, vector<1x16xf32>,
        %get3A_1029 = vector.shape_cast %get3A_1028 : vector<1x16xf32> to vector<16xf32>
        %mul3A_1030 = vector.broadcast %squeeze3A_888 : f32 to vector<16xf32>
        %mul3A_1031 = arith.mulf %mul3A_1030, %get3A_1029 : vector<16xf32>
        %add3A_1032 = arith.addf %add3A_1023, %mul3A_1031 : vector<16xf32>
        %add3A_1033 = arith.constant 2 : i32
        %add3A_1034 = arith.addi %mul3A_182, %add3A_1033 : i32
        %get3A_1035 = arith.index_cast %add3A_1034 : i32 to index
        %get3A_1036 = arith.constant 64 : index
        %get3A_1037 = tpu.vector_load %arg10[%get3A_1035, %get3A_1036] {strides = array<i32>} : memref<64x512xf32, #tpu.memory_space<vmem>>, vector<1x16xf32>,
        %get3A_1038 = vector.shape_cast %get3A_1037 : vector<1x16xf32> to vector<16xf32>
        %mul3A_1039 = vector.broadcast %squeeze3A_858 : f32 to vector<16xf32>
        %mul3A_1040 = arith.mulf %mul3A_1039, %get3A_1038 : vector<16xf32>
        %add3A_1041 = arith.addf %add3A_736, %mul3A_1040 : vector<16xf32>
        %add3A_1042 = arith.constant 2 : i32
        %add3A_1043 = arith.addi %mul3A_182, %add3A_1042 : i32
        %get3A_1044 = arith.index_cast %add3A_1043 : i32 to index
        %get3A_1045 = arith.constant 192 : index
        %get3A_1046 = tpu.vector_load %arg10[%get3A_1044, %get3A_1045] {strides = array<i32>} : memref<64x512xf32, #tpu.memory_space<vmem>>, vector<1x16xf32>,
        %get3A_1047 = vector.shape_cast %get3A_1046 : vector<1x16xf32> to vector<16xf32>
        %mul3A_1048 = vector.broadcast %squeeze3A_868 : f32 to vector<16xf32>
        %mul3A_1049 = arith.mulf %mul3A_1048, %get3A_1047 : vector<16xf32>
        %add3A_1050 = arith.addf %add3A_1041, %mul3A_1049 : vector<16xf32>
        %add3A_1051 = arith.constant 2 : i32
        %add3A_1052 = arith.addi %mul3A_182, %add3A_1051 : i32
        %get3A_1053 = arith.index_cast %add3A_1052 : i32 to index
        %get3A_1054 = arith.constant 320 : index
        %get3A_1055 = tpu.vector_load %arg10[%get3A_1053, %get3A_1054] {strides = array<i32>} : memref<64x512xf32, #tpu.memory_space<vmem>>, vector<1x16xf32>,
        %get3A_1056 = vector.shape_cast %get3A_1055 : vector<1x16xf32> to vector<16xf32>
        %mul3A_1057 = vector.broadcast %squeeze3A_878 : f32 to vector<16xf32>
        %mul3A_1058 = arith.mulf %mul3A_1057, %get3A_1056 : vector<16xf32>
        %add3A_1059 = arith.addf %add3A_1050, %mul3A_1058 : vector<16xf32>
        %add3A_1060 = arith.constant 2 : i32
        %add3A_1061 = arith.addi %mul3A_182, %add3A_1060 : i32
        %get3A_1062 = arith.index_cast %add3A_1061 : i32 to index
        %get3A_1063 = arith.constant 448 : index
        %get3A_1064 = tpu.vector_load %arg10[%get3A_1062, %get3A_1063] {strides = array<i32>} : memref<64x512xf32, #tpu.memory_space<vmem>>, vector<1x16xf32>,
        %get3A_1065 = vector.shape_cast %get3A_1064 : vector<1x16xf32> to vector<16xf32>
        %mul3A_1066 = vector.broadcast %squeeze3A_888 : f32 to vector<16xf32>
        %mul3A_1067 = arith.mulf %mul3A_1066, %get3A_1065 : vector<16xf32>
        %add3A_1068 = arith.addf %add3A_1059, %mul3A_1067 : vector<16xf32>
        %add3A_1069 = arith.constant 2 : i32
        %add3A_1070 = arith.addi %mul3A_182, %add3A_1069 : i32
        %get3A_1071 = arith.index_cast %add3A_1070 : i32 to index
        %get3A_1072 = arith.constant 80 : index
        %get3A_1073 = tpu.vector_load %arg10[%get3A_1071, %get3A_1072] {strides = array<i32>} : memref<64x512xf32, #tpu.memory_space<vmem>>, vector<1x16xf32>,
        %get3A_1074 = vector.shape_cast %get3A_1073 : vector<1x16xf32> to vector<16xf32>
        %mul3A_1075 = vector.broadcast %squeeze3A_858 : f32 to vector<16xf32>
        %mul3A_1076 = arith.mulf %mul3A_1075, %get3A_1074 : vector<16xf32>
        %add3A_1077 = arith.addf %add3A_772, %mul3A_1076 : vector<16xf32>
        %add3A_1078 = arith.constant 2 : i32
        %add3A_1079 = arith.addi %mul3A_182, %add3A_1078 : i32
        %get3A_1080 = arith.index_cast %add3A_1079 : i32 to index
        %get3A_1081 = arith.constant 208 : index
        %get3A_1082 = tpu.vector_load %arg10[%get3A_1080, %get3A_1081] {strides = array<i32>} : memref<64x512xf32, #tpu.memory_space<vmem>>, vector<1x16xf32>,
        %get3A_1083 = vector.shape_cast %get3A_1082 : vector<1x16xf32> to vector<16xf32>
        %mul3A_1084 = vector.broadcast %squeeze3A_868 : f32 to vector<16xf32>
        %mul3A_1085 = arith.mulf %mul3A_1084, %get3A_1083 : vector<16xf32>
        %add3A_1086 = arith.addf %add3A_1077, %mul3A_1085 : vector<16xf32>
        %add3A_1087 = arith.constant 2 : i32
        %add3A_1088 = arith.addi %mul3A_182, %add3A_1087 : i32
        %get3A_1089 = arith.index_cast %add3A_1088 : i32 to index
        %get3A_1090 = arith.constant 336 : index
        %get3A_1091 = tpu.vector_load %arg10[%get3A_1089, %get3A_1090] {strides = array<i32>} : memref<64x512xf32, #tpu.memory_space<vmem>>, vector<1x16xf32>,
        %get3A_1092 = vector.shape_cast %get3A_1091 : vector<1x16xf32> to vector<16xf32>
        %mul3A_1093 = vector.broadcast %squeeze3A_878 : f32 to vector<16xf32>
        %mul3A_1094 = arith.mulf %mul3A_1093, %get3A_1092 : vector<16xf32>
        %add3A_1095 = arith.addf %add3A_1086, %mul3A_1094 : vector<16xf32>
        %add3A_1096 = arith.constant 2 : i32
        %add3A_1097 = arith.addi %mul3A_182, %add3A_1096 : i32
        %get3A_1098 = arith.index_cast %add3A_1097 : i32 to index
        %get3A_1099 = arith.constant 464 : index
        %get3A_1100 = tpu.vector_load %arg10[%get3A_1098, %get3A_1099] {strides = array<i32>} : memref<64x512xf32, #tpu.memory_space<vmem>>, vector<1x16xf32>,
        %get3A_1101 = vector.shape_cast %get3A_1100 : vector<1x16xf32> to vector<16xf32>
        %mul3A_1102 = vector.broadcast %squeeze3A_888 : f32 to vector<16xf32>
        %mul3A_1103 = arith.mulf %mul3A_1102, %get3A_1101 : vector<16xf32>
        %add3A_1104 = arith.addf %add3A_1095, %mul3A_1103 : vector<16xf32>
        %add3A_1105 = arith.constant 2 : i32
        %add3A_1106 = arith.addi %mul3A_182, %add3A_1105 : i32
        %get3A_1107 = arith.index_cast %add3A_1106 : i32 to index
        %get3A_1108 = arith.constant 96 : index
        %get3A_1109 = tpu.vector_load %arg10[%get3A_1107, %get3A_1108] {strides = array<i32>} : memref<64x512xf32, #tpu.memory_space<vmem>>, vector<1x16xf32>,
        %get3A_1110 = vector.shape_cast %get3A_1109 : vector<1x16xf32> to vector<16xf32>
        %mul3A_1111 = vector.broadcast %squeeze3A_858 : f32 to vector<16xf32>
        %mul3A_1112 = arith.mulf %mul3A_1111, %get3A_1110 : vector<16xf32>
        %add3A_1113 = arith.addf %add3A_808, %mul3A_1112 : vector<16xf32>
        %add3A_1114 = arith.constant 2 : i32
        %add3A_1115 = arith.addi %mul3A_182, %add3A_1114 : i32
        %get3A_1116 = arith.index_cast %add3A_1115 : i32 to index
        %get3A_1117 = arith.constant 224 : index
        %get3A_1118 = tpu.vector_load %arg10[%get3A_1116, %get3A_1117] {strides = array<i32>} : memref<64x512xf32, #tpu.memory_space<vmem>>, vector<1x16xf32>,
        %get3A_1119 = vector.shape_cast %get3A_1118 : vector<1x16xf32> to vector<16xf32>
        %mul3A_1120 = vector.broadcast %squeeze3A_868 : f32 to vector<16xf32>
        %mul3A_1121 = arith.mulf %mul3A_1120, %get3A_1119 : vector<16xf32>
        %add3A_1122 = arith.addf %add3A_1113, %mul3A_1121 : vector<16xf32>
        %add3A_1123 = arith.constant 2 : i32
        %add3A_1124 = arith.addi %mul3A_182, %add3A_1123 : i32
        %get3A_1125 = arith.index_cast %add3A_1124 : i32 to index
        %get3A_1126 = arith.constant 352 : index
        %get3A_1127 = tpu.vector_load %arg10[%get3A_1125, %get3A_1126] {strides = array<i32>} : memref<64x512xf32, #tpu.memory_space<vmem>>, vector<1x16xf32>,
        %get3A_1128 = vector.shape_cast %get3A_1127 : vector<1x16xf32> to vector<16xf32>
        %mul3A_1129 = vector.broadcast %squeeze3A_878 : f32 to vector<16xf32>
        %mul3A_1130 = arith.mulf %mul3A_1129, %get3A_1128 : vector<16xf32>
        %add3A_1131 = arith.addf %add3A_1122, %mul3A_1130 : vector<16xf32>
        %add3A_1132 = arith.constant 2 : i32
        %add3A_1133 = arith.addi %mul3A_182, %add3A_1132 : i32
        %get3A_1134 = arith.index_cast %add3A_1133 : i32 to index
        %get3A_1135 = arith.constant 480 : index
        %get3A_1136 = tpu.vector_load %arg10[%get3A_1134, %get3A_1135] {strides = array<i32>} : memref<64x512xf32, #tpu.memory_space<vmem>>, vector<1x16xf32>,
        %get3A_1137 = vector.shape_cast %get3A_1136 : vector<1x16xf32> to vector<16xf32>
        %mul3A_1138 = vector.broadcast %squeeze3A_888 : f32 to vector<16xf32>
        %mul3A_1139 = arith.mulf %mul3A_1138, %get3A_1137 : vector<16xf32>
        %add3A_1140 = arith.addf %add3A_1131, %mul3A_1139 : vector<16xf32>
        %add3A_1141 = arith.constant 2 : i32
        %add3A_1142 = arith.addi %mul3A_182, %add3A_1141 : i32
        %get3A_1143 = arith.index_cast %add3A_1142 : i32 to index
        %get3A_1144 = arith.constant 112 : index
        %get3A_1145 = tpu.vector_load %arg10[%get3A_1143, %get3A_1144] {strides = array<i32>} : memref<64x512xf32, #tpu.memory_space<vmem>>, vector<1x16xf32>,
        %get3A_1146 = vector.shape_cast %get3A_1145 : vector<1x16xf32> to vector<16xf32>
        %mul3A_1147 = vector.broadcast %squeeze3A_858 : f32 to vector<16xf32>
        %mul3A_1148 = arith.mulf %mul3A_1147, %get3A_1146 : vector<16xf32>
        %add3A_1149 = arith.addf %add3A_844, %mul3A_1148 : vector<16xf32>
        %add3A_1150 = arith.constant 2 : i32
        %add3A_1151 = arith.addi %mul3A_182, %add3A_1150 : i32
        %get3A_1152 = arith.index_cast %add3A_1151 : i32 to index
        %get3A_1153 = arith.constant 240 : index
        %get3A_1154 = tpu.vector_load %arg10[%get3A_1152, %get3A_1153] {strides = array<i32>} : memref<64x512xf32, #tpu.memory_space<vmem>>, vector<1x16xf32>,
        %get3A_1155 = vector.shape_cast %get3A_1154 : vector<1x16xf32> to vector<16xf32>
        %mul3A_1156 = vector.broadcast %squeeze3A_868 : f32 to vector<16xf32>
        %mul3A_1157 = arith.mulf %mul3A_1156, %get3A_1155 : vector<16xf32>
        %add3A_1158 = arith.addf %add3A_1149, %mul3A_1157 : vector<16xf32>
        %add3A_1159 = arith.constant 2 : i32
        %add3A_1160 = arith.addi %mul3A_182, %add3A_1159 : i32
        %get3A_1161 = arith.index_cast %add3A_1160 : i32 to index
        %get3A_1162 = arith.constant 368 : index
        %get3A_1163 = tpu.vector_load %arg10[%get3A_1161, %get3A_1162] {strides = array<i32>} : memref<64x512xf32, #tpu.memory_space<vmem>>, vector<1x16xf32>,
        %get3A_1164 = vector.shape_cast %get3A_1163 : vector<1x16xf32> to vector<16xf32>
        %mul3A_1165 = vector.broadcast %squeeze3A_878 : f32 to vector<16xf32>
        %mul3A_1166 = arith.mulf %mul3A_1165, %get3A_1164 : vector<16xf32>
        %add3A_1167 = arith.addf %add3A_1158, %mul3A_1166 : vector<16xf32>
        %add3A_1168 = arith.constant 2 : i32
        %add3A_1169 = arith.addi %mul3A_182, %add3A_1168 : i32
        %get3A_1170 = arith.index_cast %add3A_1169 : i32 to index
        %get3A_1171 = arith.constant 496 : index
        %get3A_1172 = tpu.vector_load %arg10[%get3A_1170, %get3A_1171] {strides = array<i32>} : memref<64x512xf32, #tpu.memory_space<vmem>>, vector<1x16xf32>,
        %get3A_1173 = vector.shape_cast %get3A_1172 : vector<1x16xf32> to vector<16xf32>
        %mul3A_1174 = vector.broadcast %squeeze3A_888 : f32 to vector<16xf32>
        %mul3A_1175 = arith.mulf %mul3A_1174, %get3A_1173 : vector<16xf32>
        %add3A_1176 = arith.addf %add3A_1167, %mul3A_1175 : vector<16xf32>
        %add3A_1177 = arith.constant 0 : i32
        %add3A_1178 = arith.addi %add3A_1177, %mul3A_182 : i32
        %add3A_1179 = arith.constant 3 : i32
        %add3A_1180 = arith.addi %add3A_1178, %add3A_1179 : i32
        %mul3A_1181 = arith.constant 128 : i32
        %mul3A_1182 = arith.muli %scan3A_75, %mul3A_1181 : i32
        %add3A_1183 = arith.constant 0 : i32
        %add3A_1184 = arith.addi %add3A_1183, %mul3A_1182 : i32
        %add3A_1185 = arith.addi %add3A_1184, %add3A_1180 : i32
        %get3A_1186 = arith.index_cast %add3A_1185 : i32 to index
        %get3A_1187 = tpu.vector_load %arg7[%get3A_1186] {strides = array<i32>} : memref<16400xf32, #tpu.memory_space<vmem>>, vector<16xf32>,
        %get3A_1188 = vector.shape_cast %get3A_1187 : vector<16xf32> to vector<16xf32>
        %slice3A_1189 = vector.extract_strided_slice %get3A_1188 {offsets = [0], sizes = [1], strides = [1]} : vector<16xf32> to vector<1xf32>
        %squeeze3A_1190 = vector.extract %slice3A_1189[0] : f32 from vector<1xf32>
        %mul3A_1191 = arith.constant 128 : i32
        %mul3A_1192 = arith.muli %scan3A_75, %mul3A_1191 : i32
        %add3A_1193 = arith.constant 4096 : i32
        %add3A_1194 = arith.addi %add3A_1193, %mul3A_1192 : i32
        %add3A_1195 = arith.addi %add3A_1194, %add3A_1180 : i32
        %get3A_1196 = arith.index_cast %add3A_1195 : i32 to index
        %get3A_1197 = tpu.vector_load %arg7[%get3A_1196] {strides = array<i32>} : memref<16400xf32, #tpu.memory_space<vmem>>, vector<16xf32>,
        %get3A_1198 = vector.shape_cast %get3A_1197 : vector<16xf32> to vector<16xf32>
        %slice3A_1199 = vector.extract_strided_slice %get3A_1198 {offsets = [0], sizes = [1], strides = [1]} : vector<16xf32> to vector<1xf32>
        %squeeze3A_1200 = vector.extract %slice3A_1199[0] : f32 from vector<1xf32>
        %mul3A_1201 = arith.constant 128 : i32
        %mul3A_1202 = arith.muli %scan3A_75, %mul3A_1201 : i32
        %add3A_1203 = arith.constant 8192 : i32
        %add3A_1204 = arith.addi %add3A_1203, %mul3A_1202 : i32
        %add3A_1205 = arith.addi %add3A_1204, %add3A_1180 : i32
        %get3A_1206 = arith.index_cast %add3A_1205 : i32 to index
        %get3A_1207 = tpu.vector_load %arg7[%get3A_1206] {strides = array<i32>} : memref<16400xf32, #tpu.memory_space<vmem>>, vector<16xf32>,
        %get3A_1208 = vector.shape_cast %get3A_1207 : vector<16xf32> to vector<16xf32>
        %slice3A_1209 = vector.extract_strided_slice %get3A_1208 {offsets = [0], sizes = [1], strides = [1]} : vector<16xf32> to vector<1xf32>
        %squeeze3A_1210 = vector.extract %slice3A_1209[0] : f32 from vector<1xf32>
        %mul3A_1211 = arith.constant 128 : i32
        %mul3A_1212 = arith.muli %scan3A_75, %mul3A_1211 : i32
        %add3A_1213 = arith.constant 12288 : i32
        %add3A_1214 = arith.addi %add3A_1213, %mul3A_1212 : i32
        %add3A_1215 = arith.addi %add3A_1214, %add3A_1180 : i32
        %get3A_1216 = arith.index_cast %add3A_1215 : i32 to index
        %get3A_1217 = tpu.vector_load %arg7[%get3A_1216] {strides = array<i32>} : memref<16400xf32, #tpu.memory_space<vmem>>, vector<16xf32>,
        %get3A_1218 = vector.shape_cast %get3A_1217 : vector<16xf32> to vector<16xf32>
        %slice3A_1219 = vector.extract_strided_slice %get3A_1218 {offsets = [0], sizes = [1], strides = [1]} : vector<16xf32> to vector<1xf32>
        %squeeze3A_1220 = vector.extract %slice3A_1219[0] : f32 from vector<1xf32>
        %add3A_1221 = arith.constant 3 : i32
        %add3A_1222 = arith.addi %mul3A_182, %add3A_1221 : i32
        %get3A_1223 = arith.index_cast %add3A_1222 : i32 to index
        %get3A_1224 = arith.constant 0 : index
        %get3A_1225 = tpu.vector_load %arg10[%get3A_1223, %get3A_1224] {strides = array<i32>} : memref<64x512xf32, #tpu.memory_space<vmem>>, vector<1x16xf32>,
        %get3A_1226 = vector.shape_cast %get3A_1225 : vector<1x16xf32> to vector<16xf32>
        %mul3A_1227 = vector.broadcast %squeeze3A_1190 : f32 to vector<16xf32>
        %mul3A_1228 = arith.mulf %mul3A_1227, %get3A_1226 : vector<16xf32>
        %add3A_1229 = arith.addf %add3A_924, %mul3A_1228 : vector<16xf32>
        %add3A_1230 = arith.constant 3 : i32
        %add3A_1231 = arith.addi %mul3A_182, %add3A_1230 : i32
        %get3A_1232 = arith.index_cast %add3A_1231 : i32 to index
        %get3A_1233 = arith.constant 128 : index
        %get3A_1234 = tpu.vector_load %arg10[%get3A_1232, %get3A_1233] {strides = array<i32>} : memref<64x512xf32, #tpu.memory_space<vmem>>, vector<1x16xf32>,
        %get3A_1235 = vector.shape_cast %get3A_1234 : vector<1x16xf32> to vector<16xf32>
        %mul3A_1236 = vector.broadcast %squeeze3A_1200 : f32 to vector<16xf32>
        %mul3A_1237 = arith.mulf %mul3A_1236, %get3A_1235 : vector<16xf32>
        %add3A_1238 = arith.addf %add3A_1229, %mul3A_1237 : vector<16xf32>
        %add3A_1239 = arith.constant 3 : i32
        %add3A_1240 = arith.addi %mul3A_182, %add3A_1239 : i32
        %get3A_1241 = arith.index_cast %add3A_1240 : i32 to index
        %get3A_1242 = arith.constant 256 : index
        %get3A_1243 = tpu.vector_load %arg10[%get3A_1241, %get3A_1242] {strides = array<i32>} : memref<64x512xf32, #tpu.memory_space<vmem>>, vector<1x16xf32>,
        %get3A_1244 = vector.shape_cast %get3A_1243 : vector<1x16xf32> to vector<16xf32>
        %mul3A_1245 = vector.broadcast %squeeze3A_1210 : f32 to vector<16xf32>
        %mul3A_1246 = arith.mulf %mul3A_1245, %get3A_1244 : vector<16xf32>
        %add3A_1247 = arith.addf %add3A_1238, %mul3A_1246 : vector<16xf32>
        %add3A_1248 = arith.constant 3 : i32
        %add3A_1249 = arith.addi %mul3A_182, %add3A_1248 : i32
        %get3A_1250 = arith.index_cast %add3A_1249 : i32 to index
        %get3A_1251 = arith.constant 384 : index
        %get3A_1252 = tpu.vector_load %arg10[%get3A_1250, %get3A_1251] {strides = array<i32>} : memref<64x512xf32, #tpu.memory_space<vmem>>, vector<1x16xf32>,
        %get3A_1253 = vector.shape_cast %get3A_1252 : vector<1x16xf32> to vector<16xf32>
        %mul3A_1254 = vector.broadcast %squeeze3A_1220 : f32 to vector<16xf32>
        %mul3A_1255 = arith.mulf %mul3A_1254, %get3A_1253 : vector<16xf32>
        %add3A_1256 = arith.addf %add3A_1247, %mul3A_1255 : vector<16xf32>
        %add3A_1257 = arith.constant 3 : i32
        %add3A_1258 = arith.addi %mul3A_182, %add3A_1257 : i32
        %get3A_1259 = arith.index_cast %add3A_1258 : i32 to index
        %get3A_1260 = arith.constant 16 : index
        %get3A_1261 = tpu.vector_load %arg10[%get3A_1259, %get3A_1260] {strides = array<i32>} : memref<64x512xf32, #tpu.memory_space<vmem>>, vector<1x16xf32>,
        %get3A_1262 = vector.shape_cast %get3A_1261 : vector<1x16xf32> to vector<16xf32>
        %mul3A_1263 = vector.broadcast %squeeze3A_1190 : f32 to vector<16xf32>
        %mul3A_1264 = arith.mulf %mul3A_1263, %get3A_1262 : vector<16xf32>
        %add3A_1265 = arith.addf %add3A_960, %mul3A_1264 : vector<16xf32>
        %add3A_1266 = arith.constant 3 : i32
        %add3A_1267 = arith.addi %mul3A_182, %add3A_1266 : i32
        %get3A_1268 = arith.index_cast %add3A_1267 : i32 to index
        %get3A_1269 = arith.constant 144 : index
        %get3A_1270 = tpu.vector_load %arg10[%get3A_1268, %get3A_1269] {strides = array<i32>} : memref<64x512xf32, #tpu.memory_space<vmem>>, vector<1x16xf32>,
        %get3A_1271 = vector.shape_cast %get3A_1270 : vector<1x16xf32> to vector<16xf32>
        %mul3A_1272 = vector.broadcast %squeeze3A_1200 : f32 to vector<16xf32>
        %mul3A_1273 = arith.mulf %mul3A_1272, %get3A_1271 : vector<16xf32>
        %add3A_1274 = arith.addf %add3A_1265, %mul3A_1273 : vector<16xf32>
        %add3A_1275 = arith.constant 3 : i32
        %add3A_1276 = arith.addi %mul3A_182, %add3A_1275 : i32
        %get3A_1277 = arith.index_cast %add3A_1276 : i32 to index
        %get3A_1278 = arith.constant 272 : index
        %get3A_1279 = tpu.vector_load %arg10[%get3A_1277, %get3A_1278] {strides = array<i32>} : memref<64x512xf32, #tpu.memory_space<vmem>>, vector<1x16xf32>,
        %get3A_1280 = vector.shape_cast %get3A_1279 : vector<1x16xf32> to vector<16xf32>
        %mul3A_1281 = vector.broadcast %squeeze3A_1210 : f32 to vector<16xf32>
        %mul3A_1282 = arith.mulf %mul3A_1281, %get3A_1280 : vector<16xf32>
        %add3A_1283 = arith.addf %add3A_1274, %mul3A_1282 : vector<16xf32>
        %add3A_1284 = arith.constant 3 : i32
        %add3A_1285 = arith.addi %mul3A_182, %add3A_1284 : i32
        %get3A_1286 = arith.index_cast %add3A_1285 : i32 to index
        %get3A_1287 = arith.constant 400 : index
        %get3A_1288 = tpu.vector_load %arg10[%get3A_1286, %get3A_1287] {strides = array<i32>} : memref<64x512xf32, #tpu.memory_space<vmem>>, vector<1x16xf32>,
        %get3A_1289 = vector.shape_cast %get3A_1288 : vector<1x16xf32> to vector<16xf32>
        %mul3A_1290 = vector.broadcast %squeeze3A_1220 : f32 to vector<16xf32>
        %mul3A_1291 = arith.mulf %mul3A_1290, %get3A_1289 : vector<16xf32>
        %add3A_1292 = arith.addf %add3A_1283, %mul3A_1291 : vector<16xf32>
        %add3A_1293 = arith.constant 3 : i32
        %add3A_1294 = arith.addi %mul3A_182, %add3A_1293 : i32
        %get3A_1295 = arith.index_cast %add3A_1294 : i32 to index
        %get3A_1296 = arith.constant 32 : index
        %get3A_1297 = tpu.vector_load %arg10[%get3A_1295, %get3A_1296] {strides = array<i32>} : memref<64x512xf32, #tpu.memory_space<vmem>>, vector<1x16xf32>,
        %get3A_1298 = vector.shape_cast %get3A_1297 : vector<1x16xf32> to vector<16xf32>
        %mul3A_1299 = vector.broadcast %squeeze3A_1190 : f32 to vector<16xf32>
        %mul3A_1300 = arith.mulf %mul3A_1299, %get3A_1298 : vector<16xf32>
        %add3A_1301 = arith.addf %add3A_996, %mul3A_1300 : vector<16xf32>
        %add3A_1302 = arith.constant 3 : i32
        %add3A_1303 = arith.addi %mul3A_182, %add3A_1302 : i32
        %get3A_1304 = arith.index_cast %add3A_1303 : i32 to index
        %get3A_1305 = arith.constant 160 : index
        %get3A_1306 = tpu.vector_load %arg10[%get3A_1304, %get3A_1305] {strides = array<i32>} : memref<64x512xf32, #tpu.memory_space<vmem>>, vector<1x16xf32>,
        %get3A_1307 = vector.shape_cast %get3A_1306 : vector<1x16xf32> to vector<16xf32>
        %mul3A_1308 = vector.broadcast %squeeze3A_1200 : f32 to vector<16xf32>
        %mul3A_1309 = arith.mulf %mul3A_1308, %get3A_1307 : vector<16xf32>
        %add3A_1310 = arith.addf %add3A_1301, %mul3A_1309 : vector<16xf32>
        %add3A_1311 = arith.constant 3 : i32
        %add3A_1312 = arith.addi %mul3A_182, %add3A_1311 : i32
        %get3A_1313 = arith.index_cast %add3A_1312 : i32 to index
        %get3A_1314 = arith.constant 288 : index
        %get3A_1315 = tpu.vector_load %arg10[%get3A_1313, %get3A_1314] {strides = array<i32>} : memref<64x512xf32, #tpu.memory_space<vmem>>, vector<1x16xf32>,
        %get3A_1316 = vector.shape_cast %get3A_1315 : vector<1x16xf32> to vector<16xf32>
        %mul3A_1317 = vector.broadcast %squeeze3A_1210 : f32 to vector<16xf32>
        %mul3A_1318 = arith.mulf %mul3A_1317, %get3A_1316 : vector<16xf32>
        %add3A_1319 = arith.addf %add3A_1310, %mul3A_1318 : vector<16xf32>
        %add3A_1320 = arith.constant 3 : i32
        %add3A_1321 = arith.addi %mul3A_182, %add3A_1320 : i32
        %get3A_1322 = arith.index_cast %add3A_1321 : i32 to index
        %get3A_1323 = arith.constant 416 : index
        %get3A_1324 = tpu.vector_load %arg10[%get3A_1322, %get3A_1323] {strides = array<i32>} : memref<64x512xf32, #tpu.memory_space<vmem>>, vector<1x16xf32>,
        %get3A_1325 = vector.shape_cast %get3A_1324 : vector<1x16xf32> to vector<16xf32>
        %mul3A_1326 = vector.broadcast %squeeze3A_1220 : f32 to vector<16xf32>
        %mul3A_1327 = arith.mulf %mul3A_1326, %get3A_1325 : vector<16xf32>
        %add3A_1328 = arith.addf %add3A_1319, %mul3A_1327 : vector<16xf32>
        %add3A_1329 = arith.constant 3 : i32
        %add3A_1330 = arith.addi %mul3A_182, %add3A_1329 : i32
        %get3A_1331 = arith.index_cast %add3A_1330 : i32 to index
        %get3A_1332 = arith.constant 48 : index
        %get3A_1333 = tpu.vector_load %arg10[%get3A_1331, %get3A_1332] {strides = array<i32>} : memref<64x512xf32, #tpu.memory_space<vmem>>, vector<1x16xf32>,
        %get3A_1334 = vector.shape_cast %get3A_1333 : vector<1x16xf32> to vector<16xf32>
        %mul3A_1335 = vector.broadcast %squeeze3A_1190 : f32 to vector<16xf32>
        %mul3A_1336 = arith.mulf %mul3A_1335, %get3A_1334 : vector<16xf32>
        %add3A_1337 = arith.addf %add3A_1032, %mul3A_1336 : vector<16xf32>
        %add3A_1338 = arith.constant 3 : i32
        %add3A_1339 = arith.addi %mul3A_182, %add3A_1338 : i32
        %get3A_1340 = arith.index_cast %add3A_1339 : i32 to index
        %get3A_1341 = arith.constant 176 : index
        %get3A_1342 = tpu.vector_load %arg10[%get3A_1340, %get3A_1341] {strides = array<i32>} : memref<64x512xf32, #tpu.memory_space<vmem>>, vector<1x16xf32>,
        %get3A_1343 = vector.shape_cast %get3A_1342 : vector<1x16xf32> to vector<16xf32>
        %mul3A_1344 = vector.broadcast %squeeze3A_1200 : f32 to vector<16xf32>
        %mul3A_1345 = arith.mulf %mul3A_1344, %get3A_1343 : vector<16xf32>
        %add3A_1346 = arith.addf %add3A_1337, %mul3A_1345 : vector<16xf32>
        %add3A_1347 = arith.constant 3 : i32
        %add3A_1348 = arith.addi %mul3A_182, %add3A_1347 : i32
        %get3A_1349 = arith.index_cast %add3A_1348 : i32 to index
        %get3A_1350 = arith.constant 304 : index
        %get3A_1351 = tpu.vector_load %arg10[%get3A_1349, %get3A_1350] {strides = array<i32>} : memref<64x512xf32, #tpu.memory_space<vmem>>, vector<1x16xf32>,
        %get3A_1352 = vector.shape_cast %get3A_1351 : vector<1x16xf32> to vector<16xf32>
        %mul3A_1353 = vector.broadcast %squeeze3A_1210 : f32 to vector<16xf32>
        %mul3A_1354 = arith.mulf %mul3A_1353, %get3A_1352 : vector<16xf32>
        %add3A_1355 = arith.addf %add3A_1346, %mul3A_1354 : vector<16xf32>
        %add3A_1356 = arith.constant 3 : i32
        %add3A_1357 = arith.addi %mul3A_182, %add3A_1356 : i32
        %get3A_1358 = arith.index_cast %add3A_1357 : i32 to index
        %get3A_1359 = arith.constant 432 : index
        %get3A_1360 = tpu.vector_load %arg10[%get3A_1358, %get3A_1359] {strides = array<i32>} : memref<64x512xf32, #tpu.memory_space<vmem>>, vector<1x16xf32>,
        %get3A_1361 = vector.shape_cast %get3A_1360 : vector<1x16xf32> to vector<16xf32>
        %mul3A_1362 = vector.broadcast %squeeze3A_1220 : f32 to vector<16xf32>
        %mul3A_1363 = arith.mulf %mul3A_1362, %get3A_1361 : vector<16xf32>
        %add3A_1364 = arith.addf %add3A_1355, %mul3A_1363 : vector<16xf32>
        %add3A_1365 = arith.constant 3 : i32
        %add3A_1366 = arith.addi %mul3A_182, %add3A_1365 : i32
        %get3A_1367 = arith.index_cast %add3A_1366 : i32 to index
        %get3A_1368 = arith.constant 64 : index
        %get3A_1369 = tpu.vector_load %arg10[%get3A_1367, %get3A_1368] {strides = array<i32>} : memref<64x512xf32, #tpu.memory_space<vmem>>, vector<1x16xf32>,
        %get3A_1370 = vector.shape_cast %get3A_1369 : vector<1x16xf32> to vector<16xf32>
        %mul3A_1371 = vector.broadcast %squeeze3A_1190 : f32 to vector<16xf32>
        %mul3A_1372 = arith.mulf %mul3A_1371, %get3A_1370 : vector<16xf32>
        %add3A_1373 = arith.addf %add3A_1068, %mul3A_1372 : vector<16xf32>
        %add3A_1374 = arith.constant 3 : i32
        %add3A_1375 = arith.addi %mul3A_182, %add3A_1374 : i32
        %get3A_1376 = arith.index_cast %add3A_1375 : i32 to index
        %get3A_1377 = arith.constant 192 : index
        %get3A_1378 = tpu.vector_load %arg10[%get3A_1376, %get3A_1377] {strides = array<i32>} : memref<64x512xf32, #tpu.memory_space<vmem>>, vector<1x16xf32>,
        %get3A_1379 = vector.shape_cast %get3A_1378 : vector<1x16xf32> to vector<16xf32>
        %mul3A_1380 = vector.broadcast %squeeze3A_1200 : f32 to vector<16xf32>
        %mul3A_1381 = arith.mulf %mul3A_1380, %get3A_1379 : vector<16xf32>
        %add3A_1382 = arith.addf %add3A_1373, %mul3A_1381 : vector<16xf32>
        %add3A_1383 = arith.constant 3 : i32
        %add3A_1384 = arith.addi %mul3A_182, %add3A_1383 : i32
        %get3A_1385 = arith.index_cast %add3A_1384 : i32 to index
        %get3A_1386 = arith.constant 320 : index
        %get3A_1387 = tpu.vector_load %arg10[%get3A_1385, %get3A_1386] {strides = array<i32>} : memref<64x512xf32, #tpu.memory_space<vmem>>, vector<1x16xf32>,
        %get3A_1388 = vector.shape_cast %get3A_1387 : vector<1x16xf32> to vector<16xf32>
        %mul3A_1389 = vector.broadcast %squeeze3A_1210 : f32 to vector<16xf32>
        %mul3A_1390 = arith.mulf %mul3A_1389, %get3A_1388 : vector<16xf32>
        %add3A_1391 = arith.addf %add3A_1382, %mul3A_1390 : vector<16xf32>
        %add3A_1392 = arith.constant 3 : i32
        %add3A_1393 = arith.addi %mul3A_182, %add3A_1392 : i32
        %get3A_1394 = arith.index_cast %add3A_1393 : i32 to index
        %get3A_1395 = arith.constant 448 : index
        %get3A_1396 = tpu.vector_load %arg10[%get3A_1394, %get3A_1395] {strides = array<i32>} : memref<64x512xf32, #tpu.memory_space<vmem>>, vector<1x16xf32>,
        %get3A_1397 = vector.shape_cast %get3A_1396 : vector<1x16xf32> to vector<16xf32>
        %mul3A_1398 = vector.broadcast %squeeze3A_1220 : f32 to vector<16xf32>
        %mul3A_1399 = arith.mulf %mul3A_1398, %get3A_1397 : vector<16xf32>
        %add3A_1400 = arith.addf %add3A_1391, %mul3A_1399 : vector<16xf32>
        %add3A_1401 = arith.constant 3 : i32
        %add3A_1402 = arith.addi %mul3A_182, %add3A_1401 : i32
        %get3A_1403 = arith.index_cast %add3A_1402 : i32 to index
        %get3A_1404 = arith.constant 80 : index
        %get3A_1405 = tpu.vector_load %arg10[%get3A_1403, %get3A_1404] {strides = array<i32>} : memref<64x512xf32, #tpu.memory_space<vmem>>, vector<1x16xf32>,
        %get3A_1406 = vector.shape_cast %get3A_1405 : vector<1x16xf32> to vector<16xf32>
        %mul3A_1407 = vector.broadcast %squeeze3A_1190 : f32 to vector<16xf32>
        %mul3A_1408 = arith.mulf %mul3A_1407, %get3A_1406 : vector<16xf32>
        %add3A_1409 = arith.addf %add3A_1104, %mul3A_1408 : vector<16xf32>
        %add3A_1410 = arith.constant 3 : i32
        %add3A_1411 = arith.addi %mul3A_182, %add3A_1410 : i32
        %get3A_1412 = arith.index_cast %add3A_1411 : i32 to index
        %get3A_1413 = arith.constant 208 : index
        %get3A_1414 = tpu.vector_load %arg10[%get3A_1412, %get3A_1413] {strides = array<i32>} : memref<64x512xf32, #tpu.memory_space<vmem>>, vector<1x16xf32>,
        %get3A_1415 = vector.shape_cast %get3A_1414 : vector<1x16xf32> to vector<16xf32>
        %mul3A_1416 = vector.broadcast %squeeze3A_1200 : f32 to vector<16xf32>
        %mul3A_1417 = arith.mulf %mul3A_1416, %get3A_1415 : vector<16xf32>
        %add3A_1418 = arith.addf %add3A_1409, %mul3A_1417 : vector<16xf32>
        %add3A_1419 = arith.constant 3 : i32
        %add3A_1420 = arith.addi %mul3A_182, %add3A_1419 : i32
        %get3A_1421 = arith.index_cast %add3A_1420 : i32 to index
        %get3A_1422 = arith.constant 336 : index
        %get3A_1423 = tpu.vector_load %arg10[%get3A_1421, %get3A_1422] {strides = array<i32>} : memref<64x512xf32, #tpu.memory_space<vmem>>, vector<1x16xf32>,
        %get3A_1424 = vector.shape_cast %get3A_1423 : vector<1x16xf32> to vector<16xf32>
        %mul3A_1425 = vector.broadcast %squeeze3A_1210 : f32 to vector<16xf32>
        %mul3A_1426 = arith.mulf %mul3A_1425, %get3A_1424 : vector<16xf32>
        %add3A_1427 = arith.addf %add3A_1418, %mul3A_1426 : vector<16xf32>
        %add3A_1428 = arith.constant 3 : i32
        %add3A_1429 = arith.addi %mul3A_182, %add3A_1428 : i32
        %get3A_1430 = arith.index_cast %add3A_1429 : i32 to index
        %get3A_1431 = arith.constant 464 : index
        %get3A_1432 = tpu.vector_load %arg10[%get3A_1430, %get3A_1431] {strides = array<i32>} : memref<64x512xf32, #tpu.memory_space<vmem>>, vector<1x16xf32>,
        %get3A_1433 = vector.shape_cast %get3A_1432 : vector<1x16xf32> to vector<16xf32>
        %mul3A_1434 = vector.broadcast %squeeze3A_1220 : f32 to vector<16xf32>
        %mul3A_1435 = arith.mulf %mul3A_1434, %get3A_1433 : vector<16xf32>
        %add3A_1436 = arith.addf %add3A_1427, %mul3A_1435 : vector<16xf32>
        %add3A_1437 = arith.constant 3 : i32
        %add3A_1438 = arith.addi %mul3A_182, %add3A_1437 : i32
        %get3A_1439 = arith.index_cast %add3A_1438 : i32 to index
        %get3A_1440 = arith.constant 96 : index
        %get3A_1441 = tpu.vector_load %arg10[%get3A_1439, %get3A_1440] {strides = array<i32>} : memref<64x512xf32, #tpu.memory_space<vmem>>, vector<1x16xf32>,
        %get3A_1442 = vector.shape_cast %get3A_1441 : vector<1x16xf32> to vector<16xf32>
        %mul3A_1443 = vector.broadcast %squeeze3A_1190 : f32 to vector<16xf32>
        %mul3A_1444 = arith.mulf %mul3A_1443, %get3A_1442 : vector<16xf32>
        %add3A_1445 = arith.addf %add3A_1140, %mul3A_1444 : vector<16xf32>
        %add3A_1446 = arith.constant 3 : i32
        %add3A_1447 = arith.addi %mul3A_182, %add3A_1446 : i32
        %get3A_1448 = arith.index_cast %add3A_1447 : i32 to index
        %get3A_1449 = arith.constant 224 : index
        %get3A_1450 = tpu.vector_load %arg10[%get3A_1448, %get3A_1449] {strides = array<i32>} : memref<64x512xf32, #tpu.memory_space<vmem>>, vector<1x16xf32>,
        %get3A_1451 = vector.shape_cast %get3A_1450 : vector<1x16xf32> to vector<16xf32>
        %mul3A_1452 = vector.broadcast %squeeze3A_1200 : f32 to vector<16xf32>
        %mul3A_1453 = arith.mulf %mul3A_1452, %get3A_1451 : vector<16xf32>
        %add3A_1454 = arith.addf %add3A_1445, %mul3A_1453 : vector<16xf32>
        %add3A_1455 = arith.constant 3 : i32
        %add3A_1456 = arith.addi %mul3A_182, %add3A_1455 : i32
        %get3A_1457 = arith.index_cast %add3A_1456 : i32 to index
        %get3A_1458 = arith.constant 352 : index
        %get3A_1459 = tpu.vector_load %arg10[%get3A_1457, %get3A_1458] {strides = array<i32>} : memref<64x512xf32, #tpu.memory_space<vmem>>, vector<1x16xf32>,
        %get3A_1460 = vector.shape_cast %get3A_1459 : vector<1x16xf32> to vector<16xf32>
        %mul3A_1461 = vector.broadcast %squeeze3A_1210 : f32 to vector<16xf32>
        %mul3A_1462 = arith.mulf %mul3A_1461, %get3A_1460 : vector<16xf32>
        %add3A_1463 = arith.addf %add3A_1454, %mul3A_1462 : vector<16xf32>
        %add3A_1464 = arith.constant 3 : i32
        %add3A_1465 = arith.addi %mul3A_182, %add3A_1464 : i32
        %get3A_1466 = arith.index_cast %add3A_1465 : i32 to index
        %get3A_1467 = arith.constant 480 : index
        %get3A_1468 = tpu.vector_load %arg10[%get3A_1466, %get3A_1467] {strides = array<i32>} : memref<64x512xf32, #tpu.memory_space<vmem>>, vector<1x16xf32>,
        %get3A_1469 = vector.shape_cast %get3A_1468 : vector<1x16xf32> to vector<16xf32>
        %mul3A_1470 = vector.broadcast %squeeze3A_1220 : f32 to vector<16xf32>
        %mul3A_1471 = arith.mulf %mul3A_1470, %get3A_1469 : vector<16xf32>
        %add3A_1472 = arith.addf %add3A_1463, %mul3A_1471 : vector<16xf32>
        %add3A_1473 = arith.constant 3 : i32
        %add3A_1474 = arith.addi %mul3A_182, %add3A_1473 : i32
        %get3A_1475 = arith.index_cast %add3A_1474 : i32 to index
        %get3A_1476 = arith.constant 112 : index
        %get3A_1477 = tpu.vector_load %arg10[%get3A_1475, %get3A_1476] {strides = array<i32>} : memref<64x512xf32, #tpu.memory_space<vmem>>, vector<1x16xf32>,
        %get3A_1478 = vector.shape_cast %get3A_1477 : vector<1x16xf32> to vector<16xf32>
        %mul3A_1479 = vector.broadcast %squeeze3A_1190 : f32 to vector<16xf32>
        %mul3A_1480 = arith.mulf %mul3A_1479, %get3A_1478 : vector<16xf32>
        %add3A_1481 = arith.addf %add3A_1176, %mul3A_1480 : vector<16xf32>
        %add3A_1482 = arith.constant 3 : i32
        %add3A_1483 = arith.addi %mul3A_182, %add3A_1482 : i32
        %get3A_1484 = arith.index_cast %add3A_1483 : i32 to index
        %get3A_1485 = arith.constant 240 : index
        %get3A_1486 = tpu.vector_load %arg10[%get3A_1484, %get3A_1485] {strides = array<i32>} : memref<64x512xf32, #tpu.memory_space<vmem>>, vector<1x16xf32>,
        %get3A_1487 = vector.shape_cast %get3A_1486 : vector<1x16xf32> to vector<16xf32>
        %mul3A_1488 = vector.broadcast %squeeze3A_1200 : f32 to vector<16xf32>
        %mul3A_1489 = arith.mulf %mul3A_1488, %get3A_1487 : vector<16xf32>
        %add3A_1490 = arith.addf %add3A_1481, %mul3A_1489 : vector<16xf32>
        %add3A_1491 = arith.constant 3 : i32
        %add3A_1492 = arith.addi %mul3A_182, %add3A_1491 : i32
        %get3A_1493 = arith.index_cast %add3A_1492 : i32 to index
        %get3A_1494 = arith.constant 368 : index
        %get3A_1495 = tpu.vector_load %arg10[%get3A_1493, %get3A_1494] {strides = array<i32>} : memref<64x512xf32, #tpu.memory_space<vmem>>, vector<1x16xf32>,
        %get3A_1496 = vector.shape_cast %get3A_1495 : vector<1x16xf32> to vector<16xf32>
        %mul3A_1497 = vector.broadcast %squeeze3A_1210 : f32 to vector<16xf32>
        %mul3A_1498 = arith.mulf %mul3A_1497, %get3A_1496 : vector<16xf32>
        %add3A_1499 = arith.addf %add3A_1490, %mul3A_1498 : vector<16xf32>
        %add3A_1500 = arith.constant 3 : i32
        %add3A_1501 = arith.addi %mul3A_182, %add3A_1500 : i32
        %get3A_1502 = arith.index_cast %add3A_1501 : i32 to index
        %get3A_1503 = arith.constant 496 : index
        %get3A_1504 = tpu.vector_load %arg10[%get3A_1502, %get3A_1503] {strides = array<i32>} : memref<64x512xf32, #tpu.memory_space<vmem>>, vector<1x16xf32>,
        %get3A_1505 = vector.shape_cast %get3A_1504 : vector<1x16xf32> to vector<16xf32>
        %mul3A_1506 = vector.broadcast %squeeze3A_1220 : f32 to vector<16xf32>
        %mul3A_1507 = arith.mulf %mul3A_1506, %get3A_1505 : vector<16xf32>
        %add3A_1508 = arith.addf %add3A_1499, %mul3A_1507 : vector<16xf32>
        scf.yield %add3A_1256, %add3A_1292, %add3A_1328, %add3A_1364, %add3A_1400, %add3A_1436, %add3A_1472, %add3A_1508 : vector<16xf32>, vector<16xf32>, vector<16xf32>, vector<16xf32>, vector<16xf32>, vector<16xf32>, vector<16xf32>, vector<16xf32>
      }
      %scan3A_118 = arith.constant 16 : i32
      %add3A_119 = arith.constant 1 : i32
      %add3A_120 = arith.addi %scan3A_75, %add3A_119 : i32
      %lt3A = arith.constant 32 : i32
      %lt3A_121 = arith.cmpi slt, %add3A_120, %lt3A : i32
      %convert_element_type3A = arith.extui %lt3A_121 : i1 to i32
      %cond3A = arith.constant 0 : i32
      %cond3A_122 = arith.cmpi ne, %convert_element_type3A, %cond3A : i32
      scf.if %cond3A_122 {
        %add3A_172 = arith.constant 1 : i32
        %add3A_173 = arith.addi %scan3A_75, %add3A_172 : i32
        %get3A_174 = arith.index_cast %add3A_173 : i32 to index
        %get3A_175 = arith.constant 0 : index
        %get3A_176 = tpu.vector_load %arg6[%get3A_174, %get3A_175] {strides = array<i32>} : memref<32x128xi32, #tpu.memory_space<vmem>>, vector<1x16xi32>,
        %get3A_177 = vector.shape_cast %get3A_176 : vector<1x16xi32> to vector<16xi32>
        %swap3A_178 = arith.constant 0 : index
        %swap3A_179 = tpu.vector_load %arg8[%swap3A_178] {strides = array<i32>} : memref<64xi32, #tpu.memory_space<vmem>>, vector<16xi32>,
        %swap3A_180 = vector.shape_cast %swap3A_179 : vector<16xi32> to vector<16xi32>
        %swap3A_181 = vector.shape_cast %get3A_177 : vector<16xi32> to vector<16xi32>
        tpu.vector_store %arg8[%swap3A_178], %swap3A_181 {strides = array<i32>} : memref<64xi32, #tpu.memory_space<vmem>>, vector<16xi32>,
        %get3A_182 = arith.index_cast %add3A_173 : i32 to index
        %get3A_183 = arith.constant 16 : index
        %get3A_184 = tpu.vector_load %arg6[%get3A_182, %get3A_183] {strides = array<i32>} : memref<32x128xi32, #tpu.memory_space<vmem>>, vector<1x16xi32>,
        %get3A_185 = vector.shape_cast %get3A_184 : vector<1x16xi32> to vector<16xi32>
        %swap3A_186 = arith.constant 16 : index
        %swap3A_187 = tpu.vector_load %arg8[%swap3A_186] {strides = array<i32>} : memref<64xi32, #tpu.memory_space<vmem>>, vector<16xi32>,
        %swap3A_188 = vector.shape_cast %swap3A_187 : vector<16xi32> to vector<16xi32>
        %swap3A_189 = vector.shape_cast %get3A_185 : vector<16xi32> to vector<16xi32>
        tpu.vector_store %arg8[%swap3A_186], %swap3A_189 {strides = array<i32>} : memref<64xi32, #tpu.memory_space<vmem>>, vector<16xi32>,
        %get3A_190 = arith.index_cast %add3A_173 : i32 to index
        %get3A_191 = arith.constant 32 : index
        %get3A_192 = tpu.vector_load %arg6[%get3A_190, %get3A_191] {strides = array<i32>} : memref<32x128xi32, #tpu.memory_space<vmem>>, vector<1x16xi32>,
        %get3A_193 = vector.shape_cast %get3A_192 : vector<1x16xi32> to vector<16xi32>
        %swap3A_194 = arith.constant 32 : index
        %swap3A_195 = tpu.vector_load %arg8[%swap3A_194] {strides = array<i32>} : memref<64xi32, #tpu.memory_space<vmem>>, vector<16xi32>,
        %swap3A_196 = vector.shape_cast %swap3A_195 : vector<16xi32> to vector<16xi32>
        %swap3A_197 = vector.shape_cast %get3A_193 : vector<16xi32> to vector<16xi32>
        tpu.vector_store %arg8[%swap3A_194], %swap3A_197 {strides = array<i32>} : memref<64xi32, #tpu.memory_space<vmem>>, vector<16xi32>,
        %get3A_198 = arith.index_cast %add3A_173 : i32 to index
        %get3A_199 = arith.constant 48 : index
        %get3A_200 = tpu.vector_load %arg6[%get3A_198, %get3A_199] {strides = array<i32>} : memref<32x128xi32, #tpu.memory_space<vmem>>, vector<1x16xi32>,
        %get3A_201 = vector.shape_cast %get3A_200 : vector<1x16xi32> to vector<16xi32>
        %swap3A_202 = arith.constant 48 : index
        %swap3A_203 = tpu.vector_load %arg8[%swap3A_202] {strides = array<i32>} : memref<64xi32, #tpu.memory_space<vmem>>, vector<16xi32>,
        %swap3A_204 = vector.shape_cast %swap3A_203 : vector<16xi32> to vector<16xi32>
        %swap3A_205 = vector.shape_cast %get3A_201 : vector<16xi32> to vector<16xi32>
        tpu.vector_store %arg8[%swap3A_202], %swap3A_205 {strides = array<i32>} : memref<64xi32, #tpu.memory_space<vmem>>, vector<16xi32>,
        %dma_start3A_206 = arith.constant 0 : i32
        %dma_start3A_207 = arith.constant 0 : i32
        %dma_start3A_208 = tpu.memref_slice %arg2[%dma_start3A_206, %dma_start3A_207] : memref<12800x512xf32, #tpu.memory_space<hbm>> -> memref<12800x512xf32, #tpu.memory_space<hbm>>
        tpu.enqueue_indirect_dma source(%dma_start3A_208 : memref<12800x512xf32, #tpu.memory_space<hbm>>) target(%arg10 : memref<64x512xf32, #tpu.memory_space<vmem>>) offsets(%arg8 : memref<64xi32, #tpu.memory_space<vmem>>) semaphore(%arg13 : memref<!tpu.dma_semaphore, #tpu.memory_space<semaphore_mem>>)
      } else {
      }
      %dma_wait3A_123 = arith.constant 0 : i32
      %dma_wait3A_124 = arith.constant 0 : i32
      %dma_wait3A_125 = tpu.memref_slice %arg2[%dma_wait3A_123, %dma_wait3A_124] : memref<12800x512xf32, #tpu.memory_space<hbm>> -> memref<12800x512xf32, #tpu.memory_space<hbm>>
      tpu.wait_indirect_dma semaphore(%arg14 : memref<!tpu.dma_semaphore, #tpu.memory_space<semaphore_mem>>) src(%dma_wait3A_125 : memref<12800x512xf32, #tpu.memory_space<hbm>>) dst(%arg11 : memref<64x512xf32, #tpu.memory_space<vmem>>)
      %scan3A_126 = arith.constant 0 : i32
      %scan3A_127 = arith.constant 16 : i32
      %scan3A_128 = arith.addi %scan3A_126, %scan3A_127 : i32
      %scan3A_129 = arith.constant 1 : i32
      %scan3A_130:8 = scf.for %scan3A_172 = %scan3A_126 to %scan3A_128 step %scan3A_129 iter_args(%scan3A_173 = %scan3A_117#0, %scan3A_174 = %scan3A_117#1, %scan3A_175 = %scan3A_117#2, %scan3A_176 = %scan3A_117#3, %scan3A_177 = %scan3A_117#4, %scan3A_178 = %scan3A_117#5, %scan3A_179 = %scan3A_117#6, %scan3A_180 = %scan3A_117#7) -> (vector<16xf32>, vector<16xf32>, vector<16xf32>, vector<16xf32>, vector<16xf32>, vector<16xf32>, vector<16xf32>, vector<16xf32>)  : i32 {
        %mul3A_181 = arith.constant 4 : i32
        %mul3A_182 = arith.muli %scan3A_172, %mul3A_181 : i32
        %add3A_183 = arith.constant 64 : i32
        %add3A_184 = arith.addi %add3A_183, %mul3A_182 : i32
        %add3A_185 = arith.constant 0 : i32
        %add3A_186 = arith.addi %add3A_184, %add3A_185 : i32
        %mul3A_187 = arith.constant 128 : i32
        %mul3A_188 = arith.muli %scan3A_75, %mul3A_187 : i32
        %add3A_189 = arith.constant 0 : i32
        %add3A_190 = arith.addi %add3A_189, %mul3A_188 : i32
        %add3A_191 = arith.addi %add3A_190, %add3A_186 : i32
        %get3A_192 = arith.index_cast %add3A_191 : i32 to index
        %get3A_193 = tpu.vector_load %arg7[%get3A_192] {strides = array<i32>} : memref<16400xf32, #tpu.memory_space<vmem>>, vector<16xf32>,
        %get3A_194 = vector.shape_cast %get3A_193 : vector<16xf32> to vector<16xf32>
        %slice3A = vector.extract_strided_slice %get3A_194 {offsets = [0], sizes = [1], strides = [1]} : vector<16xf32> to vector<1xf32>
        %squeeze3A = vector.extract %slice3A[0] : f32 from vector<1xf32>
        %mul3A_195 = arith.constant 128 : i32
        %mul3A_196 = arith.muli %scan3A_75, %mul3A_195 : i32
        %add3A_197 = arith.constant 4096 : i32
        %add3A_198 = arith.addi %add3A_197, %mul3A_196 : i32
        %add3A_199 = arith.addi %add3A_198, %add3A_186 : i32
        %get3A_200 = arith.index_cast %add3A_199 : i32 to index
        %get3A_201 = tpu.vector_load %arg7[%get3A_200] {strides = array<i32>} : memref<16400xf32, #tpu.memory_space<vmem>>, vector<16xf32>,
        %get3A_202 = vector.shape_cast %get3A_201 : vector<16xf32> to vector<16xf32>
        %slice3A_203 = vector.extract_strided_slice %get3A_202 {offsets = [0], sizes = [1], strides = [1]} : vector<16xf32> to vector<1xf32>
        %squeeze3A_204 = vector.extract %slice3A_203[0] : f32 from vector<1xf32>
        %mul3A_205 = arith.constant 128 : i32
        %mul3A_206 = arith.muli %scan3A_75, %mul3A_205 : i32
        %add3A_207 = arith.constant 8192 : i32
        %add3A_208 = arith.addi %add3A_207, %mul3A_206 : i32
        %add3A_209 = arith.addi %add3A_208, %add3A_186 : i32
        %get3A_210 = arith.index_cast %add3A_209 : i32 to index
        %get3A_211 = tpu.vector_load %arg7[%get3A_210] {strides = array<i32>} : memref<16400xf32, #tpu.memory_space<vmem>>, vector<16xf32>,
        %get3A_212 = vector.shape_cast %get3A_211 : vector<16xf32> to vector<16xf32>
        %slice3A_213 = vector.extract_strided_slice %get3A_212 {offsets = [0], sizes = [1], strides = [1]} : vector<16xf32> to vector<1xf32>
        %squeeze3A_214 = vector.extract %slice3A_213[0] : f32 from vector<1xf32>
        %mul3A_215 = arith.constant 128 : i32
        %mul3A_216 = arith.muli %scan3A_75, %mul3A_215 : i32
        %add3A_217 = arith.constant 12288 : i32
        %add3A_218 = arith.addi %add3A_217, %mul3A_216 : i32
        %add3A_219 = arith.addi %add3A_218, %add3A_186 : i32
        %get3A_220 = arith.index_cast %add3A_219 : i32 to index
        %get3A_221 = tpu.vector_load %arg7[%get3A_220] {strides = array<i32>} : memref<16400xf32, #tpu.memory_space<vmem>>, vector<16xf32>,
        %get3A_222 = vector.shape_cast %get3A_221 : vector<16xf32> to vector<16xf32>
        %slice3A_223 = vector.extract_strided_slice %get3A_222 {offsets = [0], sizes = [1], strides = [1]} : vector<16xf32> to vector<1xf32>
        %squeeze3A_224 = vector.extract %slice3A_223[0] : f32 from vector<1xf32>
        %add3A_225 = arith.constant 0 : i32
        %add3A_226 = arith.addi %mul3A_182, %add3A_225 : i32
        %get3A_227 = arith.index_cast %add3A_226 : i32 to index
        %get3A_228 = arith.constant 0 : index
        %get3A_229 = tpu.vector_load %arg11[%get3A_227, %get3A_228] {strides = array<i32>} : memref<64x512xf32, #tpu.memory_space<vmem>>, vector<1x16xf32>,
        %get3A_230 = vector.shape_cast %get3A_229 : vector<1x16xf32> to vector<16xf32>
        %mul3A_231 = vector.broadcast %squeeze3A : f32 to vector<16xf32>
        %mul3A_232 = arith.mulf %mul3A_231, %get3A_230 : vector<16xf32>
        %add3A_233 = arith.addf %scan3A_173, %mul3A_232 : vector<16xf32>
        %add3A_234 = arith.constant 0 : i32
        %add3A_235 = arith.addi %mul3A_182, %add3A_234 : i32
        %get3A_236 = arith.index_cast %add3A_235 : i32 to index
        %get3A_237 = arith.constant 128 : index
        %get3A_238 = tpu.vector_load %arg11[%get3A_236, %get3A_237] {strides = array<i32>} : memref<64x512xf32, #tpu.memory_space<vmem>>, vector<1x16xf32>,
        %get3A_239 = vector.shape_cast %get3A_238 : vector<1x16xf32> to vector<16xf32>
        %mul3A_240 = vector.broadcast %squeeze3A_204 : f32 to vector<16xf32>
        %mul3A_241 = arith.mulf %mul3A_240, %get3A_239 : vector<16xf32>
        %add3A_242 = arith.addf %add3A_233, %mul3A_241 : vector<16xf32>
        %add3A_243 = arith.constant 0 : i32
        %add3A_244 = arith.addi %mul3A_182, %add3A_243 : i32
        %get3A_245 = arith.index_cast %add3A_244 : i32 to index
        %get3A_246 = arith.constant 256 : index
        %get3A_247 = tpu.vector_load %arg11[%get3A_245, %get3A_246] {strides = array<i32>} : memref<64x512xf32, #tpu.memory_space<vmem>>, vector<1x16xf32>,
        %get3A_248 = vector.shape_cast %get3A_247 : vector<1x16xf32> to vector<16xf32>
        %mul3A_249 = vector.broadcast %squeeze3A_214 : f32 to vector<16xf32>
        %mul3A_250 = arith.mulf %mul3A_249, %get3A_248 : vector<16xf32>
        %add3A_251 = arith.addf %add3A_242, %mul3A_250 : vector<16xf32>
        %add3A_252 = arith.constant 0 : i32
        %add3A_253 = arith.addi %mul3A_182, %add3A_252 : i32
        %get3A_254 = arith.index_cast %add3A_253 : i32 to index
        %get3A_255 = arith.constant 384 : index
        %get3A_256 = tpu.vector_load %arg11[%get3A_254, %get3A_255] {strides = array<i32>} : memref<64x512xf32, #tpu.memory_space<vmem>>, vector<1x16xf32>,
        %get3A_257 = vector.shape_cast %get3A_256 : vector<1x16xf32> to vector<16xf32>
        %mul3A_258 = vector.broadcast %squeeze3A_224 : f32 to vector<16xf32>
        %mul3A_259 = arith.mulf %mul3A_258, %get3A_257 : vector<16xf32>
        %add3A_260 = arith.addf %add3A_251, %mul3A_259 : vector<16xf32>
        %add3A_261 = arith.constant 0 : i32
        %add3A_262 = arith.addi %mul3A_182, %add3A_261 : i32
        %get3A_263 = arith.index_cast %add3A_262 : i32 to index
        %get3A_264 = arith.constant 16 : index
        %get3A_265 = tpu.vector_load %arg11[%get3A_263, %get3A_264] {strides = array<i32>} : memref<64x512xf32, #tpu.memory_space<vmem>>, vector<1x16xf32>,
        %get3A_266 = vector.shape_cast %get3A_265 : vector<1x16xf32> to vector<16xf32>
        %mul3A_267 = vector.broadcast %squeeze3A : f32 to vector<16xf32>
        %mul3A_268 = arith.mulf %mul3A_267, %get3A_266 : vector<16xf32>
        %add3A_269 = arith.addf %scan3A_174, %mul3A_268 : vector<16xf32>
        %add3A_270 = arith.constant 0 : i32
        %add3A_271 = arith.addi %mul3A_182, %add3A_270 : i32
        %get3A_272 = arith.index_cast %add3A_271 : i32 to index
        %get3A_273 = arith.constant 144 : index
        %get3A_274 = tpu.vector_load %arg11[%get3A_272, %get3A_273] {strides = array<i32>} : memref<64x512xf32, #tpu.memory_space<vmem>>, vector<1x16xf32>,
        %get3A_275 = vector.shape_cast %get3A_274 : vector<1x16xf32> to vector<16xf32>
        %mul3A_276 = vector.broadcast %squeeze3A_204 : f32 to vector<16xf32>
        %mul3A_277 = arith.mulf %mul3A_276, %get3A_275 : vector<16xf32>
        %add3A_278 = arith.addf %add3A_269, %mul3A_277 : vector<16xf32>
        %add3A_279 = arith.constant 0 : i32
        %add3A_280 = arith.addi %mul3A_182, %add3A_279 : i32
        %get3A_281 = arith.index_cast %add3A_280 : i32 to index
        %get3A_282 = arith.constant 272 : index
        %get3A_283 = tpu.vector_load %arg11[%get3A_281, %get3A_282] {strides = array<i32>} : memref<64x512xf32, #tpu.memory_space<vmem>>, vector<1x16xf32>,
        %get3A_284 = vector.shape_cast %get3A_283 : vector<1x16xf32> to vector<16xf32>
        %mul3A_285 = vector.broadcast %squeeze3A_214 : f32 to vector<16xf32>
        %mul3A_286 = arith.mulf %mul3A_285, %get3A_284 : vector<16xf32>
        %add3A_287 = arith.addf %add3A_278, %mul3A_286 : vector<16xf32>
        %add3A_288 = arith.constant 0 : i32
        %add3A_289 = arith.addi %mul3A_182, %add3A_288 : i32
        %get3A_290 = arith.index_cast %add3A_289 : i32 to index
        %get3A_291 = arith.constant 400 : index
        %get3A_292 = tpu.vector_load %arg11[%get3A_290, %get3A_291] {strides = array<i32>} : memref<64x512xf32, #tpu.memory_space<vmem>>, vector<1x16xf32>,
        %get3A_293 = vector.shape_cast %get3A_292 : vector<1x16xf32> to vector<16xf32>
        %mul3A_294 = vector.broadcast %squeeze3A_224 : f32 to vector<16xf32>
        %mul3A_295 = arith.mulf %mul3A_294, %get3A_293 : vector<16xf32>
        %add3A_296 = arith.addf %add3A_287, %mul3A_295 : vector<16xf32>
        %add3A_297 = arith.constant 0 : i32
        %add3A_298 = arith.addi %mul3A_182, %add3A_297 : i32
        %get3A_299 = arith.index_cast %add3A_298 : i32 to index
        %get3A_300 = arith.constant 32 : index
        %get3A_301 = tpu.vector_load %arg11[%get3A_299, %get3A_300] {strides = array<i32>} : memref<64x512xf32, #tpu.memory_space<vmem>>, vector<1x16xf32>,
        %get3A_302 = vector.shape_cast %get3A_301 : vector<1x16xf32> to vector<16xf32>
        %mul3A_303 = vector.broadcast %squeeze3A : f32 to vector<16xf32>
        %mul3A_304 = arith.mulf %mul3A_303, %get3A_302 : vector<16xf32>
        %add3A_305 = arith.addf %scan3A_175, %mul3A_304 : vector<16xf32>
        %add3A_306 = arith.constant 0 : i32
        %add3A_307 = arith.addi %mul3A_182, %add3A_306 : i32
        %get3A_308 = arith.index_cast %add3A_307 : i32 to index
        %get3A_309 = arith.constant 160 : index
        %get3A_310 = tpu.vector_load %arg11[%get3A_308, %get3A_309] {strides = array<i32>} : memref<64x512xf32, #tpu.memory_space<vmem>>, vector<1x16xf32>,
        %get3A_311 = vector.shape_cast %get3A_310 : vector<1x16xf32> to vector<16xf32>
        %mul3A_312 = vector.broadcast %squeeze3A_204 : f32 to vector<16xf32>
        %mul3A_313 = arith.mulf %mul3A_312, %get3A_311 : vector<16xf32>
        %add3A_314 = arith.addf %add3A_305, %mul3A_313 : vector<16xf32>
        %add3A_315 = arith.constant 0 : i32
        %add3A_316 = arith.addi %mul3A_182, %add3A_315 : i32
        %get3A_317 = arith.index_cast %add3A_316 : i32 to index
        %get3A_318 = arith.constant 288 : index
        %get3A_319 = tpu.vector_load %arg11[%get3A_317, %get3A_318] {strides = array<i32>} : memref<64x512xf32, #tpu.memory_space<vmem>>, vector<1x16xf32>,
        %get3A_320 = vector.shape_cast %get3A_319 : vector<1x16xf32> to vector<16xf32>
        %mul3A_321 = vector.broadcast %squeeze3A_214 : f32 to vector<16xf32>
        %mul3A_322 = arith.mulf %mul3A_321, %get3A_320 : vector<16xf32>
        %add3A_323 = arith.addf %add3A_314, %mul3A_322 : vector<16xf32>
        %add3A_324 = arith.constant 0 : i32
        %add3A_325 = arith.addi %mul3A_182, %add3A_324 : i32
        %get3A_326 = arith.index_cast %add3A_325 : i32 to index
        %get3A_327 = arith.constant 416 : index
        %get3A_328 = tpu.vector_load %arg11[%get3A_326, %get3A_327] {strides = array<i32>} : memref<64x512xf32, #tpu.memory_space<vmem>>, vector<1x16xf32>,
        %get3A_329 = vector.shape_cast %get3A_328 : vector<1x16xf32> to vector<16xf32>
        %mul3A_330 = vector.broadcast %squeeze3A_224 : f32 to vector<16xf32>
        %mul3A_331 = arith.mulf %mul3A_330, %get3A_329 : vector<16xf32>
        %add3A_332 = arith.addf %add3A_323, %mul3A_331 : vector<16xf32>
        %add3A_333 = arith.constant 0 : i32
        %add3A_334 = arith.addi %mul3A_182, %add3A_333 : i32
        %get3A_335 = arith.index_cast %add3A_334 : i32 to index
        %get3A_336 = arith.constant 48 : index
        %get3A_337 = tpu.vector_load %arg11[%get3A_335, %get3A_336] {strides = array<i32>} : memref<64x512xf32, #tpu.memory_space<vmem>>, vector<1x16xf32>,
        %get3A_338 = vector.shape_cast %get3A_337 : vector<1x16xf32> to vector<16xf32>
        %mul3A_339 = vector.broadcast %squeeze3A : f32 to vector<16xf32>
        %mul3A_340 = arith.mulf %mul3A_339, %get3A_338 : vector<16xf32>
        %add3A_341 = arith.addf %scan3A_176, %mul3A_340 : vector<16xf32>
        %add3A_342 = arith.constant 0 : i32
        %add3A_343 = arith.addi %mul3A_182, %add3A_342 : i32
        %get3A_344 = arith.index_cast %add3A_343 : i32 to index
        %get3A_345 = arith.constant 176 : index
        %get3A_346 = tpu.vector_load %arg11[%get3A_344, %get3A_345] {strides = array<i32>} : memref<64x512xf32, #tpu.memory_space<vmem>>, vector<1x16xf32>,
        %get3A_347 = vector.shape_cast %get3A_346 : vector<1x16xf32> to vector<16xf32>
        %mul3A_348 = vector.broadcast %squeeze3A_204 : f32 to vector<16xf32>
        %mul3A_349 = arith.mulf %mul3A_348, %get3A_347 : vector<16xf32>
        %add3A_350 = arith.addf %add3A_341, %mul3A_349 : vector<16xf32>
        %add3A_351 = arith.constant 0 : i32
        %add3A_352 = arith.addi %mul3A_182, %add3A_351 : i32
        %get3A_353 = arith.index_cast %add3A_352 : i32 to index
        %get3A_354 = arith.constant 304 : index
        %get3A_355 = tpu.vector_load %arg11[%get3A_353, %get3A_354] {strides = array<i32>} : memref<64x512xf32, #tpu.memory_space<vmem>>, vector<1x16xf32>,
        %get3A_356 = vector.shape_cast %get3A_355 : vector<1x16xf32> to vector<16xf32>
        %mul3A_357 = vector.broadcast %squeeze3A_214 : f32 to vector<16xf32>
        %mul3A_358 = arith.mulf %mul3A_357, %get3A_356 : vector<16xf32>
        %add3A_359 = arith.addf %add3A_350, %mul3A_358 : vector<16xf32>
        %add3A_360 = arith.constant 0 : i32
        %add3A_361 = arith.addi %mul3A_182, %add3A_360 : i32
        %get3A_362 = arith.index_cast %add3A_361 : i32 to index
        %get3A_363 = arith.constant 432 : index
        %get3A_364 = tpu.vector_load %arg11[%get3A_362, %get3A_363] {strides = array<i32>} : memref<64x512xf32, #tpu.memory_space<vmem>>, vector<1x16xf32>,
        %get3A_365 = vector.shape_cast %get3A_364 : vector<1x16xf32> to vector<16xf32>
        %mul3A_366 = vector.broadcast %squeeze3A_224 : f32 to vector<16xf32>
        %mul3A_367 = arith.mulf %mul3A_366, %get3A_365 : vector<16xf32>
        %add3A_368 = arith.addf %add3A_359, %mul3A_367 : vector<16xf32>
        %add3A_369 = arith.constant 0 : i32
        %add3A_370 = arith.addi %mul3A_182, %add3A_369 : i32
        %get3A_371 = arith.index_cast %add3A_370 : i32 to index
        %get3A_372 = arith.constant 64 : index
        %get3A_373 = tpu.vector_load %arg11[%get3A_371, %get3A_372] {strides = array<i32>} : memref<64x512xf32, #tpu.memory_space<vmem>>, vector<1x16xf32>,
        %get3A_374 = vector.shape_cast %get3A_373 : vector<1x16xf32> to vector<16xf32>
        %mul3A_375 = vector.broadcast %squeeze3A : f32 to vector<16xf32>
        %mul3A_376 = arith.mulf %mul3A_375, %get3A_374 : vector<16xf32>
        %add3A_377 = arith.addf %scan3A_177, %mul3A_376 : vector<16xf32>
        %add3A_378 = arith.constant 0 : i32
        %add3A_379 = arith.addi %mul3A_182, %add3A_378 : i32
        %get3A_380 = arith.index_cast %add3A_379 : i32 to index
        %get3A_381 = arith.constant 192 : index
        %get3A_382 = tpu.vector_load %arg11[%get3A_380, %get3A_381] {strides = array<i32>} : memref<64x512xf32, #tpu.memory_space<vmem>>, vector<1x16xf32>,
        %get3A_383 = vector.shape_cast %get3A_382 : vector<1x16xf32> to vector<16xf32>
        %mul3A_384 = vector.broadcast %squeeze3A_204 : f32 to vector<16xf32>
        %mul3A_385 = arith.mulf %mul3A_384, %get3A_383 : vector<16xf32>
        %add3A_386 = arith.addf %add3A_377, %mul3A_385 : vector<16xf32>
        %add3A_387 = arith.constant 0 : i32
        %add3A_388 = arith.addi %mul3A_182, %add3A_387 : i32
        %get3A_389 = arith.index_cast %add3A_388 : i32 to index
        %get3A_390 = arith.constant 320 : index
        %get3A_391 = tpu.vector_load %arg11[%get3A_389, %get3A_390] {strides = array<i32>} : memref<64x512xf32, #tpu.memory_space<vmem>>, vector<1x16xf32>,
        %get3A_392 = vector.shape_cast %get3A_391 : vector<1x16xf32> to vector<16xf32>
        %mul3A_393 = vector.broadcast %squeeze3A_214 : f32 to vector<16xf32>
        %mul3A_394 = arith.mulf %mul3A_393, %get3A_392 : vector<16xf32>
        %add3A_395 = arith.addf %add3A_386, %mul3A_394 : vector<16xf32>
        %add3A_396 = arith.constant 0 : i32
        %add3A_397 = arith.addi %mul3A_182, %add3A_396 : i32
        %get3A_398 = arith.index_cast %add3A_397 : i32 to index
        %get3A_399 = arith.constant 448 : index
        %get3A_400 = tpu.vector_load %arg11[%get3A_398, %get3A_399] {strides = array<i32>} : memref<64x512xf32, #tpu.memory_space<vmem>>, vector<1x16xf32>,
        %get3A_401 = vector.shape_cast %get3A_400 : vector<1x16xf32> to vector<16xf32>
        %mul3A_402 = vector.broadcast %squeeze3A_224 : f32 to vector<16xf32>
        %mul3A_403 = arith.mulf %mul3A_402, %get3A_401 : vector<16xf32>
        %add3A_404 = arith.addf %add3A_395, %mul3A_403 : vector<16xf32>
        %add3A_405 = arith.constant 0 : i32
        %add3A_406 = arith.addi %mul3A_182, %add3A_405 : i32
        %get3A_407 = arith.index_cast %add3A_406 : i32 to index
        %get3A_408 = arith.constant 80 : index
        %get3A_409 = tpu.vector_load %arg11[%get3A_407, %get3A_408] {strides = array<i32>} : memref<64x512xf32, #tpu.memory_space<vmem>>, vector<1x16xf32>,
        %get3A_410 = vector.shape_cast %get3A_409 : vector<1x16xf32> to vector<16xf32>
        %mul3A_411 = vector.broadcast %squeeze3A : f32 to vector<16xf32>
        %mul3A_412 = arith.mulf %mul3A_411, %get3A_410 : vector<16xf32>
        %add3A_413 = arith.addf %scan3A_178, %mul3A_412 : vector<16xf32>
        %add3A_414 = arith.constant 0 : i32
        %add3A_415 = arith.addi %mul3A_182, %add3A_414 : i32
        %get3A_416 = arith.index_cast %add3A_415 : i32 to index
        %get3A_417 = arith.constant 208 : index
        %get3A_418 = tpu.vector_load %arg11[%get3A_416, %get3A_417] {strides = array<i32>} : memref<64x512xf32, #tpu.memory_space<vmem>>, vector<1x16xf32>,
        %get3A_419 = vector.shape_cast %get3A_418 : vector<1x16xf32> to vector<16xf32>
        %mul3A_420 = vector.broadcast %squeeze3A_204 : f32 to vector<16xf32>
        %mul3A_421 = arith.mulf %mul3A_420, %get3A_419 : vector<16xf32>
        %add3A_422 = arith.addf %add3A_413, %mul3A_421 : vector<16xf32>
        %add3A_423 = arith.constant 0 : i32
        %add3A_424 = arith.addi %mul3A_182, %add3A_423 : i32
        %get3A_425 = arith.index_cast %add3A_424 : i32 to index
        %get3A_426 = arith.constant 336 : index
        %get3A_427 = tpu.vector_load %arg11[%get3A_425, %get3A_426] {strides = array<i32>} : memref<64x512xf32, #tpu.memory_space<vmem>>, vector<1x16xf32>,
        %get3A_428 = vector.shape_cast %get3A_427 : vector<1x16xf32> to vector<16xf32>
        %mul3A_429 = vector.broadcast %squeeze3A_214 : f32 to vector<16xf32>
        %mul3A_430 = arith.mulf %mul3A_429, %get3A_428 : vector<16xf32>
        %add3A_431 = arith.addf %add3A_422, %mul3A_430 : vector<16xf32>
        %add3A_432 = arith.constant 0 : i32
        %add3A_433 = arith.addi %mul3A_182, %add3A_432 : i32
        %get3A_434 = arith.index_cast %add3A_433 : i32 to index
        %get3A_435 = arith.constant 464 : index
        %get3A_436 = tpu.vector_load %arg11[%get3A_434, %get3A_435] {strides = array<i32>} : memref<64x512xf32, #tpu.memory_space<vmem>>, vector<1x16xf32>,
        %get3A_437 = vector.shape_cast %get3A_436 : vector<1x16xf32> to vector<16xf32>
        %mul3A_438 = vector.broadcast %squeeze3A_224 : f32 to vector<16xf32>
        %mul3A_439 = arith.mulf %mul3A_438, %get3A_437 : vector<16xf32>
        %add3A_440 = arith.addf %add3A_431, %mul3A_439 : vector<16xf32>
        %add3A_441 = arith.constant 0 : i32
        %add3A_442 = arith.addi %mul3A_182, %add3A_441 : i32
        %get3A_443 = arith.index_cast %add3A_442 : i32 to index
        %get3A_444 = arith.constant 96 : index
        %get3A_445 = tpu.vector_load %arg11[%get3A_443, %get3A_444] {strides = array<i32>} : memref<64x512xf32, #tpu.memory_space<vmem>>, vector<1x16xf32>,
        %get3A_446 = vector.shape_cast %get3A_445 : vector<1x16xf32> to vector<16xf32>
        %mul3A_447 = vector.broadcast %squeeze3A : f32 to vector<16xf32>
        %mul3A_448 = arith.mulf %mul3A_447, %get3A_446 : vector<16xf32>
        %add3A_449 = arith.addf %scan3A_179, %mul3A_448 : vector<16xf32>
        %add3A_450 = arith.constant 0 : i32
        %add3A_451 = arith.addi %mul3A_182, %add3A_450 : i32
        %get3A_452 = arith.index_cast %add3A_451 : i32 to index
        %get3A_453 = arith.constant 224 : index
        %get3A_454 = tpu.vector_load %arg11[%get3A_452, %get3A_453] {strides = array<i32>} : memref<64x512xf32, #tpu.memory_space<vmem>>, vector<1x16xf32>,
        %get3A_455 = vector.shape_cast %get3A_454 : vector<1x16xf32> to vector<16xf32>
        %mul3A_456 = vector.broadcast %squeeze3A_204 : f32 to vector<16xf32>
        %mul3A_457 = arith.mulf %mul3A_456, %get3A_455 : vector<16xf32>
        %add3A_458 = arith.addf %add3A_449, %mul3A_457 : vector<16xf32>
        %add3A_459 = arith.constant 0 : i32
        %add3A_460 = arith.addi %mul3A_182, %add3A_459 : i32
        %get3A_461 = arith.index_cast %add3A_460 : i32 to index
        %get3A_462 = arith.constant 352 : index
        %get3A_463 = tpu.vector_load %arg11[%get3A_461, %get3A_462] {strides = array<i32>} : memref<64x512xf32, #tpu.memory_space<vmem>>, vector<1x16xf32>,
        %get3A_464 = vector.shape_cast %get3A_463 : vector<1x16xf32> to vector<16xf32>
        %mul3A_465 = vector.broadcast %squeeze3A_214 : f32 to vector<16xf32>
        %mul3A_466 = arith.mulf %mul3A_465, %get3A_464 : vector<16xf32>
        %add3A_467 = arith.addf %add3A_458, %mul3A_466 : vector<16xf32>
        %add3A_468 = arith.constant 0 : i32
        %add3A_469 = arith.addi %mul3A_182, %add3A_468 : i32
        %get3A_470 = arith.index_cast %add3A_469 : i32 to index
        %get3A_471 = arith.constant 480 : index
        %get3A_472 = tpu.vector_load %arg11[%get3A_470, %get3A_471] {strides = array<i32>} : memref<64x512xf32, #tpu.memory_space<vmem>>, vector<1x16xf32>,
        %get3A_473 = vector.shape_cast %get3A_472 : vector<1x16xf32> to vector<16xf32>
        %mul3A_474 = vector.broadcast %squeeze3A_224 : f32 to vector<16xf32>
        %mul3A_475 = arith.mulf %mul3A_474, %get3A_473 : vector<16xf32>
        %add3A_476 = arith.addf %add3A_467, %mul3A_475 : vector<16xf32>
        %add3A_477 = arith.constant 0 : i32
        %add3A_478 = arith.addi %mul3A_182, %add3A_477 : i32
        %get3A_479 = arith.index_cast %add3A_478 : i32 to index
        %get3A_480 = arith.constant 112 : index
        %get3A_481 = tpu.vector_load %arg11[%get3A_479, %get3A_480] {strides = array<i32>} : memref<64x512xf32, #tpu.memory_space<vmem>>, vector<1x16xf32>,
        %get3A_482 = vector.shape_cast %get3A_481 : vector<1x16xf32> to vector<16xf32>
        %mul3A_483 = vector.broadcast %squeeze3A : f32 to vector<16xf32>
        %mul3A_484 = arith.mulf %mul3A_483, %get3A_482 : vector<16xf32>
        %add3A_485 = arith.addf %scan3A_180, %mul3A_484 : vector<16xf32>
        %add3A_486 = arith.constant 0 : i32
        %add3A_487 = arith.addi %mul3A_182, %add3A_486 : i32
        %get3A_488 = arith.index_cast %add3A_487 : i32 to index
        %get3A_489 = arith.constant 240 : index
        %get3A_490 = tpu.vector_load %arg11[%get3A_488, %get3A_489] {strides = array<i32>} : memref<64x512xf32, #tpu.memory_space<vmem>>, vector<1x16xf32>,
        %get3A_491 = vector.shape_cast %get3A_490 : vector<1x16xf32> to vector<16xf32>
        %mul3A_492 = vector.broadcast %squeeze3A_204 : f32 to vector<16xf32>
        %mul3A_493 = arith.mulf %mul3A_492, %get3A_491 : vector<16xf32>
        %add3A_494 = arith.addf %add3A_485, %mul3A_493 : vector<16xf32>
        %add3A_495 = arith.constant 0 : i32
        %add3A_496 = arith.addi %mul3A_182, %add3A_495 : i32
        %get3A_497 = arith.index_cast %add3A_496 : i32 to index
        %get3A_498 = arith.constant 368 : index
        %get3A_499 = tpu.vector_load %arg11[%get3A_497, %get3A_498] {strides = array<i32>} : memref<64x512xf32, #tpu.memory_space<vmem>>, vector<1x16xf32>,
        %get3A_500 = vector.shape_cast %get3A_499 : vector<1x16xf32> to vector<16xf32>
        %mul3A_501 = vector.broadcast %squeeze3A_214 : f32 to vector<16xf32>
        %mul3A_502 = arith.mulf %mul3A_501, %get3A_500 : vector<16xf32>
        %add3A_503 = arith.addf %add3A_494, %mul3A_502 : vector<16xf32>
        %add3A_504 = arith.constant 0 : i32
        %add3A_505 = arith.addi %mul3A_182, %add3A_504 : i32
        %get3A_506 = arith.index_cast %add3A_505 : i32 to index
        %get3A_507 = arith.constant 496 : index
        %get3A_508 = tpu.vector_load %arg11[%get3A_506, %get3A_507] {strides = array<i32>} : memref<64x512xf32, #tpu.memory_space<vmem>>, vector<1x16xf32>,
        %get3A_509 = vector.shape_cast %get3A_508 : vector<1x16xf32> to vector<16xf32>
        %mul3A_510 = vector.broadcast %squeeze3A_224 : f32 to vector<16xf32>
        %mul3A_511 = arith.mulf %mul3A_510, %get3A_509 : vector<16xf32>
        %add3A_512 = arith.addf %add3A_503, %mul3A_511 : vector<16xf32>
        %add3A_513 = arith.constant 64 : i32
        %add3A_514 = arith.addi %add3A_513, %mul3A_182 : i32
        %add3A_515 = arith.constant 1 : i32
        %add3A_516 = arith.addi %add3A_514, %add3A_515 : i32
        %mul3A_517 = arith.constant 128 : i32
        %mul3A_518 = arith.muli %scan3A_75, %mul3A_517 : i32
        %add3A_519 = arith.constant 0 : i32
        %add3A_520 = arith.addi %add3A_519, %mul3A_518 : i32
        %add3A_521 = arith.addi %add3A_520, %add3A_516 : i32
        %get3A_522 = arith.index_cast %add3A_521 : i32 to index
        %get3A_523 = tpu.vector_load %arg7[%get3A_522] {strides = array<i32>} : memref<16400xf32, #tpu.memory_space<vmem>>, vector<16xf32>,
        %get3A_524 = vector.shape_cast %get3A_523 : vector<16xf32> to vector<16xf32>
        %slice3A_525 = vector.extract_strided_slice %get3A_524 {offsets = [0], sizes = [1], strides = [1]} : vector<16xf32> to vector<1xf32>
        %squeeze3A_526 = vector.extract %slice3A_525[0] : f32 from vector<1xf32>
        %mul3A_527 = arith.constant 128 : i32
        %mul3A_528 = arith.muli %scan3A_75, %mul3A_527 : i32
        %add3A_529 = arith.constant 4096 : i32
        %add3A_530 = arith.addi %add3A_529, %mul3A_528 : i32
        %add3A_531 = arith.addi %add3A_530, %add3A_516 : i32
        %get3A_532 = arith.index_cast %add3A_531 : i32 to index
        %get3A_533 = tpu.vector_load %arg7[%get3A_532] {strides = array<i32>} : memref<16400xf32, #tpu.memory_space<vmem>>, vector<16xf32>,
        %get3A_534 = vector.shape_cast %get3A_533 : vector<16xf32> to vector<16xf32>
        %slice3A_535 = vector.extract_strided_slice %get3A_534 {offsets = [0], sizes = [1], strides = [1]} : vector<16xf32> to vector<1xf32>
        %squeeze3A_536 = vector.extract %slice3A_535[0] : f32 from vector<1xf32>
        %mul3A_537 = arith.constant 128 : i32
        %mul3A_538 = arith.muli %scan3A_75, %mul3A_537 : i32
        %add3A_539 = arith.constant 8192 : i32
        %add3A_540 = arith.addi %add3A_539, %mul3A_538 : i32
        %add3A_541 = arith.addi %add3A_540, %add3A_516 : i32
        %get3A_542 = arith.index_cast %add3A_541 : i32 to index
        %get3A_543 = tpu.vector_load %arg7[%get3A_542] {strides = array<i32>} : memref<16400xf32, #tpu.memory_space<vmem>>, vector<16xf32>,
        %get3A_544 = vector.shape_cast %get3A_543 : vector<16xf32> to vector<16xf32>
        %slice3A_545 = vector.extract_strided_slice %get3A_544 {offsets = [0], sizes = [1], strides = [1]} : vector<16xf32> to vector<1xf32>
        %squeeze3A_546 = vector.extract %slice3A_545[0] : f32 from vector<1xf32>
        %mul3A_547 = arith.constant 128 : i32
        %mul3A_548 = arith.muli %scan3A_75, %mul3A_547 : i32
        %add3A_549 = arith.constant 12288 : i32
        %add3A_550 = arith.addi %add3A_549, %mul3A_548 : i32
        %add3A_551 = arith.addi %add3A_550, %add3A_516 : i32
        %get3A_552 = arith.index_cast %add3A_551 : i32 to index
        %get3A_553 = tpu.vector_load %arg7[%get3A_552] {strides = array<i32>} : memref<16400xf32, #tpu.memory_space<vmem>>, vector<16xf32>,
        %get3A_554 = vector.shape_cast %get3A_553 : vector<16xf32> to vector<16xf32>
        %slice3A_555 = vector.extract_strided_slice %get3A_554 {offsets = [0], sizes = [1], strides = [1]} : vector<16xf32> to vector<1xf32>
        %squeeze3A_556 = vector.extract %slice3A_555[0] : f32 from vector<1xf32>
        %add3A_557 = arith.constant 1 : i32
        %add3A_558 = arith.addi %mul3A_182, %add3A_557 : i32
        %get3A_559 = arith.index_cast %add3A_558 : i32 to index
        %get3A_560 = arith.constant 0 : index
        %get3A_561 = tpu.vector_load %arg11[%get3A_559, %get3A_560] {strides = array<i32>} : memref<64x512xf32, #tpu.memory_space<vmem>>, vector<1x16xf32>,
        %get3A_562 = vector.shape_cast %get3A_561 : vector<1x16xf32> to vector<16xf32>
        %mul3A_563 = vector.broadcast %squeeze3A_526 : f32 to vector<16xf32>
        %mul3A_564 = arith.mulf %mul3A_563, %get3A_562 : vector<16xf32>
        %add3A_565 = arith.addf %add3A_260, %mul3A_564 : vector<16xf32>
        %add3A_566 = arith.constant 1 : i32
        %add3A_567 = arith.addi %mul3A_182, %add3A_566 : i32
        %get3A_568 = arith.index_cast %add3A_567 : i32 to index
        %get3A_569 = arith.constant 128 : index
        %get3A_570 = tpu.vector_load %arg11[%get3A_568, %get3A_569] {strides = array<i32>} : memref<64x512xf32, #tpu.memory_space<vmem>>, vector<1x16xf32>,
        %get3A_571 = vector.shape_cast %get3A_570 : vector<1x16xf32> to vector<16xf32>
        %mul3A_572 = vector.broadcast %squeeze3A_536 : f32 to vector<16xf32>
        %mul3A_573 = arith.mulf %mul3A_572, %get3A_571 : vector<16xf32>
        %add3A_574 = arith.addf %add3A_565, %mul3A_573 : vector<16xf32>
        %add3A_575 = arith.constant 1 : i32
        %add3A_576 = arith.addi %mul3A_182, %add3A_575 : i32
        %get3A_577 = arith.index_cast %add3A_576 : i32 to index
        %get3A_578 = arith.constant 256 : index
        %get3A_579 = tpu.vector_load %arg11[%get3A_577, %get3A_578] {strides = array<i32>} : memref<64x512xf32, #tpu.memory_space<vmem>>, vector<1x16xf32>,
        %get3A_580 = vector.shape_cast %get3A_579 : vector<1x16xf32> to vector<16xf32>
        %mul3A_581 = vector.broadcast %squeeze3A_546 : f32 to vector<16xf32>
        %mul3A_582 = arith.mulf %mul3A_581, %get3A_580 : vector<16xf32>
        %add3A_583 = arith.addf %add3A_574, %mul3A_582 : vector<16xf32>
        %add3A_584 = arith.constant 1 : i32
        %add3A_585 = arith.addi %mul3A_182, %add3A_584 : i32
        %get3A_586 = arith.index_cast %add3A_585 : i32 to index
        %get3A_587 = arith.constant 384 : index
        %get3A_588 = tpu.vector_load %arg11[%get3A_586, %get3A_587] {strides = array<i32>} : memref<64x512xf32, #tpu.memory_space<vmem>>, vector<1x16xf32>,
        %get3A_589 = vector.shape_cast %get3A_588 : vector<1x16xf32> to vector<16xf32>
        %mul3A_590 = vector.broadcast %squeeze3A_556 : f32 to vector<16xf32>
        %mul3A_591 = arith.mulf %mul3A_590, %get3A_589 : vector<16xf32>
        %add3A_592 = arith.addf %add3A_583, %mul3A_591 : vector<16xf32>
        %add3A_593 = arith.constant 1 : i32
        %add3A_594 = arith.addi %mul3A_182, %add3A_593 : i32
        %get3A_595 = arith.index_cast %add3A_594 : i32 to index
        %get3A_596 = arith.constant 16 : index
        %get3A_597 = tpu.vector_load %arg11[%get3A_595, %get3A_596] {strides = array<i32>} : memref<64x512xf32, #tpu.memory_space<vmem>>, vector<1x16xf32>,
        %get3A_598 = vector.shape_cast %get3A_597 : vector<1x16xf32> to vector<16xf32>
        %mul3A_599 = vector.broadcast %squeeze3A_526 : f32 to vector<16xf32>
        %mul3A_600 = arith.mulf %mul3A_599, %get3A_598 : vector<16xf32>
        %add3A_601 = arith.addf %add3A_296, %mul3A_600 : vector<16xf32>
        %add3A_602 = arith.constant 1 : i32
        %add3A_603 = arith.addi %mul3A_182, %add3A_602 : i32
        %get3A_604 = arith.index_cast %add3A_603 : i32 to index
        %get3A_605 = arith.constant 144 : index
        %get3A_606 = tpu.vector_load %arg11[%get3A_604, %get3A_605] {strides = array<i32>} : memref<64x512xf32, #tpu.memory_space<vmem>>, vector<1x16xf32>,
        %get3A_607 = vector.shape_cast %get3A_606 : vector<1x16xf32> to vector<16xf32>
        %mul3A_608 = vector.broadcast %squeeze3A_536 : f32 to vector<16xf32>
        %mul3A_609 = arith.mulf %mul3A_608, %get3A_607 : vector<16xf32>
        %add3A_610 = arith.addf %add3A_601, %mul3A_609 : vector<16xf32>
        %add3A_611 = arith.constant 1 : i32
        %add3A_612 = arith.addi %mul3A_182, %add3A_611 : i32
        %get3A_613 = arith.index_cast %add3A_612 : i32 to index
        %get3A_614 = arith.constant 272 : index
        %get3A_615 = tpu.vector_load %arg11[%get3A_613, %get3A_614] {strides = array<i32>} : memref<64x512xf32, #tpu.memory_space<vmem>>, vector<1x16xf32>,
        %get3A_616 = vector.shape_cast %get3A_615 : vector<1x16xf32> to vector<16xf32>
        %mul3A_617 = vector.broadcast %squeeze3A_546 : f32 to vector<16xf32>
        %mul3A_618 = arith.mulf %mul3A_617, %get3A_616 : vector<16xf32>
        %add3A_619 = arith.addf %add3A_610, %mul3A_618 : vector<16xf32>
        %add3A_620 = arith.constant 1 : i32
        %add3A_621 = arith.addi %mul3A_182, %add3A_620 : i32
        %get3A_622 = arith.index_cast %add3A_621 : i32 to index
        %get3A_623 = arith.constant 400 : index
        %get3A_624 = tpu.vector_load %arg11[%get3A_622, %get3A_623] {strides = array<i32>} : memref<64x512xf32, #tpu.memory_space<vmem>>, vector<1x16xf32>,
        %get3A_625 = vector.shape_cast %get3A_624 : vector<1x16xf32> to vector<16xf32>
        %mul3A_626 = vector.broadcast %squeeze3A_556 : f32 to vector<16xf32>
        %mul3A_627 = arith.mulf %mul3A_626, %get3A_625 : vector<16xf32>
        %add3A_628 = arith.addf %add3A_619, %mul3A_627 : vector<16xf32>
        %add3A_629 = arith.constant 1 : i32
        %add3A_630 = arith.addi %mul3A_182, %add3A_629 : i32
        %get3A_631 = arith.index_cast %add3A_630 : i32 to index
        %get3A_632 = arith.constant 32 : index
        %get3A_633 = tpu.vector_load %arg11[%get3A_631, %get3A_632] {strides = array<i32>} : memref<64x512xf32, #tpu.memory_space<vmem>>, vector<1x16xf32>,
        %get3A_634 = vector.shape_cast %get3A_633 : vector<1x16xf32> to vector<16xf32>
        %mul3A_635 = vector.broadcast %squeeze3A_526 : f32 to vector<16xf32>
        %mul3A_636 = arith.mulf %mul3A_635, %get3A_634 : vector<16xf32>
        %add3A_637 = arith.addf %add3A_332, %mul3A_636 : vector<16xf32>
        %add3A_638 = arith.constant 1 : i32
        %add3A_639 = arith.addi %mul3A_182, %add3A_638 : i32
        %get3A_640 = arith.index_cast %add3A_639 : i32 to index
        %get3A_641 = arith.constant 160 : index
        %get3A_642 = tpu.vector_load %arg11[%get3A_640, %get3A_641] {strides = array<i32>} : memref<64x512xf32, #tpu.memory_space<vmem>>, vector<1x16xf32>,
        %get3A_643 = vector.shape_cast %get3A_642 : vector<1x16xf32> to vector<16xf32>
        %mul3A_644 = vector.broadcast %squeeze3A_536 : f32 to vector<16xf32>
        %mul3A_645 = arith.mulf %mul3A_644, %get3A_643 : vector<16xf32>
        %add3A_646 = arith.addf %add3A_637, %mul3A_645 : vector<16xf32>
        %add3A_647 = arith.constant 1 : i32
        %add3A_648 = arith.addi %mul3A_182, %add3A_647 : i32
        %get3A_649 = arith.index_cast %add3A_648 : i32 to index
        %get3A_650 = arith.constant 288 : index
        %get3A_651 = tpu.vector_load %arg11[%get3A_649, %get3A_650] {strides = array<i32>} : memref<64x512xf32, #tpu.memory_space<vmem>>, vector<1x16xf32>,
        %get3A_652 = vector.shape_cast %get3A_651 : vector<1x16xf32> to vector<16xf32>
        %mul3A_653 = vector.broadcast %squeeze3A_546 : f32 to vector<16xf32>
        %mul3A_654 = arith.mulf %mul3A_653, %get3A_652 : vector<16xf32>
        %add3A_655 = arith.addf %add3A_646, %mul3A_654 : vector<16xf32>
        %add3A_656 = arith.constant 1 : i32
        %add3A_657 = arith.addi %mul3A_182, %add3A_656 : i32
        %get3A_658 = arith.index_cast %add3A_657 : i32 to index
        %get3A_659 = arith.constant 416 : index
        %get3A_660 = tpu.vector_load %arg11[%get3A_658, %get3A_659] {strides = array<i32>} : memref<64x512xf32, #tpu.memory_space<vmem>>, vector<1x16xf32>,
        %get3A_661 = vector.shape_cast %get3A_660 : vector<1x16xf32> to vector<16xf32>
        %mul3A_662 = vector.broadcast %squeeze3A_556 : f32 to vector<16xf32>
        %mul3A_663 = arith.mulf %mul3A_662, %get3A_661 : vector<16xf32>
        %add3A_664 = arith.addf %add3A_655, %mul3A_663 : vector<16xf32>
        %add3A_665 = arith.constant 1 : i32
        %add3A_666 = arith.addi %mul3A_182, %add3A_665 : i32
        %get3A_667 = arith.index_cast %add3A_666 : i32 to index
        %get3A_668 = arith.constant 48 : index
        %get3A_669 = tpu.vector_load %arg11[%get3A_667, %get3A_668] {strides = array<i32>} : memref<64x512xf32, #tpu.memory_space<vmem>>, vector<1x16xf32>,
        %get3A_670 = vector.shape_cast %get3A_669 : vector<1x16xf32> to vector<16xf32>
        %mul3A_671 = vector.broadcast %squeeze3A_526 : f32 to vector<16xf32>
        %mul3A_672 = arith.mulf %mul3A_671, %get3A_670 : vector<16xf32>
        %add3A_673 = arith.addf %add3A_368, %mul3A_672 : vector<16xf32>
        %add3A_674 = arith.constant 1 : i32
        %add3A_675 = arith.addi %mul3A_182, %add3A_674 : i32
        %get3A_676 = arith.index_cast %add3A_675 : i32 to index
        %get3A_677 = arith.constant 176 : index
        %get3A_678 = tpu.vector_load %arg11[%get3A_676, %get3A_677] {strides = array<i32>} : memref<64x512xf32, #tpu.memory_space<vmem>>, vector<1x16xf32>,
        %get3A_679 = vector.shape_cast %get3A_678 : vector<1x16xf32> to vector<16xf32>
        %mul3A_680 = vector.broadcast %squeeze3A_536 : f32 to vector<16xf32>
        %mul3A_681 = arith.mulf %mul3A_680, %get3A_679 : vector<16xf32>
        %add3A_682 = arith.addf %add3A_673, %mul3A_681 : vector<16xf32>
        %add3A_683 = arith.constant 1 : i32
        %add3A_684 = arith.addi %mul3A_182, %add3A_683 : i32
        %get3A_685 = arith.index_cast %add3A_684 : i32 to index
        %get3A_686 = arith.constant 304 : index
        %get3A_687 = tpu.vector_load %arg11[%get3A_685, %get3A_686] {strides = array<i32>} : memref<64x512xf32, #tpu.memory_space<vmem>>, vector<1x16xf32>,
        %get3A_688 = vector.shape_cast %get3A_687 : vector<1x16xf32> to vector<16xf32>
        %mul3A_689 = vector.broadcast %squeeze3A_546 : f32 to vector<16xf32>
        %mul3A_690 = arith.mulf %mul3A_689, %get3A_688 : vector<16xf32>
        %add3A_691 = arith.addf %add3A_682, %mul3A_690 : vector<16xf32>
        %add3A_692 = arith.constant 1 : i32
        %add3A_693 = arith.addi %mul3A_182, %add3A_692 : i32
        %get3A_694 = arith.index_cast %add3A_693 : i32 to index
        %get3A_695 = arith.constant 432 : index
        %get3A_696 = tpu.vector_load %arg11[%get3A_694, %get3A_695] {strides = array<i32>} : memref<64x512xf32, #tpu.memory_space<vmem>>, vector<1x16xf32>,
        %get3A_697 = vector.shape_cast %get3A_696 : vector<1x16xf32> to vector<16xf32>
        %mul3A_698 = vector.broadcast %squeeze3A_556 : f32 to vector<16xf32>
        %mul3A_699 = arith.mulf %mul3A_698, %get3A_697 : vector<16xf32>
        %add3A_700 = arith.addf %add3A_691, %mul3A_699 : vector<16xf32>
        %add3A_701 = arith.constant 1 : i32
        %add3A_702 = arith.addi %mul3A_182, %add3A_701 : i32
        %get3A_703 = arith.index_cast %add3A_702 : i32 to index
        %get3A_704 = arith.constant 64 : index
        %get3A_705 = tpu.vector_load %arg11[%get3A_703, %get3A_704] {strides = array<i32>} : memref<64x512xf32, #tpu.memory_space<vmem>>, vector<1x16xf32>,
        %get3A_706 = vector.shape_cast %get3A_705 : vector<1x16xf32> to vector<16xf32>
        %mul3A_707 = vector.broadcast %squeeze3A_526 : f32 to vector<16xf32>
        %mul3A_708 = arith.mulf %mul3A_707, %get3A_706 : vector<16xf32>
        %add3A_709 = arith.addf %add3A_404, %mul3A_708 : vector<16xf32>
        %add3A_710 = arith.constant 1 : i32
        %add3A_711 = arith.addi %mul3A_182, %add3A_710 : i32
        %get3A_712 = arith.index_cast %add3A_711 : i32 to index
        %get3A_713 = arith.constant 192 : index
        %get3A_714 = tpu.vector_load %arg11[%get3A_712, %get3A_713] {strides = array<i32>} : memref<64x512xf32, #tpu.memory_space<vmem>>, vector<1x16xf32>,
        %get3A_715 = vector.shape_cast %get3A_714 : vector<1x16xf32> to vector<16xf32>
        %mul3A_716 = vector.broadcast %squeeze3A_536 : f32 to vector<16xf32>
        %mul3A_717 = arith.mulf %mul3A_716, %get3A_715 : vector<16xf32>
        %add3A_718 = arith.addf %add3A_709, %mul3A_717 : vector<16xf32>
        %add3A_719 = arith.constant 1 : i32
        %add3A_720 = arith.addi %mul3A_182, %add3A_719 : i32
        %get3A_721 = arith.index_cast %add3A_720 : i32 to index
        %get3A_722 = arith.constant 320 : index
        %get3A_723 = tpu.vector_load %arg11[%get3A_721, %get3A_722] {strides = array<i32>} : memref<64x512xf32, #tpu.memory_space<vmem>>, vector<1x16xf32>,
        %get3A_724 = vector.shape_cast %get3A_723 : vector<1x16xf32> to vector<16xf32>
        %mul3A_725 = vector.broadcast %squeeze3A_546 : f32 to vector<16xf32>
        %mul3A_726 = arith.mulf %mul3A_725, %get3A_724 : vector<16xf32>
        %add3A_727 = arith.addf %add3A_718, %mul3A_726 : vector<16xf32>
        %add3A_728 = arith.constant 1 : i32
        %add3A_729 = arith.addi %mul3A_182, %add3A_728 : i32
        %get3A_730 = arith.index_cast %add3A_729 : i32 to index
        %get3A_731 = arith.constant 448 : index
        %get3A_732 = tpu.vector_load %arg11[%get3A_730, %get3A_731] {strides = array<i32>} : memref<64x512xf32, #tpu.memory_space<vmem>>, vector<1x16xf32>,
        %get3A_733 = vector.shape_cast %get3A_732 : vector<1x16xf32> to vector<16xf32>
        %mul3A_734 = vector.broadcast %squeeze3A_556 : f32 to vector<16xf32>
        %mul3A_735 = arith.mulf %mul3A_734, %get3A_733 : vector<16xf32>
        %add3A_736 = arith.addf %add3A_727, %mul3A_735 : vector<16xf32>
        %add3A_737 = arith.constant 1 : i32
        %add3A_738 = arith.addi %mul3A_182, %add3A_737 : i32
        %get3A_739 = arith.index_cast %add3A_738 : i32 to index
        %get3A_740 = arith.constant 80 : index
        %get3A_741 = tpu.vector_load %arg11[%get3A_739, %get3A_740] {strides = array<i32>} : memref<64x512xf32, #tpu.memory_space<vmem>>, vector<1x16xf32>,
        %get3A_742 = vector.shape_cast %get3A_741 : vector<1x16xf32> to vector<16xf32>
        %mul3A_743 = vector.broadcast %squeeze3A_526 : f32 to vector<16xf32>
        %mul3A_744 = arith.mulf %mul3A_743, %get3A_742 : vector<16xf32>
        %add3A_745 = arith.addf %add3A_440, %mul3A_744 : vector<16xf32>
        %add3A_746 = arith.constant 1 : i32
        %add3A_747 = arith.addi %mul3A_182, %add3A_746 : i32
        %get3A_748 = arith.index_cast %add3A_747 : i32 to index
        %get3A_749 = arith.constant 208 : index
        %get3A_750 = tpu.vector_load %arg11[%get3A_748, %get3A_749] {strides = array<i32>} : memref<64x512xf32, #tpu.memory_space<vmem>>, vector<1x16xf32>,
        %get3A_751 = vector.shape_cast %get3A_750 : vector<1x16xf32> to vector<16xf32>
        %mul3A_752 = vector.broadcast %squeeze3A_536 : f32 to vector<16xf32>
        %mul3A_753 = arith.mulf %mul3A_752, %get3A_751 : vector<16xf32>
        %add3A_754 = arith.addf %add3A_745, %mul3A_753 : vector<16xf32>
        %add3A_755 = arith.constant 1 : i32
        %add3A_756 = arith.addi %mul3A_182, %add3A_755 : i32
        %get3A_757 = arith.index_cast %add3A_756 : i32 to index
        %get3A_758 = arith.constant 336 : index
        %get3A_759 = tpu.vector_load %arg11[%get3A_757, %get3A_758] {strides = array<i32>} : memref<64x512xf32, #tpu.memory_space<vmem>>, vector<1x16xf32>,
        %get3A_760 = vector.shape_cast %get3A_759 : vector<1x16xf32> to vector<16xf32>
        %mul3A_761 = vector.broadcast %squeeze3A_546 : f32 to vector<16xf32>
        %mul3A_762 = arith.mulf %mul3A_761, %get3A_760 : vector<16xf32>
        %add3A_763 = arith.addf %add3A_754, %mul3A_762 : vector<16xf32>
        %add3A_764 = arith.constant 1 : i32
        %add3A_765 = arith.addi %mul3A_182, %add3A_764 : i32
        %get3A_766 = arith.index_cast %add3A_765 : i32 to index
        %get3A_767 = arith.constant 464 : index
        %get3A_768 = tpu.vector_load %arg11[%get3A_766, %get3A_767] {strides = array<i32>} : memref<64x512xf32, #tpu.memory_space<vmem>>, vector<1x16xf32>,
        %get3A_769 = vector.shape_cast %get3A_768 : vector<1x16xf32> to vector<16xf32>
        %mul3A_770 = vector.broadcast %squeeze3A_556 : f32 to vector<16xf32>
        %mul3A_771 = arith.mulf %mul3A_770, %get3A_769 : vector<16xf32>
        %add3A_772 = arith.addf %add3A_763, %mul3A_771 : vector<16xf32>
        %add3A_773 = arith.constant 1 : i32
        %add3A_774 = arith.addi %mul3A_182, %add3A_773 : i32
        %get3A_775 = arith.index_cast %add3A_774 : i32 to index
        %get3A_776 = arith.constant 96 : index
        %get3A_777 = tpu.vector_load %arg11[%get3A_775, %get3A_776] {strides = array<i32>} : memref<64x512xf32, #tpu.memory_space<vmem>>, vector<1x16xf32>,
        %get3A_778 = vector.shape_cast %get3A_777 : vector<1x16xf32> to vector<16xf32>
        %mul3A_779 = vector.broadcast %squeeze3A_526 : f32 to vector<16xf32>
        %mul3A_780 = arith.mulf %mul3A_779, %get3A_778 : vector<16xf32>
        %add3A_781 = arith.addf %add3A_476, %mul3A_780 : vector<16xf32>
        %add3A_782 = arith.constant 1 : i32
        %add3A_783 = arith.addi %mul3A_182, %add3A_782 : i32
        %get3A_784 = arith.index_cast %add3A_783 : i32 to index
        %get3A_785 = arith.constant 224 : index
        %get3A_786 = tpu.vector_load %arg11[%get3A_784, %get3A_785] {strides = array<i32>} : memref<64x512xf32, #tpu.memory_space<vmem>>, vector<1x16xf32>,
        %get3A_787 = vector.shape_cast %get3A_786 : vector<1x16xf32> to vector<16xf32>
        %mul3A_788 = vector.broadcast %squeeze3A_536 : f32 to vector<16xf32>
        %mul3A_789 = arith.mulf %mul3A_788, %get3A_787 : vector<16xf32>
        %add3A_790 = arith.addf %add3A_781, %mul3A_789 : vector<16xf32>
        %add3A_791 = arith.constant 1 : i32
        %add3A_792 = arith.addi %mul3A_182, %add3A_791 : i32
        %get3A_793 = arith.index_cast %add3A_792 : i32 to index
        %get3A_794 = arith.constant 352 : index
        %get3A_795 = tpu.vector_load %arg11[%get3A_793, %get3A_794] {strides = array<i32>} : memref<64x512xf32, #tpu.memory_space<vmem>>, vector<1x16xf32>,
        %get3A_796 = vector.shape_cast %get3A_795 : vector<1x16xf32> to vector<16xf32>
        %mul3A_797 = vector.broadcast %squeeze3A_546 : f32 to vector<16xf32>
        %mul3A_798 = arith.mulf %mul3A_797, %get3A_796 : vector<16xf32>
        %add3A_799 = arith.addf %add3A_790, %mul3A_798 : vector<16xf32>
        %add3A_800 = arith.constant 1 : i32
        %add3A_801 = arith.addi %mul3A_182, %add3A_800 : i32
        %get3A_802 = arith.index_cast %add3A_801 : i32 to index
        %get3A_803 = arith.constant 480 : index
        %get3A_804 = tpu.vector_load %arg11[%get3A_802, %get3A_803] {strides = array<i32>} : memref<64x512xf32, #tpu.memory_space<vmem>>, vector<1x16xf32>,
        %get3A_805 = vector.shape_cast %get3A_804 : vector<1x16xf32> to vector<16xf32>
        %mul3A_806 = vector.broadcast %squeeze3A_556 : f32 to vector<16xf32>
        %mul3A_807 = arith.mulf %mul3A_806, %get3A_805 : vector<16xf32>
        %add3A_808 = arith.addf %add3A_799, %mul3A_807 : vector<16xf32>
        %add3A_809 = arith.constant 1 : i32
        %add3A_810 = arith.addi %mul3A_182, %add3A_809 : i32
        %get3A_811 = arith.index_cast %add3A_810 : i32 to index
        %get3A_812 = arith.constant 112 : index
        %get3A_813 = tpu.vector_load %arg11[%get3A_811, %get3A_812] {strides = array<i32>} : memref<64x512xf32, #tpu.memory_space<vmem>>, vector<1x16xf32>,
        %get3A_814 = vector.shape_cast %get3A_813 : vector<1x16xf32> to vector<16xf32>
        %mul3A_815 = vector.broadcast %squeeze3A_526 : f32 to vector<16xf32>
        %mul3A_816 = arith.mulf %mul3A_815, %get3A_814 : vector<16xf32>
        %add3A_817 = arith.addf %add3A_512, %mul3A_816 : vector<16xf32>
        %add3A_818 = arith.constant 1 : i32
        %add3A_819 = arith.addi %mul3A_182, %add3A_818 : i32
        %get3A_820 = arith.index_cast %add3A_819 : i32 to index
        %get3A_821 = arith.constant 240 : index
        %get3A_822 = tpu.vector_load %arg11[%get3A_820, %get3A_821] {strides = array<i32>} : memref<64x512xf32, #tpu.memory_space<vmem>>, vector<1x16xf32>,
        %get3A_823 = vector.shape_cast %get3A_822 : vector<1x16xf32> to vector<16xf32>
        %mul3A_824 = vector.broadcast %squeeze3A_536 : f32 to vector<16xf32>
        %mul3A_825 = arith.mulf %mul3A_824, %get3A_823 : vector<16xf32>
        %add3A_826 = arith.addf %add3A_817, %mul3A_825 : vector<16xf32>
        %add3A_827 = arith.constant 1 : i32
        %add3A_828 = arith.addi %mul3A_182, %add3A_827 : i32
        %get3A_829 = arith.index_cast %add3A_828 : i32 to index
        %get3A_830 = arith.constant 368 : index
        %get3A_831 = tpu.vector_load %arg11[%get3A_829, %get3A_830] {strides = array<i32>} : memref<64x512xf32, #tpu.memory_space<vmem>>, vector<1x16xf32>,
        %get3A_832 = vector.shape_cast %get3A_831 : vector<1x16xf32> to vector<16xf32>
        %mul3A_833 = vector.broadcast %squeeze3A_546 : f32 to vector<16xf32>
        %mul3A_834 = arith.mulf %mul3A_833, %get3A_832 : vector<16xf32>
        %add3A_835 = arith.addf %add3A_826, %mul3A_834 : vector<16xf32>
        %add3A_836 = arith.constant 1 : i32
        %add3A_837 = arith.addi %mul3A_182, %add3A_836 : i32
        %get3A_838 = arith.index_cast %add3A_837 : i32 to index
        %get3A_839 = arith.constant 496 : index
        %get3A_840 = tpu.vector_load %arg11[%get3A_838, %get3A_839] {strides = array<i32>} : memref<64x512xf32, #tpu.memory_space<vmem>>, vector<1x16xf32>,
        %get3A_841 = vector.shape_cast %get3A_840 : vector<1x16xf32> to vector<16xf32>
        %mul3A_842 = vector.broadcast %squeeze3A_556 : f32 to vector<16xf32>
        %mul3A_843 = arith.mulf %mul3A_842, %get3A_841 : vector<16xf32>
        %add3A_844 = arith.addf %add3A_835, %mul3A_843 : vector<16xf32>
        %add3A_845 = arith.constant 64 : i32
        %add3A_846 = arith.addi %add3A_845, %mul3A_182 : i32
        %add3A_847 = arith.constant 2 : i32
        %add3A_848 = arith.addi %add3A_846, %add3A_847 : i32
        %mul3A_849 = arith.constant 128 : i32
        %mul3A_850 = arith.muli %scan3A_75, %mul3A_849 : i32
        %add3A_851 = arith.constant 0 : i32
        %add3A_852 = arith.addi %add3A_851, %mul3A_850 : i32
        %add3A_853 = arith.addi %add3A_852, %add3A_848 : i32
        %get3A_854 = arith.index_cast %add3A_853 : i32 to index
        %get3A_855 = tpu.vector_load %arg7[%get3A_854] {strides = array<i32>} : memref<16400xf32, #tpu.memory_space<vmem>>, vector<16xf32>,
        %get3A_856 = vector.shape_cast %get3A_855 : vector<16xf32> to vector<16xf32>
        %slice3A_857 = vector.extract_strided_slice %get3A_856 {offsets = [0], sizes = [1], strides = [1]} : vector<16xf32> to vector<1xf32>
        %squeeze3A_858 = vector.extract %slice3A_857[0] : f32 from vector<1xf32>
        %mul3A_859 = arith.constant 128 : i32
        %mul3A_860 = arith.muli %scan3A_75, %mul3A_859 : i32
        %add3A_861 = arith.constant 4096 : i32
        %add3A_862 = arith.addi %add3A_861, %mul3A_860 : i32
        %add3A_863 = arith.addi %add3A_862, %add3A_848 : i32
        %get3A_864 = arith.index_cast %add3A_863 : i32 to index
        %get3A_865 = tpu.vector_load %arg7[%get3A_864] {strides = array<i32>} : memref<16400xf32, #tpu.memory_space<vmem>>, vector<16xf32>,
        %get3A_866 = vector.shape_cast %get3A_865 : vector<16xf32> to vector<16xf32>
        %slice3A_867 = vector.extract_strided_slice %get3A_866 {offsets = [0], sizes = [1], strides = [1]} : vector<16xf32> to vector<1xf32>
        %squeeze3A_868 = vector.extract %slice3A_867[0] : f32 from vector<1xf32>
        %mul3A_869 = arith.constant 128 : i32
        %mul3A_870 = arith.muli %scan3A_75, %mul3A_869 : i32
        %add3A_871 = arith.constant 8192 : i32
        %add3A_872 = arith.addi %add3A_871, %mul3A_870 : i32
        %add3A_873 = arith.addi %add3A_872, %add3A_848 : i32
        %get3A_874 = arith.index_cast %add3A_873 : i32 to index
        %get3A_875 = tpu.vector_load %arg7[%get3A_874] {strides = array<i32>} : memref<16400xf32, #tpu.memory_space<vmem>>, vector<16xf32>,
        %get3A_876 = vector.shape_cast %get3A_875 : vector<16xf32> to vector<16xf32>
        %slice3A_877 = vector.extract_strided_slice %get3A_876 {offsets = [0], sizes = [1], strides = [1]} : vector<16xf32> to vector<1xf32>
        %squeeze3A_878 = vector.extract %slice3A_877[0] : f32 from vector<1xf32>
        %mul3A_879 = arith.constant 128 : i32
        %mul3A_880 = arith.muli %scan3A_75, %mul3A_879 : i32
        %add3A_881 = arith.constant 12288 : i32
        %add3A_882 = arith.addi %add3A_881, %mul3A_880 : i32
        %add3A_883 = arith.addi %add3A_882, %add3A_848 : i32
        %get3A_884 = arith.index_cast %add3A_883 : i32 to index
        %get3A_885 = tpu.vector_load %arg7[%get3A_884] {strides = array<i32>} : memref<16400xf32, #tpu.memory_space<vmem>>, vector<16xf32>,
        %get3A_886 = vector.shape_cast %get3A_885 : vector<16xf32> to vector<16xf32>
        %slice3A_887 = vector.extract_strided_slice %get3A_886 {offsets = [0], sizes = [1], strides = [1]} : vector<16xf32> to vector<1xf32>
        %squeeze3A_888 = vector.extract %slice3A_887[0] : f32 from vector<1xf32>
        %add3A_889 = arith.constant 2 : i32
        %add3A_890 = arith.addi %mul3A_182, %add3A_889 : i32
        %get3A_891 = arith.index_cast %add3A_890 : i32 to index
        %get3A_892 = arith.constant 0 : index
        %get3A_893 = tpu.vector_load %arg11[%get3A_891, %get3A_892] {strides = array<i32>} : memref<64x512xf32, #tpu.memory_space<vmem>>, vector<1x16xf32>,
        %get3A_894 = vector.shape_cast %get3A_893 : vector<1x16xf32> to vector<16xf32>
        %mul3A_895 = vector.broadcast %squeeze3A_858 : f32 to vector<16xf32>
        %mul3A_896 = arith.mulf %mul3A_895, %get3A_894 : vector<16xf32>
        %add3A_897 = arith.addf %add3A_592, %mul3A_896 : vector<16xf32>
        %add3A_898 = arith.constant 2 : i32
        %add3A_899 = arith.addi %mul3A_182, %add3A_898 : i32
        %get3A_900 = arith.index_cast %add3A_899 : i32 to index
        %get3A_901 = arith.constant 128 : index
        %get3A_902 = tpu.vector_load %arg11[%get3A_900, %get3A_901] {strides = array<i32>} : memref<64x512xf32, #tpu.memory_space<vmem>>, vector<1x16xf32>,
        %get3A_903 = vector.shape_cast %get3A_902 : vector<1x16xf32> to vector<16xf32>
        %mul3A_904 = vector.broadcast %squeeze3A_868 : f32 to vector<16xf32>
        %mul3A_905 = arith.mulf %mul3A_904, %get3A_903 : vector<16xf32>
        %add3A_906 = arith.addf %add3A_897, %mul3A_905 : vector<16xf32>
        %add3A_907 = arith.constant 2 : i32
        %add3A_908 = arith.addi %mul3A_182, %add3A_907 : i32
        %get3A_909 = arith.index_cast %add3A_908 : i32 to index
        %get3A_910 = arith.constant 256 : index
        %get3A_911 = tpu.vector_load %arg11[%get3A_909, %get3A_910] {strides = array<i32>} : memref<64x512xf32, #tpu.memory_space<vmem>>, vector<1x16xf32>,
        %get3A_912 = vector.shape_cast %get3A_911 : vector<1x16xf32> to vector<16xf32>
        %mul3A_913 = vector.broadcast %squeeze3A_878 : f32 to vector<16xf32>
        %mul3A_914 = arith.mulf %mul3A_913, %get3A_912 : vector<16xf32>
        %add3A_915 = arith.addf %add3A_906, %mul3A_914 : vector<16xf32>
        %add3A_916 = arith.constant 2 : i32
        %add3A_917 = arith.addi %mul3A_182, %add3A_916 : i32
        %get3A_918 = arith.index_cast %add3A_917 : i32 to index
        %get3A_919 = arith.constant 384 : index
        %get3A_920 = tpu.vector_load %arg11[%get3A_918, %get3A_919] {strides = array<i32>} : memref<64x512xf32, #tpu.memory_space<vmem>>, vector<1x16xf32>,
        %get3A_921 = vector.shape_cast %get3A_920 : vector<1x16xf32> to vector<16xf32>
        %mul3A_922 = vector.broadcast %squeeze3A_888 : f32 to vector<16xf32>
        %mul3A_923 = arith.mulf %mul3A_922, %get3A_921 : vector<16xf32>
        %add3A_924 = arith.addf %add3A_915, %mul3A_923 : vector<16xf32>
        %add3A_925 = arith.constant 2 : i32
        %add3A_926 = arith.addi %mul3A_182, %add3A_925 : i32
        %get3A_927 = arith.index_cast %add3A_926 : i32 to index
        %get3A_928 = arith.constant 16 : index
        %get3A_929 = tpu.vector_load %arg11[%get3A_927, %get3A_928] {strides = array<i32>} : memref<64x512xf32, #tpu.memory_space<vmem>>, vector<1x16xf32>,
        %get3A_930 = vector.shape_cast %get3A_929 : vector<1x16xf32> to vector<16xf32>
        %mul3A_931 = vector.broadcast %squeeze3A_858 : f32 to vector<16xf32>
        %mul3A_932 = arith.mulf %mul3A_931, %get3A_930 : vector<16xf32>
        %add3A_933 = arith.addf %add3A_628, %mul3A_932 : vector<16xf32>
        %add3A_934 = arith.constant 2 : i32
        %add3A_935 = arith.addi %mul3A_182, %add3A_934 : i32
        %get3A_936 = arith.index_cast %add3A_935 : i32 to index
        %get3A_937 = arith.constant 144 : index
        %get3A_938 = tpu.vector_load %arg11[%get3A_936, %get3A_937] {strides = array<i32>} : memref<64x512xf32, #tpu.memory_space<vmem>>, vector<1x16xf32>,
        %get3A_939 = vector.shape_cast %get3A_938 : vector<1x16xf32> to vector<16xf32>
        %mul3A_940 = vector.broadcast %squeeze3A_868 : f32 to vector<16xf32>
        %mul3A_941 = arith.mulf %mul3A_940, %get3A_939 : vector<16xf32>
        %add3A_942 = arith.addf %add3A_933, %mul3A_941 : vector<16xf32>
        %add3A_943 = arith.constant 2 : i32
        %add3A_944 = arith.addi %mul3A_182, %add3A_943 : i32
        %get3A_945 = arith.index_cast %add3A_944 : i32 to index
        %get3A_946 = arith.constant 272 : index
        %get3A_947 = tpu.vector_load %arg11[%get3A_945, %get3A_946] {strides = array<i32>} : memref<64x512xf32, #tpu.memory_space<vmem>>, vector<1x16xf32>,
        %get3A_948 = vector.shape_cast %get3A_947 : vector<1x16xf32> to vector<16xf32>
        %mul3A_949 = vector.broadcast %squeeze3A_878 : f32 to vector<16xf32>
        %mul3A_950 = arith.mulf %mul3A_949, %get3A_948 : vector<16xf32>
        %add3A_951 = arith.addf %add3A_942, %mul3A_950 : vector<16xf32>
        %add3A_952 = arith.constant 2 : i32
        %add3A_953 = arith.addi %mul3A_182, %add3A_952 : i32
        %get3A_954 = arith.index_cast %add3A_953 : i32 to index
        %get3A_955 = arith.constant 400 : index
        %get3A_956 = tpu.vector_load %arg11[%get3A_954, %get3A_955] {strides = array<i32>} : memref<64x512xf32, #tpu.memory_space<vmem>>, vector<1x16xf32>,
        %get3A_957 = vector.shape_cast %get3A_956 : vector<1x16xf32> to vector<16xf32>
        %mul3A_958 = vector.broadcast %squeeze3A_888 : f32 to vector<16xf32>
        %mul3A_959 = arith.mulf %mul3A_958, %get3A_957 : vector<16xf32>
        %add3A_960 = arith.addf %add3A_951, %mul3A_959 : vector<16xf32>
        %add3A_961 = arith.constant 2 : i32
        %add3A_962 = arith.addi %mul3A_182, %add3A_961 : i32
        %get3A_963 = arith.index_cast %add3A_962 : i32 to index
        %get3A_964 = arith.constant 32 : index
        %get3A_965 = tpu.vector_load %arg11[%get3A_963, %get3A_964] {strides = array<i32>} : memref<64x512xf32, #tpu.memory_space<vmem>>, vector<1x16xf32>,
        %get3A_966 = vector.shape_cast %get3A_965 : vector<1x16xf32> to vector<16xf32>
        %mul3A_967 = vector.broadcast %squeeze3A_858 : f32 to vector<16xf32>
        %mul3A_968 = arith.mulf %mul3A_967, %get3A_966 : vector<16xf32>
        %add3A_969 = arith.addf %add3A_664, %mul3A_968 : vector<16xf32>
        %add3A_970 = arith.constant 2 : i32
        %add3A_971 = arith.addi %mul3A_182, %add3A_970 : i32
        %get3A_972 = arith.index_cast %add3A_971 : i32 to index
        %get3A_973 = arith.constant 160 : index
        %get3A_974 = tpu.vector_load %arg11[%get3A_972, %get3A_973] {strides = array<i32>} : memref<64x512xf32, #tpu.memory_space<vmem>>, vector<1x16xf32>,
        %get3A_975 = vector.shape_cast %get3A_974 : vector<1x16xf32> to vector<16xf32>
        %mul3A_976 = vector.broadcast %squeeze3A_868 : f32 to vector<16xf32>
        %mul3A_977 = arith.mulf %mul3A_976, %get3A_975 : vector<16xf32>
        %add3A_978 = arith.addf %add3A_969, %mul3A_977 : vector<16xf32>
        %add3A_979 = arith.constant 2 : i32
        %add3A_980 = arith.addi %mul3A_182, %add3A_979 : i32
        %get3A_981 = arith.index_cast %add3A_980 : i32 to index
        %get3A_982 = arith.constant 288 : index
        %get3A_983 = tpu.vector_load %arg11[%get3A_981, %get3A_982] {strides = array<i32>} : memref<64x512xf32, #tpu.memory_space<vmem>>, vector<1x16xf32>,
        %get3A_984 = vector.shape_cast %get3A_983 : vector<1x16xf32> to vector<16xf32>
        %mul3A_985 = vector.broadcast %squeeze3A_878 : f32 to vector<16xf32>
        %mul3A_986 = arith.mulf %mul3A_985, %get3A_984 : vector<16xf32>
        %add3A_987 = arith.addf %add3A_978, %mul3A_986 : vector<16xf32>
        %add3A_988 = arith.constant 2 : i32
        %add3A_989 = arith.addi %mul3A_182, %add3A_988 : i32
        %get3A_990 = arith.index_cast %add3A_989 : i32 to index
        %get3A_991 = arith.constant 416 : index
        %get3A_992 = tpu.vector_load %arg11[%get3A_990, %get3A_991] {strides = array<i32>} : memref<64x512xf32, #tpu.memory_space<vmem>>, vector<1x16xf32>,
        %get3A_993 = vector.shape_cast %get3A_992 : vector<1x16xf32> to vector<16xf32>
        %mul3A_994 = vector.broadcast %squeeze3A_888 : f32 to vector<16xf32>
        %mul3A_995 = arith.mulf %mul3A_994, %get3A_993 : vector<16xf32>
        %add3A_996 = arith.addf %add3A_987, %mul3A_995 : vector<16xf32>
        %add3A_997 = arith.constant 2 : i32
        %add3A_998 = arith.addi %mul3A_182, %add3A_997 : i32
        %get3A_999 = arith.index_cast %add3A_998 : i32 to index
        %get3A_1000 = arith.constant 48 : index
        %get3A_1001 = tpu.vector_load %arg11[%get3A_999, %get3A_1000] {strides = array<i32>} : memref<64x512xf32, #tpu.memory_space<vmem>>, vector<1x16xf32>,
        %get3A_1002 = vector.shape_cast %get3A_1001 : vector<1x16xf32> to vector<16xf32>
        %mul3A_1003 = vector.broadcast %squeeze3A_858 : f32 to vector<16xf32>
        %mul3A_1004 = arith.mulf %mul3A_1003, %get3A_1002 : vector<16xf32>
        %add3A_1005 = arith.addf %add3A_700, %mul3A_1004 : vector<16xf32>
        %add3A_1006 = arith.constant 2 : i32
        %add3A_1007 = arith.addi %mul3A_182, %add3A_1006 : i32
        %get3A_1008 = arith.index_cast %add3A_1007 : i32 to index
        %get3A_1009 = arith.constant 176 : index
        %get3A_1010 = tpu.vector_load %arg11[%get3A_1008, %get3A_1009] {strides = array<i32>} : memref<64x512xf32, #tpu.memory_space<vmem>>, vector<1x16xf32>,
        %get3A_1011 = vector.shape_cast %get3A_1010 : vector<1x16xf32> to vector<16xf32>
        %mul3A_1012 = vector.broadcast %squeeze3A_868 : f32 to vector<16xf32>
        %mul3A_1013 = arith.mulf %mul3A_1012, %get3A_1011 : vector<16xf32>
        %add3A_1014 = arith.addf %add3A_1005, %mul3A_1013 : vector<16xf32>
        %add3A_1015 = arith.constant 2 : i32
        %add3A_1016 = arith.addi %mul3A_182, %add3A_1015 : i32
        %get3A_1017 = arith.index_cast %add3A_1016 : i32 to index
        %get3A_1018 = arith.constant 304 : index
        %get3A_1019 = tpu.vector_load %arg11[%get3A_1017, %get3A_1018] {strides = array<i32>} : memref<64x512xf32, #tpu.memory_space<vmem>>, vector<1x16xf32>,
        %get3A_1020 = vector.shape_cast %get3A_1019 : vector<1x16xf32> to vector<16xf32>
        %mul3A_1021 = vector.broadcast %squeeze3A_878 : f32 to vector<16xf32>
        %mul3A_1022 = arith.mulf %mul3A_1021, %get3A_1020 : vector<16xf32>
        %add3A_1023 = arith.addf %add3A_1014, %mul3A_1022 : vector<16xf32>
        %add3A_1024 = arith.constant 2 : i32
        %add3A_1025 = arith.addi %mul3A_182, %add3A_1024 : i32
        %get3A_1026 = arith.index_cast %add3A_1025 : i32 to index
        %get3A_1027 = arith.constant 432 : index
        %get3A_1028 = tpu.vector_load %arg11[%get3A_1026, %get3A_1027] {strides = array<i32>} : memref<64x512xf32, #tpu.memory_space<vmem>>, vector<1x16xf32>,
        %get3A_1029 = vector.shape_cast %get3A_1028 : vector<1x16xf32> to vector<16xf32>
        %mul3A_1030 = vector.broadcast %squeeze3A_888 : f32 to vector<16xf32>
        %mul3A_1031 = arith.mulf %mul3A_1030, %get3A_1029 : vector<16xf32>
        %add3A_1032 = arith.addf %add3A_1023, %mul3A_1031 : vector<16xf32>
        %add3A_1033 = arith.constant 2 : i32
        %add3A_1034 = arith.addi %mul3A_182, %add3A_1033 : i32
        %get3A_1035 = arith.index_cast %add3A_1034 : i32 to index
        %get3A_1036 = arith.constant 64 : index
        %get3A_1037 = tpu.vector_load %arg11[%get3A_1035, %get3A_1036] {strides = array<i32>} : memref<64x512xf32, #tpu.memory_space<vmem>>, vector<1x16xf32>,
        %get3A_1038 = vector.shape_cast %get3A_1037 : vector<1x16xf32> to vector<16xf32>
        %mul3A_1039 = vector.broadcast %squeeze3A_858 : f32 to vector<16xf32>
        %mul3A_1040 = arith.mulf %mul3A_1039, %get3A_1038 : vector<16xf32>
        %add3A_1041 = arith.addf %add3A_736, %mul3A_1040 : vector<16xf32>
        %add3A_1042 = arith.constant 2 : i32
        %add3A_1043 = arith.addi %mul3A_182, %add3A_1042 : i32
        %get3A_1044 = arith.index_cast %add3A_1043 : i32 to index
        %get3A_1045 = arith.constant 192 : index
        %get3A_1046 = tpu.vector_load %arg11[%get3A_1044, %get3A_1045] {strides = array<i32>} : memref<64x512xf32, #tpu.memory_space<vmem>>, vector<1x16xf32>,
        %get3A_1047 = vector.shape_cast %get3A_1046 : vector<1x16xf32> to vector<16xf32>
        %mul3A_1048 = vector.broadcast %squeeze3A_868 : f32 to vector<16xf32>
        %mul3A_1049 = arith.mulf %mul3A_1048, %get3A_1047 : vector<16xf32>
        %add3A_1050 = arith.addf %add3A_1041, %mul3A_1049 : vector<16xf32>
        %add3A_1051 = arith.constant 2 : i32
        %add3A_1052 = arith.addi %mul3A_182, %add3A_1051 : i32
        %get3A_1053 = arith.index_cast %add3A_1052 : i32 to index
        %get3A_1054 = arith.constant 320 : index
        %get3A_1055 = tpu.vector_load %arg11[%get3A_1053, %get3A_1054] {strides = array<i32>} : memref<64x512xf32, #tpu.memory_space<vmem>>, vector<1x16xf32>,
        %get3A_1056 = vector.shape_cast %get3A_1055 : vector<1x16xf32> to vector<16xf32>
        %mul3A_1057 = vector.broadcast %squeeze3A_878 : f32 to vector<16xf32>
        %mul3A_1058 = arith.mulf %mul3A_1057, %get3A_1056 : vector<16xf32>
        %add3A_1059 = arith.addf %add3A_1050, %mul3A_1058 : vector<16xf32>
        %add3A_1060 = arith.constant 2 : i32
        %add3A_1061 = arith.addi %mul3A_182, %add3A_1060 : i32
        %get3A_1062 = arith.index_cast %add3A_1061 : i32 to index
        %get3A_1063 = arith.constant 448 : index
        %get3A_1064 = tpu.vector_load %arg11[%get3A_1062, %get3A_1063] {strides = array<i32>} : memref<64x512xf32, #tpu.memory_space<vmem>>, vector<1x16xf32>,
        %get3A_1065 = vector.shape_cast %get3A_1064 : vector<1x16xf32> to vector<16xf32>
        %mul3A_1066 = vector.broadcast %squeeze3A_888 : f32 to vector<16xf32>
        %mul3A_1067 = arith.mulf %mul3A_1066, %get3A_1065 : vector<16xf32>
        %add3A_1068 = arith.addf %add3A_1059, %mul3A_1067 : vector<16xf32>
        %add3A_1069 = arith.constant 2 : i32
        %add3A_1070 = arith.addi %mul3A_182, %add3A_1069 : i32
        %get3A_1071 = arith.index_cast %add3A_1070 : i32 to index
        %get3A_1072 = arith.constant 80 : index
        %get3A_1073 = tpu.vector_load %arg11[%get3A_1071, %get3A_1072] {strides = array<i32>} : memref<64x512xf32, #tpu.memory_space<vmem>>, vector<1x16xf32>,
        %get3A_1074 = vector.shape_cast %get3A_1073 : vector<1x16xf32> to vector<16xf32>
        %mul3A_1075 = vector.broadcast %squeeze3A_858 : f32 to vector<16xf32>
        %mul3A_1076 = arith.mulf %mul3A_1075, %get3A_1074 : vector<16xf32>
        %add3A_1077 = arith.addf %add3A_772, %mul3A_1076 : vector<16xf32>
        %add3A_1078 = arith.constant 2 : i32
        %add3A_1079 = arith.addi %mul3A_182, %add3A_1078 : i32
        %get3A_1080 = arith.index_cast %add3A_1079 : i32 to index
        %get3A_1081 = arith.constant 208 : index
        %get3A_1082 = tpu.vector_load %arg11[%get3A_1080, %get3A_1081] {strides = array<i32>} : memref<64x512xf32, #tpu.memory_space<vmem>>, vector<1x16xf32>,
        %get3A_1083 = vector.shape_cast %get3A_1082 : vector<1x16xf32> to vector<16xf32>
        %mul3A_1084 = vector.broadcast %squeeze3A_868 : f32 to vector<16xf32>
        %mul3A_1085 = arith.mulf %mul3A_1084, %get3A_1083 : vector<16xf32>
        %add3A_1086 = arith.addf %add3A_1077, %mul3A_1085 : vector<16xf32>
        %add3A_1087 = arith.constant 2 : i32
        %add3A_1088 = arith.addi %mul3A_182, %add3A_1087 : i32
        %get3A_1089 = arith.index_cast %add3A_1088 : i32 to index
        %get3A_1090 = arith.constant 336 : index
        %get3A_1091 = tpu.vector_load %arg11[%get3A_1089, %get3A_1090] {strides = array<i32>} : memref<64x512xf32, #tpu.memory_space<vmem>>, vector<1x16xf32>,
        %get3A_1092 = vector.shape_cast %get3A_1091 : vector<1x16xf32> to vector<16xf32>
        %mul3A_1093 = vector.broadcast %squeeze3A_878 : f32 to vector<16xf32>
        %mul3A_1094 = arith.mulf %mul3A_1093, %get3A_1092 : vector<16xf32>
        %add3A_1095 = arith.addf %add3A_1086, %mul3A_1094 : vector<16xf32>
        %add3A_1096 = arith.constant 2 : i32
        %add3A_1097 = arith.addi %mul3A_182, %add3A_1096 : i32
        %get3A_1098 = arith.index_cast %add3A_1097 : i32 to index
        %get3A_1099 = arith.constant 464 : index
        %get3A_1100 = tpu.vector_load %arg11[%get3A_1098, %get3A_1099] {strides = array<i32>} : memref<64x512xf32, #tpu.memory_space<vmem>>, vector<1x16xf32>,
        %get3A_1101 = vector.shape_cast %get3A_1100 : vector<1x16xf32> to vector<16xf32>
        %mul3A_1102 = vector.broadcast %squeeze3A_888 : f32 to vector<16xf32>
        %mul3A_1103 = arith.mulf %mul3A_1102, %get3A_1101 : vector<16xf32>
        %add3A_1104 = arith.addf %add3A_1095, %mul3A_1103 : vector<16xf32>
        %add3A_1105 = arith.constant 2 : i32
        %add3A_1106 = arith.addi %mul3A_182, %add3A_1105 : i32
        %get3A_1107 = arith.index_cast %add3A_1106 : i32 to index
        %get3A_1108 = arith.constant 96 : index
        %get3A_1109 = tpu.vector_load %arg11[%get3A_1107, %get3A_1108] {strides = array<i32>} : memref<64x512xf32, #tpu.memory_space<vmem>>, vector<1x16xf32>,
        %get3A_1110 = vector.shape_cast %get3A_1109 : vector<1x16xf32> to vector<16xf32>
        %mul3A_1111 = vector.broadcast %squeeze3A_858 : f32 to vector<16xf32>
        %mul3A_1112 = arith.mulf %mul3A_1111, %get3A_1110 : vector<16xf32>
        %add3A_1113 = arith.addf %add3A_808, %mul3A_1112 : vector<16xf32>
        %add3A_1114 = arith.constant 2 : i32
        %add3A_1115 = arith.addi %mul3A_182, %add3A_1114 : i32
        %get3A_1116 = arith.index_cast %add3A_1115 : i32 to index
        %get3A_1117 = arith.constant 224 : index
        %get3A_1118 = tpu.vector_load %arg11[%get3A_1116, %get3A_1117] {strides = array<i32>} : memref<64x512xf32, #tpu.memory_space<vmem>>, vector<1x16xf32>,
        %get3A_1119 = vector.shape_cast %get3A_1118 : vector<1x16xf32> to vector<16xf32>
        %mul3A_1120 = vector.broadcast %squeeze3A_868 : f32 to vector<16xf32>
        %mul3A_1121 = arith.mulf %mul3A_1120, %get3A_1119 : vector<16xf32>
        %add3A_1122 = arith.addf %add3A_1113, %mul3A_1121 : vector<16xf32>
        %add3A_1123 = arith.constant 2 : i32
        %add3A_1124 = arith.addi %mul3A_182, %add3A_1123 : i32
        %get3A_1125 = arith.index_cast %add3A_1124 : i32 to index
        %get3A_1126 = arith.constant 352 : index
        %get3A_1127 = tpu.vector_load %arg11[%get3A_1125, %get3A_1126] {strides = array<i32>} : memref<64x512xf32, #tpu.memory_space<vmem>>, vector<1x16xf32>,
        %get3A_1128 = vector.shape_cast %get3A_1127 : vector<1x16xf32> to vector<16xf32>
        %mul3A_1129 = vector.broadcast %squeeze3A_878 : f32 to vector<16xf32>
        %mul3A_1130 = arith.mulf %mul3A_1129, %get3A_1128 : vector<16xf32>
        %add3A_1131 = arith.addf %add3A_1122, %mul3A_1130 : vector<16xf32>
        %add3A_1132 = arith.constant 2 : i32
        %add3A_1133 = arith.addi %mul3A_182, %add3A_1132 : i32
        %get3A_1134 = arith.index_cast %add3A_1133 : i32 to index
        %get3A_1135 = arith.constant 480 : index
        %get3A_1136 = tpu.vector_load %arg11[%get3A_1134, %get3A_1135] {strides = array<i32>} : memref<64x512xf32, #tpu.memory_space<vmem>>, vector<1x16xf32>,
        %get3A_1137 = vector.shape_cast %get3A_1136 : vector<1x16xf32> to vector<16xf32>
        %mul3A_1138 = vector.broadcast %squeeze3A_888 : f32 to vector<16xf32>
        %mul3A_1139 = arith.mulf %mul3A_1138, %get3A_1137 : vector<16xf32>
        %add3A_1140 = arith.addf %add3A_1131, %mul3A_1139 : vector<16xf32>
        %add3A_1141 = arith.constant 2 : i32
        %add3A_1142 = arith.addi %mul3A_182, %add3A_1141 : i32
        %get3A_1143 = arith.index_cast %add3A_1142 : i32 to index
        %get3A_1144 = arith.constant 112 : index
        %get3A_1145 = tpu.vector_load %arg11[%get3A_1143, %get3A_1144] {strides = array<i32>} : memref<64x512xf32, #tpu.memory_space<vmem>>, vector<1x16xf32>,
        %get3A_1146 = vector.shape_cast %get3A_1145 : vector<1x16xf32> to vector<16xf32>
        %mul3A_1147 = vector.broadcast %squeeze3A_858 : f32 to vector<16xf32>
        %mul3A_1148 = arith.mulf %mul3A_1147, %get3A_1146 : vector<16xf32>
        %add3A_1149 = arith.addf %add3A_844, %mul3A_1148 : vector<16xf32>
        %add3A_1150 = arith.constant 2 : i32
        %add3A_1151 = arith.addi %mul3A_182, %add3A_1150 : i32
        %get3A_1152 = arith.index_cast %add3A_1151 : i32 to index
        %get3A_1153 = arith.constant 240 : index
        %get3A_1154 = tpu.vector_load %arg11[%get3A_1152, %get3A_1153] {strides = array<i32>} : memref<64x512xf32, #tpu.memory_space<vmem>>, vector<1x16xf32>,
        %get3A_1155 = vector.shape_cast %get3A_1154 : vector<1x16xf32> to vector<16xf32>
        %mul3A_1156 = vector.broadcast %squeeze3A_868 : f32 to vector<16xf32>
        %mul3A_1157 = arith.mulf %mul3A_1156, %get3A_1155 : vector<16xf32>
        %add3A_1158 = arith.addf %add3A_1149, %mul3A_1157 : vector<16xf32>
        %add3A_1159 = arith.constant 2 : i32
        %add3A_1160 = arith.addi %mul3A_182, %add3A_1159 : i32
        %get3A_1161 = arith.index_cast %add3A_1160 : i32 to index
        %get3A_1162 = arith.constant 368 : index
        %get3A_1163 = tpu.vector_load %arg11[%get3A_1161, %get3A_1162] {strides = array<i32>} : memref<64x512xf32, #tpu.memory_space<vmem>>, vector<1x16xf32>,
        %get3A_1164 = vector.shape_cast %get3A_1163 : vector<1x16xf32> to vector<16xf32>
        %mul3A_1165 = vector.broadcast %squeeze3A_878 : f32 to vector<16xf32>
        %mul3A_1166 = arith.mulf %mul3A_1165, %get3A_1164 : vector<16xf32>
        %add3A_1167 = arith.addf %add3A_1158, %mul3A_1166 : vector<16xf32>
        %add3A_1168 = arith.constant 2 : i32
        %add3A_1169 = arith.addi %mul3A_182, %add3A_1168 : i32
        %get3A_1170 = arith.index_cast %add3A_1169 : i32 to index
        %get3A_1171 = arith.constant 496 : index
        %get3A_1172 = tpu.vector_load %arg11[%get3A_1170, %get3A_1171] {strides = array<i32>} : memref<64x512xf32, #tpu.memory_space<vmem>>, vector<1x16xf32>,
        %get3A_1173 = vector.shape_cast %get3A_1172 : vector<1x16xf32> to vector<16xf32>
        %mul3A_1174 = vector.broadcast %squeeze3A_888 : f32 to vector<16xf32>
        %mul3A_1175 = arith.mulf %mul3A_1174, %get3A_1173 : vector<16xf32>
        %add3A_1176 = arith.addf %add3A_1167, %mul3A_1175 : vector<16xf32>
        %add3A_1177 = arith.constant 64 : i32
        %add3A_1178 = arith.addi %add3A_1177, %mul3A_182 : i32
        %add3A_1179 = arith.constant 3 : i32
        %add3A_1180 = arith.addi %add3A_1178, %add3A_1179 : i32
        %mul3A_1181 = arith.constant 128 : i32
        %mul3A_1182 = arith.muli %scan3A_75, %mul3A_1181 : i32
        %add3A_1183 = arith.constant 0 : i32
        %add3A_1184 = arith.addi %add3A_1183, %mul3A_1182 : i32
        %add3A_1185 = arith.addi %add3A_1184, %add3A_1180 : i32
        %get3A_1186 = arith.index_cast %add3A_1185 : i32 to index
        %get3A_1187 = tpu.vector_load %arg7[%get3A_1186] {strides = array<i32>} : memref<16400xf32, #tpu.memory_space<vmem>>, vector<16xf32>,
        %get3A_1188 = vector.shape_cast %get3A_1187 : vector<16xf32> to vector<16xf32>
        %slice3A_1189 = vector.extract_strided_slice %get3A_1188 {offsets = [0], sizes = [1], strides = [1]} : vector<16xf32> to vector<1xf32>
        %squeeze3A_1190 = vector.extract %slice3A_1189[0] : f32 from vector<1xf32>
        %mul3A_1191 = arith.constant 128 : i32
        %mul3A_1192 = arith.muli %scan3A_75, %mul3A_1191 : i32
        %add3A_1193 = arith.constant 4096 : i32
        %add3A_1194 = arith.addi %add3A_1193, %mul3A_1192 : i32
        %add3A_1195 = arith.addi %add3A_1194, %add3A_1180 : i32
        %get3A_1196 = arith.index_cast %add3A_1195 : i32 to index
        %get3A_1197 = tpu.vector_load %arg7[%get3A_1196] {strides = array<i32>} : memref<16400xf32, #tpu.memory_space<vmem>>, vector<16xf32>,
        %get3A_1198 = vector.shape_cast %get3A_1197 : vector<16xf32> to vector<16xf32>
        %slice3A_1199 = vector.extract_strided_slice %get3A_1198 {offsets = [0], sizes = [1], strides = [1]} : vector<16xf32> to vector<1xf32>
        %squeeze3A_1200 = vector.extract %slice3A_1199[0] : f32 from vector<1xf32>
        %mul3A_1201 = arith.constant 128 : i32
        %mul3A_1202 = arith.muli %scan3A_75, %mul3A_1201 : i32
        %add3A_1203 = arith.constant 8192 : i32
        %add3A_1204 = arith.addi %add3A_1203, %mul3A_1202 : i32
        %add3A_1205 = arith.addi %add3A_1204, %add3A_1180 : i32
        %get3A_1206 = arith.index_cast %add3A_1205 : i32 to index
        %get3A_1207 = tpu.vector_load %arg7[%get3A_1206] {strides = array<i32>} : memref<16400xf32, #tpu.memory_space<vmem>>, vector<16xf32>,
        %get3A_1208 = vector.shape_cast %get3A_1207 : vector<16xf32> to vector<16xf32>
        %slice3A_1209 = vector.extract_strided_slice %get3A_1208 {offsets = [0], sizes = [1], strides = [1]} : vector<16xf32> to vector<1xf32>
        %squeeze3A_1210 = vector.extract %slice3A_1209[0] : f32 from vector<1xf32>
        %mul3A_1211 = arith.constant 128 : i32
        %mul3A_1212 = arith.muli %scan3A_75, %mul3A_1211 : i32
        %add3A_1213 = arith.constant 12288 : i32
        %add3A_1214 = arith.addi %add3A_1213, %mul3A_1212 : i32
        %add3A_1215 = arith.addi %add3A_1214, %add3A_1180 : i32
        %get3A_1216 = arith.index_cast %add3A_1215 : i32 to index
        %get3A_1217 = tpu.vector_load %arg7[%get3A_1216] {strides = array<i32>} : memref<16400xf32, #tpu.memory_space<vmem>>, vector<16xf32>,
        %get3A_1218 = vector.shape_cast %get3A_1217 : vector<16xf32> to vector<16xf32>
        %slice3A_1219 = vector.extract_strided_slice %get3A_1218 {offsets = [0], sizes = [1], strides = [1]} : vector<16xf32> to vector<1xf32>
        %squeeze3A_1220 = vector.extract %slice3A_1219[0] : f32 from vector<1xf32>
        %add3A_1221 = arith.constant 3 : i32
        %add3A_1222 = arith.addi %mul3A_182, %add3A_1221 : i32
        %get3A_1223 = arith.index_cast %add3A_1222 : i32 to index
        %get3A_1224 = arith.constant 0 : index
        %get3A_1225 = tpu.vector_load %arg11[%get3A_1223, %get3A_1224] {strides = array<i32>} : memref<64x512xf32, #tpu.memory_space<vmem>>, vector<1x16xf32>,
        %get3A_1226 = vector.shape_cast %get3A_1225 : vector<1x16xf32> to vector<16xf32>
        %mul3A_1227 = vector.broadcast %squeeze3A_1190 : f32 to vector<16xf32>
        %mul3A_1228 = arith.mulf %mul3A_1227, %get3A_1226 : vector<16xf32>
        %add3A_1229 = arith.addf %add3A_924, %mul3A_1228 : vector<16xf32>
        %add3A_1230 = arith.constant 3 : i32
        %add3A_1231 = arith.addi %mul3A_182, %add3A_1230 : i32
        %get3A_1232 = arith.index_cast %add3A_1231 : i32 to index
        %get3A_1233 = arith.constant 128 : index
        %get3A_1234 = tpu.vector_load %arg11[%get3A_1232, %get3A_1233] {strides = array<i32>} : memref<64x512xf32, #tpu.memory_space<vmem>>, vector<1x16xf32>,
        %get3A_1235 = vector.shape_cast %get3A_1234 : vector<1x16xf32> to vector<16xf32>
        %mul3A_1236 = vector.broadcast %squeeze3A_1200 : f32 to vector<16xf32>
        %mul3A_1237 = arith.mulf %mul3A_1236, %get3A_1235 : vector<16xf32>
        %add3A_1238 = arith.addf %add3A_1229, %mul3A_1237 : vector<16xf32>
        %add3A_1239 = arith.constant 3 : i32
        %add3A_1240 = arith.addi %mul3A_182, %add3A_1239 : i32
        %get3A_1241 = arith.index_cast %add3A_1240 : i32 to index
        %get3A_1242 = arith.constant 256 : index
        %get3A_1243 = tpu.vector_load %arg11[%get3A_1241, %get3A_1242] {strides = array<i32>} : memref<64x512xf32, #tpu.memory_space<vmem>>, vector<1x16xf32>,
        %get3A_1244 = vector.shape_cast %get3A_1243 : vector<1x16xf32> to vector<16xf32>
        %mul3A_1245 = vector.broadcast %squeeze3A_1210 : f32 to vector<16xf32>
        %mul3A_1246 = arith.mulf %mul3A_1245, %get3A_1244 : vector<16xf32>
        %add3A_1247 = arith.addf %add3A_1238, %mul3A_1246 : vector<16xf32>
        %add3A_1248 = arith.constant 3 : i32
        %add3A_1249 = arith.addi %mul3A_182, %add3A_1248 : i32
        %get3A_1250 = arith.index_cast %add3A_1249 : i32 to index
        %get3A_1251 = arith.constant 384 : index
        %get3A_1252 = tpu.vector_load %arg11[%get3A_1250, %get3A_1251] {strides = array<i32>} : memref<64x512xf32, #tpu.memory_space<vmem>>, vector<1x16xf32>,
        %get3A_1253 = vector.shape_cast %get3A_1252 : vector<1x16xf32> to vector<16xf32>
        %mul3A_1254 = vector.broadcast %squeeze3A_1220 : f32 to vector<16xf32>
        %mul3A_1255 = arith.mulf %mul3A_1254, %get3A_1253 : vector<16xf32>
        %add3A_1256 = arith.addf %add3A_1247, %mul3A_1255 : vector<16xf32>
        %add3A_1257 = arith.constant 3 : i32
        %add3A_1258 = arith.addi %mul3A_182, %add3A_1257 : i32
        %get3A_1259 = arith.index_cast %add3A_1258 : i32 to index
        %get3A_1260 = arith.constant 16 : index
        %get3A_1261 = tpu.vector_load %arg11[%get3A_1259, %get3A_1260] {strides = array<i32>} : memref<64x512xf32, #tpu.memory_space<vmem>>, vector<1x16xf32>,
        %get3A_1262 = vector.shape_cast %get3A_1261 : vector<1x16xf32> to vector<16xf32>
        %mul3A_1263 = vector.broadcast %squeeze3A_1190 : f32 to vector<16xf32>
        %mul3A_1264 = arith.mulf %mul3A_1263, %get3A_1262 : vector<16xf32>
        %add3A_1265 = arith.addf %add3A_960, %mul3A_1264 : vector<16xf32>
        %add3A_1266 = arith.constant 3 : i32
        %add3A_1267 = arith.addi %mul3A_182, %add3A_1266 : i32
        %get3A_1268 = arith.index_cast %add3A_1267 : i32 to index
        %get3A_1269 = arith.constant 144 : index
        %get3A_1270 = tpu.vector_load %arg11[%get3A_1268, %get3A_1269] {strides = array<i32>} : memref<64x512xf32, #tpu.memory_space<vmem>>, vector<1x16xf32>,
        %get3A_1271 = vector.shape_cast %get3A_1270 : vector<1x16xf32> to vector<16xf32>
        %mul3A_1272 = vector.broadcast %squeeze3A_1200 : f32 to vector<16xf32>
        %mul3A_1273 = arith.mulf %mul3A_1272, %get3A_1271 : vector<16xf32>
        %add3A_1274 = arith.addf %add3A_1265, %mul3A_1273 : vector<16xf32>
        %add3A_1275 = arith.constant 3 : i32
        %add3A_1276 = arith.addi %mul3A_182, %add3A_1275 : i32
        %get3A_1277 = arith.index_cast %add3A_1276 : i32 to index
        %get3A_1278 = arith.constant 272 : index
        %get3A_1279 = tpu.vector_load %arg11[%get3A_1277, %get3A_1278] {strides = array<i32>} : memref<64x512xf32, #tpu.memory_space<vmem>>, vector<1x16xf32>,
        %get3A_1280 = vector.shape_cast %get3A_1279 : vector<1x16xf32> to vector<16xf32>
        %mul3A_1281 = vector.broadcast %squeeze3A_1210 : f32 to vector<16xf32>
        %mul3A_1282 = arith.mulf %mul3A_1281, %get3A_1280 : vector<16xf32>
        %add3A_1283 = arith.addf %add3A_1274, %mul3A_1282 : vector<16xf32>
        %add3A_1284 = arith.constant 3 : i32
        %add3A_1285 = arith.addi %mul3A_182, %add3A_1284 : i32
        %get3A_1286 = arith.index_cast %add3A_1285 : i32 to index
        %get3A_1287 = arith.constant 400 : index
        %get3A_1288 = tpu.vector_load %arg11[%get3A_1286, %get3A_1287] {strides = array<i32>} : memref<64x512xf32, #tpu.memory_space<vmem>>, vector<1x16xf32>,
        %get3A_1289 = vector.shape_cast %get3A_1288 : vector<1x16xf32> to vector<16xf32>
        %mul3A_1290 = vector.broadcast %squeeze3A_1220 : f32 to vector<16xf32>
        %mul3A_1291 = arith.mulf %mul3A_1290, %get3A_1289 : vector<16xf32>
        %add3A_1292 = arith.addf %add3A_1283, %mul3A_1291 : vector<16xf32>
        %add3A_1293 = arith.constant 3 : i32
        %add3A_1294 = arith.addi %mul3A_182, %add3A_1293 : i32
        %get3A_1295 = arith.index_cast %add3A_1294 : i32 to index
        %get3A_1296 = arith.constant 32 : index
        %get3A_1297 = tpu.vector_load %arg11[%get3A_1295, %get3A_1296] {strides = array<i32>} : memref<64x512xf32, #tpu.memory_space<vmem>>, vector<1x16xf32>,
        %get3A_1298 = vector.shape_cast %get3A_1297 : vector<1x16xf32> to vector<16xf32>
        %mul3A_1299 = vector.broadcast %squeeze3A_1190 : f32 to vector<16xf32>
        %mul3A_1300 = arith.mulf %mul3A_1299, %get3A_1298 : vector<16xf32>
        %add3A_1301 = arith.addf %add3A_996, %mul3A_1300 : vector<16xf32>
        %add3A_1302 = arith.constant 3 : i32
        %add3A_1303 = arith.addi %mul3A_182, %add3A_1302 : i32
        %get3A_1304 = arith.index_cast %add3A_1303 : i32 to index
        %get3A_1305 = arith.constant 160 : index
        %get3A_1306 = tpu.vector_load %arg11[%get3A_1304, %get3A_1305] {strides = array<i32>} : memref<64x512xf32, #tpu.memory_space<vmem>>, vector<1x16xf32>,
        %get3A_1307 = vector.shape_cast %get3A_1306 : vector<1x16xf32> to vector<16xf32>
        %mul3A_1308 = vector.broadcast %squeeze3A_1200 : f32 to vector<16xf32>
        %mul3A_1309 = arith.mulf %mul3A_1308, %get3A_1307 : vector<16xf32>
        %add3A_1310 = arith.addf %add3A_1301, %mul3A_1309 : vector<16xf32>
        %add3A_1311 = arith.constant 3 : i32
        %add3A_1312 = arith.addi %mul3A_182, %add3A_1311 : i32
        %get3A_1313 = arith.index_cast %add3A_1312 : i32 to index
        %get3A_1314 = arith.constant 288 : index
        %get3A_1315 = tpu.vector_load %arg11[%get3A_1313, %get3A_1314] {strides = array<i32>} : memref<64x512xf32, #tpu.memory_space<vmem>>, vector<1x16xf32>,
        %get3A_1316 = vector.shape_cast %get3A_1315 : vector<1x16xf32> to vector<16xf32>
        %mul3A_1317 = vector.broadcast %squeeze3A_1210 : f32 to vector<16xf32>
        %mul3A_1318 = arith.mulf %mul3A_1317, %get3A_1316 : vector<16xf32>
        %add3A_1319 = arith.addf %add3A_1310, %mul3A_1318 : vector<16xf32>
        %add3A_1320 = arith.constant 3 : i32
        %add3A_1321 = arith.addi %mul3A_182, %add3A_1320 : i32
        %get3A_1322 = arith.index_cast %add3A_1321 : i32 to index
        %get3A_1323 = arith.constant 416 : index
        %get3A_1324 = tpu.vector_load %arg11[%get3A_1322, %get3A_1323] {strides = array<i32>} : memref<64x512xf32, #tpu.memory_space<vmem>>, vector<1x16xf32>,
        %get3A_1325 = vector.shape_cast %get3A_1324 : vector<1x16xf32> to vector<16xf32>
        %mul3A_1326 = vector.broadcast %squeeze3A_1220 : f32 to vector<16xf32>
        %mul3A_1327 = arith.mulf %mul3A_1326, %get3A_1325 : vector<16xf32>
        %add3A_1328 = arith.addf %add3A_1319, %mul3A_1327 : vector<16xf32>
        %add3A_1329 = arith.constant 3 : i32
        %add3A_1330 = arith.addi %mul3A_182, %add3A_1329 : i32
        %get3A_1331 = arith.index_cast %add3A_1330 : i32 to index
        %get3A_1332 = arith.constant 48 : index
        %get3A_1333 = tpu.vector_load %arg11[%get3A_1331, %get3A_1332] {strides = array<i32>} : memref<64x512xf32, #tpu.memory_space<vmem>>, vector<1x16xf32>,
        %get3A_1334 = vector.shape_cast %get3A_1333 : vector<1x16xf32> to vector<16xf32>
        %mul3A_1335 = vector.broadcast %squeeze3A_1190 : f32 to vector<16xf32>
        %mul3A_1336 = arith.mulf %mul3A_1335, %get3A_1334 : vector<16xf32>
        %add3A_1337 = arith.addf %add3A_1032, %mul3A_1336 : vector<16xf32>
        %add3A_1338 = arith.constant 3 : i32
        %add3A_1339 = arith.addi %mul3A_182, %add3A_1338 : i32
        %get3A_1340 = arith.index_cast %add3A_1339 : i32 to index
        %get3A_1341 = arith.constant 176 : index
        %get3A_1342 = tpu.vector_load %arg11[%get3A_1340, %get3A_1341] {strides = array<i32>} : memref<64x512xf32, #tpu.memory_space<vmem>>, vector<1x16xf32>,
        %get3A_1343 = vector.shape_cast %get3A_1342 : vector<1x16xf32> to vector<16xf32>
        %mul3A_1344 = vector.broadcast %squeeze3A_1200 : f32 to vector<16xf32>
        %mul3A_1345 = arith.mulf %mul3A_1344, %get3A_1343 : vector<16xf32>
        %add3A_1346 = arith.addf %add3A_1337, %mul3A_1345 : vector<16xf32>
        %add3A_1347 = arith.constant 3 : i32
        %add3A_1348 = arith.addi %mul3A_182, %add3A_1347 : i32
        %get3A_1349 = arith.index_cast %add3A_1348 : i32 to index
        %get3A_1350 = arith.constant 304 : index
        %get3A_1351 = tpu.vector_load %arg11[%get3A_1349, %get3A_1350] {strides = array<i32>} : memref<64x512xf32, #tpu.memory_space<vmem>>, vector<1x16xf32>,
        %get3A_1352 = vector.shape_cast %get3A_1351 : vector<1x16xf32> to vector<16xf32>
        %mul3A_1353 = vector.broadcast %squeeze3A_1210 : f32 to vector<16xf32>
        %mul3A_1354 = arith.mulf %mul3A_1353, %get3A_1352 : vector<16xf32>
        %add3A_1355 = arith.addf %add3A_1346, %mul3A_1354 : vector<16xf32>
        %add3A_1356 = arith.constant 3 : i32
        %add3A_1357 = arith.addi %mul3A_182, %add3A_1356 : i32
        %get3A_1358 = arith.index_cast %add3A_1357 : i32 to index
        %get3A_1359 = arith.constant 432 : index
        %get3A_1360 = tpu.vector_load %arg11[%get3A_1358, %get3A_1359] {strides = array<i32>} : memref<64x512xf32, #tpu.memory_space<vmem>>, vector<1x16xf32>,
        %get3A_1361 = vector.shape_cast %get3A_1360 : vector<1x16xf32> to vector<16xf32>
        %mul3A_1362 = vector.broadcast %squeeze3A_1220 : f32 to vector<16xf32>
        %mul3A_1363 = arith.mulf %mul3A_1362, %get3A_1361 : vector<16xf32>
        %add3A_1364 = arith.addf %add3A_1355, %mul3A_1363 : vector<16xf32>
        %add3A_1365 = arith.constant 3 : i32
        %add3A_1366 = arith.addi %mul3A_182, %add3A_1365 : i32
        %get3A_1367 = arith.index_cast %add3A_1366 : i32 to index
        %get3A_1368 = arith.constant 64 : index
        %get3A_1369 = tpu.vector_load %arg11[%get3A_1367, %get3A_1368] {strides = array<i32>} : memref<64x512xf32, #tpu.memory_space<vmem>>, vector<1x16xf32>,
        %get3A_1370 = vector.shape_cast %get3A_1369 : vector<1x16xf32> to vector<16xf32>
        %mul3A_1371 = vector.broadcast %squeeze3A_1190 : f32 to vector<16xf32>
        %mul3A_1372 = arith.mulf %mul3A_1371, %get3A_1370 : vector<16xf32>
        %add3A_1373 = arith.addf %add3A_1068, %mul3A_1372 : vector<16xf32>
        %add3A_1374 = arith.constant 3 : i32
        %add3A_1375 = arith.addi %mul3A_182, %add3A_1374 : i32
        %get3A_1376 = arith.index_cast %add3A_1375 : i32 to index
        %get3A_1377 = arith.constant 192 : index
        %get3A_1378 = tpu.vector_load %arg11[%get3A_1376, %get3A_1377] {strides = array<i32>} : memref<64x512xf32, #tpu.memory_space<vmem>>, vector<1x16xf32>,
        %get3A_1379 = vector.shape_cast %get3A_1378 : vector<1x16xf32> to vector<16xf32>
        %mul3A_1380 = vector.broadcast %squeeze3A_1200 : f32 to vector<16xf32>
        %mul3A_1381 = arith.mulf %mul3A_1380, %get3A_1379 : vector<16xf32>
        %add3A_1382 = arith.addf %add3A_1373, %mul3A_1381 : vector<16xf32>
        %add3A_1383 = arith.constant 3 : i32
        %add3A_1384 = arith.addi %mul3A_182, %add3A_1383 : i32
        %get3A_1385 = arith.index_cast %add3A_1384 : i32 to index
        %get3A_1386 = arith.constant 320 : index
        %get3A_1387 = tpu.vector_load %arg11[%get3A_1385, %get3A_1386] {strides = array<i32>} : memref<64x512xf32, #tpu.memory_space<vmem>>, vector<1x16xf32>,
        %get3A_1388 = vector.shape_cast %get3A_1387 : vector<1x16xf32> to vector<16xf32>
        %mul3A_1389 = vector.broadcast %squeeze3A_1210 : f32 to vector<16xf32>
        %mul3A_1390 = arith.mulf %mul3A_1389, %get3A_1388 : vector<16xf32>
        %add3A_1391 = arith.addf %add3A_1382, %mul3A_1390 : vector<16xf32>
        %add3A_1392 = arith.constant 3 : i32
        %add3A_1393 = arith.addi %mul3A_182, %add3A_1392 : i32
        %get3A_1394 = arith.index_cast %add3A_1393 : i32 to index
        %get3A_1395 = arith.constant 448 : index
        %get3A_1396 = tpu.vector_load %arg11[%get3A_1394, %get3A_1395] {strides = array<i32>} : memref<64x512xf32, #tpu.memory_space<vmem>>, vector<1x16xf32>,
        %get3A_1397 = vector.shape_cast %get3A_1396 : vector<1x16xf32> to vector<16xf32>
        %mul3A_1398 = vector.broadcast %squeeze3A_1220 : f32 to vector<16xf32>
        %mul3A_1399 = arith.mulf %mul3A_1398, %get3A_1397 : vector<16xf32>
        %add3A_1400 = arith.addf %add3A_1391, %mul3A_1399 : vector<16xf32>
        %add3A_1401 = arith.constant 3 : i32
        %add3A_1402 = arith.addi %mul3A_182, %add3A_1401 : i32
        %get3A_1403 = arith.index_cast %add3A_1402 : i32 to index
        %get3A_1404 = arith.constant 80 : index
        %get3A_1405 = tpu.vector_load %arg11[%get3A_1403, %get3A_1404] {strides = array<i32>} : memref<64x512xf32, #tpu.memory_space<vmem>>, vector<1x16xf32>,
        %get3A_1406 = vector.shape_cast %get3A_1405 : vector<1x16xf32> to vector<16xf32>
        %mul3A_1407 = vector.broadcast %squeeze3A_1190 : f32 to vector<16xf32>
        %mul3A_1408 = arith.mulf %mul3A_1407, %get3A_1406 : vector<16xf32>
        %add3A_1409 = arith.addf %add3A_1104, %mul3A_1408 : vector<16xf32>
        %add3A_1410 = arith.constant 3 : i32
        %add3A_1411 = arith.addi %mul3A_182, %add3A_1410 : i32
        %get3A_1412 = arith.index_cast %add3A_1411 : i32 to index
        %get3A_1413 = arith.constant 208 : index
        %get3A_1414 = tpu.vector_load %arg11[%get3A_1412, %get3A_1413] {strides = array<i32>} : memref<64x512xf32, #tpu.memory_space<vmem>>, vector<1x16xf32>,
        %get3A_1415 = vector.shape_cast %get3A_1414 : vector<1x16xf32> to vector<16xf32>
        %mul3A_1416 = vector.broadcast %squeeze3A_1200 : f32 to vector<16xf32>
        %mul3A_1417 = arith.mulf %mul3A_1416, %get3A_1415 : vector<16xf32>
        %add3A_1418 = arith.addf %add3A_1409, %mul3A_1417 : vector<16xf32>
        %add3A_1419 = arith.constant 3 : i32
        %add3A_1420 = arith.addi %mul3A_182, %add3A_1419 : i32
        %get3A_1421 = arith.index_cast %add3A_1420 : i32 to index
        %get3A_1422 = arith.constant 336 : index
        %get3A_1423 = tpu.vector_load %arg11[%get3A_1421, %get3A_1422] {strides = array<i32>} : memref<64x512xf32, #tpu.memory_space<vmem>>, vector<1x16xf32>,
        %get3A_1424 = vector.shape_cast %get3A_1423 : vector<1x16xf32> to vector<16xf32>
        %mul3A_1425 = vector.broadcast %squeeze3A_1210 : f32 to vector<16xf32>
        %mul3A_1426 = arith.mulf %mul3A_1425, %get3A_1424 : vector<16xf32>
        %add3A_1427 = arith.addf %add3A_1418, %mul3A_1426 : vector<16xf32>
        %add3A_1428 = arith.constant 3 : i32
        %add3A_1429 = arith.addi %mul3A_182, %add3A_1428 : i32
        %get3A_1430 = arith.index_cast %add3A_1429 : i32 to index
        %get3A_1431 = arith.constant 464 : index
        %get3A_1432 = tpu.vector_load %arg11[%get3A_1430, %get3A_1431] {strides = array<i32>} : memref<64x512xf32, #tpu.memory_space<vmem>>, vector<1x16xf32>,
        %get3A_1433 = vector.shape_cast %get3A_1432 : vector<1x16xf32> to vector<16xf32>
        %mul3A_1434 = vector.broadcast %squeeze3A_1220 : f32 to vector<16xf32>
        %mul3A_1435 = arith.mulf %mul3A_1434, %get3A_1433 : vector<16xf32>
        %add3A_1436 = arith.addf %add3A_1427, %mul3A_1435 : vector<16xf32>
        %add3A_1437 = arith.constant 3 : i32
        %add3A_1438 = arith.addi %mul3A_182, %add3A_1437 : i32
        %get3A_1439 = arith.index_cast %add3A_1438 : i32 to index
        %get3A_1440 = arith.constant 96 : index
        %get3A_1441 = tpu.vector_load %arg11[%get3A_1439, %get3A_1440] {strides = array<i32>} : memref<64x512xf32, #tpu.memory_space<vmem>>, vector<1x16xf32>,
        %get3A_1442 = vector.shape_cast %get3A_1441 : vector<1x16xf32> to vector<16xf32>
        %mul3A_1443 = vector.broadcast %squeeze3A_1190 : f32 to vector<16xf32>
        %mul3A_1444 = arith.mulf %mul3A_1443, %get3A_1442 : vector<16xf32>
        %add3A_1445 = arith.addf %add3A_1140, %mul3A_1444 : vector<16xf32>
        %add3A_1446 = arith.constant 3 : i32
        %add3A_1447 = arith.addi %mul3A_182, %add3A_1446 : i32
        %get3A_1448 = arith.index_cast %add3A_1447 : i32 to index
        %get3A_1449 = arith.constant 224 : index
        %get3A_1450 = tpu.vector_load %arg11[%get3A_1448, %get3A_1449] {strides = array<i32>} : memref<64x512xf32, #tpu.memory_space<vmem>>, vector<1x16xf32>,
        %get3A_1451 = vector.shape_cast %get3A_1450 : vector<1x16xf32> to vector<16xf32>
        %mul3A_1452 = vector.broadcast %squeeze3A_1200 : f32 to vector<16xf32>
        %mul3A_1453 = arith.mulf %mul3A_1452, %get3A_1451 : vector<16xf32>
        %add3A_1454 = arith.addf %add3A_1445, %mul3A_1453 : vector<16xf32>
        %add3A_1455 = arith.constant 3 : i32
        %add3A_1456 = arith.addi %mul3A_182, %add3A_1455 : i32
        %get3A_1457 = arith.index_cast %add3A_1456 : i32 to index
        %get3A_1458 = arith.constant 352 : index
        %get3A_1459 = tpu.vector_load %arg11[%get3A_1457, %get3A_1458] {strides = array<i32>} : memref<64x512xf32, #tpu.memory_space<vmem>>, vector<1x16xf32>,
        %get3A_1460 = vector.shape_cast %get3A_1459 : vector<1x16xf32> to vector<16xf32>
        %mul3A_1461 = vector.broadcast %squeeze3A_1210 : f32 to vector<16xf32>
        %mul3A_1462 = arith.mulf %mul3A_1461, %get3A_1460 : vector<16xf32>
        %add3A_1463 = arith.addf %add3A_1454, %mul3A_1462 : vector<16xf32>
        %add3A_1464 = arith.constant 3 : i32
        %add3A_1465 = arith.addi %mul3A_182, %add3A_1464 : i32
        %get3A_1466 = arith.index_cast %add3A_1465 : i32 to index
        %get3A_1467 = arith.constant 480 : index
        %get3A_1468 = tpu.vector_load %arg11[%get3A_1466, %get3A_1467] {strides = array<i32>} : memref<64x512xf32, #tpu.memory_space<vmem>>, vector<1x16xf32>,
        %get3A_1469 = vector.shape_cast %get3A_1468 : vector<1x16xf32> to vector<16xf32>
        %mul3A_1470 = vector.broadcast %squeeze3A_1220 : f32 to vector<16xf32>
        %mul3A_1471 = arith.mulf %mul3A_1470, %get3A_1469 : vector<16xf32>
        %add3A_1472 = arith.addf %add3A_1463, %mul3A_1471 : vector<16xf32>
        %add3A_1473 = arith.constant 3 : i32
        %add3A_1474 = arith.addi %mul3A_182, %add3A_1473 : i32
        %get3A_1475 = arith.index_cast %add3A_1474 : i32 to index
        %get3A_1476 = arith.constant 112 : index
        %get3A_1477 = tpu.vector_load %arg11[%get3A_1475, %get3A_1476] {strides = array<i32>} : memref<64x512xf32, #tpu.memory_space<vmem>>, vector<1x16xf32>,
        %get3A_1478 = vector.shape_cast %get3A_1477 : vector<1x16xf32> to vector<16xf32>
        %mul3A_1479 = vector.broadcast %squeeze3A_1190 : f32 to vector<16xf32>
        %mul3A_1480 = arith.mulf %mul3A_1479, %get3A_1478 : vector<16xf32>
        %add3A_1481 = arith.addf %add3A_1176, %mul3A_1480 : vector<16xf32>
        %add3A_1482 = arith.constant 3 : i32
        %add3A_1483 = arith.addi %mul3A_182, %add3A_1482 : i32
        %get3A_1484 = arith.index_cast %add3A_1483 : i32 to index
        %get3A_1485 = arith.constant 240 : index
        %get3A_1486 = tpu.vector_load %arg11[%get3A_1484, %get3A_1485] {strides = array<i32>} : memref<64x512xf32, #tpu.memory_space<vmem>>, vector<1x16xf32>,
        %get3A_1487 = vector.shape_cast %get3A_1486 : vector<1x16xf32> to vector<16xf32>
        %mul3A_1488 = vector.broadcast %squeeze3A_1200 : f32 to vector<16xf32>
        %mul3A_1489 = arith.mulf %mul3A_1488, %get3A_1487 : vector<16xf32>
        %add3A_1490 = arith.addf %add3A_1481, %mul3A_1489 : vector<16xf32>
        %add3A_1491 = arith.constant 3 : i32
        %add3A_1492 = arith.addi %mul3A_182, %add3A_1491 : i32
        %get3A_1493 = arith.index_cast %add3A_1492 : i32 to index
        %get3A_1494 = arith.constant 368 : index
        %get3A_1495 = tpu.vector_load %arg11[%get3A_1493, %get3A_1494] {strides = array<i32>} : memref<64x512xf32, #tpu.memory_space<vmem>>, vector<1x16xf32>,
        %get3A_1496 = vector.shape_cast %get3A_1495 : vector<1x16xf32> to vector<16xf32>
        %mul3A_1497 = vector.broadcast %squeeze3A_1210 : f32 to vector<16xf32>
        %mul3A_1498 = arith.mulf %mul3A_1497, %get3A_1496 : vector<16xf32>
        %add3A_1499 = arith.addf %add3A_1490, %mul3A_1498 : vector<16xf32>
        %add3A_1500 = arith.constant 3 : i32
        %add3A_1501 = arith.addi %mul3A_182, %add3A_1500 : i32
        %get3A_1502 = arith.index_cast %add3A_1501 : i32 to index
        %get3A_1503 = arith.constant 496 : index
        %get3A_1504 = tpu.vector_load %arg11[%get3A_1502, %get3A_1503] {strides = array<i32>} : memref<64x512xf32, #tpu.memory_space<vmem>>, vector<1x16xf32>,
        %get3A_1505 = vector.shape_cast %get3A_1504 : vector<1x16xf32> to vector<16xf32>
        %mul3A_1506 = vector.broadcast %squeeze3A_1220 : f32 to vector<16xf32>
        %mul3A_1507 = arith.mulf %mul3A_1506, %get3A_1505 : vector<16xf32>
        %add3A_1508 = arith.addf %add3A_1499, %mul3A_1507 : vector<16xf32>
        scf.yield %add3A_1256, %add3A_1292, %add3A_1328, %add3A_1364, %add3A_1400, %add3A_1436, %add3A_1472, %add3A_1508 : vector<16xf32>, vector<16xf32>, vector<16xf32>, vector<16xf32>, vector<16xf32>, vector<16xf32>, vector<16xf32>, vector<16xf32>
      }
      %scan3A_131 = arith.constant 16 : i32
      %swap3A_132 = arith.index_cast %scan3A_75 : i32 to index
      %swap3A_133 = arith.constant 0 : index
      %swap3A_134 = tpu.vector_load %arg12[%swap3A_132, %swap3A_133] {strides = array<i32>} : memref<32x128xf32, #tpu.memory_space<vmem>>, vector<1x16xf32>,
      %swap3A_135 = vector.shape_cast %swap3A_134 : vector<1x16xf32> to vector<16xf32>
      %swap3A_136 = vector.shape_cast %scan3A_130#0 : vector<16xf32> to vector<1x16xf32>
      tpu.vector_store %arg12[%swap3A_132, %swap3A_133], %swap3A_136 {strides = array<i32>} : memref<32x128xf32, #tpu.memory_space<vmem>>, vector<1x16xf32>,
      %swap3A_137 = arith.index_cast %scan3A_75 : i32 to index
      %swap3A_138 = arith.constant 16 : index
      %swap3A_139 = tpu.vector_load %arg12[%swap3A_137, %swap3A_138] {strides = array<i32>} : memref<32x128xf32, #tpu.memory_space<vmem>>, vector<1x16xf32>,
      %swap3A_140 = vector.shape_cast %swap3A_139 : vector<1x16xf32> to vector<16xf32>
      %swap3A_141 = vector.shape_cast %scan3A_130#1 : vector<16xf32> to vector<1x16xf32>
      tpu.vector_store %arg12[%swap3A_137, %swap3A_138], %swap3A_141 {strides = array<i32>} : memref<32x128xf32, #tpu.memory_space<vmem>>, vector<1x16xf32>,
      %swap3A_142 = arith.index_cast %scan3A_75 : i32 to index
      %swap3A_143 = arith.constant 32 : index
      %swap3A_144 = tpu.vector_load %arg12[%swap3A_142, %swap3A_143] {strides = array<i32>} : memref<32x128xf32, #tpu.memory_space<vmem>>, vector<1x16xf32>,
      %swap3A_145 = vector.shape_cast %swap3A_144 : vector<1x16xf32> to vector<16xf32>
      %swap3A_146 = vector.shape_cast %scan3A_130#2 : vector<16xf32> to vector<1x16xf32>
      tpu.vector_store %arg12[%swap3A_142, %swap3A_143], %swap3A_146 {strides = array<i32>} : memref<32x128xf32, #tpu.memory_space<vmem>>, vector<1x16xf32>,
      %swap3A_147 = arith.index_cast %scan3A_75 : i32 to index
      %swap3A_148 = arith.constant 48 : index
      %swap3A_149 = tpu.vector_load %arg12[%swap3A_147, %swap3A_148] {strides = array<i32>} : memref<32x128xf32, #tpu.memory_space<vmem>>, vector<1x16xf32>,
      %swap3A_150 = vector.shape_cast %swap3A_149 : vector<1x16xf32> to vector<16xf32>
      %swap3A_151 = vector.shape_cast %scan3A_130#3 : vector<16xf32> to vector<1x16xf32>
      tpu.vector_store %arg12[%swap3A_147, %swap3A_148], %swap3A_151 {strides = array<i32>} : memref<32x128xf32, #tpu.memory_space<vmem>>, vector<1x16xf32>,
      %swap3A_152 = arith.index_cast %scan3A_75 : i32 to index
      %swap3A_153 = arith.constant 64 : index
      %swap3A_154 = tpu.vector_load %arg12[%swap3A_152, %swap3A_153] {strides = array<i32>} : memref<32x128xf32, #tpu.memory_space<vmem>>, vector<1x16xf32>,
      %swap3A_155 = vector.shape_cast %swap3A_154 : vector<1x16xf32> to vector<16xf32>
      %swap3A_156 = vector.shape_cast %scan3A_130#4 : vector<16xf32> to vector<1x16xf32>
      tpu.vector_store %arg12[%swap3A_152, %swap3A_153], %swap3A_156 {strides = array<i32>} : memref<32x128xf32, #tpu.memory_space<vmem>>, vector<1x16xf32>,
      %swap3A_157 = arith.index_cast %scan3A_75 : i32 to index
      %swap3A_158 = arith.constant 80 : index
      %swap3A_159 = tpu.vector_load %arg12[%swap3A_157, %swap3A_158] {strides = array<i32>} : memref<32x128xf32, #tpu.memory_space<vmem>>, vector<1x16xf32>,
      %swap3A_160 = vector.shape_cast %swap3A_159 : vector<1x16xf32> to vector<16xf32>
      %swap3A_161 = vector.shape_cast %scan3A_130#5 : vector<16xf32> to vector<1x16xf32>
      tpu.vector_store %arg12[%swap3A_157, %swap3A_158], %swap3A_161 {strides = array<i32>} : memref<32x128xf32, #tpu.memory_space<vmem>>, vector<1x16xf32>,
      %swap3A_162 = arith.index_cast %scan3A_75 : i32 to index
      %swap3A_163 = arith.constant 96 : index
      %swap3A_164 = tpu.vector_load %arg12[%swap3A_162, %swap3A_163] {strides = array<i32>} : memref<32x128xf32, #tpu.memory_space<vmem>>, vector<1x16xf32>,
      %swap3A_165 = vector.shape_cast %swap3A_164 : vector<1x16xf32> to vector<16xf32>
      %swap3A_166 = vector.shape_cast %scan3A_130#6 : vector<16xf32> to vector<1x16xf32>
      tpu.vector_store %arg12[%swap3A_162, %swap3A_163], %swap3A_166 {strides = array<i32>} : memref<32x128xf32, #tpu.memory_space<vmem>>, vector<1x16xf32>,
      %swap3A_167 = arith.index_cast %scan3A_75 : i32 to index
      %swap3A_168 = arith.constant 112 : index
      %swap3A_169 = tpu.vector_load %arg12[%swap3A_167, %swap3A_168] {strides = array<i32>} : memref<32x128xf32, #tpu.memory_space<vmem>>, vector<1x16xf32>,
      %swap3A_170 = vector.shape_cast %swap3A_169 : vector<1x16xf32> to vector<16xf32>
      %swap3A_171 = vector.shape_cast %scan3A_130#7 : vector<16xf32> to vector<1x16xf32>
      tpu.vector_store %arg12[%swap3A_167, %swap3A_168], %swap3A_171 {strides = array<i32>} : memref<32x128xf32, #tpu.memory_space<vmem>>, vector<1x16xf32>,
    }
    %scan3A_74 = arith.constant 32 : i32
    "tpu.region"() ({
      %run_scoped3A = tpu.sem_alloc : memref<!tpu.dma_semaphore, #tpu.memory_space<semaphore_mem>>
      %dma_start3A_75 = arith.constant 0 : i32
      %dma_start3A_76 = tpu.memref_slice %arg5[%mul3A_2, %dma_start3A_75] : memref<1024x128xf32, #tpu.memory_space<hbm>> -> memref<32x128xf32, #tpu.memory_space<hbm>>
      %dma_start3A_77 = arith.constant 0 : i32
      %dma_start3A_78 = tpu.memref_slice %arg5[%mul3A_2, %dma_start3A_77] : memref<1024x128xf32, #tpu.memory_space<hbm>> -> memref<32x128xf32, #tpu.memory_space<hbm>>
      tpu.enqueue_dma source(%arg12 : memref<32x128xf32, #tpu.memory_space<vmem>>) target(%dma_start3A_78 : memref<32x128xf32, #tpu.memory_space<hbm>>) target_semaphore(%run_scoped3A : memref<!tpu.dma_semaphore, #tpu.memory_space<semaphore_mem>>)
      %dma_wait3A = arith.constant 0 : i32
      %dma_wait3A_79 = tpu.memref_slice %arg5[%mul3A_2, %dma_wait3A] : memref<1024x128xf32, #tpu.memory_space<hbm>> -> memref<32x128xf32, #tpu.memory_space<hbm>>
      %dma_wait3A_80 = arith.constant 0 : i32
      %dma_wait3A_81 = tpu.memref_slice %arg5[%mul3A_2, %dma_wait3A_80] : memref<1024x128xf32, #tpu.memory_space<hbm>> -> memref<32x128xf32, #tpu.memory_space<hbm>>
      tpu.wait_dma2 semaphore(%run_scoped3A : memref<!tpu.dma_semaphore, #tpu.memory_space<semaphore_mem>>) src(%arg12 : memref<32x128xf32, #tpu.memory_space<vmem>>) dst(%dma_wait3A_81 : memref<32x128xf32, #tpu.memory_space<hbm>>)
      tpu.yield
    }) : () -> ()
    return
  }
}

module attributes {stable_mosaic.version = 14 : i64} {
  func.func @_prep_body(%arg0: i32, %arg1: memref<256x128xf32, #tpu.memory_space<vmem>>, %arg2: memref<1x128xf32, #tpu.memory_space<vmem>>, %arg3: memref<1x128xf32, #tpu.memory_space<vmem>>, %arg4: memref<256x128xi32, #tpu.memory_space<vmem>>, %arg5: memref<4x256x128xf32, #tpu.memory_space<vmem>>) attributes {dimension_semantics = [#tpu.dimension_semantics<arbitrary>], iteration_bounds = array<i64: 4>, scalar_prefetch = 0 : i64, scratch_operands = 0 : i64, tpu.core_type = #tpu.core_type<tc>, window_params = [{transform_indices = @transform_0, window_bounds = array<i64: 256, 128>}, {pipeline_mode = #tpu.pipeline_mode<synchronous>, transform_indices = @transform_1, window_bounds = array<i64: 1, 128>}, {pipeline_mode = #tpu.pipeline_mode<synchronous>, transform_indices = @transform_2, window_bounds = array<i64: 1, 128>}, {transform_indices = @transform_3, window_bounds = array<i64: 256, 128>}, {transform_indices = @transform_4, window_bounds = array<i64: 4, 256, 128>}]} {
    %get3A = arith.constant 0 : index
    %get3A_0 = arith.constant 0 : index
    %get3A_1 = vector.load %arg1[%get3A, %get3A_0] : memref<256x128xf32, #tpu.memory_space<vmem>>, vector<256x128xf32>
    %reduce_sum3A = arith.constant dense<0.000000e+00> : vector<256xf32>
    %reduce_sum3A_2 = vector.multi_reduction <add>, %get3A_1, %reduce_sum3A [1] : vector<256x128xf32> to vector<256xf32>
    %broadcast_in_dim3A = vector.shape_cast %reduce_sum3A_2 : vector<256xf32> to vector<256x1xf32>
    %div3A = arith.constant 1.280000e+02 : f32
    %div3A_3 = vector.broadcast %div3A : f32 to vector<256x1xf32>
    %div3A_4 = arith.divf %broadcast_in_dim3A, %div3A_3 : vector<256x1xf32>
    %sub3A = vector.broadcast %div3A_4 : vector<256x1xf32> to vector<256x128xf32>
    %sub3A_5 = arith.subf %get3A_1, %sub3A : vector<256x128xf32>
    %integer_pow3A = arith.mulf %sub3A_5, %sub3A_5 : vector<256x128xf32>
    %reduce_sum3A_6 = arith.constant dense<0.000000e+00> : vector<256xf32>
    %reduce_sum3A_7 = vector.multi_reduction <add>, %integer_pow3A, %reduce_sum3A_6 [1] : vector<256x128xf32> to vector<256xf32>
    %broadcast_in_dim3A_8 = vector.shape_cast %reduce_sum3A_7 : vector<256xf32> to vector<256x1xf32>
    %div3A_9 = arith.constant 1.280000e+02 : f32
    %div3A_10 = vector.broadcast %div3A_9 : f32 to vector<256x1xf32>
    %div3A_11 = arith.divf %broadcast_in_dim3A_8, %div3A_10 : vector<256x1xf32>
    %sub3A_12 = vector.broadcast %div3A_4 : vector<256x1xf32> to vector<256x128xf32>
    %sub3A_13 = arith.subf %get3A_1, %sub3A_12 : vector<256x128xf32>
    %add3A = arith.constant 9.99999974E-6 : f32
    %add3A_14 = vector.broadcast %add3A : f32 to vector<256x1xf32>
    %add3A_15 = arith.addf %div3A_11, %add3A_14 : vector<256x1xf32>
    %rsqrt3A = math.rsqrt %add3A_15 : vector<256x1xf32>
    %mul3A = vector.broadcast %rsqrt3A : vector<256x1xf32> to vector<256x128xf32>
    %mul3A_16 = arith.mulf %sub3A_13, %mul3A : vector<256x128xf32>
    %get3A_17 = arith.constant 0 : index
    %get3A_18 = arith.constant 0 : index
    %get3A_19 = vector.load %arg2[%get3A_17, %get3A_18] : memref<1x128xf32, #tpu.memory_space<vmem>>, vector<1x128xf32>
    %mul3A_20 = vector.broadcast %get3A_19 : vector<1x128xf32> to vector<256x128xf32>
    %mul3A_21 = arith.mulf %mul3A_16, %mul3A_20 : vector<256x128xf32>
    %get3A_22 = arith.constant 0 : index
    %get3A_23 = arith.constant 0 : index
    %get3A_24 = vector.load %arg3[%get3A_22, %get3A_23] : memref<1x128xf32, #tpu.memory_space<vmem>>, vector<1x128xf32>
    %add3A_25 = vector.broadcast %get3A_24 : vector<1x128xf32> to vector<256x128xf32>
    %add3A_26 = arith.addf %mul3A_21, %add3A_25 : vector<256x128xf32>
    %jit3A = arith.constant -0.999998986 : f32
    %jit3A_27 = arith.constant 0.999998986 : f32
    %max3A = vector.broadcast %jit3A : f32 to vector<256x128xf32>
    %max3A_28 = arith.maximumf %max3A, %add3A_26 : vector<256x128xf32>
    %min3A = vector.broadcast %jit3A_27 : f32 to vector<256x128xf32>
    %min3A_29 = arith.minimumf %min3A, %max3A_28 : vector<256x128xf32>
    %add3A_30 = arith.constant 1.000000e+00 : f32
    %add3A_31 = vector.broadcast %add3A_30 : f32 to vector<256x128xf32>
    %add3A_32 = arith.addf %min3A_29, %add3A_31 : vector<256x128xf32>
    %div3A_33 = arith.constant 2.000000e+00 : f32
    %div3A_34 = vector.broadcast %div3A_33 : f32 to vector<256x128xf32>
    %div3A_35 = arith.divf %add3A_32, %div3A_34 : vector<256x128xf32>
    %mul3A_36 = arith.constant 1.000000e+02 : f32
    %mul3A_37 = vector.broadcast %mul3A_36 : f32 to vector<256x128xf32>
    %mul3A_38 = arith.mulf %div3A_35, %mul3A_37 : vector<256x128xf32>
    %floor3A = math.floor %mul3A_38 : vector<256x128xf32>
    %sub3A_39 = arith.subf %mul3A_38, %floor3A : vector<256x128xf32>
    %iota3A = tpu.iota {dimensions = array<i32: 1>} : vector<256x128xi32>
    %mul3A_40 = arith.constant 100 : i32
    %mul3A_41 = vector.broadcast %mul3A_40 : i32 to vector<256x128xi32>
    %mul3A_42 = arith.muli %iota3A, %mul3A_41 : vector<256x128xi32>
    %convert_element_type3A = arith.fptosi %floor3A : vector<256x128xf32> to vector<256x128xi32>
    %add3A_43 = arith.addi %mul3A_42, %convert_element_type3A : vector<256x128xi32>
    %swap3A = arith.constant 0 : index
    %swap3A_44 = arith.constant 0 : index
    %swap3A_45 = vector.load %arg4[%swap3A, %swap3A_44] : memref<256x128xi32, #tpu.memory_space<vmem>>, vector<256x128xi32>
    tpu.vector_store %arg4[%swap3A, %swap3A_44], %add3A_43 {strides = array<i32>} : memref<256x128xi32, #tpu.memory_space<vmem>>, vector<256x128xi32>,
    %convert_element_type3A_46 = arith.truncf %sub3A_39 : vector<256x128xf32> to vector<256x128xbf16>
    %convert_element_type3A_47 = arith.extf %convert_element_type3A_46 : vector<256x128xbf16> to vector<256x128xf32>
    %mul3A_48 = arith.mulf %sub3A_39, %sub3A_39 : vector<256x128xf32>
    %convert_element_type3A_49 = arith.truncf %mul3A_48 : vector<256x128xf32> to vector<256x128xbf16>
    %convert_element_type3A_50 = arith.extf %convert_element_type3A_49 : vector<256x128xbf16> to vector<256x128xf32>
    %mul3A_51 = arith.mulf %sub3A_39, %sub3A_39 : vector<256x128xf32>
    %mul3A_52 = arith.mulf %mul3A_51, %sub3A_39 : vector<256x128xf32>
    %convert_element_type3A_53 = arith.truncf %mul3A_52 : vector<256x128xf32> to vector<256x128xbf16>
    %convert_element_type3A_54 = arith.extf %convert_element_type3A_53 : vector<256x128xbf16> to vector<256x128xf32>
    %mul3A_55 = arith.constant 3.000000e+00 : f32
    %mul3A_56 = vector.broadcast %mul3A_55 : f32 to vector<256x128xf32>
    %mul3A_57 = arith.mulf %mul3A_56, %convert_element_type3A_47 : vector<256x128xf32>
    %sub3A_58 = arith.constant 1.000000e+00 : f32
    %sub3A_59 = vector.broadcast %sub3A_58 : f32 to vector<256x128xf32>
    %sub3A_60 = arith.subf %sub3A_59, %mul3A_57 : vector<256x128xf32>
    %mul3A_61 = arith.constant 3.000000e+00 : f32
    %mul3A_62 = vector.broadcast %mul3A_61 : f32 to vector<256x128xf32>
    %mul3A_63 = arith.mulf %mul3A_62, %convert_element_type3A_50 : vector<256x128xf32>
    %add3A_64 = arith.addf %sub3A_60, %mul3A_63 : vector<256x128xf32>
    %sub3A_65 = arith.subf %add3A_64, %convert_element_type3A_54 : vector<256x128xf32>
    %swap3A_66 = arith.constant 0 : index
    %swap3A_67 = arith.constant 0 : index
    %swap3A_68 = arith.constant 0 : index
    %swap3A_69 = vector.load %arg5[%swap3A_66, %swap3A_67, %swap3A_68] : memref<4x256x128xf32, #tpu.memory_space<vmem>>, vector<1x256x128xf32>
    %swap3A_70 = vector.shape_cast %swap3A_69 : vector<1x256x128xf32> to vector<256x128xf32>
    %swap3A_71 = vector.shape_cast %sub3A_65 : vector<256x128xf32> to vector<1x256x128xf32>
    tpu.vector_store %arg5[%swap3A_66, %swap3A_67, %swap3A_68], %swap3A_71 {strides = array<i32>} : memref<4x256x128xf32, #tpu.memory_space<vmem>>, vector<1x256x128xf32>,
    %mul3A_72 = arith.constant 3.000000e+00 : f32
    %mul3A_73 = vector.broadcast %mul3A_72 : f32 to vector<256x128xf32>
    %mul3A_74 = arith.mulf %mul3A_73, %convert_element_type3A_47 : vector<256x128xf32>
    %mul3A_75 = arith.constant 6.000000e+00 : f32
    %mul3A_76 = vector.broadcast %mul3A_75 : f32 to vector<256x128xf32>
    %mul3A_77 = arith.mulf %mul3A_76, %convert_element_type3A_50 : vector<256x128xf32>
    %sub3A_78 = arith.subf %mul3A_74, %mul3A_77 : vector<256x128xf32>
    %mul3A_79 = arith.constant 3.000000e+00 : f32
    %mul3A_80 = vector.broadcast %mul3A_79 : f32 to vector<256x128xf32>
    %mul3A_81 = arith.mulf %mul3A_80, %convert_element_type3A_54 : vector<256x128xf32>
    %add3A_82 = arith.addf %sub3A_78, %mul3A_81 : vector<256x128xf32>
    %swap3A_83 = arith.constant 1 : index
    %swap3A_84 = arith.constant 0 : index
    %swap3A_85 = arith.constant 0 : index
    %swap3A_86 = vector.load %arg5[%swap3A_83, %swap3A_84, %swap3A_85] : memref<4x256x128xf32, #tpu.memory_space<vmem>>, vector<1x256x128xf32>
    %swap3A_87 = vector.shape_cast %swap3A_86 : vector<1x256x128xf32> to vector<256x128xf32>
    %swap3A_88 = vector.shape_cast %add3A_82 : vector<256x128xf32> to vector<1x256x128xf32>
    tpu.vector_store %arg5[%swap3A_83, %swap3A_84, %swap3A_85], %swap3A_88 {strides = array<i32>} : memref<4x256x128xf32, #tpu.memory_space<vmem>>, vector<1x256x128xf32>,
    %mul3A_89 = arith.constant 3.000000e+00 : f32
    %mul3A_90 = vector.broadcast %mul3A_89 : f32 to vector<256x128xf32>
    %mul3A_91 = arith.mulf %mul3A_90, %convert_element_type3A_50 : vector<256x128xf32>
    %mul3A_92 = arith.constant 3.000000e+00 : f32
    %mul3A_93 = vector.broadcast %mul3A_92 : f32 to vector<256x128xf32>
    %mul3A_94 = arith.mulf %mul3A_93, %convert_element_type3A_54 : vector<256x128xf32>
    %sub3A_95 = arith.subf %mul3A_91, %mul3A_94 : vector<256x128xf32>
    %swap3A_96 = arith.constant 2 : index
    %swap3A_97 = arith.constant 0 : index
    %swap3A_98 = arith.constant 0 : index
    %swap3A_99 = vector.load %arg5[%swap3A_96, %swap3A_97, %swap3A_98] : memref<4x256x128xf32, #tpu.memory_space<vmem>>, vector<1x256x128xf32>
    %swap3A_100 = vector.shape_cast %swap3A_99 : vector<1x256x128xf32> to vector<256x128xf32>
    %swap3A_101 = vector.shape_cast %sub3A_95 : vector<256x128xf32> to vector<1x256x128xf32>
    tpu.vector_store %arg5[%swap3A_96, %swap3A_97, %swap3A_98], %swap3A_101 {strides = array<i32>} : memref<4x256x128xf32, #tpu.memory_space<vmem>>, vector<1x256x128xf32>,
    %swap3A_102 = arith.constant 3 : index
    %swap3A_103 = arith.constant 0 : index
    %swap3A_104 = arith.constant 0 : index
    %swap3A_105 = vector.load %arg5[%swap3A_102, %swap3A_103, %swap3A_104] : memref<4x256x128xf32, #tpu.memory_space<vmem>>, vector<1x256x128xf32>
    %swap3A_106 = vector.shape_cast %swap3A_105 : vector<1x256x128xf32> to vector<256x128xf32>
    %swap3A_107 = vector.shape_cast %convert_element_type3A_54 : vector<256x128xf32> to vector<1x256x128xf32>
    tpu.vector_store %arg5[%swap3A_102, %swap3A_103, %swap3A_104], %swap3A_107 {strides = array<i32>} : memref<4x256x128xf32, #tpu.memory_space<vmem>>, vector<1x256x128xf32>,
    return
  }
  func.func @transform_0(%arg0: i32) -> (i32, i32) {
    %c0_i32 = arith.constant 0 : i32
    %c0_i32_0 = arith.constant 0 : i32
    return %arg0, %c0_i32 : i32, i32
  }
  func.func @transform_1(%arg0: i32) -> (i32, i32) {
    %c0_i32 = arith.constant 0 : i32
    %c0_i32_0 = arith.constant 0 : i32
    %c0_i32_1 = arith.constant 0 : i32
    return %c0_i32, %c0_i32_0 : i32, i32
  }
  func.func @transform_2(%arg0: i32) -> (i32, i32) {
    %c0_i32 = arith.constant 0 : i32
    %c0_i32_0 = arith.constant 0 : i32
    %c0_i32_1 = arith.constant 0 : i32
    return %c0_i32, %c0_i32_0 : i32, i32
  }
  func.func @transform_3(%arg0: i32) -> (i32, i32) {
    %c0_i32 = arith.constant 0 : i32
    %c0_i32_0 = arith.constant 0 : i32
    return %arg0, %c0_i32 : i32, i32
  }
  func.func @transform_4(%arg0: i32) -> (i32, i32, i32) {
    %c0_i32 = arith.constant 0 : i32
    %c0_i32_0 = arith.constant 0 : i32
    %c0_i32_1 = arith.constant 0 : i32
    return %c0_i32, %arg0, %c0_i32_0 : i32, i32, i32
  }
}

</mosaic_0001>

<sc_bundles>
// kernel: kernel.4.cloned.1.call-start
scs
__scs_entry_jumppad:
0x0: {  	(pc) =	sbr.rel $0x88, $3  }
0x1: {  	(tag) =	ssettag $0x0;
	lr =	simm.s32 $0x1  }
0x2: {  	[smem:$0x3F9D] =	sst lr;
	_ =	strace $0xD0000000  }
0x3: {  	_ = 	snop  }
0x4: {  	_ = 	snop  }
0x5: {  	_ = 	snop  }
0x6: {  	_ = 	snop  }
0x7: {  	_ = 	snop  }
__scs_overlays_trampoline_lowered:
0x8: {  	[smem:$0x3FAC] =	sst s0  }
0x9: {  	[smem:$0x3FAD] =	sst s1  }
0xa: {  	[smem:$0x3FAE] =	sst s2  }
0xb: {  	[smem:$0x3FAF] =	sst s3  }
0xc: {  	[smem:$0x3FB0] =	sst s4  }
0xd: {  	[smem:$0x3FB1] =	sst s5  }
0xe: {  	[smem:$0x3FB2] =	sst s6  }
0xf: {  	[smem:$0x3FB3] =	sst s7  }
0x10: {  	[smem:$0x3FB4] =	sst s8  }
0x11: {  	[smem:$0x3FB5] =	sst s9;
	s0 =	simm.s32 @!p0 $0x0  }
0x12: {  	s1 =	sld [smem:$0x3F9B];
	s0 =	simm.s32 @p0 $0x1  }
0x13: {  	[smem:$0x3FB6] =	sst s0;
	s0 =	simm.s32 @!p1 $0x0  }
0x14: {  	s2 =	sld [smem:$0x3F9A];
	s0 =	simm.s32 @p1 $0x1  }
0x15: {  	[smem:$0x3FB7] =	sst s0;
	s0 =	simm.s32 @!p2 $0x0  }
0x16: {  	s3 =	sld [smem:$0x3FDB];
	s0 =	simm.s32 @p2 $0x1  }
0x17: {  	s4 =	simm.s32 $0x1BF5;
	[smem:$0x3FB9] =	sst s0  }
0x18: {  	s0 =	sld [smem:$0x3F9C];
	_ =	swait.ge [sflag:s4], $0x0  }
0x19: {  	s7 =	sld [smem:$0x3F9D]  }
0x1a: {  	s8 =	sadd.s32 $0xFFFFE003, lr  }
0x1b: {  	s9 =	sadd.s32 $0xFFFFFEF7, lr;
	s5 =	simm.s32 $0xFFFFFFFF;
	p2 =	slt.u32 s8, $0xFFFFF086  }
0x1c: {  	p1 =	slt.u32 s9, $0xF7A;
	s5 =	simm.s32 @!p2 $0x0  }
0x1d: {  	s5 =	simm.s32 @p1 $0x1;
	p0 =	seq.s32 s7, s2  }
0x1e: {  	s7 =	smul.u32 @!p0 $0xF7A, s2;
	p2 =	seq.s32 @!p0 s5, $0x0  }
0x1f: {  	s9 =	smul.u32 $0xF7A, s1;
	s8 =	simm.s32 @!p0 $0x1BF5;
	p2 =	por !p2, p0  }
0x20: {  	[sflag:s8] =	ssyncset.s32 @!p0 $0xFFFFF086;
	s6 =	sadd.s32 @!p0 s3, s7;
	s7 =	simm.s32 @!p0 $0x108  }
0x21: {  	s3 =	sadd.s32 s3, s9;
	s6 =	sadd.s32 @!p0 $0x88, s6;
	s7 =	simm.s32 @p2 $0x1082  }
0x22: {  	[simem:s7], [sflag:s8] =	dma.local @!p0 [hbm:s6], $0xF7A  }
0x23: {  	s9 =	sor.u32 $0xD0000000, s2;
	s6 =	simm.s32 $0x108;
	_ =	swait.ge @!p0 [sflag:s8], $0x0  }
0x24: {  	s3 =	sadd.s32 $0x88, s3;
	s6 =	simm.s32 @!p1 $0x1082;
	[sflag:s4] =	ssyncset.s32 $0xFFFFF086  }
0x25: {  	[simem:s6], [sflag:s4] =	dma.local [hbm:s3], $0xF7A  }
0x26: {  	[smem:$0x3F9D] =	sst s1;
	(tag) =	ssettag s2;
	_ =	strace s9  }
0x27: {  	s1 =	sld [smem:$0x3FAD]  }
0x28: {  	s2 =	sld [smem:$0x3FAE]  }
0x29: {  	s4 =	sld [smem:$0x3FB0]  }
0x2a: {  	p0 =	seq.s32 s5, $0x0;
	s5 =	sld [smem:$0x3FB1]  }
0x2b: {  	s6 =	sld [smem:$0x3FB2]  }
0x2c: {  	s7 =	sld [smem:$0x3FB3]  }
0x2d: {  	s3 =	simm.s32 $0x108;
	s8 =	sld [smem:$0x3FB4]  }
0x2e: {  	s3 =	simm.s32 @!p0 $0x1082;
	s9 =	sld [smem:$0x3FB5]  }
0x2f: {  	lr =	sadd.s32 s0, s3;
	s0 =	sld [smem:$0x3FAC]  }
0x30: {  	s3 =	sld [smem:$0x3FAF]  }
0x31: {  	[smem:$0x3FB8] =	sst s10  }
0x32: {  	s10 =	sld [smem:$0x3FB6];
	_ =	sdelay $0x3  }
0x33: {  	p0 =	seq.s32 s10, $0x1;
	s10 =	sld [smem:$0x3FB8];
	_ =	sdelay $0x3  }
0x34: {  	[smem:$0x3FB8] =	sst s10  }
0x35: {  	s10 =	sld [smem:$0x3FB7];
	_ =	sdelay $0x3  }
0x36: {  	p1 =	seq.s32 s10, $0x1;
	s10 =	sld [smem:$0x3FB8];
	_ =	sdelay $0x3  }
0x37: {  	[smem:$0x3FB8] =	sst s10  }
0x38: {  	s10 =	sld [smem:$0x3FB9]  }
0x39: {  	_ = 	snop;
	(pc) =	sbr.ind lr, $3  }
0x3a: {  	_ = 	snop  }
0x3b: {  	_ = 	snop  }
0x3c: {  	p2 =	seq.s32 s10, $0x1;
	s10 =	sld [smem:$0x3FB8]  }
0x3d: {  	_ =	shalt  }
0x3e: {  	_ =	shalt  }
0x3f: {  	_ =	shalt  }
0x40: {  	_ =	shalt  }
0x41: {  	_ =	shalt  }
0x42: {  	_ =	shalt  }
0x43: {  	_ =	shalt  }
0x44: {  	_ =	shalt  }
0x45: {  	_ =	shalt  }
0x46: {  	_ =	shalt  }
0x47: {  	_ =	shalt  }
0x48: {  	_ =	shalt  }
0x49: {  	_ =	shalt  }
0x4a: {  	_ =	shalt  }
0x4b: {  	_ =	shalt  }
0x4c: {  	_ =	shalt  }
0x4d: {  	_ =	shalt  }
0x4e: {  	_ =	shalt  }
0x4f: {  	_ =	shalt  }
0x50: {  	_ =	shalt  }
0x51: {  	_ =	shalt  }
0x52: {  	_ =	shalt  }
0x53: {  	_ =	shalt  }
0x54: {  	_ =	shalt  }
0x55: {  	_ =	shalt  }
0x56: {  	_ =	shalt  }
0x57: {  	_ =	shalt  }
0x58: {  	_ =	shalt  }
0x59: {  	_ =	shalt  }
0x5a: {  	_ =	shalt  }
0x5b: {  	_ =	shalt  }
0x5c: {  	_ =	shalt  }
0x5d: {  	_ =	shalt  }
0x5e: {  	_ =	shalt  }
0x5f: {  	_ =	shalt  }
0x60: {  	_ =	shalt  }
0x61: {  	_ =	shalt  }
0x62: {  	_ =	shalt  }
0x63: {  	_ =	shalt  }
0x64: {  	_ =	shalt  }
0x65: {  	_ =	shalt  }
0x66: {  	_ =	shalt  }
0x67: {  	_ =	shalt  }
0x68: {  	_ =	shalt  }
0x69: {  	_ =	shalt  }
0x6a: {  	_ =	shalt  }
0x6b: {  	_ =	shalt  }
0x6c: {  	_ =	shalt  }
0x6d: {  	_ =	shalt  }
0x6e: {  	_ =	shalt  }
0x6f: {  	_ =	shalt  }
0x70: {  	_ =	shalt  }
0x71: {  	_ =	shalt  }
0x72: {  	_ =	shalt  }
0x73: {  	_ =	shalt  }
0x74: {  	_ =	shalt  }
0x75: {  	_ =	shalt  }
0x76: {  	_ =	shalt  }
0x77: {  	_ =	shalt  }
0x78: {  	_ =	shalt  }
0x79: {  	_ =	shalt  }
0x7a: {  	_ =	shalt  }
0x7b: {  	_ =	shalt  }
0x7c: {  	_ =	shalt  }
0x7d: {  	_ =	shalt  }
0x7e: {  	_ =	shalt  }
0x7f: {  	_ =	shalt  }
0x80: {  	_ =	shalt  }
0x81: {  	_ =	shalt  }
0x82: {  	_ =	shalt  }
0x83: {  	_ =	shalt  }
0x84: {  	_ =	shalt  }
0x85: {  	_ =	shalt  }
0x86: {  	_ =	shalt  }
0x87: {  	_ =	shalt  }
.Lfunc_end0:
.L_simem_size_0:
called_computation_lowered:
.L_overlay_start_0:
0x88: {  	s2 =	sld [smem:$0x3FD9]  }
0x89: {  	s3 =	sld [smem:$0x3FFE];
	_ =	sdelay $0x1  }
0x8a: {  	s1 =	srdreg.scid  }
0x8b: {  	s0 =	sand.u32 $0x1, s1  }
0x8c: {  	s17 =	sshll.u32 s0, $0xA;
	s2 =	sadd.s32 s3, s2  }
0x8d: {  	s2 =	sadd.s32 s2, s17  }
0x8e: {  	[smem:$0x3FC4] =	sst s2  }
0x8f: {  	_ = 	snop  }
0x90: {  	s2 =	sld [smem:$0x3FD0];
	(tm) =	ssettm $0x1  }
0x91: {  	s18 =	sld [smem:$0x3FFB];
	_ =	sdelay $0x3  }
0x92: {  	_ =	strace s18  }
0x93: {  	s3 =	sld [smem:$0x3FFC];
	_ =	sdelay $0x3  }
0x94: {  	_ =	strace s3  }
0x95: {  	s3 =	sld [smem:$0x3FFD];
	_ =	sdelay $0x3  }
0x96: {  	_ =	strace s3  }
0x97: {  	_ =	strace $0x8FFFFFFF  }
0x98: {  	s19 =	sld [smem:$0x3FDB];
	_ =	sdelay $0x1  }
0x99: {  	s4 =	simm.s32 $_scs_section_size  }
0x9a: {  	s5 =	simm.s32 $_size__tile_overlayer_lowered;
	s6 =	simm.s32 $_tile_overlayer_lowered  }
0x9b: {  	s22 =	simm.s32 $0x1BFF;
	s21 =	sshll.u32 s6, $0x1;
	s3 =	sadd.s32 s4, s19  }
0x9c: {  	s7 =	simm.s32 $0x0;
	s20 =	sshll.u32 s5, $0x1;
	s5 =	sadd.s32 s21, s3  }
0x9d: {  	[timem:s7], [sflag:s22] =	dma.local [hbm:s5], s20  }
0x9e: {  	_ =	swait.ge [sflag:s22], s20  }
0x9f: {  	s4 =	ssub.s32 $0x0, s20;
	[sflag:s22] =	ssyncset.done $0x0  }
0xa0: {  	[sflag:s22] =	ssyncadd.s32 s4;
	_ =	sdelay $0x1  }
0xa1: {  	s23 =	simm.s32 $0x1B8B  }
0xa2: {  	_ =	swait.ge [sflag:s23], $0x1  }
0xa3: {  	[sflag:s23] =	ssyncset.done $0x0  }
0xa4: {  	s25 =	simm.s32 $0x1B8E;
	s24 =	sld [smem:$0x3FFE];
	[sflag:s23] =	ssyncadd.s32 $0xFFFFFFFF  }
0xa5: {  	s26 =	simm.s32 $execute0_lowered;
	[smem:$0x3FD2] =	sst s25  }
0xa6: {  	s5 =	sshll.u32 s26, $0x1;
	_ =	strace $0x80000046;
	[dreg:$0x1] =	wrdreg $0xFFFFFFFF  }
0xa7: {  	s28 =	simm.s32 $_size_execute0_lowered;
	s3 =	sadd.s32 s3, s5;
	[dreg:$0x0] =	wrdreg $0x0  }
0xa8: {  	s5 =	sshll.u32 s28, $0x1;
	[dreg:$0x2] =	wrdreg s3  }
0xa9: {  	[dreg:$0x3] =	wrdreg s5  }
0xaa: {  	[dreg:$0x4] =	wrdreg $0xC0  }
0xab: {  	_ =	task [dreg:s7], $0x5FFFF  }
0xac: {  	[dreg:$0x1] =	wrdreg $0xFFFFFFFF  }
0xad: {  	[dreg:$0x0] =	wrdreg $0x60  }
0xae: {  	[dreg:$0x2] =	wrdreg s24  }
0xaf: {  	[dreg:$0x3] =	wrdreg s2  }
0xb0: {  	[dreg:$0x4] =	wrdreg $0x9  }
0xb1: {  	_ =	task.clear_ibuf [dreg:s7], $0x5FFFF;
	_ =	strace $0x90000046  }
0xb2: {  	s29 =	simm.s32 $0x9;
	_ =	strace $0x80000048  }
0xb3: {  	_ =	swait.ge [sflag:s29], $0x1  }
0xb4: {  	[sflag:s29] =	ssyncadd.s32 $0xFFFFFFFF  }
0xb5: {  	_ =	strace $0x90000048  }
0xb6: {  	_ =	sfence  }
0xb7: {  	s30 =	sld [smem:$0x0];
	_ =	sdelay $0x2  }
0xb8: {  	s31 =	sshll.u32 s1, $0xD;
	s1 =	sshrl.u32 s1, $0x2  }
0xb9: {  	s3 =	sand.u32 $0x4000, s31;
	s1 =	sadd.s32 s1, s30  }
0xba: {  	s0 =	sor.u32 s3, s0;
	s1 =	sshll.u32 s1, $0x11  }
0xbb: {  	s0 =	sor.u32 s1, s0  }
0xbc: {  	s0 =	sadd.s32 $0x8F2B, s0  }
0xbd: {  	[sflag:s0] =	ssyncadd.remote.s32 $0x1  }
0xbe: {  	_ =	sfence.sel $0xFFFF  }
0xbf: {  	[dreg:$0x0] =	wrdreg $0xFFFFFFFF;
	(pc) =	sbr.abs _section_cstart, $3  }
0xc0: {  	[dreg:$0x1] =	wrdreg $0xFFFFFFFF  }
0xc1: {  	_ =	task.clear_ibuf [dreg:s7], $0x2FFFF;
	_ =	strace $0x9FFFFFFF  }
0xc2: {  	(tm) =	ssettm $0x7FFFFFFF  }
0xc3: {  	_ =	shalt  }
tec
execute0_lowered:
.L_overlay_start_1:
0x0: {  	(tag) =	ssettag $0x1  }
0x1: {  	s0 =	rddreg [dreg:$0x0]  }
0x2: {  	s1 =	rddreg [dreg:$0x1];
	s2 =	simm.s32 $0x0  }
0x3: {  	s3 =	srdreg.scid;
	s4 =	stileid.u32;
	s10 =	simm.s32 $0x11980  }
0x4: {  	s11 =	simm.s32 $0x12180;
	s16 =	simm.s32 $0x12980;
	s17 =	simm.s32 $0x13180  }
0x5: {  	s18 =	simm.s32 $0x13980;
	s19 =	simm.s32 $0x14180;
	s3 =	sand.u32 $0x1, s3  }
0x6: {  	s20 =	simm.s32 $0x14980;
	s4 =	sshll.u32 s4, $0xA;
	s5 =	sshll.u32 s3, $0x9  }
0x7: {  	s21 =	simm.s32 $0x1;
	s22 =	simm.s32 $0x2;
	s4 =	sor.u32 s5, s4  }
0x8: {  	[smem:$0x7FF] =	sst s2;
	s7 =	sadd.s32 s4, s0;
	s30 =	sadd.s32 s1, s4  }
0x9: {  	_ =	strace $0x80000047;
	s24 =	sadd.s32 $0xD9000, s7;
	[dreg:$0x8] =	wrdreg s30  }
0xa: {  	s9 =	sadd.s32 $0x1100, s0;
	s25 =	sadd.s32 $0xC9000, s7;
	[dreg:$0x3] =	wrdreg s24  }
0xb: {  	v0 =	vlaneseq.u32;
	s6 =	ssub.s32 $0x2, s3;
	s26 =	sadd.s32 $0xCD000, s7;
	[dreg:$0x4] =	wrdreg s25  }
0xc: {  	v1 =	vand.u32 $0x7, v0;
	v63 =	vshrl.u32 v0, $0x3;
	s23 =	sshrl.u32 s6, $0x1;
	s28 =	sadd.s32 $0xD1000, s7;
	[dreg:$0x5] =	wrdreg s26  }
0xd: {  	v0 =	vor.u32 $0x8, v0;
	[tilespmem:$0x1FFD0] =	vst v1;
	v1 =	vmul.u32 $0x8, v63;
	s5 =	ssub.s32 s6, s23;
	s29 =	sadd.s32 $0xD5000, s7;
	[dreg:$0x6] =	wrdreg s28  }
0xe: {  	s3 =	sadd.s32 $0x1000, s0;
	[tilespmem:$0x1FFF0] =	vst v0;
	s31 =	smax.u32 s5, $0x1;
	[dreg:$0x7] =	wrdreg s29  }
0xf: {  	vm0 =	vmmov $0xffff;
	s4 =	simm.s32 $0x3;
	[tilespmem:$0x1FFE0] =	vst v1;
	s1 =	simm.s32 $0x0;
	[dreg:$0x9] =	wrdreg s31  }
.LBB2_1:
0x10: {  	[dreg:$0xa] =	wrdreg s1  }
0x11: {  	s0 =	rddreg [dreg:$0x3]  }
0x12: {  	[tilespmem:s2], [sflag:$0x3] =	stream.linear.gather [hbm4b:s0+s2], $0x1000, $0x38;
	[tilespmem:$0x16180] =	vst v63  }
0x13: {  	_ =	swait.ge [sflag:s4], $0x1000  }
0x14: {  	[sflag:s4] =	ssyncset.done $0x0  }
0x15: {  	s25 =	simm.s32 $0x1000;
	s24 =	rddreg [dreg:$0x4];
	[sflag:s4] =	ssyncadd.s32 $0xFFFFF000  }
0x16: {  	[tilespmem:s25], [sflag:$0x3] =	stream.linear.gather [hbm4b:s24+s2], $0x1000, $0x38;
	[tilespmem:$0x16180] =	vst v63  }
0x17: {  	_ =	swait.ge [sflag:s4], $0x1000  }
0x18: {  	[sflag:s4] =	ssyncset.done $0x0  }
0x19: {  	s28 =	simm.s32 $0x2000;
	s26 =	rddreg [dreg:$0x5];
	[sflag:s4] =	ssyncadd.s32 $0xFFFFF000  }
0x1a: {  	[tilespmem:s28], [sflag:$0x3] =	stream.linear.gather [hbm4b:s26+s2], $0x1000, $0x38;
	[tilespmem:$0x16180] =	vst v63  }
0x1b: {  	_ =	swait.ge [sflag:s4], $0x1000  }
0x1c: {  	[sflag:s4] =	ssyncset.done $0x0  }
0x1d: {  	s1 =	simm.s32 $0x3000;
	s29 =	rddreg [dreg:$0x6];
	[sflag:s4] =	ssyncadd.s32 $0xFFFFF000  }
0x1e: {  	[tilespmem:s1], [sflag:$0x3] =	stream.linear.gather [hbm4b:s29+s2], $0x1000, $0x38;
	[tilespmem:$0x16180] =	vst v63  }
0x1f: {  	_ =	swait.ge [sflag:s4], $0x1000  }
0x20: {  	[sflag:s4] =	ssyncset.done $0x0  }
0x21: {  	s5 =	simm.s32 $0x4000;
	s30 =	rddreg [dreg:$0x7];
	[sflag:s4] =	ssyncadd.s32 $0xFFFFF000  }
0x22: {  	[tilespmem:s5], [sflag:$0x3] =	stream.linear.gather [hbm4b:s30+s2], $0x1000, $0x38;
	[tilespmem:$0x16180] =	vst v63  }
0x23: {  	_ =	swait.ge [sflag:s4], $0x1000  }
0x24: {  	[sflag:s4] =	ssyncset.done $0x0  }
0x25: {  	[sflag:s4] =	ssyncadd.s32 $0xFFFFF000  }
0x26: {  	v0 =	vld [tilespmem:$0x0];
	_ =	sdelay $0x2  }
0x27: {  	v6 =	vld [tilespmem:$0x1FFD0];
	_ =	sdelay $0x1  }
0x28: {  	v7 =	vld [tilespmem:$0x1FFE0];
	v1 =	vshll.u32 v0, $0x2  }
0x29: {  	v59 =	vld [tilespmem:$0x1FFF0];
	v2 =	vand.u32 $0x7, v0;
	v1 =	vand.u32 $0xFFFFFFE0, v1  }
0x2a: {  	v3 =	vld [tilespmem:$0x10];
	v1 =	vor.u32 v2, v1  }
0x2b: {  	v58 =	vld [tilespmem:$0x20];
	v4 =	vperm.xlane v1, v6  }
0x2c: {  	v5 =	vld [tilespmem:$0x30]  }
0x2d: {  	v4 =	vadd.s32 v7, v4  }
0x2e: {  	[tilespmem:$0x5080] =	vst v0  }
0x2f: {  	[tilespmem:$0x5090] =	vst v3;
	v60 =	vperm.xlane v1, v59  }
0x30: {  	[tilespmem:$0x50A0] =	vst v58  }
0x31: {  	s4 =	simm.s32 $0x5180;
	[tilespmem:$0x50B0] =	vst v5;
	v0 =	vadd.s32 v7, v60  }
0x32: {  	[tilespmem:s4], [sflag:$0x1] =	stream.indirect_vreg.gather [hbm4b:s3+s2], $0x80, v4, vm0, $0xb8;
	[tilespmem:$0x16180] =	vst v63  }
0x33: {  	s5 =	simm.s32 $0x5980  }
0x34: {  	[tilespmem:s5], [sflag:$0x1] =	stream.indirect_vreg.gather [hbm4b:s9+s2], $0x80, v4, vm0, $0xb8;
	[tilespmem:$0x16180] =	vst v63  }
0x35: {  	s6 =	simm.s32 $0x6180  }
0x36: {  	[tilespmem:s6], [sflag:$0x1] =	stream.indirect_vreg.gather [hbm4b:s3+s2], $0x80, v0, vm0, $0xb8;
	[tilespmem:$0x16180] =	vst v63  }
0x37: {  	s7 =	simm.s32 $0x6980  }
0x38: {  	[tilespmem:s7], [sflag:$0x1] =	stream.indirect_vreg.gather [hbm4b:s9+s2], $0x80, v0, vm0, $0xb8;
	[tilespmem:$0x16180] =	vst v63  }
0x39: {  	v0 =	vld [tilespmem:$0x5090];
	_ =	sdelay $0x4  }
0x3a: {  	v61 =	vshll.u32 v0, $0x2  }
0x3b: {  	v0 =	vand.u32 $0x7, v0;
	v1 =	vand.u32 $0xFFFFFFE0, v61  }
0x3c: {  	v0 =	vor.u32 v0, v1  }
0x3d: {  	v1 =	vperm.xlane v0, v6;
	_ =	sdelay $0x1  }
0x3e: {  	v1 =	vadd.s32 v7, v1;
	_ =	sdelay $0x1  }
0x3f: {  	v0 =	vperm.xlane v0, v59;
	_ =	sdelay $0x1  }
0x40: {  	s8 =	simm.s32 $0x7180;
	v0 =	vadd.s32 v7, v0  }
0x41: {  	[tilespmem:s8], [sflag:$0x1] =	stream.indirect_vreg.gather [hbm4b:s3+s2], $0x80, v1, vm0, $0xb8;
	[tilespmem:$0x16180] =	vst v63  }
0x42: {  	s12 =	simm.s32 $0x7980  }
0x43: {  	[tilespmem:s12], [sflag:$0x1] =	stream.indirect_vreg.gather [hbm4b:s9+s2], $0x80, v1, vm0, $0xb8;
	[tilespmem:$0x16180] =	vst v63  }
0x44: {  	s13 =	simm.s32 $0x8180  }
0x45: {  	[tilespmem:s13], [sflag:$0x1] =	stream.indirect_vreg.gather [hbm4b:s3+s2], $0x80, v0, vm0, $0xb8;
	[tilespmem:$0x16180] =	vst v63  }
0x46: {  	s14 =	simm.s32 $0x8980  }
0x47: {  	[tilespmem:s14], [sflag:$0x1] =	stream.indirect_vreg.gather [hbm4b:s9+s2], $0x80, v0, vm0, $0xb8;
	[tilespmem:$0x16180] =	vst v63  }
0x48: {  	v0 =	vld [tilespmem:$0x50A0];
	_ =	sdelay $0x4  }
0x49: {  	v62 =	vshll.u32 v0, $0x2  }
0x4a: {  	v0 =	vand.u32 $0x7, v0;
	v1 =	vand.u32 $0xFFFFFFE0, v62  }
0x4b: {  	v0 =	vor.u32 v0, v1  }
0x4c: {  	v1 =	vperm.xlane v0, v6;
	_ =	sdelay $0x1  }
0x4d: {  	v1 =	vadd.s32 v7, v1;
	_ =	sdelay $0x1  }
0x4e: {  	v0 =	vperm.xlane v0, v59;
	_ =	sdelay $0x1  }
0x4f: {  	s15 =	simm.s32 $0x9180;
	v0 =	vadd.s32 v7, v0  }
0x50: {  	[tilespmem:s15], [sflag:$0x1] =	stream.indirect_vreg.gather [hbm4b:s3+s2], $0x80, v1, vm0, $0xb8;
	[tilespmem:$0x16180] =	vst v63  }
0x51: {  	s23 =	simm.s32 $0x9980  }
0x52: {  	[tilespmem:s23], [sflag:$0x1] =	stream.indirect_vreg.gather [hbm4b:s9+s2], $0x80, v1, vm0, $0xb8;
	[tilespmem:$0x16180] =	vst v63  }
0x53: {  	s24 =	simm.s32 $0xA180  }
0x54: {  	[tilespmem:s24], [sflag:$0x1] =	stream.indirect_vreg.gather [hbm4b:s3+s2], $0x80, v0, vm0, $0xb8;
	[tilespmem:$0x16180] =	vst v63  }
0x55: {  	s25 =	simm.s32 $0xA980  }
0x56: {  	[tilespmem:s25], [sflag:$0x1] =	stream.indirect_vreg.gather [hbm4b:s9+s2], $0x80, v0, vm0, $0xb8;
	[tilespmem:$0x16180] =	vst v63  }
0x57: {  	v0 =	vld [tilespmem:$0x50B0];
	_ =	sdelay $0x4  }
0x58: {  	v63 =	vshll.u32 v0, $0x2  }
0x59: {  	v0 =	vand.u32 $0x7, v0;
	v1 =	vand.u32 $0xFFFFFFE0, v63  }
0x5a: {  	v0 =	vor.u32 v0, v1  }
0x5b: {  	v1 =	vperm.xlane v0, v6;
	_ =	sdelay $0x1  }
0x5c: {  	v1 =	vadd.s32 v7, v1;
	_ =	sdelay $0x1  }
0x5d: {  	v0 =	vperm.xlane v0, v59;
	_ =	sdelay $0x1  }
0x5e: {  	s26 =	simm.s32 $0xB180;
	v0 =	vadd.s32 v7, v0  }
0x5f: {  	[tilespmem:s26], [sflag:$0x1] =	stream.indirect_vreg.gather [hbm4b:s3+s2], $0x80, v1, vm0, $0xb8;
	[tilespmem:$0x16180] =	vst v63  }
0x60: {  	s28 =	simm.s32 $0xB980  }
0x61: {  	[tilespmem:s28], [sflag:$0x1] =	stream.indirect_vreg.gather [hbm4b:s9+s2], $0x80, v1, vm0, $0xb8;
	[tilespmem:$0x16180] =	vst v63  }
0x62: {  	s29 =	simm.s32 $0xC180  }
0x63: {  	[tilespmem:s29], [sflag:$0x1] =	stream.indirect_vreg.gather [hbm4b:s3+s2], $0x80, v0, vm0, $0xb8;
	[tilespmem:$0x16180] =	vst v63  }
0x64: {  	s31 =	simm.s32 $0x0;
	s30 =	simm.s32 $0xC980;
	s24 =	simm.s32 $0x3040  }
0x65: {  	[tilespmem:s30], [sflag:$0x1] =	stream.indirect_vreg.gather [hbm4b:s9+s2], $0x80, v0, vm0, $0xb8;
	[tilespmem:$0x16180] =	vst v63  }
.LBB2_2:
0x66: {  	s25 =	sshll.u32 s31, $0x7  }
0x67: {  	v0 =	vld [tilespmem:s25+$0x40];
	_ =	sdelay $0x4  }
0x68: {  	[tilespmem:$0x5100] =	vst v0  }
0x69: {  	v1 =	vld [tilespmem:s25+$0x50];
	_ =	sdelay $0x4  }
0x6a: {  	v3 =	vld [tilespmem:$0x1FFD0];
	[tilespmem:$0x5110] =	vst v1  }
0x6b: {  	v1 =	vld [tilespmem:s25+$0x60];
	_ =	sdelay $0x1  }
0x6c: {  	v4 =	vld [tilespmem:$0x1FFE0];
	v2 =	vshll.u32 v0, $0x2  }
0x6d: {  	v0 =	vand.u32 $0x7, v0;
	v2 =	vand.u32 $0xFFFFFFE0, v2  }
0x6e: {  	v5 =	vld [tilespmem:$0x1FFF0];
	v0 =	vor.u32 v0, v2  }
0x6f: {  	[tilespmem:$0x5120] =	vst v1;
	v1 =	vperm.xlane v0, v3  }
0x70: {  	v2 =	vld [tilespmem:s25+$0x70]  }
0x71: {  	v1 =	vadd.s32 v4, v1;
	_ =	sdelay $0x1  }
0x72: {  	v0 =	vperm.xlane v0, v5;
	_ =	sdelay $0x1  }
0x73: {  	s0 =	simm.s32 $0x0;
	s4 =	simm.s32 $0xD180;
	v0 =	vadd.s32 v4, v0;
	[tilespmem:$0x5130] =	vst v2  }
0x74: {  	[tilespmem:s4], [sflag:$0x2] =	stream.indirect_vreg.gather [hbm4b:s3+s0], $0x80, v1, vm0, $0xb8;
	[tilespmem:$0x16180] =	vst v63  }
0x75: {  	s5 =	simm.s32 $0xD980  }
0x76: {  	[tilespmem:s5], [sflag:$0x2] =	stream.indirect_vreg.gather [hbm4b:s9+s0], $0x80, v1, vm0, $0xb8;
	[tilespmem:$0x16180] =	vst v63  }
0x77: {  	s6 =	simm.s32 $0xE180  }
0x78: {  	[tilespmem:s6], [sflag:$0x2] =	stream.indirect_vreg.gather [hbm4b:s3+s0], $0x80, v0, vm0, $0xb8;
	[tilespmem:$0x16180] =	vst v63  }
0x79: {  	s7 =	simm.s32 $0xE980  }
0x7a: {  	[tilespmem:s7], [sflag:$0x2] =	stream.indirect_vreg.gather [hbm4b:s9+s0], $0x80, v0, vm0, $0xb8;
	[tilespmem:$0x16180] =	vst v63  }
0x7b: {  	v0 =	vld [tilespmem:$0x5110];
	_ =	sdelay $0x4  }
0x7c: {  	v1 =	vshll.u32 v0, $0x2  }
0x7d: {  	v0 =	vand.u32 $0x7, v0;
	v1 =	vand.u32 $0xFFFFFFE0, v1  }
0x7e: {  	v0 =	vor.u32 v0, v1  }
0x7f: {  	v1 =	vperm.xlane v0, v3;
	_ =	sdelay $0x1  }
0x80: {  	v1 =	vadd.s32 v4, v1;
	_ =	sdelay $0x1  }
0x81: {  	v0 =	vperm.xlane v0, v5;
	_ =	sdelay $0x1  }
0x82: {  	s8 =	simm.s32 $0xF180;
	v0 =	vadd.s32 v4, v0  }
0x83: {  	[tilespmem:s8], [sflag:$0x2] =	stream.indirect_vreg.gather [hbm4b:s3+s0], $0x80, v1, vm0, $0xb8;
	[tilespmem:$0x16180] =	vst v63  }
0x84: {  	s12 =	simm.s32 $0xF980  }
0x85: {  	[tilespmem:s12], [sflag:$0x2] =	stream.indirect_vreg.gather [hbm4b:s9+s0], $0x80, v1, vm0, $0xb8;
	[tilespmem:$0x16180] =	vst v63  }
0x86: {  	s13 =	simm.s32 $0x10180  }
0x87: {  	[tilespmem:s13], [sflag:$0x2] =	stream.indirect_vreg.gather [hbm4b:s3+s0], $0x80, v0, vm0, $0xb8;
	[tilespmem:$0x16180] =	vst v63  }
0x88: {  	s14 =	simm.s32 $0x10980  }
0x89: {  	[tilespmem:s14], [sflag:$0x2] =	stream.indirect_vreg.gather [hbm4b:s9+s0], $0x80, v0, vm0, $0xb8;
	[tilespmem:$0x16180] =	vst v63  }
0x8a: {  	v0 =	vld [tilespmem:$0x5120];
	_ =	sdelay $0x4  }
0x8b: {  	v1 =	vshll.u32 v0, $0x2  }
0x8c: {  	v0 =	vand.u32 $0x7, v0;
	v1 =	vand.u32 $0xFFFFFFE0, v1  }
0x8d: {  	v0 =	vor.u32 v0, v1  }
0x8e: {  	v1 =	vperm.xlane v0, v3;
	_ =	sdelay $0x1  }
0x8f: {  	v1 =	vadd.s32 v4, v1;
	_ =	sdelay $0x1  }
0x90: {  	v0 =	vperm.xlane v0, v5;
	_ =	sdelay $0x1  }
0x91: {  	s15 =	simm.s32 $0x11180;
	v0 =	vadd.s32 v4, v0  }
0x92: {  	[tilespmem:s15], [sflag:$0x2] =	stream.indirect_vreg.gather [hbm4b:s3+s0], $0x80, v1, vm0, $0xb8;
	[tilespmem:$0x16180] =	vst v63  }
0x93: {  	_ = 	snop  }
0x94: {  	[tilespmem:s10], [sflag:$0x2] =	stream.indirect_vreg.gather [hbm4b:s9+s0], $0x80, v1, vm0, $0xb8;
	[tilespmem:$0x16180] =	vst v63  }
0x95: {  	_ = 	snop  }
0x96: {  	[tilespmem:s11], [sflag:$0x2] =	stream.indirect_vreg.gather [hbm4b:s3+s0], $0x80, v0, vm0, $0xb8;
	[tilespmem:$0x16180] =	vst v63  }
0x97: {  	_ = 	snop  }
0x98: {  	[tilespmem:s16], [sflag:$0x2] =	stream.indirect_vreg.gather [hbm4b:s9+s0], $0x80, v0, vm0, $0xb8;
	[tilespmem:$0x16180] =	vst v63  }
0x99: {  	v0 =	vld [tilespmem:$0x5130];
	_ =	sdelay $0x4  }
0x9a: {  	v1 =	vshll.u32 v0, $0x2  }
0x9b: {  	v0 =	vand.u32 $0x7, v0;
	v1 =	vand.u32 $0xFFFFFFE0, v1  }
0x9c: {  	v0 =	vor.u32 v0, v1  }
0x9d: {  	v1 =	vperm.xlane v0, v3;
	_ =	sdelay $0x1  }
0x9e: {  	v1 =	vadd.s32 v4, v1;
	_ =	sdelay $0x1  }
0x9f: {  	v0 =	vperm.xlane v0, v5;
	_ =	sdelay $0x1  }
0xa0: {  	v0 =	vadd.s32 v4, v0  }
0xa1: {  	[tilespmem:s17], [sflag:$0x2] =	stream.indirect_vreg.gather [hbm4b:s3+s0], $0x80, v1, vm0, $0xb8;
	[tilespmem:$0x16180] =	vst v63  }
0xa2: {  	_ = 	snop  }
0xa3: {  	[tilespmem:s18], [sflag:$0x2] =	stream.indirect_vreg.gather [hbm4b:s9+s0], $0x80, v1, vm0, $0xb8;
	[tilespmem:$0x16180] =	vst v63  }
0xa4: {  	_ = 	snop  }
0xa5: {  	[tilespmem:s19], [sflag:$0x2] =	stream.indirect_vreg.gather [hbm4b:s3+s0], $0x80, v0, vm0, $0xb8;
	[tilespmem:$0x16180] =	vst v63  }
0xa6: {  	_ = 	snop  }
0xa7: {  	[tilespmem:s20], [sflag:$0x2] =	stream.indirect_vreg.gather [hbm4b:s9+s0], $0x80, v0, vm0, $0xb8;
	[tilespmem:$0x16180] =	vst v63  }
0xa8: {  	_ =	swait.ge [sflag:s21], $0x8000  }
0xa9: {  	[sflag:s21] =	ssyncset.done $0x0  }
0xaa: {  	[sflag:s21] =	ssyncadd.s32 $0xFFFF8000  }
0xab: {  	v40 =	vld.msk [tilespmem:s1+$0x1003 ss:$0x0], $0xffff  }
0xac: {  	v0 =	vld.msk [tilespmem:s1+$0xFFFFF003 ss:$0x0], $0xffff  }
0xad: {  	v1 =	vld.msk [tilespmem:s1+$0xFFFFE003 ss:$0x0], $0xffff  }
0xae: {  	v4 =	vld.msk [tilespmem:s1+$0x1002 ss:$0x0], $0xffff  }
0xaf: {  	v5 =	vld.msk [tilespmem:s1+$0x2 ss:$0x0], $0xffff  }
0xb0: {  	v25 =	vld.msk [tilespmem:s1+$0xFFFFF002 ss:$0x0], $0xffff  }
0xb1: {  	v30 =	vld.msk [tilespmem:s1+$0xFFFFE002 ss:$0x0], $0xffff  }
0xb2: {  	s23 =	sand.u32 $0x7000, s0;
	v6 =	vld.msk [tilespmem:s1+$0x1001 ss:$0x0], $0xffff  }
0xb3: {  	s4 =	sadd.s32 $0x5180, s23;
	s5 =	sand.u32 $0x200, s0;
	v2 =	vld.msk [tilespmem:s1+$0xFFFFF000 ss:$0x0], $0xffff  }
0xb4: {  	s5 =	sor.u32 s5, s4;
	v9 =	vld.msk [tilespmem:s1+$0xFFFFE000 ss:$0x0], $0xffff  }
0xb5: {  	v10 =	vld [tilespmem:s5+$0x400]  }
0xb6: {  	v11 =	vld [tilespmem:s5+$0x410]  }
0xb7: {  	v12 =	vld [tilespmem:s5+$0x420]  }
0xb8: {  	v15 =	vld [tilespmem:s5+$0x430]  }
0xb9: {  	v16 =	vld [tilespmem:s5+$0x440]  }
0xba: {  	v18 =	vld [tilespmem:s5+$0x450]  }
0xbb: {  	v19 =	vld [tilespmem:s5+$0x460]  }
0xbc: {  	v24 =	vld [tilespmem:s5+$0x470]  }
0xbd: {  	v21 =	vld [tilespmem:s5+$0x0]  }
0xbe: {  	v22 =	vld [tilespmem:s5+$0x10]  }
0xbf: {  	s6 =	simm.s32 $0x180;
	v23 =	vld [tilespmem:s5+$0x20]  }
0xc0: {  	s6 =	sand.u32 $0x380, s6;
	v28 =	vld [tilespmem:s5+$0x30]  }
0xc1: {  	s26 =	sadd.s32 s6, s4;
	v29 =	vld [tilespmem:s5+$0x40]  }
0xc2: {  	v36 =	vld [tilespmem:s26+$0x400]  }
0xc3: {  	v42 =	vld [tilespmem:s26+$0x430]  }
0xc4: {  	v44 =	vld [tilespmem:s26+$0x450];
	v10 =	vmul.f32 v10, v2  }
0xc5: {  	v46 =	vld [tilespmem:s26+$0x470];
	v39 =	vmul.f32 v11, v2  }
0xc6: {  	v13 =	vld [tilespmem:s26+$0x420];
	v38 =	vmul.f32 v15, v2;
	[tilespmem:$0x1FFA0] =	vst v10;
	v10 =	vmul.f32 v12, v2  }
0xc7: {  	v45 =	vld [tilespmem:s26+$0x460];
	v26 =	vmul.f32 v16, v2;
	v27 =	vmul.f32 v18, v2  }
0xc8: {  	v43 =	vld [tilespmem:s26+$0x440];
	[tilespmem:$0x1FFC0] =	vst v10;
	v10 =	vmul.f32 v19, v2;
	v2 =	vmul.f32 v24, v2  }
0xc9: {  	v17 =	vld [tilespmem:s26+$0x410];
	v37 =	vmul.f32 v42, v0;
	v35 =	vmul.f32 v44, v0  }
0xca: {  	v41 =	vld [tilespmem:s26+$0x40];
	v34 =	vmul.f32 v46, v0;
	[tilespmem:$0x1FE80] =	vst v2;
	v2 =	vmul.f32 v21, v9  }
0xcb: {  	v7 =	vld.msk [tilespmem:s1+$0x1 ss:$0x0], $0xffff;
	v24 =	vmul.f32 v13, v0;
	[tilespmem:$0x1FE70] =	vst v10;
	v10 =	vmul.f32 v28, v9  }
0xcc: {  	v52 =	vld [tilespmem:s26+$0x50];
	v28 =	vmul.f32 v45, v0;
	[tilespmem:$0x1FF70] =	vst v2;
	v2 =	vmul.f32 v22, v9  }
0xcd: {  	v3 =	vld.msk [tilespmem:s1+$0xFFFFF001 ss:$0x0], $0xffff;
	[tilespmem:$0x1FFB0] =	vst v10;
	v10 =	vmul.f32 v29, v9;
	v29 =	vmul.f32 v43, v0  }
0xce: {  	v53 =	vld [tilespmem:s26+$0x60];
	[tilespmem:$0x1FF80] =	vst v2;
	v2 =	vmul.f32 v23, v9;
	v23 =	vmul.f32 v36, v0  }
0xcf: {  	s8 =	simm.s32 $0x100;
	v51 =	vld.msk [tilespmem:s1+$0xFFFFE001 ss:$0x0], $0xffff;
	v36 =	vmul.f32 v17, v0;
	v0 =	vmul.f32 v41, v1  }
0xd0: {  	s6 =	sand.u32 $0x300, s8;
	v54 =	vld [tilespmem:s26+$0x70]  }
0xd1: {  	s7 =	sadd.s32 s6, s4;
	v8 =	vld.msk [tilespmem:s1+$0x1000 ss:$0x0], $0xffff;
	[tilespmem:$0x1FEB0] =	vst v0;
	v0 =	vmul.f32 v52, v1  }
0xd2: {  	v59 =	vld [tilespmem:s7+$0x440]  }
0xd3: {  	v14 =	vld.msk [tilespmem:s1+$0x0 ss:$0x0], $0xffff;
	[tilespmem:$0x1FEC0] =	vst v0;
	v0 =	vmul.f32 v53, v1  }
0xd4: {  	v60 =	vld [tilespmem:s7+$0x450]  }
0xd5: {  	v31 =	vld [tilespmem:s5+$0x50];
	[tilespmem:$0x1FED0] =	vst v0;
	v0 =	vmul.f32 v54, v1  }
0xd6: {  	v61 =	vld [tilespmem:s7+$0x460]  }
0xd7: {  	v20 =	vld [tilespmem:s7+$0x470];
	[tilespmem:$0x1FEE0] =	vst v0;
	v0 =	vmul.f32 v59, v25  }
0xd8: {  	v32 =	vld [tilespmem:s5+$0x60]  }
0xd9: {  	v33 =	vld [tilespmem:s5+$0x70];
	[tilespmem:$0x1FEF0] =	vst v0;
	v0 =	vmul.f32 v60, v25  }
0xda: {  	v47 =	vld [tilespmem:s26+$0x0]  }
0xdb: {  	v48 =	vld [tilespmem:s26+$0x10];
	[tilespmem:$0x1FF00] =	vst v0;
	v0 =	vmul.f32 v61, v25  }
0xdc: {  	v49 =	vld [tilespmem:s26+$0x20];
	[tilespmem:$0x1FF20] =	vst v20  }
0xdd: {  	[tilespmem:$0x1FF10] =	vst v0;
	v0 =	vld [tilespmem:$0x1FF20]  }
0xde: {  	v20 =	vld [tilespmem:s7+$0x0]  }
0xdf: {  	v50 =	vld [tilespmem:s26+$0x30]  }
0xe0: {  	v55 =	vld [tilespmem:s7+$0x400]  }
0xe1: {  	v56 =	vld [tilespmem:s7+$0x410]  }
0xe2: {  	v57 =	vld [tilespmem:s7+$0x420];
	v0 =	vmul.f32 v0, v25  }
0xe3: {  	v12 =	vld [tilespmem:s7+$0x40];
	[tilespmem:$0x1FF40] =	vst v20  }
0xe4: {  	[tilespmem:$0x1FF30] =	vst v0;
	v0 =	vld [tilespmem:$0x1FF40]  }
0xe5: {  	v58 =	vld [tilespmem:s7+$0x430]  }
0xe6: {  	v15 =	vmul.f32 v31, v9;
	[tilespmem:$0x1FF90] =	vst v2;
	v2 =	vld [tilespmem:s7+$0x60]  }
0xe7: {  	s12 =	simm.s32 $0x80;
	v63 =	vld [tilespmem:s7+$0x20]  }
0xe8: {  	v62 =	vld [tilespmem:s7+$0x30];
	s5 =	sand.u32 $0x280, s12;
	[tilespmem:$0x1FEA0] =	vst v15;
	v15 =	vmul.f32 v57, v25  }
0xe9: {  	s6 =	sadd.s32 s5, s4;
	v11 =	vld [tilespmem:s7+$0x50];
	v57 =	vmul.f32 v0, v30;
	v0 =	vmul.f32 v12, v30  }
0xea: {  	v42 =	vld [tilespmem:s6+$0x430]  }
0xeb: {  	p0 =	por $0x0, $0x0;
	s4 =	simm.s32 $0x1;
	v18 =	vld [tilespmem:s6+$0x440];
	[tilespmem:$0x1FF50] =	vst v0;
	v0 =	vmul.f32 v2, v30  }
0xec: {  	s4 =	simm.s32 @!p0 $0x0;
	v20 =	vld [tilespmem:s7+$0x10]  }
0xed: {  	s4 =	sshll.u32 s4, $0x9;
	[tilespmem:$0x1FF60] =	vst v0;
	v0 =	vld [tilespmem:$0x1FF70]  }
0xee: {  	s15 =	sadd.s32 $0x0, s4;
	v46 =	vmul.f32 v48, v1;
	v48 =	vld [tilespmem:s6+$0x460]  }
0xef: {  	v44 =	vmul.f32 v50, v1;
	v50 =	vld [tilespmem:s6+$0x10];
	s14 =	sor.u32 $0x800, s15  }
0xf0: {  	v16 =	vmul.f32 v58, v25;
	v58 =	vld [tilespmem:s14+$0x5180]  }
0xf1: {  	[tilespmem:$0x1FE90] =	vst v10;
	v10 =	vld [tilespmem:s7+$0x70];
	v59 =	vmul.f32 v20, v30;
	v20 =	vimm.f32 $0.0e+00  }
0xf2: {  	v2 =	vadd.f32 v0, v20;
	v0 =	vld [tilespmem:$0x1FF80]  }
0xf3: {  	v19 =	vld [tilespmem:s6+$0x420]  }
0xf4: {  	v13 =	vld [tilespmem:$0x1FFC0]  }
0xf5: {  	v62 =	vmul.f32 v62, v30;
	v21 =	vld [tilespmem:s6+$0x410]  }
0xf6: {  	v31 =	vmul.f32 v11, v30;
	v45 =	vmul.f32 v47, v1;
	v47 =	vld [tilespmem:s6+$0x0]  }
0xf7: {  	v60 =	vmul.f32 v63, v30;
	v30 =	vmul.f32 v10, v30;
	v10 =	vadd.f32 v0, v20;
	v0 =	vld [tilespmem:$0x1FF90]  }
0xf8: {  	v22 =	vld [tilespmem:s6+$0x400]  }
0xf9: {  	v43 =	vmul.f32 v49, v1;
	v49 =	vld [tilespmem:s6+$0x470]  }
0xfa: {  	s4 =	sor.u32 $0xC00, s15;
	v17 =	vld [tilespmem:s6+$0x450]  }
0xfb: {  	v52 =	vmul.f32 v55, v25;
	v55 =	vld [tilespmem:s4+$0x5180]  }
0xfc: {  	s7 =	sor.u32 $0x830, s15;
	v41 =	vadd.f32 v0, v20;
	v0 =	vld [tilespmem:$0x1FFA0]  }
0xfd: {  	s26 =	sor.u32 $0x820, s15;
	v11 =	vld [tilespmem:s7+$0x5180]  }
0xfe: {  	v12 =	vld [tilespmem:s26+$0x5180]  }
0xff: {  	s8 =	sor.u32 $0xC20, s15;
	v54 =	vld [tilespmem:s6+$0x20]  }
0x100: {  	s12 =	sand.u32 $0x7, s0;
	v1 =	vld [tilespmem:s8+$0x5180]  }
0x101: {  	s13 =	sor.u32 $0xC10, s15;
	s14 =	sshll.u32 s12, $0x7;
	v2 =	vadd.f32 v0, v2;
	v0 =	vld [tilespmem:$0x1FFB0]  }
0x102: {  	v32 =	vmul.f32 v32, v9;
	s23 =	sor.u32 $0x810, s15;
	s12 =	sadd.s32 $0x0, s14;
	v53 =	vmul.f32 v56, v25;
	v56 =	vld [tilespmem:s13+$0x5180]  }
0x103: {  	v58 =	vmul.f32 v58, v14;
	s4 =	sadd.s32 $0x80, s12;
	s13 =	sor.u32 $0xC30, s15;
	v61 =	vld [tilespmem:s23+$0x5180];
	v12 =	vmul.f32 v12, v14;
	v63 =	vadd.f32 v13, v41  }
0x104: {  	v33 =	vmul.f32 v33, v9;
	s14 =	sor.u32 $0x830, s4;
	v9 =	vld [tilespmem:s13+$0x5180];
	v55 =	vmul.f32 v55, v8;
	v10 =	vadd.f32 v39, v10  }
0x105: {  	v1 =	vmul.f32 v1, v8;
	v39 =	vld [tilespmem:s14+$0x5180];
	v12 =	vadd.f32 v12, v63;
	v2 =	vadd.f32 v58, v2  }
0x106: {  	v13 =	vld [tilespmem:s6+$0x30];
	v41 =	vmul.f32 v54, v51;
	v0 =	vadd.f32 v0, v20  }
0x107: {  	s23 =	sor.u32 $0xC00, s4;
	v54 =	vld [tilespmem:s6+$0x60];
	v1 =	vadd.f32 v1, v12;
	v12 =	vmul.f32 v47, v51;
	v2 =	vadd.f32 v55, v2  }
0x108: {  	s13 =	sor.u32 $0x820, s4;
	v11 =	vmul.f32 v11, v14;
	v61 =	vmul.f32 v61, v14;
	v63 =	vld [tilespmem:s23+$0x5180];
	v0 =	vadd.f32 v38, v0  }
0x109: {  	v56 =	vmul.f32 v56, v8;
	v2 =	vadd.f32 v12, v2;
	v12 =	vmul.f32 v22, v3;
	v38 =	vld [tilespmem:s13+$0x5180]  }
0x10a: {  	v9 =	vmul.f32 v9, v8;
	s26 =	sor.u32 $0x800, s4;
	v10 =	vadd.f32 v61, v10;
	v58 =	vld [tilespmem:s6+$0x40];
	v0 =	vadd.f32 v11, v0  }
0x10b: {  	s8 =	sor.u32 $0x810, s4;
	v1 =	vadd.f32 v41, v1;
	v2 =	vadd.f32 v12, v2;
	v12 =	vmul.f32 v19, v3;
	v11 =	vld [tilespmem:s26+$0x5180];
	s26 =	sand.u32 $0x3, s0  }
0x10c: {  	v10 =	vadd.f32 v56, v10;
	v47 =	vld [tilespmem:s8+$0x5180];
	s5 =	sshll.u32 s26, $0x8;
	v0 =	vadd.f32 v9, v0;
	v9 =	vmul.f32 v50, v51  }
0x10d: {  	v48 =	vmul.f32 v48, v3;
	s23 =	sor.u32 $0xC10, s4;
	v13 =	vmul.f32 v13, v51;
	v41 =	vld [tilespmem:s6+$0x70];
	v1 =	vadd.f32 v12, v1;
	s5 =	sadd.s32 $0x0, s5  }
0x10e: {  	s13 =	sor.u32 $0xC20, s4;
	v50 =	vld [tilespmem:s23+$0x5180];
	s5 =	sadd.s32 $0x100, s5;
	v38 =	vmul.f32 v38, v7;
	v9 =	vadd.f32 v9, v10;
	v10 =	vmul.f32 v21, v3  }
0x10f: {  	v49 =	vmul.f32 v49, v3;
	v56 =	vmul.f32 v58, v51;
	v0 =	vadd.f32 v13, v0;
	v13 =	vld [tilespmem:s13+$0x5180];
	s23 =	sor.u32 $0x800, s5  }
0x110: {  	s8 =	sor.u32 $0xC30, s4;
	v1 =	vadd.f32 v38, v1;
	v38 =	vld [tilespmem:s23+$0x5180];
	v9 =	vadd.f32 v10, v9;
	v10 =	vmul.f32 v42, v3  }
0x111: {  	v12 =	vmul.f32 v47, v7;
	v11 =	vmul.f32 v11, v7;
	s23 =	sor.u32 $0xC30, s5;
	v42 =	vld [tilespmem:s8+$0x5180]  }
0x112: {  	v58 =	vmul.f32 v41, v51;
	v41 =	vld [tilespmem:s23+$0x5180];
	v0 =	vadd.f32 v10, v0;
	v10 =	vmul.f32 v39, v7  }
0x113: {  	v61 =	vld [tilespmem:s6+$0x50];
	s13 =	sor.u32 $0xC00, s5;
	v2 =	vadd.f32 v11, v2;
	v9 =	vadd.f32 v12, v9;
	v12 =	vmul.f32 v63, v6  }
0x114: {  	v47 =	vmul.f32 v18, v3;
	v63 =	vld [tilespmem:s13+$0x5180];
	s13 =	sor.u32 $0x830, s5;
	v0 =	vadd.f32 v10, v0;
	v10 =	vmul.f32 v50, v6  }
0x115: {  	s26 =	sor.u32 $0x810, s5;
	v2 =	vadd.f32 v12, v2;
	v12 =	vmul.f32 v13, v6;
	v50 =	vmul.f32 v17, v3;
	v3 =	vld [tilespmem:s13+$0x5180]  }
0x116: {  	s8 =	sor.u32 $0x820, s5;
	v13 =	vmul.f32 v42, v6;
	v9 =	vadd.f32 v10, v9;
	v10 =	vld [tilespmem:s26+$0x5180]  }
0x117: {  	v55 =	vmul.f32 v54, v51;
	s14 =	sor.u32 $0xC10, s5;
	v41 =	vmul.f32 v41, v4;
	v1 =	vadd.f32 v12, v1;
	v12 =	vld [tilespmem:s8+$0x5180]  }
0x118: {  	s6 =	sadd.s32 $0x180, s12;
	v11 =	vld [tilespmem:s14+$0x5180];
	s14 =	sor.u32 $0xC20, s5;
	v2 =	vadd.f32 v57, v2;
	v57 =	vmul.f32 v61, v51;
	v0 =	vadd.f32 v13, v0  }
0x119: {  	v61 =	vld [tilespmem:s14+$0x5180];
	s8 =	sor.u32 $0xC10, s6;
	v51 =	vmul.f32 v63, v4;
	v9 =	vadd.f32 v59, v9;
	v1 =	vadd.f32 v60, v1  }
0x11a: {  	s26 =	sor.u32 $0xC00, s6;
	v42 =	vld [tilespmem:s8+$0x5180];
	v2 =	vadd.f32 v52, v2;
	v0 =	vadd.f32 v62, v0;
	v3 =	vmul.f32 v3, v5  }
0x11b: {  	v59 =	vld [tilespmem:s26+$0x5180];
	v63 =	vadd.f32 v53, v9;
	v9 =	vmul.f32 v38, v5;
	v10 =	vmul.f32 v10, v5  }
0x11c: {  	s12 =	sor.u32 $0x800, s6;
	v13 =	vld.msk [tilespmem:s1+$0x3 ss:$0x0], $0xffff;
	v1 =	vadd.f32 v15, v1;
	v0 =	vadd.f32 v16, v0;
	v12 =	vmul.f32 v12, v5  }
0x11d: {  	v11 =	vmul.f32 v11, v4;
	s14 =	sor.u32 $0x820, s6;
	v17 =	vadd.f32 v9, v2;
	v9 =	vld [tilespmem:s12+$0x5180];
	v52 =	vadd.f32 v10, v63  }
0x11e: {  	s28 =	sor.u32 $0x50, s25;
	s29 =	sor.u32 $0x60, s25;
	s13 =	sor.u32 $0x810, s6;
	v38 =	vmul.f32 v61, v4;
	v2 =	vld [tilespmem:s14+$0x5180];
	v1 =	vadd.f32 v12, v1;
	v3 =	vadd.f32 v3, v0  }
0x11f: {  	s30 =	sor.u32 $0x70, s25;
	v25 =	vimm.f32 $0.0e+00;
	s7 =	sor.u32 $0xC30, s6;
	s23 =	sor.u32 $0x830, s6;
	v10 =	vld [tilespmem:s13+$0x5180];
	v54 =	vadd.f32 v51, v17;
	v53 =	vadd.f32 v11, v52  }
0x120: {  	s26 =	sor.u32 $0x40, s25;
	s12 =	sor.u32 $0xC20, s6;
	s14 =	simm.s32 $0x0;
	v0 =	vmul.f32 v59, v40;
	v12 =	vld [tilespmem:s23+$0x5180];
	v51 =	vadd.f32 v38, v1;
	v52 =	vadd.f32 v41, v3  }
0x121: {  	s23 =	smov.u32 s1;
	s13 =	simm.s32 $0x0;
	v1 =	vmul.f32 v42, v40;
	v11 =	vld [tilespmem:s12+$0x5180];
	s12 =	simm.s32 $0x800;
	v41 =	vimm.f32 $0.0e+00;
	v3 =	vimm.f32 $0.0e+00  }
.LBB2_3:
0x122: {  	_ = 	snop  }
0x123: {  	v43 =	vadd.f32 v43, v51  }
0x124: {  	v60 =	vld [tilespmem:s7+$0x5180];
	v44 =	vadd.f32 v44, v52  }
0x125: {  	v2 =	vmul.f32 v2, v13;
	v16 =	vadd.f32 v24, v43  }
0x126: {  	s8 =	sor.u32 $0xC40, s15;
	v15 =	vld [tilespmem:$0x1FE70];
	v45 =	vadd.f32 v45, v54;
	v37 =	vadd.f32 v37, v44  }
0x127: {  	s7 =	sor.u32 $0xC50, s15;
	v61 =	vld [tilespmem:s8+$0x5180];
	v12 =	vmul.f32 v12, v13;
	v11 =	vmul.f32 v11, v40;
	v2 =	vadd.f32 v2, v16  }
0x128: {  	v9 =	vmul.f32 v9, v13;
	v46 =	vadd.f32 v46, v53;
	s8 =	sor.u32 $0x840, s15;
	v62 =	vld [tilespmem:s7+$0x5180];
	v38 =	vadd.f32 v23, v45  }
0x129: {  	s7 =	sor.u32 $0x870, s15;
	v63 =	vld [tilespmem:s8+$0x5180];
	v44 =	vmul.f32 v60, v40;
	v12 =	vadd.f32 v12, v37;
	v2 =	vadd.f32 v11, v2  }
0x12a: {  	v10 =	vmul.f32 v10, v13;
	s8 =	sor.u32 $0x850, s15;
	v52 =	vld [tilespmem:s7+$0x5180];
	v39 =	vadd.f32 v36, v46;
	v9 =	vadd.f32 v9, v38  }
0x12b: {  	v17 =	vld [tilespmem:s8+$0x5180];
	s8 =	sor.u32 $0x860, s15;
	[tilespmem:$0x1FDE0] =	vst v2;
	v2 =	vadd.f32 v44, v12  }
0x12c: {  	v42 =	vld [tilespmem:s8+$0x5180];
	v10 =	vadd.f32 v10, v39;
	v0 =	vadd.f32 v0, v9  }
0x12d: {  	v23 =	vadd.f32 v32, v3;
	[tilespmem:$0x1FDF0] =	vst v2;
	v2 =	vld [tilespmem:$0x1FE90]  }
0x12e: {  	[tilespmem:$0x1FDC0] =	vst v0;
	v0 =	vadd.f32 v1, v10;
	v10 =	vld [tilespmem:$0x1FEA0]  }
0x12f: {  	s8 =	sor.u32 $0xC60, s15;
	v23 =	vadd.f32 v15, v23;
	v15 =	vld [tilespmem:$0x1FE80]  }
0x130: {  	v1 =	vld [tilespmem:s8+$0x5180];
	s8 =	sor.u32 $0xC70, s15  }
0x131: {  	v11 =	vld [tilespmem:s8+$0x5180]  }
0x132: {  	v53 =	vadd.f32 v33, v25;
	v46 =	vmul.f32 v61, v8;
	v2 =	vadd.f32 v2, v20  }
0x133: {  	v9 =	vmul.f32 v63, v14;
	s15 =	sor.u32 $0xC40, s4;
	v12 =	vmul.f32 v17, v14;
	v10 =	vadd.f32 v10, v41  }
0x134: {  	v54 =	vld [tilespmem:s15+$0x5180];
	s15 =	sor.u32 $0x840, s4;
	v24 =	vadd.f32 v15, v53;
	[tilespmem:$0x1FDD0] =	vst v0;
	v0 =	vmul.f32 v62, v8;
	v2 =	vadd.f32 v26, v2  }
0x135: {  	v25 =	vld [tilespmem:s15+$0x5180];
	s15 =	sor.u32 $0x860, s4;
	v1 =	vmul.f32 v1, v8;
	v10 =	vadd.f32 v27, v10;
	v26 =	vmul.f32 v42, v14  }
0x136: {  	s8 =	sor.u32 $0xC50, s4;
	v8 =	vmul.f32 v11, v8;
	v11 =	vld [tilespmem:s15+$0x5180];
	v14 =	vmul.f32 v52, v14;
	v2 =	vadd.f32 v9, v2  }
0x137: {  	v27 =	vld [tilespmem:s8+$0x5180];
	s8 =	sor.u32 $0x850, s4;
	v9 =	vadd.f32 v12, v10;
	v12 =	vadd.f32 v26, v23  }
0x138: {  	v10 =	vld [tilespmem:s8+$0x5180];
	v14 =	vadd.f32 v14, v24  }
0x139: {  	s15 =	sor.u32 $0xC60, s4;
	v0 =	vadd.f32 v0, v9;
	v1 =	vadd.f32 v1, v12  }
0x13a: {  	v8 =	vadd.f32 v8, v14;
	v14 =	vld [tilespmem:s15+$0x5180]  }
0x13b: {  	v0 =	vadd.f32 v57, v0;
	v1 =	vadd.f32 v55, v1  }
0x13c: {  	v11 =	vmul.f32 v11, v7;
	v2 =	vadd.f32 v46, v2  }
0x13d: {  	v10 =	vmul.f32 v10, v7;
	v0 =	vadd.f32 v50, v0;
	v1 =	vadd.f32 v48, v1  }
0x13e: {  	v15 =	vld [tilespmem:$0x1FF60];
	v12 =	vmul.f32 v27, v6;
	v2 =	vadd.f32 v56, v2  }
0x13f: {  	s8 =	sor.u32 $0x870, s4;
	v0 =	vadd.f32 v10, v0;
	v10 =	vmul.f32 v14, v6;
	v1 =	vadd.f32 v11, v1  }
0x140: {  	v24 =	vmul.f32 v25, v7;
	v23 =	vld [tilespmem:s8+$0x5180];
	v2 =	vadd.f32 v47, v2  }
0x141: {  	s8 =	sor.u32 $0xC70, s4;
	v0 =	vadd.f32 v12, v0;
	v1 =	vadd.f32 v10, v1;
	v12 =	vld [tilespmem:$0x1FF50]  }
0x142: {  	v9 =	vmul.f32 v54, v6;
	v25 =	vld [tilespmem:s8+$0x5180];
	v2 =	vadd.f32 v24, v2  }
0x143: {  	s7 =	sor.u32 $0xC50, s5;
	v1 =	vadd.f32 v15, v1;
	v15 =	vld [tilespmem:$0x1FEF0]  }
0x144: {  	s15 =	sor.u32 $0xC40, s5;
	v27 =	vld [tilespmem:s7+$0x5180];
	v2 =	vadd.f32 v9, v2  }
0x145: {  	s23 =	sadd.s32 $0x4, s23;
	v26 =	vld [tilespmem:s15+$0x5180]  }
0x146: {  	s8 =	sor.u32 $0x840, s5;
	v8 =	vadd.f32 v58, v8;
	v58 =	vld.msk [tilespmem:s23+$0xFFFFE001 ss:$0x0], $0xffff;
	v2 =	vadd.f32 v12, v2  }
0x147: {  	v7 =	vmul.f32 v23, v7;
	v23 =	vld [tilespmem:s8+$0x5180]  }
0x148: {  	v2 =	vadd.f32 v15, v2;
	v15 =	vld [tilespmem:$0x1FF00]  }
0x149: {  	s15 =	sor.u32 $0x850, s5;
	v8 =	vadd.f32 v49, v8;
	v49 =	vld.msk [tilespmem:s23+$0xFFFFF001 ss:$0x0], $0xffff  }
0x14a: {  	s7 =	sor.u32 $0x860, s5;
	v14 =	vld [tilespmem:s15+$0x5180]  }
0x14b: {  	s8 =	sor.u32 $0x870, s5;
	v7 =	vadd.f32 v7, v8;
	v8 =	vld [tilespmem:s7+$0x5180];
	v0 =	vadd.f32 v31, v0  }
0x14c: {  	v11 =	vld [tilespmem:s8+$0x5180]  }
0x14d: {  	v6 =	vmul.f32 v25, v6;
	s7 =	sor.u32 $0xC40, s6;
	v0 =	vadd.f32 v15, v0;
	v15 =	vld [tilespmem:$0x1FF10]  }
0x14e: {  	s8 =	sor.u32 $0xC50, s6;
	v24 =	vld [tilespmem:s7+$0x5180]  }
0x14f: {  	s15 =	sor.u32 $0xC60, s5;
	v21 =	vld [tilespmem:s8+$0x5180];
	v6 =	vadd.f32 v6, v7  }
0x150: {  	v10 =	vld [tilespmem:s15+$0x5180]  }
0x151: {  	v6 =	vadd.f32 v30, v6;
	v30 =	vld.msk [tilespmem:s23+$0xFFFFE002 ss:$0x0], $0xffff  }
0x152: {  	s5 =	sor.u32 $0xC70, s5;
	v1 =	vadd.f32 v15, v1;
	v15 =	vld [tilespmem:$0x1FF30]  }
0x153: {  	s15 =	sor.u32 $0x840, s6;
	v8 =	vmul.f32 v8, v5;
	v12 =	vmul.f32 v23, v5;
	v23 =	vld [tilespmem:s5+$0x5180]  }
0x154: {  	v14 =	vmul.f32 v14, v5;
	v5 =	vmul.f32 v11, v5;
	v11 =	vld [tilespmem:s15+$0x5180];
	s5 =	sor.u32 $0x850, s6  }
0x155: {  	v10 =	vmul.f32 v10, v4;
	v2 =	vadd.f32 v12, v2;
	v12 =	vld [tilespmem:s5+$0x5180];
	v1 =	vadd.f32 v8, v1  }
0x156: {  	v0 =	vadd.f32 v14, v0;
	v14 =	vld.msk [tilespmem:s23+$0x1003 ss:$0x0], $0xffff  }
0x157: {  	v1 =	vadd.f32 v10, v1;
	v10 =	vld [tilespmem:$0x1FEB0];
	v6 =	vadd.f32 v15, v6  }
0x158: {  	s8 =	sor.u32 $0x870, s6;
	v9 =	vmul.f32 v26, v4;
	v15 =	vld [tilespmem:$0x1FED0]  }
0x159: {  	s7 =	sor.u32 $0x860, s6;
	v7 =	vmul.f32 v27, v4;
	v4 =	vmul.f32 v23, v4;
	v8 =	vld [tilespmem:s8+$0x5180];
	v5 =	vadd.f32 v5, v6  }
0x15a: {  	s15 =	sor.u32 $0xC60, s6;
	v2 =	vadd.f32 v9, v2;
	v6 =	vld [tilespmem:s7+$0x5180]  }
0x15b: {  	s0 =	sadd.s32 $0x200, s0;
	s7 =	sand.u32 $0x7000, s12;
	v4 =	vadd.f32 v4, v5;
	v5 =	vld [tilespmem:s15+$0x5180]  }
0x15c: {  	s8 =	sand.u32 $0x200, s0;
	s4 =	sadd.s32 $0x5180, s7;
	v2 =	vadd.f32 v10, v2;
	v10 =	vmul.f32 v11, v13;
	v11 =	vld [tilespmem:$0x1FEC0]  }
0x15d: {  	s5 =	sor.u32 s8, s4;
	v1 =	vadd.f32 v15, v1;
	v15 =	vld [tilespmem:$0x1FEE0]  }
0x15e: {  	v19 =	vld [tilespmem:s5+$0x460]  }
0x15f: {  	v20 =	vld [tilespmem:s5+$0x470]  }
0x160: {  	v9 =	vmul.f32 v21, v40;
	v21 =	vld [tilespmem:s5+$0x0]  }
0x161: {  	v22 =	vld [tilespmem:s5+$0x10]  }
0x162: {  	v31 =	vld [tilespmem:s5+$0x40]  }
0x163: {  	v32 =	vld [tilespmem:s5+$0x50]  }
0x164: {  	v33 =	vld [tilespmem:s5+$0x60]  }
0x165: {  	v36 =	vld [tilespmem:s5+$0x70]  }
0x166: {  	v16 =	vadd.f32 v29, v2;
	v2 =	vld.msk [tilespmem:s23+$0xFFFFF003 ss:$0x0], $0xffff  }
0x167: {  	v29 =	vld [tilespmem:s5+$0x30]  }
0x168: {  	v17 =	vadd.f32 v28, v1;
	v1 =	vld.msk [tilespmem:s23+$0xFFFFE003 ss:$0x0], $0xffff  }
0x169: {  	v0 =	vadd.f32 v7, v0;
	v28 =	vld [tilespmem:s5+$0x20]  }
0x16a: {  	s6 =	sor.u32 $0xC70, s6;
	v6 =	vmul.f32 v6, v13;
	v10 =	vadd.f32 v10, v16;
	v16 =	vld [tilespmem:s5+$0x430]  }
0x16b: {  	v0 =	vadd.f32 v11, v0;
	v11 =	vld [tilespmem:s6+$0x5180]  }
0x16c: {  	v7 =	vmul.f32 v24, v40;
	s15 =	sadd.s32 $0x180, s0;
	v6 =	vadd.f32 v6, v17;
	v17 =	vld [tilespmem:s5+$0x440]  }
0x16d: {  	s6 =	sand.u32 $0x380, s15;
	v4 =	vadd.f32 v15, v4;
	v15 =	vld.msk [tilespmem:s23+$0x3 ss:$0x0], $0xffff  }
0x16e: {  	v7 =	vadd.f32 v7, v10;
	v10 =	vld.msk [tilespmem:s23+$0xFFFFF000 ss:$0x0], $0xffff;
	s7 =	sadd.s32 s6, s4  }
0x16f: {  	v37 =	vld [tilespmem:s7+$0x400]  }
0x170: {  	v39 =	vld [tilespmem:s7+$0x410]  }
0x171: {  	v43 =	vld [tilespmem:s7+$0x420]  }
0x172: {  	v44 =	vld [tilespmem:s7+$0x430]  }
0x173: {  	v45 =	vld [tilespmem:s7+$0x440]  }
0x174: {  	v46 =	vld [tilespmem:s7+$0x450]  }
0x175: {  	v47 =	vld [tilespmem:s7+$0x460]  }
0x176: {  	v48 =	vld [tilespmem:s7+$0x470]  }
0x177: {  	v50 =	vld [tilespmem:s7+$0x0]  }
0x178: {  	v55 =	vld [tilespmem:s7+$0x10]  }
0x179: {  	v56 =	vld [tilespmem:s7+$0x20]  }
0x17a: {  	v57 =	vld [tilespmem:s7+$0x30]  }
0x17b: {  	v59 =	vld [tilespmem:s7+$0x40]  }
0x17c: {  	v60 =	vld [tilespmem:s7+$0x50]  }
0x17d: {  	v61 =	vld [tilespmem:s7+$0x60]  }
0x17e: {  	s8 =	sadd.s32 $0x100, s0;
	v62 =	vld [tilespmem:s7+$0x70]  }
0x17f: {  	s6 =	sand.u32 $0x300, s8;
	v18 =	vadd.f32 v34, v4;
	v4 =	vld.msk [tilespmem:s23+$0x1002 ss:$0x0], $0xffff  }
0x180: {  	s6 =	sadd.s32 s6, s4;
	[tilespmem:$0x1FE20] =	vst v7;
	v7 =	vld.msk [tilespmem:s23+$0x1 ss:$0x0], $0xffff  }
0x181: {  	v63 =	vld [tilespmem:s6+$0x400]  }
0x182: {  	v23 =	vld [tilespmem:s6+$0x410]  }
0x183: {  	v24 =	vld [tilespmem:s6+$0x420]  }
0x184: {  	v25 =	vld [tilespmem:s6+$0x430]  }
0x185: {  	v26 =	vld [tilespmem:s6+$0x440]  }
0x186: {  	v12 =	vmul.f32 v12, v13;
	v0 =	vadd.f32 v35, v0;
	v27 =	vld [tilespmem:s6+$0x450]  }
0x187: {  	v34 =	vld [tilespmem:s6+$0x460]  }
0x188: {  	v8 =	vmul.f32 v8, v13;
	v0 =	vadd.f32 v12, v0;
	v12 =	vmul.f32 v5, v40;
	v5 =	vld.msk [tilespmem:s23+$0x2 ss:$0x0], $0xffff  }
0x189: {  	v3 =	vmul.f32 v11, v40;
	v11 =	vld [tilespmem:s5+$0x410]  }
0x18a: {  	v8 =	vadd.f32 v8, v18;
	v18 =	vld [tilespmem:s5+$0x450]  }
0x18b: {  	v0 =	vadd.f32 v9, v0;
	v9 =	vld [tilespmem:s5+$0x400]  }
0x18c: {  	v6 =	vadd.f32 v12, v6;
	v12 =	vld [tilespmem:s5+$0x420]  }
0x18d: {  	v13 =	vmov v15;
	v15 =	vld.msk [tilespmem:s23+$0xFFFFE000 ss:$0x0], $0xffff  }
0x18e: {  	v40 =	vmovc v14;
	v14 =	vld.msk [tilespmem:s23+$0x0 ss:$0x0], $0xffff;
	v51 =	vmul.f32 v16, v10;
	v38 =	vmul.f32 v17, v10;
	v3 =	vadd.f32 v3, v8  }
0x18f: {  	v16 =	vld [tilespmem:s6+$0x470];
	v35 =	vmul.f32 v48, v2;
	v53 =	vmul.f32 v11, v10  }
0x190: {  	s15 =	sadd.s32 $0x80, s0;
	v17 =	vld [tilespmem:s6+$0x0];
	[tilespmem:$0x1FE40] =	vst v3;
	v3 =	vmul.f32 v18, v10;
	v11 =	vmul.f32 v19, v10  }
0x191: {  	s5 =	sand.u32 $0x280, s15;
	v8 =	vld.msk [tilespmem:s23+$0x1000 ss:$0x0], $0xffff;
	v52 =	vmul.f32 v9, v10;
	v9 =	vmul.f32 v12, v10  }
0x192: {  	s4 =	sadd.s32 s5, s4;
	[tilespmem:$0x1FE00] =	vst v0;
	v0 =	vld.msk [tilespmem:s23+$0xFFFFF002 ss:$0x0], $0xffff;
	v10 =	vmul.f32 v20, v10;
	v12 =	vmul.f32 v21, v15  }
0x193: {  	v48 =	vld [tilespmem:s4+$0x430];
	v18 =	vmul.f32 v31, v15;
	v41 =	vmul.f32 v33, v15  }
0x194: {  	v19 =	vld [tilespmem:s6+$0x10];
	v42 =	vmul.f32 v36, v15;
	v20 =	vmul.f32 v45, v2  }
0x195: {  	v21 =	vld [tilespmem:s6+$0x20];
	v36 =	vmul.f32 v46, v2;
	v33 =	vmul.f32 v47, v2;
	[tilespmem:$0x1FE30] =	vst v3  }
0x196: {  	v31 =	vld [tilespmem:s6+$0x50];
	v45 =	vmul.f32 v50, v1;
	[tilespmem:$0x1FE70] =	vst v11;
	v3 =	vmul.f32 v37, v2  }
0x197: {  	v47 =	vld [tilespmem:s4+$0x420];
	v46 =	vmul.f32 v55, v1;
	[tilespmem:$0x1FE90] =	vst v18;
	v18 =	vmul.f32 v32, v15  }
0x198: {  	v50 =	vld [tilespmem:s4+$0x440];
	[tilespmem:$0x1FE50] =	vst v3;
	v3 =	vmul.f32 v39, v2;
	v39 =	vmul.f32 v44, v2  }
0x199: {  	v55 =	vld [tilespmem:s4+$0x450];
	[tilespmem:$0x1FEA0] =	vst v18;
	v18 =	vmul.f32 v43, v2;
	v2 =	vmul.f32 v59, v1  }
0x19a: {  	v54 =	vmul.f32 v28, v15;
	v11 =	vmul.f32 v22, v15;
	v22 =	vld [tilespmem:s6+$0x70];
	[tilespmem:$0x1FE80] =	vst v10  }
0x19b: {  	v10 =	vmul.f32 v29, v15;
	v15 =	vld [tilespmem:s6+$0x60];
	[tilespmem:$0x1FEB0] =	vst v2;
	v2 =	vmul.f32 v60, v1  }
0x19c: {  	v29 =	vld [tilespmem:s6+$0x40];
	v44 =	vmul.f32 v57, v1;
	v43 =	vmul.f32 v56, v1  }
0x19d: {  	v32 =	vld [tilespmem:s4+$0x410];
	[tilespmem:$0x1FEC0] =	vst v2;
	v2 =	vmul.f32 v61, v1;
	v1 =	vmul.f32 v62, v1  }
0x19e: {  	v57 =	vld [tilespmem:s4+$0x30];
	v59 =	vmul.f32 v24, v0;
	v37 =	vmul.f32 v31, v30;
	[tilespmem:$0x1FE60] =	vst v18  }
0x19f: {  	v18 =	vld [tilespmem:s4+$0x400];
	v60 =	vmul.f32 v25, v0;
	[tilespmem:$0x1FEE0] =	vst v1;
	v1 =	vmul.f32 v26, v0  }
0x1a0: {  	v56 =	vld [tilespmem:s4+$0x460];
	v31 =	vmul.f32 v22, v30;
	v15 =	vmul.f32 v15, v30  }
0x1a1: {  	v24 =	vld [tilespmem:s4+$0x0];
	v61 =	vmul.f32 v63, v0;
	[tilespmem:$0x1FEF0] =	vst v1;
	v1 =	vmul.f32 v27, v0  }
0x1a2: {  	v25 =	vld [tilespmem:s4+$0x10];
	v62 =	vmul.f32 v23, v0;
	[tilespmem:$0x1FED0] =	vst v2;
	v2 =	vmul.f32 v19, v30  }
0x1a3: {  	p0 =	por !p0, !p0;
	s5 =	simm.s32 $0x1;
	v22 =	vld [tilespmem:s4+$0x60];
	[tilespmem:$0x1FF00] =	vst v1;
	v1 =	vmul.f32 v34, v0;
	v0 =	vmul.f32 v16, v0  }
0x1a4: {  	s5 =	simm.s32 @!p0 $0x0;
	[tilespmem:$0x1FF60] =	vst v15;
	v19 =	vld [tilespmem:s4+$0x40];
	v15 =	vmul.f32 v18, v49;
	v18 =	vmul.f32 v32, v49  }
0x1a5: {  	s5 =	sshll.u32 s5, $0x9;
	v32 =	vld [tilespmem:s4+$0x70];
	[tilespmem:$0x1FF30] =	vst v0;
	v0 =	vmul.f32 v21, v30;
	v21 =	vmul.f32 v29, v30  }
0x1a6: {  	s15 =	sadd.s32 s5, s12;
	v63 =	vmul.f32 v17, v30;
	v17 =	vmul.f32 v57, v58;
	v16 =	vld [tilespmem:s4+$0x20]  }
0x1a7: {  	s5 =	sor.u32 $0xC00, s15;
	v24 =	vmul.f32 v24, v58;
	v26 =	vmul.f32 v47, v49;
	[tilespmem:$0x1FF50] =	vst v21;
	v21 =	vld [tilespmem:s4+$0x50]  }
0x1a8: {  	v47 =	vmul.f32 v50, v49;
	v50 =	vmul.f32 v55, v49;
	v34 =	vld [tilespmem:s5+$0x5180]  }
0x1a9: {  	v23 =	vld [tilespmem:s4+$0x470];
	v25 =	vmul.f32 v25, v58;
	v55 =	vmul.f32 v22, v58  }
0x1aa: {  	v28 =	vld [tilespmem:s6+$0x30];
	v27 =	vmul.f32 v48, v49;
	v48 =	vmul.f32 v56, v49  }
0x1ab: {  	[tilespmem:$0x1FE10] =	vst v6;
	v6 =	vld.msk [tilespmem:s23+$0x1001 ss:$0x0], $0xffff;
	v56 =	vmul.f32 v19, v58;
	v16 =	vmul.f32 v16, v58  }
0x1ac: {  	v57 =	vmul.f32 v21, v58;
	v58 =	vmul.f32 v32, v58;
	v32 =	vld [tilespmem:$0x1FDC0]  }
0x1ad: {  	s6 =	sor.u32 $0x800, s15;
	v21 =	vmul.f32 v34, v8;
	v34 =	vld [tilespmem:$0x1FDE0]  }
0x1ae: {  	v49 =	vmul.f32 v23, v49;
	v23 =	vld [tilespmem:s6+$0x5180];
	s5 =	sor.u32 $0xC10, s15  }
0x1af: {  	s7 =	sor.u32 $0x810, s15;
	[tilespmem:$0x1FF10] =	vst v1;
	v1 =	vmul.f32 v28, v30;
	v28 =	vld [tilespmem:s5+$0x5180]  }
0x1b0: {  	s6 =	sor.u32 $0x820, s15;
	v29 =	vld [tilespmem:s7+$0x5180]  }
0x1b1: {  	v30 =	vld [tilespmem:s6+$0x5180]  }
0x1b2: {  	s13 =	sadd.s32 $0x4, s13;
	v12 =	vadd.f32 v12, v32;
	v32 =	vld [tilespmem:$0x1FDD0];
	v34 =	vadd.f32 v54, v34  }
0x1b3: {  	s8 =	sand.u32 $0x7, s13;
	s7 =	sor.u32 $0x830, s15;
	v54 =	vld [tilespmem:$0x1FDF0]  }
0x1b4: {  	s5 =	sshll.u32 s8, $0x7;
	s8 =	sor.u32 $0xC20, s15;
	v19 =	vld [tilespmem:s7+$0x5180]  }
0x1b5: {  	s6 =	sadd.s32 s12, s5;
	v22 =	vmul.f32 v28, v8;
	v28 =	vld [tilespmem:s8+$0x5180]  }
0x1b6: {  	s7 =	sor.u32 $0xC30, s15;
	s4 =	sadd.s32 $0x80, s6;
	v9 =	vadd.f32 v9, v34;
	v34 =	vmovc v35;
	v35 =	vmov v36;
	v36 =	vmov v3;
	v3 =	vld [tilespmem:$0x1FE10]  }
0x1b7: {  	v23 =	vmul.f32 v23, v14;
	s8 =	sor.u32 $0xC00, s4;
	v12 =	vadd.f32 v52, v12;
	v11 =	vadd.f32 v11, v32;
	v32 =	vld [tilespmem:s7+$0x5180]  }
0x1b8: {  	v10 =	vadd.f32 v10, v54;
	v54 =	vld [tilespmem:s8+$0x5180];
	s7 =	sor.u32 $0xC10, s4  }
0x1b9: {  	v29 =	vmul.f32 v29, v14;
	v12 =	vadd.f32 v23, v12;
	s8 =	sor.u32 $0x800, s4;
	v52 =	vld [tilespmem:s7+$0x5180]  }
0x1ba: {  	v19 =	vmul.f32 v19, v14;
	v11 =	vadd.f32 v53, v11;
	v10 =	vadd.f32 v51, v10;
	v51 =	vld [tilespmem:s8+$0x5180];
	s8 =	sor.u32 $0x810, s4  }
0x1bb: {  	s14 =	sadd.s32 $0x2, s14;
	v23 =	vmul.f32 v28, v8;
	v53 =	vmul.f32 v30, v14;
	v28 =	vld [tilespmem:s8+$0x5180];
	s8 =	sor.u32 $0x820, s4  }
0x1bc: {  	s7 =	sand.u32 $0x3, s14;
	v12 =	vadd.f32 v21, v12;
	v11 =	vadd.f32 v29, v11;
	v29 =	vld [tilespmem:s8+$0x5180]  }
0x1bd: {  	s5 =	sor.u32 $0x830, s4;
	s7 =	sshll.u32 s7, $0x8;
	v9 =	vadd.f32 v53, v9;
	v10 =	vadd.f32 v19, v10;
	v19 =	vmul.f32 v32, v8;
	v32 =	vmovc v41;
	v41 =	vld [tilespmem:$0x1FE00]  }
0x1be: {  	s7 =	sadd.s32 s12, s7;
	s8 =	sor.u32 $0xC20, s4;
	v11 =	vadd.f32 v22, v11;
	v22 =	vld [tilespmem:s5+$0x5180]  }
0x1bf: {  	v12 =	vadd.f32 v24, v12;
	v9 =	vadd.f32 v23, v9;
	v23 =	vld [tilespmem:s8+$0x5180];
	s8 =	sor.u32 $0xC30, s4;
	s5 =	sadd.s32 $0x100, s7  }
0x1c0: {  	v10 =	vadd.f32 v19, v10;
	s7 =	sor.u32 $0xC00, s5;
	v11 =	vadd.f32 v25, v11;
	v25 =	vld [tilespmem:s8+$0x5180]  }
0x1c1: {  	v19 =	vmul.f32 v52, v6;
	v52 =	vld [tilespmem:s7+$0x5180]  }
0x1c2: {  	v12 =	vadd.f32 v15, v12;
	s7 =	sor.u32 $0xC10, s5;
	v10 =	vadd.f32 v17, v10;
	v15 =	vmul.f32 v29, v7;
	v29 =	vmovc v20;
	v20 =	vld [tilespmem:$0x1FE20]  }
0x1c3: {  	v9 =	vadd.f32 v16, v9;
	v53 =	vld [tilespmem:s7+$0x5180]  }
0x1c4: {  	v24 =	vmul.f32 v51, v7;
	v51 =	vmul.f32 v28, v7;
	s8 =	sor.u32 $0x800, s5;
	v10 =	vadd.f32 v27, v10;
	v27 =	vld [tilespmem:$0x1FE30]  }
0x1c5: {  	v11 =	vadd.f32 v18, v11;
	v9 =	vadd.f32 v26, v9;
	v18 =	vmul.f32 v22, v7;
	v22 =	vld [tilespmem:s8+$0x5180];
	s8 =	sor.u32 $0x810, s5  }
0x1c6: {  	v21 =	vmul.f32 v54, v6;
	v12 =	vadd.f32 v24, v12;
	v24 =	vld [tilespmem:s8+$0x5180]  }
0x1c7: {  	v11 =	vadd.f32 v51, v11;
	s8 =	sor.u32 $0x820, s5;
	v9 =	vadd.f32 v15, v9;
	v15 =	vmul.f32 v25, v6;
	v25 =	vld [tilespmem:$0x1FE40]  }
0x1c8: {  	s7 =	sor.u32 $0x830, s5;
	v23 =	vmul.f32 v23, v6;
	v12 =	vadd.f32 v21, v12;
	v10 =	vadd.f32 v18, v10;
	v18 =	vld [tilespmem:s8+$0x5180]  }
0x1c9: {  	s8 =	sor.u32 $0xC20, s5;
	v11 =	vadd.f32 v19, v11;
	v19 =	vld [tilespmem:s7+$0x5180]  }
0x1ca: {  	s6 =	sadd.s32 $0x180, s6;
	v12 =	vadd.f32 v63, v12;
	v9 =	vadd.f32 v23, v9;
	v54 =	vld [tilespmem:s8+$0x5180];
	s8 =	sor.u32 $0xC30, s5  }
0x1cb: {  	v10 =	vadd.f32 v15, v10;
	v2 =	vadd.f32 v2, v11;
	v11 =	vld [tilespmem:s8+$0x5180];
	s8 =	sor.u32 $0xC00, s6  }
0x1cc: {  	s7 =	sor.u32 $0xC10, s6;
	v21 =	vmul.f32 v22, v5;
	v0 =	vadd.f32 v0, v9;
	v23 =	vld [tilespmem:s8+$0x5180]  }
0x1cd: {  	v1 =	vadd.f32 v1, v10;
	v10 =	vadd.f32 v61, v12;
	s8 =	sor.u32 $0x800, s6;
	v12 =	vmul.f32 v18, v5;
	v18 =	vld [tilespmem:s7+$0x5180]  }
0x1ce: {  	v22 =	vmul.f32 v24, v5;
	v2 =	vadd.f32 v62, v2;
	v9 =	vld [tilespmem:s8+$0x5180];
	s8 =	sor.u32 $0x810, s6  }
0x1cf: {  	p1 =	sne.s32 s12, $0x7800;
	v16 =	vmul.f32 v52, v4;
	v0 =	vadd.f32 v59, v0;
	v21 =	vadd.f32 v21, v10;
	v10 =	vld [tilespmem:s8+$0x5180];
	s8 =	sor.u32 $0x820, s6  }
.Ltmp0:
0x1d0: {  	s7 =	sor.u32 $0x830, s6;
	v1 =	vadd.f32 v60, v1;
	v19 =	vmul.f32 v19, v5;
	v22 =	vadd.f32 v22, v2;
	v2 =	vld [tilespmem:s8+$0x5180];
	(pc) =	sbr.rel @p1 .LBB2_3-.Ltmp0, $4  }
0x1d1: {  	v30 =	vmovc v31;
	v15 =	vmul.f32 v53, v4;
	v17 =	vmul.f32 v54, v4;
	v24 =	vadd.f32 v12, v0;
	v12 =	vld [tilespmem:s7+$0x5180]  }
0x1d2: {  	v31 =	vmovc v37;
	v1 =	vadd.f32 v19, v1;
	v11 =	vmul.f32 v11, v4;
	v0 =	vmul.f32 v23, v40;
	v23 =	vld [tilespmem:$0x1FE50]  }
0x1d3: {  	v37 =	vmovc v39;
	v28 =	vmovc v33;
	v33 =	vmov v42;
	s8 =	sor.u32 $0xC20, s6;
	v54 =	vadd.f32 v16, v21;
	v51 =	vadd.f32 v17, v24;
	v24 =	vld [tilespmem:$0x1FE60]  }
0x1d4: {  	s12 =	sadd.s32 $0x800, s12;
	v26 =	vmovc v38;
	s7 =	sor.u32 $0xC30, s6;
	v53 =	vadd.f32 v15, v22;
	v52 =	vadd.f32 v11, v1;
	v1 =	vmul.f32 v18, v40;
	v11 =	vld [tilespmem:s8+$0x5180]  }
0x1d5: {  	v17 =	vld [tilespmem:s7+$0x5180]  }
0x1d6: {  	v60 =	vld [tilespmem:$0x1FE90]  }
0x1d7: {  	s0 =	sor.u32 $0xC40, s15;
	v62 =	vld [tilespmem:$0x1FEA0]  }
0x1d8: {  	s14 =	sor.u32 $0xC50, s15;
	v16 =	vadd.f32 v46, v53;
	v18 =	vld [tilespmem:s0+$0x5180]  }
0x1d9: {  	v15 =	vadd.f32 v45, v54;
	v9 =	vmul.f32 v9, v13;
	s23 =	sor.u32 $0x840, s15;
	v21 =	vadd.f32 v44, v52;
	v22 =	vld [tilespmem:s14+$0x5180]  }
0x1da: {  	v10 =	vmul.f32 v10, v13;
	v19 =	vadd.f32 v43, v51;
	s8 =	sor.u32 $0x850, s15;
	v43 =	vld [tilespmem:s23+$0x5180];
	v16 =	vadd.f32 v36, v16  }
0x1db: {  	v12 =	vmul.f32 v12, v13;
	v44 =	vld [tilespmem:s8+$0x5180];
	s14 =	sor.u32 $0xC60, s15;
	v15 =	vadd.f32 v23, v15;
	v21 =	vadd.f32 v37, v21  }
0x1dc: {  	v2 =	vmul.f32 v2, v13;
	s23 =	sor.u32 $0xC70, s15;
	v59 =	vld [tilespmem:s14+$0x5180];
	v19 =	vadd.f32 v24, v19;
	v10 =	vadd.f32 v10, v16  }
0x1dd: {  	v63 =	vld [tilespmem:s23+$0x5180];
	s14 =	sor.u32 $0x860, s4;
	v9 =	vadd.f32 v9, v15;
	v11 =	vmul.f32 v11, v40;
	v12 =	vadd.f32 v12, v21  }
0x1de: {  	s12 =	sor.u32 $0x860, s15;
	v38 =	vld [tilespmem:s14+$0x5180];
	v16 =	vmul.f32 v17, v40;
	v45 =	vadd.f32 v1, v10;
	v10 =	vadd.f32 v62, v41  }
0x1df: {  	s13 =	sor.u32 $0x870, s15;
	v15 =	vld [tilespmem:s12+$0x5180];
	v2 =	vadd.f32 v2, v19;
	v19 =	vadd.f32 v33, v25;
	v17 =	vmul.f32 v18, v8  }
0x1e0: {  	v18 =	vld [tilespmem:s13+$0x5180];
	v39 =	vadd.f32 v16, v12;
	v12 =	vmul.f32 v44, v14;
	v10 =	vadd.f32 v27, v10  }
0x1e1: {  	s7 =	sor.u32 $0xC40, s4;
	v53 =	vadd.f32 v11, v2;
	v2 =	vadd.f32 v60, v20;
	v27 =	vld [tilespmem:$0x1FE70]  }
0x1e2: {  	v25 =	vld [tilespmem:s7+$0x5180];
	v0 =	vadd.f32 v0, v9;
	v46 =	vmul.f32 v22, v8;
	s13 =	sor.u32 $0x850, s4;
	v33 =	vadd.f32 v12, v10  }
0x1e3: {  	v61 =	vmul.f32 v43, v14;
	v36 =	vld [tilespmem:s13+$0x5180];
	v2 =	vadd.f32 v26, v2  }
0x1e4: {  	s8 =	sor.u32 $0xC50, s4;
	v16 =	vadd.f32 v32, v3;
	v32 =	vld [tilespmem:$0x1FE80];
	[tilespmem:$0x1FDA0] =	vst v0;
	v0 =	vadd.f32 v46, v33  }
0x1e5: {  	s12 =	sor.u32 $0x840, s4;
	v15 =	vmul.f32 v15, v14;
	v26 =	vld [tilespmem:s8+$0x5180];
	v2 =	vadd.f32 v61, v2  }
0x1e6: {  	v14 =	vmul.f32 v18, v14;
	v18 =	vld [tilespmem:s12+$0x5180];
	v16 =	vadd.f32 v27, v16;
	v0 =	vadd.f32 v57, v0  }
0x1e7: {  	s14 =	sor.u32 $0x860, s5;
	v1 =	vmul.f32 v59, v8;
	v59 =	vld [tilespmem:$0x1FEB0];
	v2 =	vadd.f32 v17, v2  }
0x1e8: {  	s15 =	sor.u32 $0x870, s4;
	s23 =	sor.u32 $0xC60, s4;
	s4 =	sor.u32 $0xC70, s4;
	[tilespmem:$0x1FDB0] =	vst v45;
	v45 =	vld [tilespmem:s14+$0x5180];
	v10 =	vmul.f32 v36, v7;
	v12 =	vadd.f32 v15, v16;
	v0 =	vadd.f32 v50, v0  }
0x1e9: {  	v37 =	vmul.f32 v63, v8;
	v19 =	vadd.f32 v32, v19;
	v17 =	vld [tilespmem:s4+$0x5180];
	v2 =	vadd.f32 v56, v2  }
0x1ea: {  	s8 =	sor.u32 $0xC50, s5;
	v61 =	vld [tilespmem:$0x1FEC0];
	v1 =	vadd.f32 v1, v12;
	v12 =	vmul.f32 v26, v6;
	v0 =	vadd.f32 v10, v0  }
0x1eb: {  	v14 =	vadd.f32 v14, v19;
	v19 =	vld [tilespmem:s8+$0x5180];
	v16 =	vmul.f32 v18, v7;
	v2 =	vadd.f32 v47, v2  }
0x1ec: {  	v0 =	vadd.f32 v12, v0;
	v12 =	vld [tilespmem:$0x1FF50]  }
0x1ed: {  	v41 =	vmul.f32 v25, v6;
	v8 =	vadd.f32 v37, v14;
	v14 =	vld [tilespmem:s23+$0x5180];
	v2 =	vadd.f32 v16, v2  }
0x1ee: {  	s7 =	sor.u32 $0xC40, s5;
	v44 =	vmul.f32 v17, v6;
	v17 =	vld [tilespmem:$0x1FEF0]  }
0x1ef: {  	v18 =	vld [tilespmem:s7+$0x5180];
	v1 =	vadd.f32 v55, v1;
	v2 =	vadd.f32 v41, v2  }
0x1f0: {  	v15 =	vld [tilespmem:s15+$0x5180]  }
0x1f1: {  	s13 =	sor.u32 $0x850, s5;
	v11 =	vmul.f32 v38, v7;
	v16 =	vld [tilespmem:$0x1FF60];
	v1 =	vadd.f32 v48, v1;
	v2 =	vadd.f32 v12, v2  }
0x1f2: {  	v8 =	vadd.f32 v58, v8;
	v43 =	vmul.f32 v14, v6;
	v14 =	vld [tilespmem:s13+$0x5180]  }
0x1f3: {  	v1 =	vadd.f32 v11, v1;
	v2 =	vadd.f32 v17, v2;
	v17 =	vld [tilespmem:$0x1FF00]  }
0x1f4: {  	s23 =	sor.u32 $0xC60, s5;
	v46 =	vmul.f32 v18, v4;
	v18 =	vld [tilespmem:$0x1FF10]  }
0x1f5: {  	s12 =	sor.u32 $0x840, s5;
	v8 =	vadd.f32 v49, v8;
	v49 =	vld [tilespmem:s23+$0x5180];
	v1 =	vadd.f32 v43, v1  }
0x1f6: {  	s8 =	sor.u32 $0x840, s6;
	v42 =	vmul.f32 v15, v7;
	v15 =	vld [tilespmem:s12+$0x5180];
	v0 =	vadd.f32 v31, v0  }
0x1f7: {  	v51 =	vld [tilespmem:s8+$0x5180];
	s15 =	sor.u32 $0x870, s5;
	v1 =	vadd.f32 v16, v1  }
0x1f8: {  	v47 =	vld [tilespmem:s15+$0x5180];
	v7 =	vadd.f32 v42, v8;
	v14 =	vmul.f32 v14, v5;
	v0 =	vadd.f32 v17, v0  }
0x1f9: {  	v8 =	vmul.f32 v45, v5;
	v1 =	vadd.f32 v18, v1;
	v18 =	vld [tilespmem:$0x1FF30]  }
0x1fa: {  	s4 =	sor.u32 $0xC70, s5;
	v6 =	vadd.f32 v44, v7;
	v0 =	vadd.f32 v14, v0;
	v14 =	vld [tilespmem:$0x1FED0]  }
0x1fb: {  	s14 =	sor.u32 $0x870, s6;
	v10 =	vmul.f32 v49, v4;
	v12 =	vmul.f32 v15, v5;
	v15 =	vld [tilespmem:s4+$0x5180];
	v1 =	vadd.f32 v8, v1  }
0x1fc: {  	v56 =	vld [tilespmem:s14+$0x5180];
	s15 =	sor.u32 $0xC60, s6;
	v6 =	vadd.f32 v30, v6  }
0x1fd: {  	s5 =	sor.u32 $0xC40, s6;
	v58 =	vld [tilespmem:s15+$0x5180];
	v1 =	vadd.f32 v10, v1  }
0x1fe: {  	v50 =	vmul.f32 v47, v5;
	v16 =	vld [tilespmem:s5+$0x5180];
	v6 =	vadd.f32 v18, v6  }
0x1ff: {  	s12 =	sor.u32 $0x850, s6;
	v48 =	vmul.f32 v19, v4;
	v2 =	vadd.f32 v12, v2;
	v1 =	vadd.f32 v14, v1;
	v14 =	vld [tilespmem:$0x1FEE0]  }
0x200: {  	s13 =	sor.u32 $0x860, s6;
	v12 =	vld [tilespmem:s12+$0x5180];
	v52 =	vmul.f32 v15, v4;
	v5 =	vadd.f32 v50, v6  }
0x201: {  	s7 =	sor.u32 $0xC50, s6;
	v54 =	vld [tilespmem:s13+$0x5180];
	v2 =	vadd.f32 v46, v2;
	v0 =	vadd.f32 v48, v0  }
0x202: {  	s23 =	sor.u32 $0xC70, s6;
	v60 =	vmul.f32 v51, v13;
	v17 =	vld [tilespmem:s7+$0x5180];
	v4 =	vadd.f32 v52, v5  }
0x203: {  	v62 =	vld [tilespmem:s23+$0x5180];
	v9 =	vmul.f32 v58, v40;
	v2 =	vadd.f32 v59, v2;
	v0 =	vadd.f32 v61, v0  }
0x204: {  	v8 =	vmul.f32 v56, v13;
	v55 =	vmul.f32 v16, v40;
	v4 =	vadd.f32 v14, v4  }
0x205: {  	p0 =	seq.s32 s31, $0x1F;
	v12 =	vmul.f32 v12, v13;
	v2 =	vadd.f32 v29, v2;
	v0 =	vadd.f32 v35, v0  }
.Ltmp1:
0x206: {  	v6 =	vmul.f32 v54, v13;
	v1 =	vadd.f32 v28, v1;
	v4 =	vadd.f32 v34, v4;
	(pc) =	sbr.rel @p0 .LBB2_6-.Ltmp1, $4  }
0x207: {  	v57 =	vmul.f32 v17, v40;
	v2 =	vadd.f32 v60, v2;
	v0 =	vadd.f32 v12, v0  }
0x208: {  	v63 =	vmul.f32 v62, v40;
	v1 =	vadd.f32 v6, v1;
	v4 =	vadd.f32 v8, v4  }
0x209: {  	v16 =	vadd.f32 v55, v2;
	v15 =	vadd.f32 v57, v0  }
0x20a: {  	s31 =	sadd.s32 $0x1, s31;
	v14 =	vadd.f32 v9, v1;
	v13 =	vadd.f32 v63, v4  }
0x20b: {  	s0 =	sshll.u32 s31, $0x7  }
0x20c: {  	s0 =	sand.u32 $0x3FFFFF80, s0  }
0x20d: {  	v0 =	vld [tilespmem:s0+$0x0];
	_ =	sdelay $0x4  }
0x20e: {  	[tilespmem:$0x5080] =	vst v0  }
0x20f: {  	v1 =	vld [tilespmem:s0+$0x10];
	_ =	sdelay $0x4  }
0x210: {  	v3 =	vld [tilespmem:$0x1FFD0];
	[tilespmem:$0x5090] =	vst v1  }
0x211: {  	v1 =	vld [tilespmem:s0+$0x20];
	_ =	sdelay $0x1  }
0x212: {  	v4 =	vld [tilespmem:$0x1FFE0];
	v2 =	vshll.u32 v0, $0x2  }
0x213: {  	v0 =	vand.u32 $0x7, v0;
	v2 =	vand.u32 $0xFFFFFFE0, v2  }
0x214: {  	v5 =	vld [tilespmem:$0x1FFF0];
	v0 =	vor.u32 v0, v2  }
0x215: {  	v59 =	vperm.xlane v0, v3;
	[tilespmem:$0x50A0] =	vst v1  }
0x216: {  	v60 =	vld [tilespmem:s0+$0x30]  }
0x217: {  	v1 =	vadd.s32 v4, v59;
	_ =	sdelay $0x1  }
0x218: {  	v0 =	vperm.xlane v0, v5;
	_ =	sdelay $0x1  }
0x219: {  	s8 =	simm.s32 $0x5180;
	v0 =	vadd.s32 v4, v0;
	[tilespmem:$0x50B0] =	vst v60  }
0x21a: {  	[tilespmem:s8], [sflag:$0x1] =	stream.indirect_vreg.gather [hbm4b:s3+s2], $0x80, v1, vm0, $0xb8;
	[tilespmem:$0x16180] =	vst v63  }
0x21b: {  	s12 =	simm.s32 $0x5980  }
0x21c: {  	[tilespmem:s12], [sflag:$0x1] =	stream.indirect_vreg.gather [hbm4b:s9+s2], $0x80, v1, vm0, $0xb8;
	[tilespmem:$0x16180] =	vst v63  }
0x21d: {  	s13 =	simm.s32 $0x6180  }
0x21e: {  	[tilespmem:s13], [sflag:$0x1] =	stream.indirect_vreg.gather [hbm4b:s3+s2], $0x80, v0, vm0, $0xb8;
	[tilespmem:$0x16180] =	vst v63  }
0x21f: {  	s14 =	simm.s32 $0x6980  }
0x220: {  	[tilespmem:s14], [sflag:$0x1] =	stream.indirect_vreg.gather [hbm4b:s9+s2], $0x80, v0, vm0, $0xb8;
	[tilespmem:$0x16180] =	vst v63  }
0x221: {  	v0 =	vld [tilespmem:$0x5090];
	_ =	sdelay $0x4  }
0x222: {  	v61 =	vshll.u32 v0, $0x2  }
0x223: {  	v0 =	vand.u32 $0x7, v0;
	v1 =	vand.u32 $0xFFFFFFE0, v61  }
0x224: {  	v0 =	vor.u32 v0, v1  }
0x225: {  	v1 =	vperm.xlane v0, v3;
	_ =	sdelay $0x1  }
0x226: {  	v1 =	vadd.s32 v4, v1;
	_ =	sdelay $0x1  }
0x227: {  	v0 =	vperm.xlane v0, v5;
	_ =	sdelay $0x1  }
0x228: {  	s15 =	simm.s32 $0x7180;
	v0 =	vadd.s32 v4, v0  }
0x229: {  	[tilespmem:s15], [sflag:$0x1] =	stream.indirect_vreg.gather [hbm4b:s3+s2], $0x80, v1, vm0, $0xb8;
	[tilespmem:$0x16180] =	vst v63  }
0x22a: {  	s23 =	simm.s32 $0x7980  }
0x22b: {  	[tilespmem:s23], [sflag:$0x1] =	stream.indirect_vreg.gather [hbm4b:s9+s2], $0x80, v1, vm0, $0xb8;
	[tilespmem:$0x16180] =	vst v63  }
0x22c: {  	s4 =	simm.s32 $0x8180  }
0x22d: {  	[tilespmem:s4], [sflag:$0x1] =	stream.indirect_vreg.gather [hbm4b:s3+s2], $0x80, v0, vm0, $0xb8;
	[tilespmem:$0x16180] =	vst v63  }
0x22e: {  	s5 =	simm.s32 $0x8980  }
0x22f: {  	[tilespmem:s5], [sflag:$0x1] =	stream.indirect_vreg.gather [hbm4b:s9+s2], $0x80, v0, vm0, $0xb8;
	[tilespmem:$0x16180] =	vst v63  }
0x230: {  	v0 =	vld [tilespmem:$0x50A0];
	_ =	sdelay $0x4  }
0x231: {  	v62 =	vshll.u32 v0, $0x2  }
0x232: {  	v0 =	vand.u32 $0x7, v0;
	v1 =	vand.u32 $0xFFFFFFE0, v62  }
0x233: {  	v0 =	vor.u32 v0, v1  }
0x234: {  	v1 =	vperm.xlane v0, v3;
	_ =	sdelay $0x1  }
0x235: {  	v1 =	vadd.s32 v4, v1;
	_ =	sdelay $0x1  }
0x236: {  	v0 =	vperm.xlane v0, v5;
	_ =	sdelay $0x1  }
0x237: {  	s6 =	simm.s32 $0x9180;
	v0 =	vadd.s32 v4, v0  }
0x238: {  	[tilespmem:s6], [sflag:$0x1] =	stream.indirect_vreg.gather [hbm4b:s3+s2], $0x80, v1, vm0, $0xb8;
	[tilespmem:$0x16180] =	vst v63  }
0x239: {  	s7 =	simm.s32 $0x9980  }
0x23a: {  	[tilespmem:s7], [sflag:$0x1] =	stream.indirect_vreg.gather [hbm4b:s9+s2], $0x80, v1, vm0, $0xb8;
	[tilespmem:$0x16180] =	vst v63  }
0x23b: {  	s8 =	simm.s32 $0xA180  }
0x23c: {  	[tilespmem:s8], [sflag:$0x1] =	stream.indirect_vreg.gather [hbm4b:s3+s2], $0x80, v0, vm0, $0xb8;
	[tilespmem:$0x16180] =	vst v63  }
0x23d: {  	s12 =	simm.s32 $0xA980  }
0x23e: {  	[tilespmem:s12], [sflag:$0x1] =	stream.indirect_vreg.gather [hbm4b:s9+s2], $0x80, v0, vm0, $0xb8;
	[tilespmem:$0x16180] =	vst v63  }
0x23f: {  	v0 =	vld [tilespmem:$0x50B0];
	_ =	sdelay $0x4  }
0x240: {  	v63 =	vshll.u32 v0, $0x2  }
0x241: {  	v0 =	vand.u32 $0x7, v0;
	v1 =	vand.u32 $0xFFFFFFE0, v63  }
0x242: {  	v0 =	vor.u32 v0, v1  }
0x243: {  	v1 =	vperm.xlane v0, v3;
	_ =	sdelay $0x1  }
0x244: {  	v1 =	vadd.s32 v4, v1;
	_ =	sdelay $0x1  }
0x245: {  	v0 =	vperm.xlane v0, v5;
	_ =	sdelay $0x1  }
0x246: {  	s13 =	simm.s32 $0xB180;
	v0 =	vadd.s32 v4, v0  }
0x247: {  	[tilespmem:s13], [sflag:$0x1] =	stream.indirect_vreg.gather [hbm4b:s3+s2], $0x80, v1, vm0, $0xb8;
	[tilespmem:$0x16180] =	vst v63  }
0x248: {  	s14 =	simm.s32 $0xB980  }
0x249: {  	[tilespmem:s14], [sflag:$0x1] =	stream.indirect_vreg.gather [hbm4b:s9+s2], $0x80, v1, vm0, $0xb8;
	[tilespmem:$0x16180] =	vst v63  }
0x24a: {  	s15 =	simm.s32 $0xC180  }
0x24b: {  	[tilespmem:s15], [sflag:$0x1] =	stream.indirect_vreg.gather [hbm4b:s3+s2], $0x80, v0, vm0, $0xb8;
	[tilespmem:$0x16180] =	vst v63  }
0x24c: {  	s23 =	simm.s32 $0xC980  }
0x24d: {  	[tilespmem:s23], [sflag:$0x1] =	stream.indirect_vreg.gather [hbm4b:s9+s2], $0x80, v0, vm0, $0xb8;
	[tilespmem:$0x16180] =	vst v63  }
.LBB2_6:
0x24e: {  	_ =	swait.ge [sflag:s22], $0x8000;
	s0 =	simm.s32 $0x0  }
0x24f: {  	[sflag:s22] =	ssyncset.done $0x0;
	s4 =	sand.u32 $0x7000, s0;
	s5 =	sand.u32 $0x200, s0  }
0x250: {  	[sflag:s22] =	ssyncadd.s32 $0xFFFF8000;
	s6 =	sor.u32 s5, s4  }
0x251: {  	v31 =	vld [tilespmem:s6+$0xD610];
	_ =	sdelay $0x4  }
0x252: {  	[tilespmem:$0x1FCB0] =	vst v31;
	v31 =	vld [tilespmem:s6+$0xD620];
	_ =	sdelay $0x4  }
0x253: {  	[tilespmem:$0x1FCC0] =	vst v31;
	v31 =	vld [tilespmem:s6+$0xD630];
	_ =	sdelay $0x4  }
0x254: {  	[tilespmem:$0x1FCD0] =	vst v31;
	v31 =	vld [tilespmem:s6+$0xD640]  }
0x255: {  	v63 =	vld.msk [tilespmem:s24+$0x1003 ss:$0x0], $0xffff  }
0x256: {  	v4 =	vld.msk [tilespmem:s24+$0x3 ss:$0x0], $0xffff  }
0x257: {  	v1 =	vld.msk [tilespmem:s24+$0xFFFFF003 ss:$0x0], $0xffff  }
0x258: {  	v2 =	vld.msk [tilespmem:s24+$0xFFFFE003 ss:$0x0], $0xffff  }
0x259: {  	[tilespmem:$0x1FCF0] =	vst v31;
	v31 =	vld [tilespmem:s6+$0xD650]  }
0x25a: {  	v5 =	vld.msk [tilespmem:s24+$0x1002 ss:$0x0], $0xffff  }
0x25b: {  	v6 =	vld.msk [tilespmem:s24+$0x2 ss:$0x0], $0xffff  }
0x25c: {  	v24 =	vld.msk [tilespmem:s24+$0xFFFFF002 ss:$0x0], $0xffff  }
0x25d: {  	v28 =	vld.msk [tilespmem:s24+$0xFFFFE002 ss:$0x0], $0xffff  }
0x25e: {  	[tilespmem:$0x1FD10] =	vst v31;
	v31 =	vld [tilespmem:s6+$0xD660]  }
0x25f: {  	v7 =	vld.msk [tilespmem:s24+$0x1001 ss:$0x0], $0xffff  }
0x260: {  	v8 =	vld.msk [tilespmem:s24+$0x1 ss:$0x0], $0xffff  }
0x261: {  	v43 =	vld.msk [tilespmem:s24+$0xFFFFF001 ss:$0x0], $0xffff  }
0x262: {  	v50 =	vld.msk [tilespmem:s24+$0xFFFFE001 ss:$0x0], $0xffff  }
0x263: {  	[tilespmem:$0x1FD30] =	vst v31;
	v31 =	vld [tilespmem:s6+$0xD670]  }
0x264: {  	v21 =	vld.msk [tilespmem:s24+$0x1000 ss:$0x0], $0xffff  }
0x265: {  	v22 =	vld.msk [tilespmem:s24+$0x0 ss:$0x0], $0xffff  }
0x266: {  	v54 =	vld.msk [tilespmem:s24+$0xFFFFF000 ss:$0x0], $0xffff  }
0x267: {  	v10 =	vld [tilespmem:s6+$0xD700]  }
0x268: {  	[tilespmem:$0x1FD40] =	vst v31;
	v31 =	vld [tilespmem:s6+$0xD220]  }
0x269: {  	v33 =	vld.msk [tilespmem:s24+$0xFFFFE000 ss:$0x0], $0xffff  }
0x26a: {  	v11 =	vld [tilespmem:s6+$0xD710]  }
0x26b: {  	v12 =	vld [tilespmem:s6+$0xD720]  }
0x26c: {  	v17 =	vld [tilespmem:s6+$0xD730]  }
0x26d: {  	[tilespmem:$0x1FCE0] =	vst v31;
	v31 =	vmul.f32 v10, v1;
	v10 =	vld [tilespmem:s6+$0xD230]  }
0x26e: {  	v18 =	vld [tilespmem:s6+$0xD740]  }
0x26f: {  	v19 =	vld [tilespmem:s6+$0xD750]  }
0x270: {  	v20 =	vld [tilespmem:s6+$0xD760]  }
0x271: {  	v23 =	vld [tilespmem:s6+$0xD770]  }
0x272: {  	[tilespmem:$0x1FD00] =	vst v10;
	v10 =	vld [tilespmem:s6+$0xD240]  }
0x273: {  	v25 =	vld [tilespmem:s6+$0xD300]  }
0x274: {  	v26 =	vld [tilespmem:s6+$0xD310]  }
0x275: {  	v27 =	vld [tilespmem:s6+$0xD320]  }
0x276: {  	v29 =	vld [tilespmem:s6+$0xD330]  }
0x277: {  	v30 =	vld [tilespmem:s6+$0xD340];
	[tilespmem:$0x1FD50] =	vst v10;
	v10 =	vmul.f32 v18, v1  }
0x278: {  	v35 =	vld [tilespmem:s6+$0xD350]  }
0x279: {  	[tilespmem:$0x1FBF0] =	vst v10;
	v10 =	vld [tilespmem:s6+$0xD250]  }
0x27a: {  	v44 =	vld [tilespmem:s6+$0xD360]  }
0x27b: {  	v0 =	vld [tilespmem:s6+$0xD690]  }
0x27c: {  	v61 =	vld [tilespmem:s6+$0xD6C0]  }
0x27d: {  	v45 =	vld [tilespmem:s6+$0xD370]  }
0x27e: {  	v62 =	vld [tilespmem:s6+$0xD6D0];
	v34 =	vmul.f32 v11, v1;
	[tilespmem:$0x1FD60] =	vst v10;
	v10 =	vmul.f32 v19, v1  }
0x27f: {  	v55 =	vld [tilespmem:s6+$0xD680];
	v11 =	vmul.f32 v12, v1;
	v32 =	vmul.f32 v17, v1  }
0x280: {  	v3 =	vld [tilespmem:s6+$0xD6E0];
	[tilespmem:$0x1FC00] =	vst v10;
	v10 =	vmul.f32 v20, v1;
	v1 =	vmul.f32 v23, v1  }
0x281: {  	v57 =	vld [tilespmem:s6+$0xD6A0];
	v23 =	vmul.f32 v0, v24;
	v0 =	vmul.f32 v61, v24  }
0x282: {  	v38 =	vld [tilespmem:s6+$0xD6F0]  }
0x283: {  	v58 =	vld [tilespmem:s6+$0xD6B0];
	[tilespmem:$0x1FC40] =	vst v0;
	v0 =	vmul.f32 v62, v24  }
0x284: {  	v9 =	vld [tilespmem:s6+$0xD2A0]  }
0x285: {  	v37 =	vld [tilespmem:s6+$0xD280];
	[tilespmem:$0x1FC50] =	vst v0;
	v0 =	vmul.f32 v3, v24  }
0x286: {  	v42 =	vld [tilespmem:s6+$0xD2B0]  }
0x287: {  	v41 =	vld [tilespmem:s6+$0xD290];
	[tilespmem:$0x1FC60] =	vst v0;
	v0 =	vmul.f32 v38, v24  }
0x288: {  	v46 =	vld [tilespmem:s6+$0xD2C0]  }
0x289: {  	v47 =	vld [tilespmem:s6+$0xD2D0];
	[tilespmem:$0x1FC70] =	vst v0;
	v0 =	vmul.f32 v9, v28  }
0x28a: {  	v49 =	vld [tilespmem:s6+$0xD2E0]  }
0x28b: {  	v51 =	vld [tilespmem:s6+$0xD2F0];
	[tilespmem:$0x1FD80] =	vst v0;
	v0 =	vmul.f32 v42, v28  }
0x28c: {  	p0 =	por $0x0, $0x0;
	s4 =	simm.s32 $0x1;
	v59 =	vld [tilespmem:s6+$0xD600];
	[tilespmem:$0x1FC10] =	vst v10  }
0x28d: {  	s4 =	simm.s32 @!p0 $0x0;
	v12 =	vmul.f32 v27, v2;
	v10 =	vld [tilespmem:s6+$0xD260];
	[tilespmem:$0x1FD90] =	vst v0;
	v0 =	vmul.f32 v46, v28  }
0x28e: {  	s4 =	sshll.u32 s4, $0x9;
	v20 =	vmul.f32 v58, v24;
	v58 =	vmul.f32 v37, v28;
	v37 =	vld [tilespmem:s6+$0xD1A0]  }
0x28f: {  	s4 =	sadd.s32 $0x0, s4;
	v17 =	vmul.f32 v29, v2;
	v27 =	vld [tilespmem:s6+$0xD180];
	[tilespmem:$0x1FC80] =	vst v0;
	v0 =	vmul.f32 v47, v28  }
0x290: {  	s7 =	sor.u32 $0x800, s4;
	v48 =	vmul.f32 v35, v2;
	v29 =	vmul.f32 v44, v2;
	v38 =	vld [tilespmem:s6+$0xD1B0]  }
0x291: {  	v18 =	vmul.f32 v26, v2;
	v26 =	vmul.f32 v45, v2;
	[tilespmem:$0x1FC90] =	vst v0;
	v0 =	vld [tilespmem:s7+$0xD180]  }
0x292: {  	v19 =	vmul.f32 v25, v2;
	[tilespmem:$0x1FD70] =	vst v10;
	v10 =	vmul.f32 v30, v2;
	v2 =	vld [tilespmem:s6+$0xD5B0]  }
0x293: {  	s15 =	sor.u32 $0x830, s4;
	v25 =	vmul.f32 v57, v24;
	v3 =	vld [tilespmem:$0x1FDA0];
	v37 =	vmul.f32 v37, v33  }
0x294: {  	s12 =	sor.u32 $0xC00, s4;
	v30 =	vmul.f32 v55, v24;
	v9 =	vmul.f32 v51, v28;
	v51 =	vld [tilespmem:s15+$0xD180]  }
0x295: {  	v24 =	vmul.f32 v41, v28;
	v41 =	vld [tilespmem:s12+$0xD180];
	s12 =	sor.u32 $0xC30, s4;
	v38 =	vmul.f32 v38, v33  }
0x296: {  	v37 =	vadd.f32 v37, v53;
	v53 =	vmul.f32 v0, v22;
	v0 =	vld [tilespmem:s12+$0xD180]  }
0x297: {  	v57 =	vmul.f32 v27, v33;
	v55 =	vld [tilespmem:s6+$0xD190];
	v2 =	vmul.f32 v2, v54;
	v38 =	vadd.f32 v38, v39  }
0x298: {  	v36 =	vld [tilespmem:s6+$0xD590]  }
0x299: {  	v42 =	vadd.f32 v57, v3;
	v3 =	vld [tilespmem:$0x1FDB0];
	v47 =	vmul.f32 v51, v22;
	v2 =	vadd.f32 v2, v38  }
0x29a: {  	v52 =	vld [tilespmem:s6+$0xD200]  }
0x29b: {  	v2 =	vadd.f32 v47, v2;
	v47 =	vmul.f32 v59, v43;
	v59 =	vmul.f32 v0, v21;
	v0 =	vld [tilespmem:$0x1FCB0]  }
0x29c: {  	v60 =	vld [tilespmem:s6+$0xD210];
	v62 =	vmul.f32 v55, v33  }
0x29d: {  	v40 =	vld [tilespmem:s6+$0xD270]  }
0x29e: {  	v56 =	vld [tilespmem:s6+$0xD5C0];
	v36 =	vmul.f32 v36, v54;
	v46 =	vadd.f32 v62, v3  }
0x29f: {  	v35 =	vld [tilespmem:s6+$0xD5A0]  }
0x2a0: {  	v36 =	vadd.f32 v36, v46;
	v46 =	vmul.f32 v0, v43;
	v0 =	vld [tilespmem:$0x1FCC0]  }
0x2a1: {  	[tilespmem:$0x1FC20] =	vst v1;
	v1 =	vld [tilespmem:s6+$0xD580]  }
0x2a2: {  	s23 =	sor.u32 $0xC10, s4;
	v27 =	vmul.f32 v49, v28;
	v49 =	vld [tilespmem:s6+$0xD5E0]  }
0x2a3: {  	v61 =	vld [tilespmem:s23+$0xD180]  }
0x2a4: {  	[tilespmem:$0x1FC30] =	vst v10;
	v10 =	vld [tilespmem:$0x1FD10]  }
0x2a5: {  	s14 =	sor.u32 $0x820, s4;
	v45 =	vmul.f32 v41, v21;
	v41 =	vmul.f32 v0, v43;
	v0 =	vld [tilespmem:$0x1FCD0]  }
0x2a6: {  	s13 =	sor.u32 $0x810, s4;
	v1 =	vmul.f32 v1, v54;
	v57 =	vld [tilespmem:s14+$0xD180]  }
0x2a7: {  	s8 =	sor.u32 $0xC20, s4;
	v55 =	vld [tilespmem:s13+$0xD180]  }
0x2a8: {  	v1 =	vadd.f32 v1, v42;
	v42 =	vld [tilespmem:s8+$0xD180]  }
0x2a9: {  	v44 =	vmul.f32 v60, v50;
	v51 =	vmul.f32 v61, v21;
	v61 =	vld [tilespmem:s6+$0xD1C0]  }
0x2aa: {  	v35 =	vmul.f32 v35, v54;
	s14 =	sadd.s32 $0x80, s4;
	v60 =	vmul.f32 v0, v43;
	v0 =	vld [tilespmem:$0x1FCE0]  }
0x2ab: {  	s8 =	sor.u32 $0x810, s14;
	v10 =	vmul.f32 v10, v43;
	v62 =	vmul.f32 v57, v22;
	v57 =	vld [tilespmem:s6+$0xD5D0]  }
0x2ac: {  	v35 =	vadd.f32 v35, v37;
	v3 =	vld [tilespmem:s8+$0xD180]  }
0x2ad: {  	s15 =	sor.u32 $0xC10, s14;
	[tilespmem:$0x1FD20] =	vst v10;
	v10 =	vld [tilespmem:$0x1FD30];
	v55 =	vmul.f32 v55, v22;
	v1 =	vadd.f32 v53, v1  }
0x2ae: {  	v35 =	vadd.f32 v62, v35;
	v62 =	vmul.f32 v52, v50;
	v52 =	vld [tilespmem:s15+$0xD180]  }
0x2af: {  	v36 =	vadd.f32 v55, v36;
	v1 =	vadd.f32 v45, v1;
	v45 =	vmul.f32 v0, v50;
	v0 =	vld [tilespmem:$0x1FCF0]  }
0x2b0: {  	s13 =	sor.u32 $0xC00, s14;
	v55 =	vld [tilespmem:s6+$0xD5F0]  }
0x2b1: {  	v42 =	vmul.f32 v42, v21;
	v36 =	vadd.f32 v51, v36;
	v51 =	vld [tilespmem:s13+$0xD180];
	s12 =	sor.u32 $0x820, s14  }
0x2b2: {  	s23 =	sor.u32 $0x800, s14;
	v53 =	vld [tilespmem:s12+$0xD180]  }
0x2b3: {  	[tilespmem:$0x1FCA0] =	vst v9;
	v35 =	vadd.f32 v42, v35;
	v9 =	vadd.f32 v59, v2;
	v59 =	vld [tilespmem:s23+$0xD180]  }
0x2b4: {  	v38 =	vmul.f32 v0, v43;
	v0 =	vld [tilespmem:$0x1FD00]  }
0x2b5: {  	s13 =	sor.u32 $0x830, s14;
	v2 =	vadd.f32 v62, v1;
	v62 =	vadd.f32 v45, v35;
	v45 =	vmul.f32 v3, v8;
	v3 =	vld [tilespmem:$0x1FD60]  }
0x2b6: {  	v1 =	vadd.f32 v44, v36;
	v44 =	vld [tilespmem:s13+$0xD180];
	s23 =	sor.u32 $0xC30, s14  }
0x2b7: {  	s5 =	sadd.s32 $0x100, s4;
	v2 =	vadd.f32 v47, v2;
	v47 =	vld [tilespmem:s23+$0xD180]  }
0x2b8: {  	s8 =	sor.u32 $0xC00, s5;
	v36 =	vmul.f32 v59, v8;
	v35 =	vmul.f32 v10, v43;
	v10 =	vld [tilespmem:$0x1FD40]  }
0x2b9: {  	v1 =	vadd.f32 v46, v1;
	v46 =	vadd.f32 v41, v62;
	v62 =	vld [tilespmem:s8+$0xD180];
	v0 =	vmul.f32 v0, v50  }
0x2ba: {  	s15 =	sor.u32 $0xC20, s14;
	v2 =	vadd.f32 v36, v2;
	v36 =	vmul.f32 v3, v50;
	v3 =	vld [tilespmem:$0x1FD70]  }
0x2bb: {  	s12 =	sor.u32 $0x800, s5;
	v0 =	vadd.f32 v0, v9;
	v9 =	vld [tilespmem:s15+$0xD180]  }
0x2bc: {  	v51 =	vmul.f32 v51, v7;
	v1 =	vadd.f32 v45, v1;
	v45 =	vld [tilespmem:s12+$0xD180];
	s8 =	sor.u32 $0xC10, s5  }
0x2bd: {  	s12 =	sor.u32 $0xC20, s5;
	v42 =	vld [tilespmem:s8+$0xD180]  }
0x2be: {  	v53 =	vmul.f32 v53, v8;
	v2 =	vadd.f32 v51, v2;
	v51 =	vmul.f32 v57, v54;
	v57 =	vld [tilespmem:s12+$0xD180]  }
0x2bf: {  	v52 =	vmul.f32 v52, v7;
	v41 =	vmul.f32 v3, v50;
	v3 =	vld [tilespmem:$0x1FD80]  }
0x2c0: {  	s13 =	sor.u32 $0x810, s5;
	v46 =	vadd.f32 v53, v46;
	v37 =	vmul.f32 v10, v43;
	v10 =	vld [tilespmem:$0x1FD50];
	v9 =	vmul.f32 v9, v7  }
0x2c1: {  	v44 =	vmul.f32 v44, v8;
	v43 =	vld [tilespmem:s13+$0xD180];
	s15 =	sor.u32 $0x820, s5;
	v0 =	vadd.f32 v60, v0  }
0x2c2: {  	s23 =	sor.u32 $0x830, s5;
	v1 =	vadd.f32 v52, v1;
	v39 =	vld [tilespmem:s15+$0xD180];
	v9 =	vadd.f32 v9, v46  }
0x2c3: {  	v2 =	vadd.f32 v58, v2;
	v0 =	vadd.f32 v44, v0;
	v44 =	vmul.f32 v40, v50;
	v40 =	vld [tilespmem:s23+$0xD180]  }
0x2c4: {  	v49 =	vmul.f32 v49, v54;
	v1 =	vadd.f32 v24, v1;
	v9 =	vadd.f32 v3, v9;
	v3 =	vld [tilespmem:$0x1FD90]  }
0x2c5: {  	v59 =	vld [tilespmem:s6+$0xD1F0];
	v47 =	vmul.f32 v47, v7;
	v2 =	vadd.f32 v30, v2;
	v52 =	vmul.f32 v56, v54  }
0x2c6: {  	v45 =	vmul.f32 v45, v6;
	v1 =	vadd.f32 v23, v1;
	v28 =	vmul.f32 v10, v50;
	v10 =	vld [tilespmem:s6+$0xD1E0]  }
0x2c7: {  	s13 =	sor.u32 $0xC30, s5;
	v42 =	vmul.f32 v42, v5;
	v57 =	vmul.f32 v57, v5;
	v60 =	vld [tilespmem:s6+$0xD1D0];
	s6 =	sadd.s32 $0x180, s4;
	v0 =	vadd.f32 v47, v0  }
0x2c8: {  	v58 =	vld [tilespmem:s13+$0xD180];
	v2 =	vadd.f32 v45, v2;
	v53 =	vmul.f32 v43, v6;
	s8 =	sor.u32 $0x800, s6;
	v43 =	vmul.f32 v39, v6  }
0x2c9: {  	s23 =	sor.u32 $0xC10, s6;
	v47 =	vmul.f32 v40, v6;
	v40 =	vld [tilespmem:s8+$0xD180];
	v9 =	vadd.f32 v25, v9;
	v0 =	vadd.f32 v3, v0  }
0x2ca: {  	s15 =	sor.u32 $0xC00, s6;
	v50 =	vmul.f32 v55, v54;
	v39 =	vmul.f32 v62, v5;
	v46 =	vadd.f32 v53, v1;
	v3 =	vld [tilespmem:s23+$0xD180]  }
0x2cb: {  	s12 =	sor.u32 $0x820, s6;
	v54 =	vmul.f32 v61, v33;
	v1 =	vadd.f32 v43, v9;
	v0 =	vadd.f32 v20, v0;
	v20 =	vld [tilespmem:s15+$0xD180]  }
0x2cc: {  	v45 =	vld [tilespmem:s12+$0xD180];
	v55 =	vmul.f32 v10, v33;
	v53 =	vmul.f32 v60, v33;
	v2 =	vadd.f32 v39, v2;
	s8 =	sor.u32 $0x810, s6  }
0x2cd: {  	s13 =	sor.u32 $0x830, s6;
	v60 =	vld [tilespmem:s8+$0xD180];
	v43 =	vmul.f32 v58, v5;
	v9 =	vadd.f32 v42, v46;
	v61 =	vadd.f32 v57, v1  }
0x2ce: {  	v58 =	vmul.f32 v59, v33;
	v59 =	vld [tilespmem:s13+$0xD180];
	s23 =	sor.u32 $0xC30, s6;
	v57 =	vadd.f32 v19, v2;
	v0 =	vadd.f32 v47, v0  }
0x2cf: {  	v24 =	vmovc v16;
	v46 =	vadd.f32 v18, v9;
	v9 =	vld [tilespmem:s23+$0xD180];
	s15 =	sor.u32 $0xC20, s6;
	v47 =	vmul.f32 v40, v4;
	v1 =	vmul.f32 v3, v63  }
0x2d0: {  	s7 =	sor.u32 $0xC40, s4;
	v23 =	vmovc v15;
	s12 =	simm.s32 $0x800;
	s13 =	smov.u32 s24;
	v2 =	vld [tilespmem:s15+$0xD180];
	v3 =	vmovc v13;
	v62 =	vadd.f32 v43, v0;
	v0 =	vmul.f32 v20, v63;
	v20 =	vmov v14  }
.LBB2_7:
0x2d1: {  	_ =	sdelay $0x2  }
0x2d2: {  	v39 =	vadd.f32 v12, v61  }
0x2d3: {  	v40 =	vadd.f32 v17, v62  }
0x2d4: {  	v33 =	vadd.f32 v31, v57;
	v45 =	vmul.f32 v45, v4;
	v31 =	vadd.f32 v11, v39  }
0x2d5: {  	v32 =	vadd.f32 v32, v40  }
0x2d6: {  	v57 =	vmul.f32 v59, v4;
	v2 =	vmul.f32 v2, v63;
	v31 =	vadd.f32 v45, v31  }
0x2d7: {  	v56 =	vld [tilespmem:s7+$0xD180]  }
0x2d8: {  	s8 =	sor.u32 $0x840, s4;
	v10 =	vld [tilespmem:$0x1FC80];
	v9 =	vmul.f32 v9, v63;
	v32 =	vadd.f32 v57, v32;
	v2 =	vadd.f32 v2, v31  }
0x2d9: {  	s7 =	sor.u32 $0xC70, s4;
	v34 =	vadd.f32 v34, v46;
	v46 =	vld [tilespmem:s8+$0xD180]  }
0x2da: {  	s13 =	sadd.s32 $0x4, s13;
	v16 =	vld [tilespmem:s7+$0xD180];
	[tilespmem:$0x1FB40] =	vst v2;
	v2 =	vadd.f32 v9, v32  }
0x2db: {  	s23 =	sor.u32 $0x850, s4;
	v19 =	vld.msk [tilespmem:s13+$0x1003 ss:$0x0], $0xffff;
	v33 =	vadd.f32 v47, v33  }
0x2dc: {  	v60 =	vmul.f32 v60, v4;
	v59 =	vld [tilespmem:s23+$0xD180];
	[tilespmem:$0x1FB50] =	vst v2;
	v2 =	vadd.f32 v54, v24  }
0x2dd: {  	s15 =	sor.u32 $0xC50, s4;
	v17 =	vld.msk [tilespmem:s13+$0x3 ss:$0x0], $0xffff;
	v0 =	vadd.f32 v0, v33  }
0x2de: {  	s8 =	sor.u32 $0x860, s4;
	v61 =	vld [tilespmem:s15+$0xD180];
	v34 =	vadd.f32 v60, v34;
	v9 =	vmul.f32 v46, v22;
	v2 =	vadd.f32 v52, v2  }
0x2df: {  	s23 =	sor.u32 $0xC60, s4;
	v60 =	vld [tilespmem:s8+$0xD180]  }
0x2e0: {  	v62 =	vmul.f32 v56, v21;
	[tilespmem:$0x1FB20] =	vst v0;
	v0 =	vadd.f32 v1, v34;
	v1 =	vld [tilespmem:s23+$0xD180];
	s23 =	sor.u32 $0x840, s14;
	v2 =	vadd.f32 v9, v2  }
0x2e1: {  	s15 =	sor.u32 $0x870, s4;
	v15 =	vadd.f32 v53, v23;
	v31 =	vmul.f32 v59, v22;
	v59 =	vld [tilespmem:s23+$0xD180]  }
0x2e2: {  	v43 =	vld [tilespmem:s15+$0xD180];
	s8 =	sor.u32 $0xC40, s14;
	v2 =	vadd.f32 v62, v2  }
0x2e3: {  	v13 =	vadd.f32 v58, v3;
	v56 =	vld [tilespmem:s8+$0xD180];
	v15 =	vadd.f32 v51, v15  }
0x2e4: {  	v14 =	vadd.f32 v55, v20;
	v3 =	vld [tilespmem:$0x1FD20];
	s15 =	sor.u32 $0xC50, s14;
	v2 =	vadd.f32 v28, v2  }
0x2e5: {  	s7 =	sor.u32 $0x850, s14;
	v58 =	vld [tilespmem:s15+$0xD180];
	v13 =	vadd.f32 v50, v13;
	[tilespmem:$0x1FB30] =	vst v0;
	v0 =	vmul.f32 v61, v21;
	v9 =	vadd.f32 v31, v15  }
0x2e6: {  	v16 =	vmul.f32 v16, v21;
	v15 =	vld [tilespmem:s7+$0xD180];
	v31 =	vmul.f32 v59, v8;
	v2 =	vadd.f32 v38, v2  }
0x2e7: {  	s8 =	sor.u32 $0x860, s14;
	v50 =	vld.msk [tilespmem:s13+$0xFFFFF000 ss:$0x0], $0xffff;
	v57 =	vmul.f32 v60, v22;
	v22 =	vmul.f32 v43, v22;
	v0 =	vadd.f32 v0, v9  }
0x2e8: {  	v1 =	vmul.f32 v1, v21;
	v21 =	vld [tilespmem:s8+$0xD180];
	s8 =	sor.u32 $0xC70, s14;
	v9 =	vmul.f32 v56, v7;
	v2 =	vadd.f32 v31, v2  }
0x2e9: {  	v14 =	vadd.f32 v49, v14;
	s15 =	sor.u32 $0x870, s14;
	s23 =	sor.u32 $0xC60, s14;
	s14 =	sor.u32 $0xC40, s5;
	v60 =	vld [tilespmem:s8+$0xD180];
	v0 =	vadd.f32 v36, v0  }
0x2ea: {  	v61 =	vld [tilespmem:s14+$0xD180];
	v13 =	vadd.f32 v22, v13;
	v2 =	vadd.f32 v9, v2  }
0x2eb: {  	v14 =	vadd.f32 v57, v14;
	v22 =	vld [tilespmem:s15+$0xD180];
	v15 =	vmul.f32 v15, v8;
	v0 =	vadd.f32 v3, v0  }
0x2ec: {  	v13 =	vadd.f32 v16, v13;
	v2 =	vadd.f32 v10, v2;
	v10 =	vld [tilespmem:$0x1FC90]  }
0x2ed: {  	v1 =	vadd.f32 v1, v14;
	v14 =	vmul.f32 v58, v7;
	v16 =	vld [tilespmem:s23+$0xD180];
	v0 =	vadd.f32 v15, v0  }
0x2ee: {  	v58 =	vld.msk [tilespmem:s13+$0xFFFFE000 ss:$0x0], $0xffff;
	v13 =	vadd.f32 v44, v13  }
0x2ef: {  	s15 =	sor.u32 $0xC50, s5;
	v44 =	vld.msk [tilespmem:s13+$0xFFFFE001 ss:$0x0], $0xffff;
	v0 =	vadd.f32 v14, v0  }
0x2f0: {  	v21 =	vmul.f32 v21, v8;
	v62 =	vld [tilespmem:s15+$0xD180];
	v13 =	vadd.f32 v37, v13;
	v8 =	vmul.f32 v22, v8  }
0x2f1: {  	v0 =	vadd.f32 v10, v0;
	v10 =	vld [tilespmem:$0x1FCA0]  }
0x2f2: {  	v28 =	vld.msk [tilespmem:s13+$0xFFFFE002 ss:$0x0], $0xffff;
	v8 =	vadd.f32 v8, v13;
	v15 =	vmul.f32 v16, v7;
	v7 =	vmul.f32 v60, v7  }
0x2f3: {  	v1 =	vadd.f32 v41, v1;
	s23 =	sor.u32 $0x840, s5;
	v36 =	vld.msk [tilespmem:s13+$0xFFFFF001 ss:$0x0], $0xffff  }
0x2f4: {  	s14 =	sor.u32 $0x860, s5;
	v22 =	vld [tilespmem:s23+$0xD180];
	v7 =	vadd.f32 v7, v8  }
0x2f5: {  	v1 =	vadd.f32 v35, v1;
	v13 =	vld [tilespmem:s14+$0xD180]  }
0x2f6: {  	s8 =	sor.u32 $0x850, s5;
	v7 =	vadd.f32 v10, v7;
	v10 =	vld [tilespmem:$0x1FC40]  }
0x2f7: {  	v1 =	vadd.f32 v21, v1;
	s15 =	sor.u32 $0x870, s5;
	v16 =	vld [tilespmem:s8+$0xD180]  }
0x2f8: {  	s23 =	sor.u32 $0xC60, s5;
	v14 =	vld [tilespmem:s15+$0xD180]  }
0x2f9: {  	s5 =	sor.u32 $0xC70, s5;
	v1 =	vadd.f32 v15, v1;
	v15 =	vld [tilespmem:s23+$0xD180]  }
0x2fa: {  	v21 =	vmul.f32 v22, v6;
	v22 =	vld [tilespmem:s5+$0xD180]  }
0x2fb: {  	s8 =	sor.u32 $0xC50, s6;
	v2 =	vadd.f32 v10, v2;
	v10 =	vld [tilespmem:$0x1FC50]  }
0x2fc: {  	s7 =	sor.u32 $0xC40, s6;
	v25 =	vld [tilespmem:s8+$0xD180];
	v9 =	vmul.f32 v61, v5  }
0x2fd: {  	s14 =	sor.u32 $0x840, s6;
	v8 =	vmul.f32 v62, v5;
	v1 =	vadd.f32 v27, v1;
	v27 =	vld [tilespmem:s7+$0xD180];
	v13 =	vmul.f32 v13, v6  }
0x2fe: {  	v16 =	vmul.f32 v16, v6;
	v6 =	vmul.f32 v14, v6;
	v14 =	vld [tilespmem:s14+$0xD180]  }
0x2ff: {  	v15 =	vmul.f32 v15, v5;
	v5 =	vmul.f32 v22, v5;
	v22 =	vld.msk [tilespmem:s13+$0x0 ss:$0x0], $0xffff;
	v2 =	vadd.f32 v21, v2  }
0x300: {  	s5 =	sor.u32 $0x870, s6;
	v21 =	vld.msk [tilespmem:s13+$0x1000 ss:$0x0], $0xffff;
	v0 =	vadd.f32 v10, v0  }
0x301: {  	s0 =	sadd.s32 $0x200, s0;
	s15 =	sor.u32 $0x850, s6;
	v2 =	vadd.f32 v9, v2;
	v9 =	vld [tilespmem:s5+$0xD180]  }
0x302: {  	s14 =	sand.u32 $0x7000, s12;
	v0 =	vadd.f32 v16, v0;
	v16 =	vld [tilespmem:s15+$0xD180];
	s15 =	sand.u32 $0x200, s0  }
0x303: {  	v10 =	vld [tilespmem:$0x1FC60];
	s5 =	sor.u32 s15, s14  }
0x304: {  	v3 =	vmov v17;
	v17 =	vld [tilespmem:s5+$0xD740]  }
0x305: {  	v18 =	vld [tilespmem:s5+$0xD750]  }
0x306: {  	v20 =	vld [tilespmem:s5+$0xD770]  }
0x307: {  	v23 =	vld [tilespmem:s5+$0xD300]  }
0x308: {  	v24 =	vld [tilespmem:s5+$0xD310]  }
0x309: {  	v0 =	vadd.f32 v8, v0;
	v8 =	vmul.f32 v27, v63;
	v27 =	vld [tilespmem:s5+$0xD340]  }
0x30a: {  	v30 =	vld [tilespmem:s5+$0xD360]  }
0x30b: {  	v35 =	vld [tilespmem:s5+$0xD370]  }
0x30c: {  	v37 =	vld [tilespmem:s5+$0xD680]  }
0x30d: {  	v38 =	vld [tilespmem:s5+$0xD690]  }
0x30e: {  	v41 =	vld [tilespmem:s5+$0xD6A0]  }
0x30f: {  	v42 =	vld [tilespmem:s5+$0xD6B0]  }
0x310: {  	v43 =	vld [tilespmem:s5+$0xD6C0]  }
0x311: {  	v45 =	vld [tilespmem:s5+$0xD6D0]  }
0x312: {  	v46 =	vld [tilespmem:s5+$0xD6E0]  }
0x313: {  	v47 =	vld [tilespmem:s5+$0xD6F0]  }
0x314: {  	v49 =	vld [tilespmem:s5+$0xD280]  }
0x315: {  	v51 =	vld [tilespmem:s5+$0xD290]  }
0x316: {  	v52 =	vld [tilespmem:s5+$0xD2A0]  }
0x317: {  	v1 =	vadd.f32 v10, v1;
	v10 =	vld [tilespmem:$0x1FC70]  }
0x318: {  	v53 =	vld [tilespmem:s5+$0xD2B0]  }
0x319: {  	v54 =	vld [tilespmem:s5+$0xD2C0]  }
0x31a: {  	v55 =	vld [tilespmem:s5+$0xD2D0]  }
0x31b: {  	v31 =	vld [tilespmem:s5+$0xD630]  }
0x31c: {  	v7 =	vadd.f32 v10, v7;
	v10 =	vld [tilespmem:$0x1FC30]  }
0x31d: {  	v32 =	vld [tilespmem:s5+$0xD640]  }
0x31e: {  	v33 =	vld [tilespmem:s5+$0xD650]  }
0x31f: {  	v34 =	vld [tilespmem:s5+$0xD660]  }
0x320: {  	v0 =	vadd.f32 v48, v0;
	v48 =	vld [tilespmem:s5+$0xD2E0]  }
0x321: {  	v1 =	vadd.f32 v13, v1;
	v2 =	vadd.f32 v10, v2;
	v10 =	vld [tilespmem:$0x1FBF0]  }
0x322: {  	s8 =	sor.u32 $0xC70, s6;
	v13 =	vmul.f32 v25, v63;
	v25 =	vld [tilespmem:s5+$0xD320]  }
0x323: {  	s23 =	sor.u32 $0x860, s6;
	v1 =	vadd.f32 v15, v1;
	v15 =	vld [tilespmem:s8+$0xD180];
	v6 =	vadd.f32 v6, v7  }
0x324: {  	s7 =	sor.u32 $0xC60, s6;
	v7 =	vld [tilespmem:s23+$0xD180]  }
0x325: {  	v5 =	vadd.f32 v5, v6;
	v6 =	vld [tilespmem:s7+$0xD180]  }
0x326: {  	v12 =	vadd.f32 v10, v2;
	v10 =	vld [tilespmem:$0x1FC10]  }
0x327: {  	v1 =	vadd.f32 v29, v1;
	v29 =	vld [tilespmem:s5+$0xD350]  }
0x328: {  	v14 =	vmul.f32 v14, v4;
	v5 =	vadd.f32 v26, v5;
	v26 =	vld [tilespmem:s5+$0xD330]  }
0x329: {  	v16 =	vmul.f32 v16, v4;
	v7 =	vmul.f32 v7, v4;
	v2 =	vld [tilespmem:$0x1FC00]  }
0x32a: {  	v4 =	vmul.f32 v9, v4;
	v9 =	vadd.f32 v14, v12;
	v12 =	vmul.f32 v6, v63;
	v6 =	vld.msk [tilespmem:s13+$0x2 ss:$0x0], $0xffff  }
0x32b: {  	v10 =	vadd.f32 v10, v1;
	v1 =	vld [tilespmem:$0x1FC20]  }
0x32c: {  	v14 =	vld [tilespmem:s5+$0xD600]  }
0x32d: {  	v8 =	vadd.f32 v8, v9;
	v9 =	vld [tilespmem:s5+$0xD700]  }
0x32e: {  	v0 =	vadd.f32 v2, v0;
	v2 =	vld.msk [tilespmem:s13+$0xFFFFF003 ss:$0x0], $0xffff  }
0x32f: {  	[tilespmem:$0x1FB90] =	vst v8;
	v8 =	vld.msk [tilespmem:s13+$0x1 ss:$0x0], $0xffff;
	v7 =	vadd.f32 v7, v10  }
0x330: {  	v0 =	vadd.f32 v16, v0;
	v16 =	vld [tilespmem:s5+$0xD620];
	v11 =	vadd.f32 v1, v5  }
0x331: {  	v7 =	vadd.f32 v12, v7;
	v12 =	vld [tilespmem:s5+$0xD730]  }
0x332: {  	v0 =	vadd.f32 v13, v0;
	v13 =	vld [tilespmem:s5+$0xD2F0];
	v10 =	vadd.f32 v4, v11;
	v11 =	vmul.f32 v15, v63  }
0x333: {  	v4 =	vmov v19;
	v19 =	vld [tilespmem:s5+$0xD760]  }
0x334: {  	[tilespmem:$0x1FBB0] =	vst v7;
	v7 =	vadd.f32 v11, v10;
	v10 =	vld [tilespmem:s5+$0xD710]  }
0x335: {  	[tilespmem:$0x1FB80] =	vst v4;
	v4 =	vmul.f32 v9, v2;
	v9 =	vmul.f32 v17, v2;
	v11 =	vld [tilespmem:s5+$0xD720]  }
0x336: {  	v1 =	vld.msk [tilespmem:s13+$0xFFFFE003 ss:$0x0], $0xffff  }
0x337: {  	v5 =	vld.msk [tilespmem:s13+$0x1002 ss:$0x0], $0xffff;
	[tilespmem:$0x1FBF0] =	vst v9;
	v9 =	vmul.f32 v18, v2  }
0x338: {  	[tilespmem:$0x1FBD0] =	vst v0;
	v0 =	vld.msk [tilespmem:s13+$0xFFFFF002 ss:$0x0], $0xffff;
	v63 =	vmul.f32 v12, v2  }
0x339: {  	v15 =	vld [tilespmem:s5+$0xD610];
	[tilespmem:$0x1FC00] =	vst v9;
	v9 =	vmul.f32 v19, v2;
	v39 =	vmul.f32 v10, v2  }
0x33a: {  	p0 =	por !p0, !p0;
	s4 =	simm.s32 $0x1;
	[tilespmem:$0x1FB70] =	vst v3;
	v17 =	vld [tilespmem:s5+$0xD210];
	v3 =	vmul.f32 v11, v2;
	v2 =	vmul.f32 v20, v2  }
0x33b: {  	s4 =	simm.s32 @!p0 $0x0;
	v12 =	vld [tilespmem:s5+$0xD200]  }
0x33c: {  	s4 =	sshll.u32 s4, $0x9;
	v18 =	vld [tilespmem:s5+$0xD220];
	[tilespmem:$0x1FC20] =	vst v2;
	v2 =	vmul.f32 v23, v1  }
0x33d: {  	s4 =	sadd.s32 s4, s12;
	v57 =	vmul.f32 v26, v1;
	v26 =	vld [tilespmem:s5+$0xD580]  }
0x33e: {  	s6 =	sor.u32 $0xC10, s4;
	v56 =	vmul.f32 v29, v1;
	v29 =	vld [tilespmem:s5+$0xD5A0];
	[tilespmem:$0x1FBC0] =	vst v2;
	v2 =	vmul.f32 v24, v1  }
0x33f: {  	v40 =	vmul.f32 v35, v1;
	v35 =	vmul.f32 v34, v36;
	v34 =	vld [tilespmem:s6+$0xD180];
	[tilespmem:$0x1FB60] =	vst v7  }
0x340: {  	v7 =	vld.msk [tilespmem:s13+$0x1001 ss:$0x0], $0xffff;
	[tilespmem:$0x1FBE0] =	vst v2;
	v2 =	vmul.f32 v25, v1  }
0x341: {  	v62 =	vmul.f32 v38, v0;
	v38 =	vmul.f32 v32, v36;
	v32 =	vld [tilespmem:s5+$0xD1C0]  }
0x342: {  	v19 =	vld [tilespmem:s5+$0xD230];
	[tilespmem:$0x1FBA0] =	vst v2;
	v2 =	vmul.f32 v27, v1  }
0x343: {  	v10 =	vld [tilespmem:s5+$0xD670];
	[tilespmem:$0x1FC10] =	vst v9;
	v9 =	vmul.f32 v54, v28  }
0x344: {  	v20 =	vld [tilespmem:s5+$0xD240];
	[tilespmem:$0x1FC30] =	vst v2;
	v2 =	vmul.f32 v30, v1;
	v1 =	vmul.f32 v43, v0  }
0x345: {  	v11 =	vld [tilespmem:$0x1FB20];
	[tilespmem:$0x1FC80] =	vst v9;
	v9 =	vmul.f32 v55, v28  }
0x346: {  	v23 =	vld [tilespmem:s5+$0xD250];
	[tilespmem:$0x1FC40] =	vst v1;
	v1 =	vmul.f32 v45, v0  }
0x347: {  	v24 =	vld [tilespmem:s5+$0xD260];
	[tilespmem:$0x1FC90] =	vst v9  }
0x348: {  	v9 =	vmul.f32 v13, v28;
	v13 =	vld [tilespmem:s5+$0xD5E0];
	[tilespmem:$0x1FC50] =	vst v1;
	v1 =	vmul.f32 v46, v0  }
0x349: {  	v61 =	vmul.f32 v37, v0;
	v59 =	vmul.f32 v41, v0;
	v27 =	vld [tilespmem:s5+$0xD590]  }
0x34a: {  	v60 =	vmul.f32 v42, v0;
	[tilespmem:$0x1FC60] =	vst v1;
	v1 =	vmul.f32 v49, v28;
	v49 =	vld [tilespmem:s5+$0xD5B0]  }
0x34b: {  	v0 =	vmul.f32 v47, v0;
	v47 =	vmul.f32 v15, v36;
	v15 =	vld [tilespmem:s5+$0xD180]  }
0x34c: {  	v37 =	vmul.f32 v10, v36;
	v10 =	vld [tilespmem:s5+$0xD1A0]  }
0x34d: {  	s23 =	sor.u32 $0xC00, s4;
	v25 =	vld [tilespmem:s5+$0xD270];
	[tilespmem:$0x1FCA0] =	vst v9;
	v9 =	vmul.f32 v16, v36;
	v16 =	vmul.f32 v33, v36  }
0x34e: {  	v33 =	vld [tilespmem:s23+$0xD180];
	v41 =	vmul.f32 v24, v44;
	v43 =	vmul.f32 v51, v28  }
0x34f: {  	[tilespmem:$0x1FD20] =	vst v16;
	v16 =	vld [tilespmem:s5+$0xD190];
	v24 =	vmul.f32 v27, v50;
	v27 =	vmul.f32 v49, v50  }
0x350: {  	v51 =	vld [tilespmem:s5+$0xD5C0];
	v49 =	vmul.f32 v13, v50;
	v13 =	vmul.f32 v15, v58  }
0x351: {  	v30 =	vmul.f32 v53, v28;
	v53 =	vld [tilespmem:s5+$0xD5D0]  }
0x352: {  	v42 =	vmul.f32 v52, v28;
	v17 =	vmul.f32 v17, v44;
	v13 =	vadd.f32 v13, v11;
	v11 =	vld [tilespmem:$0x1FB30]  }
0x353: {  	v45 =	vmul.f32 v31, v36;
	v31 =	vld [tilespmem:s5+$0xD1B0];
	v46 =	vmul.f32 v14, v36  }
0x354: {  	v14 =	vld [tilespmem:s5+$0xD5F0];
	v36 =	vmul.f32 v23, v44;
	v23 =	vmul.f32 v26, v50  }
0x355: {  	v26 =	vmul.f32 v29, v50;
	v29 =	vld [tilespmem:s5+$0xD1F0];
	v15 =	vmul.f32 v16, v58  }
0x356: {  	[tilespmem:$0x1FC70] =	vst v0;
	v0 =	vmul.f32 v48, v28;
	v28 =	vmul.f32 v20, v44;
	v20 =	vld [tilespmem:s5+$0xD1D0]  }
0x357: {  	v12 =	vmul.f32 v12, v44;
	v18 =	vmul.f32 v18, v44;
	v15 =	vadd.f32 v15, v11;
	v11 =	vld [tilespmem:$0x1FB40]  }
0x358: {  	s14 =	sor.u32 $0x820, s4;
	v19 =	vmul.f32 v19, v44;
	v44 =	vmul.f32 v25, v44;
	v25 =	vld [tilespmem:s5+$0xD1E0]  }
0x359: {  	s7 =	sor.u32 $0x800, s4;
	v10 =	vmul.f32 v10, v58;
	v52 =	vmul.f32 v51, v50;
	v48 =	vld [tilespmem:s14+$0xD180]  }
0x35a: {  	s8 =	sor.u32 $0x810, s4;
	v51 =	vmul.f32 v53, v50;
	v50 =	vmul.f32 v14, v50;
	v14 =	vld [tilespmem:s7+$0xD180]  }
0x35b: {  	v16 =	vld [tilespmem:s8+$0xD180]  }
0x35c: {  	v54 =	vmul.f32 v32, v58;
	s23 =	sor.u32 $0xC20, s4;
	v10 =	vadd.f32 v10, v11;
	v11 =	vld [tilespmem:$0x1FB50]  }
0x35d: {  	s15 =	sor.u32 $0x830, s4;
	v32 =	vld [tilespmem:s23+$0xD180];
	v31 =	vmul.f32 v31, v58;
	v53 =	vmul.f32 v20, v58  }
0x35e: {  	s14 =	sadd.s32 $0x80, s4;
	v20 =	vld [tilespmem:s15+$0xD180];
	v55 =	vmul.f32 v25, v58;
	v58 =	vmul.f32 v29, v58;
	s7 =	sor.u32 $0xC30, s4  }
0x35f: {  	v25 =	vmul.f32 v33, v21;
	s8 =	sor.u32 $0xC00, s14;
	v33 =	vld [tilespmem:s7+$0xD180];
	v13 =	vadd.f32 v23, v13;
	v14 =	vmul.f32 v14, v22  }
0x360: {  	v29 =	vmul.f32 v34, v21;
	s15 =	sor.u32 $0xC10, s14;
	v34 =	vld [tilespmem:s8+$0xD180];
	v16 =	vmul.f32 v16, v22;
	v15 =	vadd.f32 v24, v15  }
0x361: {  	v23 =	vmul.f32 v48, v22;
	v13 =	vadd.f32 v14, v13;
	v24 =	vld [tilespmem:s15+$0xD180];
	v31 =	vadd.f32 v31, v11  }
0x362: {  	s6 =	sor.u32 $0x810, s14;
	v14 =	vadd.f32 v16, v15;
	v15 =	vmul.f32 v32, v21;
	v32 =	vmovc v63;
	v63 =	vld [tilespmem:$0x1FB80];
	v10 =	vadd.f32 v26, v10  }
0x363: {  	s23 =	sor.u32 $0x800, s14;
	v20 =	vmul.f32 v20, v22;
	v16 =	vld [tilespmem:s6+$0xD180];
	v26 =	vadd.f32 v27, v31  }
0x364: {  	s7 =	sor.u32 $0x820, s14;
	v13 =	vadd.f32 v25, v13;
	v10 =	vadd.f32 v23, v10;
	v27 =	vld [tilespmem:s23+$0xD180]  }
0x365: {  	s8 =	sor.u32 $0x830, s14;
	v14 =	vadd.f32 v29, v14;
	v23 =	vmul.f32 v33, v21;
	v20 =	vadd.f32 v20, v26;
	v26 =	vld [tilespmem:s7+$0xD180]  }
0x366: {  	s15 =	sor.u32 $0xC20, s14;
	v12 =	vadd.f32 v12, v13;
	v29 =	vld [tilespmem:s8+$0xD180];
	v10 =	vadd.f32 v15, v10  }
0x367: {  	v25 =	vmul.f32 v34, v7;
	v14 =	vadd.f32 v17, v14;
	s23 =	sor.u32 $0xC30, s14;
	v15 =	vadd.f32 v23, v20;
	v23 =	vld [tilespmem:s15+$0xD180]  }
0x368: {  	s5 =	sadd.s32 $0x100, s4;
	v12 =	vadd.f32 v46, v12;
	v16 =	vmul.f32 v16, v8;
	v17 =	vld [tilespmem:s23+$0xD180];
	v10 =	vadd.f32 v18, v10  }
0x369: {  	v11 =	vmovc v3;
	v3 =	vld [tilespmem:$0x1FB60];
	v14 =	vadd.f32 v47, v14;
	s7 =	sor.u32 $0xC00, s5;
	v13 =	vmul.f32 v27, v8;
	v15 =	vadd.f32 v19, v15  }
0x36a: {  	s8 =	sor.u32 $0xC10, s5;
	v18 =	vld [tilespmem:s7+$0xD180];
	v9 =	vadd.f32 v9, v10;
	v20 =	vmul.f32 v24, v7;
	v19 =	vmul.f32 v26, v8  }
0x36b: {  	s15 =	sor.u32 $0x800, s5;
	v24 =	vld [tilespmem:s8+$0xD180];
	v12 =	vadd.f32 v13, v12;
	v10 =	vadd.f32 v45, v15;
	v15 =	vmul.f32 v29, v8  }
0x36c: {  	s7 =	sor.u32 $0x820, s5;
	v26 =	vld [tilespmem:s15+$0xD180];
	v13 =	vadd.f32 v16, v14;
	v14 =	vmul.f32 v23, v7;
	v9 =	vadd.f32 v19, v9  }
0x36d: {  	v10 =	vadd.f32 v15, v10;
	v15 =	vmul.f32 v17, v7;
	v17 =	vld [tilespmem:s7+$0xD180]  }
0x36e: {  	v31 =	vmov v4;
	v4 =	vld [tilespmem:$0x1FB70];
	s15 =	sor.u32 $0xC20, s5;
	v12 =	vadd.f32 v25, v12;
	v9 =	vadd.f32 v14, v9  }
0x36f: {  	s23 =	sor.u32 $0x810, s5;
	v10 =	vadd.f32 v15, v10;
	v15 =	vld [tilespmem:s15+$0xD180]  }
0x370: {  	s8 =	sor.u32 $0x830, s5;
	v16 =	vld [tilespmem:s23+$0xD180];
	v1 =	vadd.f32 v1, v12;
	v9 =	vadd.f32 v42, v9  }
0x371: {  	v13 =	vadd.f32 v20, v13;
	v19 =	vld [tilespmem:s8+$0xD180];
	v14 =	vmul.f32 v24, v5;
	v12 =	vmul.f32 v26, v6  }
0x372: {  	s6 =	sadd.s32 $0x180, s4;
	s23 =	sor.u32 $0xC30, s5;
	v24 =	vld [tilespmem:$0x1FB90];
	v1 =	vadd.f32 v61, v1;
	v25 =	vmul.f32 v17, v6;
	v9 =	vadd.f32 v59, v9  }
0x373: {  	v29 =	vmov v2;
	v2 =	vadd.f32 v43, v13;
	v13 =	vld [tilespmem:s23+$0xD180];
	s23 =	sor.u32 $0x800, s6  }
0x374: {  	s15 =	sor.u32 $0xC10, s6;
	v23 =	vld [tilespmem:s23+$0xD180];
	v1 =	vadd.f32 v12, v1;
	v12 =	vmul.f32 v15, v5;
	v9 =	vadd.f32 v25, v9  }
0x375: {  	v20 =	vld [tilespmem:s15+$0xD180]  }
0x376: {  	s23 =	sor.u32 $0x820, s6;
	v61 =	vadd.f32 v12, v9;
	v9 =	vld [tilespmem:$0x1FBC0]  }
0x377: {  	v18 =	vmul.f32 v18, v5;
	s8 =	sor.u32 $0xC00, s6;
	v16 =	vmul.f32 v16, v6;
	v2 =	vadd.f32 v62, v2;
	v45 =	vld [tilespmem:s23+$0xD180]  }
0x378: {  	v27 =	vmov v0;
	v0 =	vadd.f32 v30, v10;
	v10 =	vld [tilespmem:s8+$0xD180];
	s8 =	sor.u32 $0x830, s6  }
0x379: {  	s15 =	sor.u32 $0x810, s6;
	v2 =	vadd.f32 v16, v2;
	v59 =	vld [tilespmem:s8+$0xD180];
	v16 =	vadd.f32 v18, v1  }
0x37a: {  	v0 =	vadd.f32 v60, v0;
	v60 =	vld [tilespmem:s15+$0xD180]  }
0x37b: {  	p1 =	sne.s32 s12, $0x7800;
	v17 =	vmov v57;
	s15 =	sor.u32 $0xC20, s6;
	v57 =	vadd.f32 v9, v16;
	v9 =	vld [tilespmem:$0x1FBE0]  }
.Ltmp2:
0x37c: {  	v19 =	vmul.f32 v19, v6;
	v14 =	vadd.f32 v14, v2;
	v2 =	vld [tilespmem:s15+$0xD180];
	(pc) =	sbr.rel @p1 .LBB2_7-.Ltmp2, $4  }
0x37d: {  	v47 =	vmul.f32 v23, v4;
	v23 =	vld [tilespmem:$0x1FBD0]  }
0x37e: {  	v13 =	vmul.f32 v13, v5;
	v15 =	vadd.f32 v19, v0;
	v1 =	vmul.f32 v20, v63;
	v20 =	vld [tilespmem:$0x1FBB0]  }
0x37f: {  	v48 =	vmov v56;
	v34 =	vmov v39;
	s23 =	sor.u32 $0xC30, s6;
	v12 =	vld [tilespmem:$0x1FBA0]  }
0x380: {  	s12 =	sadd.s32 $0x800, s12;
	s7 =	sor.u32 $0xC40, s4;
	v26 =	vmovc v40;
	v0 =	vmul.f32 v10, v63;
	v62 =	vadd.f32 v13, v15;
	v46 =	vadd.f32 v9, v14;
	v9 =	vld [tilespmem:s23+$0xD180]  }
0x381: {  	v14 =	vld [tilespmem:s7+$0xD180];
	s0 =	sor.u32 $0xC50, s4  }
0x382: {  	s23 =	sor.u32 $0x840, s4;
	v18 =	vld [tilespmem:s0+$0xD180]  }
0x383: {  	s12 =	sor.u32 $0x860, s4;
	v19 =	vld [tilespmem:s23+$0xD180]  }
0x384: {  	s13 =	sor.u32 $0x870, s4;
	v56 =	vld [tilespmem:s12+$0xD180]  }
0x385: {  	v10 =	vmul.f32 v60, v4;
	s15 =	sor.u32 $0xC60, s4;
	v60 =	vld [tilespmem:s13+$0xD180]  }
0x386: {  	v15 =	vadd.f32 v31, v57;
	s7 =	sor.u32 $0xC50, s14;
	v30 =	vld [tilespmem:s15+$0xD180]  }
0x387: {  	s8 =	sor.u32 $0x850, s4;
	v25 =	vld [tilespmem:s7+$0xD180]  }
0x388: {  	s23 =	sor.u32 $0xC70, s4;
	v15 =	vadd.f32 v47, v15;
	v47 =	vld [tilespmem:s8+$0xD180]  }
0x389: {  	s4 =	sor.u32 $0xC40, s14;
	v33 =	vld [tilespmem:s23+$0xD180]  }
0x38a: {  	v39 =	vld [tilespmem:s4+$0xD180];
	s8 =	sor.u32 $0x840, s14  }
0x38b: {  	s23 =	sor.u32 $0xC60, s14;
	v42 =	vld [tilespmem:s8+$0xD180]  }
0x38c: {  	v13 =	vadd.f32 v17, v62;
	v31 =	vadd.f32 v53, v23;
	s12 =	sor.u32 $0x850, s14;
	s4 =	sor.u32 $0xC70, s14;
	v53 =	vld [tilespmem:s23+$0xD180]  }
0x38d: {  	v16 =	vadd.f32 v34, v46;
	s13 =	sor.u32 $0x860, s14;
	s15 =	sor.u32 $0x870, s14;
	v20 =	vadd.f32 v55, v20;
	s14 =	sor.u32 $0x860, s5;
	v55 =	vld [tilespmem:s4+$0xD180]  }
0x38e: {  	v43 =	vmul.f32 v45, v4;
	v34 =	vadd.f32 v58, v3;
	v12 =	vadd.f32 v12, v61;
	v3 =	vld [tilespmem:s14+$0xD180]  }
0x38f: {  	v2 =	vmul.f32 v2, v63;
	v45 =	vadd.f32 v32, v13;
	s8 =	sor.u32 $0xC50, s5;
	v20 =	vadd.f32 v49, v20;
	v49 =	vld [tilespmem:s13+$0xD180]  }
0x390: {  	v46 =	vmul.f32 v59, v4;
	v10 =	vadd.f32 v10, v16;
	v61 =	vadd.f32 v54, v24;
	s4 =	sor.u32 $0xC70, s5;
	v58 =	vld [tilespmem:s8+$0xD180]  }
0x391: {  	v40 =	vadd.f32 v50, v34;
	v57 =	vmul.f32 v9, v63;
	v34 =	vld [tilespmem:s4+$0xD180];
	v12 =	vadd.f32 v11, v12  }
0x392: {  	s7 =	sor.u32 $0xC40, s5;
	v11 =	vadd.f32 v46, v45;
	v59 =	vmul.f32 v14, v21;
	v45 =	vld [tilespmem:s12+$0xD180];
	v14 =	vmul.f32 v60, v22  }
0x393: {  	v9 =	vadd.f32 v0, v15;
	s12 =	sor.u32 $0x840, s5;
	v13 =	vmul.f32 v56, v22;
	v56 =	vld [tilespmem:s7+$0xD180];
	v12 =	vadd.f32 v43, v12  }
0x394: {  	v0 =	vadd.f32 v1, v10;
	v32 =	vmul.f32 v19, v22;
	v60 =	vld [tilespmem:s12+$0xD180];
	s7 =	sor.u32 $0xC50, s6;
	v46 =	vadd.f32 v14, v40  }
0x395: {  	v50 =	vmul.f32 v39, v7;
	v39 =	vld [tilespmem:s7+$0xD180];
	v1 =	vadd.f32 v2, v12;
	v12 =	vadd.f32 v52, v61  }
0x396: {  	v16 =	vmul.f32 v47, v22;
	v40 =	vld [tilespmem:$0x1FC60];
	v2 =	vadd.f32 v57, v11;
	v11 =	vadd.f32 v51, v31  }
0x397: {  	v51 =	vld [tilespmem:s15+$0xD180];
	v12 =	vadd.f32 v32, v12  }
0x398: {  	s13 =	sor.u32 $0x850, s5;
	v62 =	vmul.f32 v18, v21;
	v57 =	vld [tilespmem:$0x1FD20];
	v11 =	vadd.f32 v16, v11  }
0x399: {  	s23 =	sor.u32 $0xC60, s5;
	v43 =	vmul.f32 v30, v21;
	v13 =	vadd.f32 v13, v20;
	v61 =	vld [tilespmem:s13+$0xD180];
	v10 =	vadd.f32 v59, v12  }
0x39a: {  	s14 =	sor.u32 $0x870, s6;
	v47 =	vmul.f32 v33, v21;
	v31 =	vld [tilespmem:s23+$0xD180];
	v11 =	vadd.f32 v62, v11  }
0x39b: {  	v17 =	vmul.f32 v49, v8;
	s15 =	sor.u32 $0x870, s5;
	v49 =	vld [tilespmem:s14+$0xD180];
	v13 =	vadd.f32 v43, v13;
	v10 =	vadd.f32 v28, v10  }
0x39c: {  	v52 =	vmul.f32 v25, v7;
	v25 =	vld [tilespmem:s15+$0xD180];
	v12 =	vadd.f32 v47, v46;
	v11 =	vadd.f32 v36, v11  }
0x39d: {  	v54 =	vmul.f32 v42, v8;
	v32 =	vld [tilespmem:$0x1FC90];
	v13 =	vadd.f32 v41, v13;
	v10 =	vadd.f32 v38, v10  }
0x39e: {  	v18 =	vmul.f32 v45, v8;
	v12 =	vadd.f32 v44, v12;
	v28 =	vld [tilespmem:$0x1FC80];
	v11 =	vadd.f32 v57, v11  }
0x39f: {  	v13 =	vadd.f32 v35, v13;
	v35 =	vld [tilespmem:$0x1FC40];
	v10 =	vadd.f32 v54, v10  }
0x3a0: {  	v59 =	vmul.f32 v51, v8;
	v36 =	vld [tilespmem:$0x1FCA0];
	v12 =	vadd.f32 v37, v12;
	v11 =	vadd.f32 v18, v11  }
0x3a1: {  	s8 =	sor.u32 $0x840, s6;
	v16 =	vmul.f32 v53, v7;
	v13 =	vadd.f32 v17, v13;
	v38 =	vld [tilespmem:$0x1FC50];
	v10 =	vadd.f32 v50, v10  }
0x3a2: {  	v43 =	vld [tilespmem:s8+$0xD180];
	v62 =	vmul.f32 v55, v7;
	v8 =	vadd.f32 v59, v12;
	v11 =	vadd.f32 v52, v11  }
0x3a3: {  	v30 =	vmul.f32 v58, v5;
	v41 =	vld [tilespmem:$0x1FC70];
	v13 =	vadd.f32 v16, v13;
	v10 =	vadd.f32 v28, v10  }
0x3a4: {  	v24 =	vmul.f32 v56, v5;
	v56 =	vld [tilespmem:$0x1FC10];
	v7 =	vadd.f32 v62, v8;
	v11 =	vadd.f32 v32, v11  }
0x3a5: {  	v33 =	vmul.f32 v60, v6;
	v55 =	vld [tilespmem:$0x1FC00];
	v13 =	vadd.f32 v27, v13;
	v10 =	vadd.f32 v35, v10  }
0x3a6: {  	s12 =	sor.u32 $0x850, s6;
	v18 =	vmul.f32 v61, v6;
	v50 =	vld [tilespmem:$0x1FC30];
	v7 =	vadd.f32 v36, v7;
	v11 =	vadd.f32 v38, v11  }
0x3a7: {  	v44 =	vld [tilespmem:s12+$0xD180];
	v12 =	vmul.f32 v3, v6;
	v13 =	vadd.f32 v40, v13;
	v10 =	vadd.f32 v33, v10  }
0x3a8: {  	s5 =	sor.u32 $0xC40, s6;
	v42 =	vmul.f32 v25, v6;
	v54 =	vld [tilespmem:$0x1FBF0];
	v7 =	vadd.f32 v41, v7;
	v11 =	vadd.f32 v18, v11  }
0x3a9: {  	s13 =	sor.u32 $0x860, s6;
	v37 =	vld [tilespmem:s5+$0xD180];
	v16 =	vmul.f32 v31, v5;
	v12 =	vadd.f32 v12, v13;
	v10 =	vadd.f32 v24, v10  }
0x3aa: {  	v45 =	vmul.f32 v34, v5;
	v46 =	vld [tilespmem:s13+$0xD180];
	v6 =	vadd.f32 v42, v7;
	v8 =	vadd.f32 v30, v11  }
0x3ab: {  	s15 =	sor.u32 $0xC60, s6;
	v51 =	vmul.f32 v39, v63;
	v57 =	vld [tilespmem:$0x1FC20];
	v12 =	vadd.f32 v16, v12;
	v10 =	vadd.f32 v50, v10  }
0x3ac: {  	s23 =	sor.u32 $0xC70, s6;
	v15 =	vmul.f32 v43, v4;
	v52 =	vld [tilespmem:s15+$0xD180];
	v5 =	vadd.f32 v45, v6;
	v8 =	vadd.f32 v48, v8  }
0x3ad: {  	v53 =	vld [tilespmem:s23+$0xD180];
	v17 =	vmul.f32 v44, v4;
	v12 =	vadd.f32 v29, v12;
	v10 =	vadd.f32 v54, v10  }
0x3ae: {  	v47 =	vmul.f32 v37, v63;
	v5 =	vadd.f32 v26, v5;
	v8 =	vadd.f32 v55, v8  }
0x3af: {  	[tilespmem:s25+$0x15180] =	vst v9;
	v7 =	vmul.f32 v46, v4;
	v12 =	vadd.f32 v56, v12;
	v10 =	vadd.f32 v15, v10  }
0x3b0: {  	v58 =	vmul.f32 v49, v4;
	[tilespmem:s25+$0x15190] =	vst v0;
	v5 =	vadd.f32 v57, v5;
	v8 =	vadd.f32 v17, v8  }
0x3b1: {  	p0 =	sne.s32 s31, $0x20;
	[tilespmem:s25+$0x151A0] =	vst v1;
	v59 =	vmul.f32 v52, v63;
	v7 =	vadd.f32 v7, v12;
	v60 =	vadd.f32 v47, v10  }
.Ltmp3:
0x3b2: {  	v62 =	vmul.f32 v53, v63;
	[tilespmem:s25+$0x151B0] =	vst v2;
	v61 =	vadd.f32 v58, v5;
	v63 =	vadd.f32 v51, v8;
	(pc) =	sbr.rel @p0 .LBB2_2-.Ltmp3, $4  }
0x3b3: {  	v0 =	vadd.f32 v59, v7;
	[tilespmem:s26+$0x15180] =	vst v60  }
0x3b4: {  	v1 =	vadd.f32 v62, v61;
	[tilespmem:s28+$0x15180] =	vst v63  }
0x3b5: {  	[tilespmem:s29+$0x15180] =	vst v0  }
0x3b6: {  	s1 =	sadd.s32 $0x80, s1;
	s24 =	sadd.s32 $0x80, s24;
	[tilespmem:s30+$0x15180] =	vst v1  }
0x3b7: {  	s0 =	rddreg [dreg:$0x8];
	s1 =	simm.s32 $0x15180;
	s4 =	simm.s32 $0x3  }
0x3b8: {  	[hbm4b:s0+s2] =	stream.linear.scatter [tilespmem:s1], [sflag:$0x3], $0x1000, $0x38;
	[tilespmem:$0x16180] =	vst v63  }
0x3b9: {  	_ =	swait.ge [sflag:s4], $0x1000  }
0x3ba: {  	s30 =	rddreg [dreg:$0xa]  }
0x3bb: {  	s31 =	rddreg [dreg:$0x9];
	s1 =	sadd.s32 $0x1, s30  }
0x3bc: {  	p0 =	sne.s32 s1, s31  }
.Ltmp4:
0x3bd: {  	_ = 	snop;
	(pc) =	sbr.rel @p0 .LBB2_1-.Ltmp4, $3  }
0x3be: {  	_ =	sdelay $0x1  }
0x3bf: {  	[sflag:s4] =	ssyncset.done $0x0  }
0x3c0: {  	[sflag:s4] =	ssyncadd.s32 $0xFFFFF000  }
0x3c1: {  	_ =	sfence.sel $0x180000  }
0x3c2: {  	[bflag:$0x0] =	sbarrier.arrive $0xFFFF  }
0x3c3: {  	_ =	strace $0x90000047  }
0x3c4: {  	s0 =	stileid.u32;
	[bflag:$0x2] =	sbarrier.arrive $0xFFFF  }
0x3c5: {  	p0 =	sne.s32 s0, $0x0;
	s0 =	rddreg [dreg:$0x2]  }
0x3c6: {  	s0 =	sadd.s32 @!p0 $0x100000, s0  }
0x3c7: {  	[sflag:s0] =	ssyncadd.tile.s32 @!p0 $0x1;
	_ =	shalt  }
.Lfunc_end2:
_tile_overlayer_lowered:
.L_overlay_start_2:
0x3c8: {  	(tag) =	ssettag $0x2  }
0x3c9: {  	s0 =	rddreg [dreg:$0x0];
	s2 =	stileid.u32  }
0x3ca: {  	s1 =	rddreg [dreg:$0x1];
	p0 =	sne.s32 s2, $0x0  }
0x3cb: {  	s3 =	rddreg [dreg:$0x2];
	[bflag:$0x3] =	sbarrier.arrive $0xFFFF;
	s2 =	simm.s32 @!p0 $0x1C03  }
0x3cc: {  	[timem:s3], [sflag:s2] =	dma.local @!p0 [hbm:s0], s1  }
0x3cd: {  	s0 =	simm.s32 @!p0 $0x3  }
0x3ce: {  	_ =	swait.ge @!p0 [sflag:s0], s1  }
0x3cf: {  	s1 =	ssub.s32 @!p0 $0x0, s1;
	[sflag:s0] =	ssyncset.done @!p0 $0x0  }
0x3d0: {  	[sflag:s0] =	ssyncadd.s32 @!p0 s1  }
0x3d1: {  	[bflag:$0x3] =	sbarrier.arrive $0xFFFF  }
0x3d2: {  	_ =	shalt  }

</sc_bundles>
